<compile_context>
chip_gen: v7x
topology: tpu7x:2x2x1
jax: 0.10.2.dev20260603
libtpu: 0.0.44.dev20260713+nightly
codegen_flags: <defaults>
</compile_context>

<pallas_src>
import functools

import jax
import jax.numpy as jnp
from jax import lax
from jax.experimental import pallas as pl
from jax.experimental.pallas import tpu as pltpu
from jax.experimental.pallas import tpu_sc as plsc

_N = 10000
_D = 128
_CB = 80
_NC = 2
_NS = 16
_NW = _NC * _NS
_S0 = 624
_S1 = _N - (_NS - 1) * _S0
_BN = 1000



def _mm_body(x_ref, w_ref, q_ref, o_ref):
    wt = jnp.tanh(jax.lax.dot(w_ref[...], q_ref[...],
                              precision=jax.lax.Precision.HIGHEST))
    o_ref[...] = jax.lax.dot(x_ref[...], wt,
                             precision=jax.lax.Precision.HIGHEST)


def _matmul_tanh(x, W, Q):
    return pl.pallas_call(
        _mm_body,
        grid=(_N // _BN,),
        in_specs=[pl.BlockSpec((_BN, _D), lambda i: (i, 0)),
                  pl.BlockSpec((_D, _D), lambda i: (0, 0)),
                  pl.BlockSpec((_D, _D), lambda i: (0, 0))],
        out_specs=pl.BlockSpec((_BN, _D), lambda i: (i, 0)),
        out_shape=jax.ShapeDtypeStruct((_N, _D), jnp.float32),
    )(x, W, Q)


def _add_body(p_ref, o_ref):
    o_ref[...] = p_ref[0] + p_ref[1]


def _add_partials(p):
    return pl.pallas_call(
        _add_body,
        grid=(_N // _BN,),
        in_specs=[pl.BlockSpec((_NC, _BN, _D), lambda i: (0, i, 0))],
        out_specs=pl.BlockSpec((_BN, _D), lambda i: (i, 0)),
        out_shape=jax.ShapeDtypeStruct((_N, _D), jnp.float32),
    )(p)


def _final_body(emb_ref, e1_ref, p_ref, o_ref):
    s = emb_ref[...] + e1_ref[...] + p_ref[0] + p_ref[1]
    o_ref[...] = jnp.maximum(s * (1.0 / 3.0), 0.0)


def _final_mm_body(emb_ref, e1_ref, p_ref, w_ref, q_ref, h_ref, o_ref):
    s = emb_ref[...] + e1_ref[...] + p_ref[0] + p_ref[1]
    h = jnp.maximum(s * (1.0 / 3.0), 0.0)
    h_ref[...] = h
    wt = jnp.tanh(jax.lax.dot(w_ref[...], q_ref[...],
                              precision=jax.lax.Precision.HIGHEST))
    o_ref[...] = jax.lax.dot(h, wt, precision=jax.lax.Precision.HIGHEST)


def _final_mm(emb, e1, p2, W, Q):
    return pl.pallas_call(
        _final_mm_body,
        grid=(_N // _BN,),
        in_specs=[pl.BlockSpec((_BN, _D), lambda i: (i, 0)),
                  pl.BlockSpec((_BN, _D), lambda i: (i, 0)),
                  pl.BlockSpec((_NC, _BN, _D), lambda i: (0, i, 0)),
                  pl.BlockSpec((_D, _D), lambda i: (0, 0)),
                  pl.BlockSpec((_D, _D), lambda i: (0, 0))],
        out_specs=[pl.BlockSpec((_BN, _D), lambda i: (i, 0)),
                   pl.BlockSpec((_BN, _D), lambda i: (i, 0))],
        out_shape=[jax.ShapeDtypeStruct((_N, _D), jnp.float32),
                   jax.ShapeDtypeStruct((_N, _D), jnp.float32)],
    )(emb, e1, p2, W, Q)


def _final(emb, e1, p2):
    return pl.pallas_call(
        _final_body,
        grid=(_N // _BN,),
        in_specs=[pl.BlockSpec((_BN, _D), lambda i: (i, 0)),
                  pl.BlockSpec((_BN, _D), lambda i: (i, 0)),
                  pl.BlockSpec((_NC, _BN, _D), lambda i: (0, i, 0))],
        out_specs=pl.BlockSpec((_BN, _D), lambda i: (i, 0)),
        out_shape=jax.ShapeDtypeStruct((_N, _D), jnp.float32),
    )(emb, e1, p2)



_SPLAT_DNUMS = lax.GatherDimensionNumbers(
    offset_dims=(), collapsed_slice_dims=(0,), start_index_map=(0,))


def _splat(v16, i):
    idx = jnp.full((16, 1), i, jnp.int32)
    return lax.gather(v16, idx, _SPLAT_DNUMS, slice_sizes=(1,),
                      mode=lax.GatherScatterMode.PROMISE_IN_BOUNDS)

def _spmm_partials(x, ed_i, ed_w, nch):
    mesh = plsc.VectorSubcoreMesh(core_axis_name="c", subcore_axis_name="s")

    @functools.partial(
        pl.kernel,
        out_type=jax.ShapeDtypeStruct((_NC, _N, _D), jnp.float32),
        mesh=mesh,
        scratch_types=[
            pltpu.VMEM((3, 2, _CB), jnp.int32),
            pltpu.VMEM((nch, _CB), jnp.float32),
            pltpu.VMEM((3, _CB, _D), jnp.float32),
            pltpu.VMEM_SHARED((_N, _D), jnp.float32),
            pltpu.SemaphoreType.DMA,
            pltpu.SemaphoreType.DMA,
            pltpu.SemaphoreType.DMA,
            pltpu.SemaphoreType.DMA,
            pltpu.SemaphoreType.DMA,
            pltpu.SemaphoreType.DMA,
        ],
    )
    def k(x_hbm, edi_hbm, edw_hbm, out_hbm, ebuf, wall, rows, acc,
          gs0, gs1, gs2, ss0, ss1, ss2):
        cid = lax.axis_index("c")
        sid = lax.axis_index("s")
        wid = cid * _NS + sid
        gs = (gs0, gs1, gs2)
        ss = (ss0, ss1, ss2)

        zero = jnp.zeros((16,), jnp.float32)

        def zrow(r, c):
            for cb in range(_D // 16):
                rows[0, r, pl.ds(cb * 16, 16)] = zero
            return c
        lax.fori_loop(0, _CB, zrow, 0)
        r0 = sid * _S0
        _nz = _S0 // _CB
        for t in range(_nz):
            pltpu.sync_copy(rows.at[0], acc.at[pl.ds(r0 + t * _CB, _CB)])

        @pl.when(sid == _NS - 1)
        def _():
            pltpu.sync_copy(rows.at[0, pl.ds(0, _S1 - _nz * _CB)],
                            acc.at[pl.ds(r0 + _nz * _CB, _S1 - _nz * _CB)])

        @pl.when(sid < _NS - 1)
        def _():
            pltpu.sync_copy(rows.at[0, pl.ds(0, _S0 - _nz * _CB)],
                            acc.at[pl.ds(r0 + _nz * _CB, _S0 - _nz * _CB)])
        pltpu.sync_copy(edw_hbm.at[wid], wall)
        plsc.subcore_barrier()

        def scale(b, j):
            def grp(g, cc):
                w16 = wall[j, pl.ds(g * 16, 16)]
                for eo in range(16):
                    ws = _splat(w16, eo)
                    e = g * 16 + eo
                    for cb in range(_D // 16):
                        sl = pl.ds(cb * 16, 16)
                        rows[b, e, sl] = rows[b, e, sl] * ws
                return cc
            lax.fori_loop(0, _CB // 16, grp, 0)

        for _b in (0, 1, 2):
            pltpu.sync_copy(edi_hbm.at[wid, _b], ebuf.at[_b])

        def prefetch(bp, j):
            pltpu.async_copy(x_hbm.at[ebuf.at[bp, 0]], rows.at[bp], gs[bp])

        def gwait(b):
            pltpu.make_async_copy(x_hbm.at[ebuf.at[b, 0]], rows.at[b],
                                  gs[b]).wait()

        def sscatter(b):
            pltpu.async_copy(rows.at[b], acc.at[ebuf.at[b, 1]], ss[b],
                             add=True)

        def swait(b):
            pltpu.make_async_copy(rows.at[b], acc.at[ebuf.at[b, 1]],
                                  ss[b]).wait()

        def step(k, b, do_swait, do_prefetch):
            bp = (b + 2) % 3
            gwait(b)
            if do_prefetch:
                prefetch(bp, k + 2)

        prefetch(0, 0)
        prefetch(1, 1)
        step(0, 0, False, True)
        step(1, 1, True, True)
        step(2, 2, True, True)

        def trio(j3, c):
            k0 = 3 * j3
            for r in (0, 1, 2):
                step(k0 + r, r, True, True)
            return c
        lax.fori_loop(1, nch // 3 - 1, trio, 0)
        step(nch - 3, 0, True, True)
        step(nch - 2, 1, True, False)
        step(nch - 1, 2, True, False)

        plsc.subcore_barrier()

        @pl.when(sid == _NS - 1)
        def _():
            pltpu.sync_copy(acc.at[pl.ds(r0, _S1)],
                            out_hbm.at[cid, pl.ds(r0, _S1)])

        @pl.when(sid < _NS - 1)
        def _():
            pltpu.sync_copy(acc.at[pl.ds(r0, _S0)],
                            out_hbm.at[cid, pl.ds(r0, _S0)])

    return k(x, ed_i, ed_w)


def _pack_edges(edge_index, edge_weight):
    src = edge_index[0, 0]
    dst = edge_index[0, 1]
    w = edge_weight[0]
    e = src.shape[0]
    epw = -(-e // _NW)
    nch = 3 * -(-epw // (3 * _CB))
    e_pad = _NW * nch * _CB
    pad = e_pad - e
    ar = jnp.arange(pad, dtype=jnp.int32) % _N
    src_p = jnp.concatenate([src, ar])
    dst_p = jnp.concatenate([dst, ar])
    w_p = jnp.concatenate([w, jnp.zeros((pad,), jnp.float32)])
    ed_i = jnp.stack([src_p, dst_p])
    ed_i = ed_i.reshape(2, _NW, nch, _CB).transpose(1, 2, 0, 3)
    ed_w = w_p.reshape(_NW, nch, _CB)
    return ed_i, ed_w, nch


def kernel(node_feats, edge_index, edge_weight, GCN_weights1, Q1,
           GCN_weights2, Q2):
    x = node_feats[0]
    ed_i, ed_w, nch = _pack_edges(edge_index, edge_weight)

    emb1 = _matmul_tanh(x, GCN_weights1, Q1)
    p11 = _spmm_partials(emb1, ed_i, ed_w, nch)
    e11 = _add_partials(p11)
    p12 = _spmm_partials(e11, ed_i, ed_w, nch)
    _, emb2 = _final_mm(emb1, e11, p12, GCN_weights2, Q2)
    p21 = _spmm_partials(emb2, ed_i, ed_w, nch)
    e21 = _add_partials(p21)
    p22 = _spmm_partials(e21, ed_i, ed_w, nch)
    return _final(emb2, e21, p22)

# --- scband reference (transcript-rebuilt; emitter-appended) ---
"""Pipeline reference for scband-igcn-35579509080809 (READ-ONLY COPY).

The authoritative reference and input builder live on the scoring server;
editing this copy changes nothing except your own understanding.
"""

import jax, jax.numpy as jnp
import numpy as np

N = 10000
E = 320000
D = 128
T = 1
N_LAYERS = 2


def setup_inputs(seed: int = 0) -> dict:
    key = jax.random.key(seed)
    ks = jax.random.split(key, 8)
    node_feats = jax.random.normal(ks[0], (T, N, D), dtype=jnp.float32)
    edge_index = jax.random.randint(ks[1], (T, 2, E), 0, N, dtype=jnp.int32)
    edge_weight = jax.random.uniform(ks[2], (T, E), dtype=jnp.float32)
    stdv = 1.0 / np.sqrt(D)
    GCN_weights1 = jax.random.uniform(ks[3], (D, D), dtype=jnp.float32, minval=-stdv, maxval=stdv)
    Q1 = jax.random.uniform(ks[4], (D, D), dtype=jnp.float32, minval=-stdv, maxval=stdv)
    GCN_weights2 = jax.random.uniform(ks[5], (D, D), dtype=jnp.float32, minval=-stdv, maxval=stdv)
    Q2 = jax.random.uniform(ks[6], (D, D), dtype=jnp.float32, minval=-stdv, maxval=stdv)
    return {
        "node_feats": node_feats,
        "edge_index": edge_index,
        "edge_weight": edge_weight,
        "GCN_weights1": GCN_weights1,
        "Q1": Q1,
        "GCN_weights2": GCN_weights2,
        "Q2": Q2,
    }


def _spmm(edge_index_t, edge_weight_t, x):
    # sparse adjacency @ x via gather + scatter-add (SparseCore-friendly)
    src = edge_index_t[0]
    dst = edge_index_t[1]
    msgs = jnp.take(x, src, axis=0) * edge_weight_t[:, None]
    return jax.ops.segment_sum(msgs, dst, num_segments=N)


def _lightgcn(edge_index_t, edge_weight_t, W, x):
    # LightGCN.graph_diffusion: initial linear projection then n_layers of A @ emb, averaged
    emb = x @ W
    embs = [emb]
    cur = emb
    for _ in range(N_LAYERS):
        cur = _spmm(edge_index_t, edge_weight_t, cur)
        embs.append(cur)
    stacked = jnp.stack(embs, axis=1)
    return jnp.mean(stacked, axis=1)


def _igb_block(W0, Q, edge_index, edge_weight, nodes_seq):
    # InformerGCNBlock: weights evolved at each time step, then LightGCN diffusion
    W = W0
    outs = []
    for t in range(T):
        W = jnp.tanh(W @ Q)  # Informer weight-evolution, linearized
        h = _lightgcn(edge_index[t], edge_weight[t], W, nodes_seq[t])
        outs.append(jax.nn.relu(h))
    return jnp.stack(outs, axis=0)


def reference(node_feats, edge_index, edge_weight, GCN_weights1, Q1, GCN_weights2, Q2):
    h = _igb_block(GCN_weights1, Q1, edge_index, edge_weight, node_feats)
    h = _igb_block(GCN_weights2, Q2, edge_index, edge_weight, h)
    # IGCN.forward returns last time-step embeddings (skipfeats=False)
    return h[-1]

if __name__ == "__main__":
    import jax
    _d = setup_inputs()
    print(jax.jit(kernel)(*tuple(_d.values())))

</pallas_src>

<mosaic_0001>
#map = affine_map<(d0, d1) -> (0, 0)>
#map1 = affine_map<(d0, d1) -> (0, 0, 0, 0)>
#map2 = affine_map<(d0, d1) -> (0, 0, 0)>
module attributes {stable_mosaic.version = 14 : i64} {
  func.func @k(%arg0: i32, %arg1: i32, %arg2: memref<10000x128xf32, #tpu.memory_space<hbm>>, %arg3: memref<32x126x2x80xi32, #tpu.memory_space<hbm>>, %arg4: memref<32x126x80xf32, #tpu.memory_space<hbm>>, %arg5: memref<2x10000x128xf32, #tpu.memory_space<hbm>>, %arg6: memref<3x2x80xi32, #tpu.memory_space<vmem>>, %arg7: memref<126x80xf32, #tpu.memory_space<vmem>>, %arg8: memref<3x80x128xf32, #tpu.memory_space<vmem>>, %arg9: memref<10000x128xf32, #tpu.memory_space<vmem_shared>>, %arg10: memref<!tpu.dma_semaphore, #tpu.memory_space<semaphore_mem>>, %arg11: memref<!tpu.dma_semaphore, #tpu.memory_space<semaphore_mem>>, %arg12: memref<!tpu.dma_semaphore, #tpu.memory_space<semaphore_mem>>, %arg13: memref<!tpu.dma_semaphore, #tpu.memory_space<semaphore_mem>>, %arg14: memref<!tpu.dma_semaphore, #tpu.memory_space<semaphore_mem>>, %arg15: memref<!tpu.dma_semaphore, #tpu.memory_space<semaphore_mem>>) attributes {dimension_semantics = [#tpu.dimension_semantics<core_parallel>, #tpu.dimension_semantics<subcore_parallel>], iteration_bounds = array<i64: 2, 16>, scalar_prefetch = 0 : i64, scratch_operands = 10 : i64, tpu.core_type = #tpu.core_type<sc_vector_subcore>, window_params = [{transform_indices = #map}, {transform_indices = #map1}, {transform_indices = #map2}, {transform_indices = #map2}]} {
    %mul3A = arith.constant 16 : i32
    %mul3A_0 = arith.muli %arg0, %mul3A : i32
    %add3A = arith.addi %mul3A_0, %arg1 : i32
    %broadcast_in_dim3A = arith.constant 0.000000e+00 : f32
    %broadcast_in_dim3A_1 = vector.broadcast %broadcast_in_dim3A : f32 to vector<16xf32>
    %scan3A = arith.constant 0 : i32
    %scan3A_2 = arith.constant 0 : i32
    %scan3A_3 = arith.constant 80 : i32
    %scan3A_4 = arith.addi %scan3A_2, %scan3A_3 : i32
    %scan3A_5 = arith.constant 1 : i32
    scf.for %scan3A_212 = %scan3A_2 to %scan3A_4 step %scan3A_5  : i32 {
      %swap3A = arith.constant 0 : i32
      %swap3A_213 = arith.index_cast %swap3A : i32 to index
      %swap3A_214 = arith.index_cast %scan3A_212 : i32 to index
      %swap3A_215 = arith.constant 0 : index
      %swap3A_216 = tpu.vector_load %arg8[%swap3A_213, %swap3A_214, %swap3A_215] {strides = array<i32>} : memref<3x80x128xf32, #tpu.memory_space<vmem>>, vector<1x1x16xf32>,
      %swap3A_217 = vector.shape_cast %swap3A_216 : vector<1x1x16xf32> to vector<16xf32>
      %swap3A_218 = vector.shape_cast %broadcast_in_dim3A_1 : vector<16xf32> to vector<1x1x16xf32>
      tpu.vector_store %arg8[%swap3A_213, %swap3A_214, %swap3A_215], %swap3A_218 {strides = array<i32>} : memref<3x80x128xf32, #tpu.memory_space<vmem>>, vector<1x1x16xf32>,
      %swap3A_219 = arith.constant 0 : i32
      %swap3A_220 = arith.index_cast %swap3A_219 : i32 to index
      %swap3A_221 = arith.index_cast %scan3A_212 : i32 to index
      %swap3A_222 = arith.constant 16 : index
      %swap3A_223 = tpu.vector_load %arg8[%swap3A_220, %swap3A_221, %swap3A_222] {strides = array<i32>} : memref<3x80x128xf32, #tpu.memory_space<vmem>>, vector<1x1x16xf32>,
      %swap3A_224 = vector.shape_cast %swap3A_223 : vector<1x1x16xf32> to vector<16xf32>
      %swap3A_225 = vector.shape_cast %broadcast_in_dim3A_1 : vector<16xf32> to vector<1x1x16xf32>
      tpu.vector_store %arg8[%swap3A_220, %swap3A_221, %swap3A_222], %swap3A_225 {strides = array<i32>} : memref<3x80x128xf32, #tpu.memory_space<vmem>>, vector<1x1x16xf32>,
      %swap3A_226 = arith.constant 0 : i32
      %swap3A_227 = arith.index_cast %swap3A_226 : i32 to index
      %swap3A_228 = arith.index_cast %scan3A_212 : i32 to index
      %swap3A_229 = arith.constant 32 : index
      %swap3A_230 = tpu.vector_load %arg8[%swap3A_227, %swap3A_228, %swap3A_229] {strides = array<i32>} : memref<3x80x128xf32, #tpu.memory_space<vmem>>, vector<1x1x16xf32>,
      %swap3A_231 = vector.shape_cast %swap3A_230 : vector<1x1x16xf32> to vector<16xf32>
      %swap3A_232 = vector.shape_cast %broadcast_in_dim3A_1 : vector<16xf32> to vector<1x1x16xf32>
      tpu.vector_store %arg8[%swap3A_227, %swap3A_228, %swap3A_229], %swap3A_232 {strides = array<i32>} : memref<3x80x128xf32, #tpu.memory_space<vmem>>, vector<1x1x16xf32>,
      %swap3A_233 = arith.constant 0 : i32
      %swap3A_234 = arith.index_cast %swap3A_233 : i32 to index
      %swap3A_235 = arith.index_cast %scan3A_212 : i32 to index
      %swap3A_236 = arith.constant 48 : index
      %swap3A_237 = tpu.vector_load %arg8[%swap3A_234, %swap3A_235, %swap3A_236] {strides = array<i32>} : memref<3x80x128xf32, #tpu.memory_space<vmem>>, vector<1x1x16xf32>,
      %swap3A_238 = vector.shape_cast %swap3A_237 : vector<1x1x16xf32> to vector<16xf32>
      %swap3A_239 = vector.shape_cast %broadcast_in_dim3A_1 : vector<16xf32> to vector<1x1x16xf32>
      tpu.vector_store %arg8[%swap3A_234, %swap3A_235, %swap3A_236], %swap3A_239 {strides = array<i32>} : memref<3x80x128xf32, #tpu.memory_space<vmem>>, vector<1x1x16xf32>,
      %swap3A_240 = arith.constant 0 : i32
      %swap3A_241 = arith.index_cast %swap3A_240 : i32 to index
      %swap3A_242 = arith.index_cast %scan3A_212 : i32 to index
      %swap3A_243 = arith.constant 64 : index
      %swap3A_244 = tpu.vector_load %arg8[%swap3A_241, %swap3A_242, %swap3A_243] {strides = array<i32>} : memref<3x80x128xf32, #tpu.memory_space<vmem>>, vector<1x1x16xf32>,
      %swap3A_245 = vector.shape_cast %swap3A_244 : vector<1x1x16xf32> to vector<16xf32>
      %swap3A_246 = vector.shape_cast %broadcast_in_dim3A_1 : vector<16xf32> to vector<1x1x16xf32>
      tpu.vector_store %arg8[%swap3A_241, %swap3A_242, %swap3A_243], %swap3A_246 {strides = array<i32>} : memref<3x80x128xf32, #tpu.memory_space<vmem>>, vector<1x1x16xf32>,
      %swap3A_247 = arith.constant 0 : i32
      %swap3A_248 = arith.index_cast %swap3A_247 : i32 to index
      %swap3A_249 = arith.index_cast %scan3A_212 : i32 to index
      %swap3A_250 = arith.constant 80 : index
      %swap3A_251 = tpu.vector_load %arg8[%swap3A_248, %swap3A_249, %swap3A_250] {strides = array<i32>} : memref<3x80x128xf32, #tpu.memory_space<vmem>>, vector<1x1x16xf32>,
      %swap3A_252 = vector.shape_cast %swap3A_251 : vector<1x1x16xf32> to vector<16xf32>
      %swap3A_253 = vector.shape_cast %broadcast_in_dim3A_1 : vector<16xf32> to vector<1x1x16xf32>
      tpu.vector_store %arg8[%swap3A_248, %swap3A_249, %swap3A_250], %swap3A_253 {strides = array<i32>} : memref<3x80x128xf32, #tpu.memory_space<vmem>>, vector<1x1x16xf32>,
      %swap3A_254 = arith.constant 0 : i32
      %swap3A_255 = arith.index_cast %swap3A_254 : i32 to index
      %swap3A_256 = arith.index_cast %scan3A_212 : i32 to index
      %swap3A_257 = arith.constant 96 : index
      %swap3A_258 = tpu.vector_load %arg8[%swap3A_255, %swap3A_256, %swap3A_257] {strides = array<i32>} : memref<3x80x128xf32, #tpu.memory_space<vmem>>, vector<1x1x16xf32>,
      %swap3A_259 = vector.shape_cast %swap3A_258 : vector<1x1x16xf32> to vector<16xf32>
      %swap3A_260 = vector.shape_cast %broadcast_in_dim3A_1 : vector<16xf32> to vector<1x1x16xf32>
      tpu.vector_store %arg8[%swap3A_255, %swap3A_256, %swap3A_257], %swap3A_260 {strides = array<i32>} : memref<3x80x128xf32, #tpu.memory_space<vmem>>, vector<1x1x16xf32>,
      %swap3A_261 = arith.constant 0 : i32
      %swap3A_262 = arith.index_cast %swap3A_261 : i32 to index
      %swap3A_263 = arith.index_cast %scan3A_212 : i32 to index
      %swap3A_264 = arith.constant 112 : index
      %swap3A_265 = tpu.vector_load %arg8[%swap3A_262, %swap3A_263, %swap3A_264] {strides = array<i32>} : memref<3x80x128xf32, #tpu.memory_space<vmem>>, vector<1x1x16xf32>,
      %swap3A_266 = vector.shape_cast %swap3A_265 : vector<1x1x16xf32> to vector<16xf32>
      %swap3A_267 = vector.shape_cast %broadcast_in_dim3A_1 : vector<16xf32> to vector<1x1x16xf32>
      tpu.vector_store %arg8[%swap3A_262, %swap3A_263, %swap3A_264], %swap3A_267 {strides = array<i32>} : memref<3x80x128xf32, #tpu.memory_space<vmem>>, vector<1x1x16xf32>,
    }
    %scan3A_6 = arith.constant 80 : i32
    %mul3A_7 = arith.constant 624 : i32
    %mul3A_8 = arith.muli %arg1, %mul3A_7 : i32
    %add3A_9 = arith.constant 0 : i32
    %add3A_10 = arith.addi %mul3A_8, %add3A_9 : i32
    %run_scoped3A = arith.constant 0 : i32
    "tpu.region"() ({
      %run_scoped3A_212 = tpu.sem_alloc : memref<!tpu.dma_semaphore, #tpu.memory_space<semaphore_mem>>
      %dma_start3A_213 = arith.constant 0 : i32
      %dma_start3A_214 = arith.constant 0 : i32
      %dma_start3A_215 = tpu.memref_slice %arg8[%run_scoped3A, %dma_start3A_213, %dma_start3A_214] : memref<3x80x128xf32, #tpu.memory_space<vmem>> -> memref<1x80x128xf32, #tpu.memory_space<vmem>>
      %dma_start3A_216 = tpu.memref_squeeze %dma_start3A_215 : memref<1x80x128xf32, #tpu.memory_space<vmem>> -> memref<80x128xf32, #tpu.memory_space<vmem>>
      %dma_start3A_217 = arith.constant 0 : i32
      %dma_start3A_218 = tpu.memref_slice %arg9[%add3A_10, %dma_start3A_217] : memref<10000x128xf32, #tpu.memory_space<vmem_shared>> -> memref<80x128xf32, #tpu.memory_space<vmem_shared>>
      %dma_start3A_219 = arith.constant 0 : i32
      %dma_start3A_220 = tpu.memref_slice %arg9[%add3A_10, %dma_start3A_219] : memref<10000x128xf32, #tpu.memory_space<vmem_shared>> -> memref<80x128xf32, #tpu.memory_space<vmem_shared>>
      %dma_start3A_221 = arith.constant 0 : i32
      %dma_start3A_222 = arith.constant 0 : i32
      %dma_start3A_223 = tpu.memref_slice %arg8[%run_scoped3A, %dma_start3A_221, %dma_start3A_222] : memref<3x80x128xf32, #tpu.memory_space<vmem>> -> memref<1x80x128xf32, #tpu.memory_space<vmem>>
      %dma_start3A_224 = tpu.memref_squeeze %dma_start3A_223 : memref<1x80x128xf32, #tpu.memory_space<vmem>> -> memref<80x128xf32, #tpu.memory_space<vmem>>
      tpu.enqueue_dma source(%dma_start3A_224 : memref<80x128xf32, #tpu.memory_space<vmem>>) target(%dma_start3A_220 : memref<80x128xf32, #tpu.memory_space<vmem_shared>>) target_semaphore(%run_scoped3A_212 : memref<!tpu.dma_semaphore, #tpu.memory_space<semaphore_mem>>)
      %dma_wait3A_225 = arith.constant 0 : i32
      %dma_wait3A_226 = arith.constant 0 : i32
      %dma_wait3A_227 = tpu.memref_slice %arg8[%run_scoped3A, %dma_wait3A_225, %dma_wait3A_226] : memref<3x80x128xf32, #tpu.memory_space<vmem>> -> memref<1x80x128xf32, #tpu.memory_space<vmem>>
      %dma_wait3A_228 = tpu.memref_squeeze %dma_wait3A_227 : memref<1x80x128xf32, #tpu.memory_space<vmem>> -> memref<80x128xf32, #tpu.memory_space<vmem>>
      %dma_wait3A_229 = arith.constant 0 : i32
      %dma_wait3A_230 = tpu.memref_slice %arg9[%add3A_10, %dma_wait3A_229] : memref<10000x128xf32, #tpu.memory_space<vmem_shared>> -> memref<80x128xf32, #tpu.memory_space<vmem_shared>>
      %dma_wait3A_231 = arith.constant 0 : i32
      %dma_wait3A_232 = tpu.memref_slice %arg9[%add3A_10, %dma_wait3A_231] : memref<10000x128xf32, #tpu.memory_space<vmem_shared>> -> memref<80x128xf32, #tpu.memory_space<vmem_shared>>
      %dma_wait3A_233 = arith.constant 0 : i32
      %dma_wait3A_234 = arith.constant 0 : i32
      %dma_wait3A_235 = tpu.memref_slice %arg8[%run_scoped3A, %dma_wait3A_233, %dma_wait3A_234] : memref<3x80x128xf32, #tpu.memory_space<vmem>> -> memref<1x80x128xf32, #tpu.memory_space<vmem>>
      %dma_wait3A_236 = tpu.memref_squeeze %dma_wait3A_235 : memref<1x80x128xf32, #tpu.memory_space<vmem>> -> memref<80x128xf32, #tpu.memory_space<vmem>>
      tpu.wait_dma2 semaphore(%run_scoped3A_212 : memref<!tpu.dma_semaphore, #tpu.memory_space<semaphore_mem>>) src(%dma_wait3A_236 : memref<80x128xf32, #tpu.memory_space<vmem>>) dst(%dma_wait3A_232 : memref<80x128xf32, #tpu.memory_space<vmem_shared>>)
      tpu.yield
    }) : () -> ()
    %add3A_11 = arith.constant 80 : i32
    %add3A_12 = arith.addi %mul3A_8, %add3A_11 : i32
    %run_scoped3A_13 = arith.constant 0 : i32
    "tpu.region"() ({
      %run_scoped3A_212 = tpu.sem_alloc : memref<!tpu.dma_semaphore, #tpu.memory_space<semaphore_mem>>
      %dma_start3A_213 = arith.constant 0 : i32
      %dma_start3A_214 = arith.constant 0 : i32
      %dma_start3A_215 = tpu.memref_slice %arg8[%run_scoped3A_13, %dma_start3A_213, %dma_start3A_214] : memref<3x80x128xf32, #tpu.memory_space<vmem>> -> memref<1x80x128xf32, #tpu.memory_space<vmem>>
      %dma_start3A_216 = tpu.memref_squeeze %dma_start3A_215 : memref<1x80x128xf32, #tpu.memory_space<vmem>> -> memref<80x128xf32, #tpu.memory_space<vmem>>
      %dma_start3A_217 = arith.constant 0 : i32
      %dma_start3A_218 = tpu.memref_slice %arg9[%add3A_12, %dma_start3A_217] : memref<10000x128xf32, #tpu.memory_space<vmem_shared>> -> memref<80x128xf32, #tpu.memory_space<vmem_shared>>
      %dma_start3A_219 = arith.constant 0 : i32
      %dma_start3A_220 = tpu.memref_slice %arg9[%add3A_12, %dma_start3A_219] : memref<10000x128xf32, #tpu.memory_space<vmem_shared>> -> memref<80x128xf32, #tpu.memory_space<vmem_shared>>
      %dma_start3A_221 = arith.constant 0 : i32
      %dma_start3A_222 = arith.constant 0 : i32
      %dma_start3A_223 = tpu.memref_slice %arg8[%run_scoped3A_13, %dma_start3A_221, %dma_start3A_222] : memref<3x80x128xf32, #tpu.memory_space<vmem>> -> memref<1x80x128xf32, #tpu.memory_space<vmem>>
      %dma_start3A_224 = tpu.memref_squeeze %dma_start3A_223 : memref<1x80x128xf32, #tpu.memory_space<vmem>> -> memref<80x128xf32, #tpu.memory_space<vmem>>
      tpu.enqueue_dma source(%dma_start3A_224 : memref<80x128xf32, #tpu.memory_space<vmem>>) target(%dma_start3A_220 : memref<80x128xf32, #tpu.memory_space<vmem_shared>>) target_semaphore(%run_scoped3A_212 : memref<!tpu.dma_semaphore, #tpu.memory_space<semaphore_mem>>)
      %dma_wait3A_225 = arith.constant 0 : i32
      %dma_wait3A_226 = arith.constant 0 : i32
      %dma_wait3A_227 = tpu.memref_slice %arg8[%run_scoped3A_13, %dma_wait3A_225, %dma_wait3A_226] : memref<3x80x128xf32, #tpu.memory_space<vmem>> -> memref<1x80x128xf32, #tpu.memory_space<vmem>>
      %dma_wait3A_228 = tpu.memref_squeeze %dma_wait3A_227 : memref<1x80x128xf32, #tpu.memory_space<vmem>> -> memref<80x128xf32, #tpu.memory_space<vmem>>
      %dma_wait3A_229 = arith.constant 0 : i32
      %dma_wait3A_230 = tpu.memref_slice %arg9[%add3A_12, %dma_wait3A_229] : memref<10000x128xf32, #tpu.memory_space<vmem_shared>> -> memref<80x128xf32, #tpu.memory_space<vmem_shared>>
      %dma_wait3A_231 = arith.constant 0 : i32
      %dma_wait3A_232 = tpu.memref_slice %arg9[%add3A_12, %dma_wait3A_231] : memref<10000x128xf32, #tpu.memory_space<vmem_shared>> -> memref<80x128xf32, #tpu.memory_space<vmem_shared>>
      %dma_wait3A_233 = arith.constant 0 : i32
      %dma_wait3A_234 = arith.constant 0 : i32
      %dma_wait3A_235 = tpu.memref_slice %arg8[%run_scoped3A_13, %dma_wait3A_233, %dma_wait3A_234] : memref<3x80x128xf32, #tpu.memory_space<vmem>> -> memref<1x80x128xf32, #tpu.memory_space<vmem>>
      %dma_wait3A_236 = tpu.memref_squeeze %dma_wait3A_235 : memref<1x80x128xf32, #tpu.memory_space<vmem>> -> memref<80x128xf32, #tpu.memory_space<vmem>>
      tpu.wait_dma2 semaphore(%run_scoped3A_212 : memref<!tpu.dma_semaphore, #tpu.memory_space<semaphore_mem>>) src(%dma_wait3A_236 : memref<80x128xf32, #tpu.memory_space<vmem>>) dst(%dma_wait3A_232 : memref<80x128xf32, #tpu.memory_space<vmem_shared>>)
      tpu.yield
    }) : () -> ()
    %add3A_14 = arith.constant 160 : i32
    %add3A_15 = arith.addi %mul3A_8, %add3A_14 : i32
    %run_scoped3A_16 = arith.constant 0 : i32
    "tpu.region"() ({
      %run_scoped3A_212 = tpu.sem_alloc : memref<!tpu.dma_semaphore, #tpu.memory_space<semaphore_mem>>
      %dma_start3A_213 = arith.constant 0 : i32
      %dma_start3A_214 = arith.constant 0 : i32
      %dma_start3A_215 = tpu.memref_slice %arg8[%run_scoped3A_16, %dma_start3A_213, %dma_start3A_214] : memref<3x80x128xf32, #tpu.memory_space<vmem>> -> memref<1x80x128xf32, #tpu.memory_space<vmem>>
      %dma_start3A_216 = tpu.memref_squeeze %dma_start3A_215 : memref<1x80x128xf32, #tpu.memory_space<vmem>> -> memref<80x128xf32, #tpu.memory_space<vmem>>
      %dma_start3A_217 = arith.constant 0 : i32
      %dma_start3A_218 = tpu.memref_slice %arg9[%add3A_15, %dma_start3A_217] : memref<10000x128xf32, #tpu.memory_space<vmem_shared>> -> memref<80x128xf32, #tpu.memory_space<vmem_shared>>
      %dma_start3A_219 = arith.constant 0 : i32
      %dma_start3A_220 = tpu.memref_slice %arg9[%add3A_15, %dma_start3A_219] : memref<10000x128xf32, #tpu.memory_space<vmem_shared>> -> memref<80x128xf32, #tpu.memory_space<vmem_shared>>
      %dma_start3A_221 = arith.constant 0 : i32
      %dma_start3A_222 = arith.constant 0 : i32
      %dma_start3A_223 = tpu.memref_slice %arg8[%run_scoped3A_16, %dma_start3A_221, %dma_start3A_222] : memref<3x80x128xf32, #tpu.memory_space<vmem>> -> memref<1x80x128xf32, #tpu.memory_space<vmem>>
      %dma_start3A_224 = tpu.memref_squeeze %dma_start3A_223 : memref<1x80x128xf32, #tpu.memory_space<vmem>> -> memref<80x128xf32, #tpu.memory_space<vmem>>
      tpu.enqueue_dma source(%dma_start3A_224 : memref<80x128xf32, #tpu.memory_space<vmem>>) target(%dma_start3A_220 : memref<80x128xf32, #tpu.memory_space<vmem_shared>>) target_semaphore(%run_scoped3A_212 : memref<!tpu.dma_semaphore, #tpu.memory_space<semaphore_mem>>)
      %dma_wait3A_225 = arith.constant 0 : i32
      %dma_wait3A_226 = arith.constant 0 : i32
      %dma_wait3A_227 = tpu.memref_slice %arg8[%run_scoped3A_16, %dma_wait3A_225, %dma_wait3A_226] : memref<3x80x128xf32, #tpu.memory_space<vmem>> -> memref<1x80x128xf32, #tpu.memory_space<vmem>>
      %dma_wait3A_228 = tpu.memref_squeeze %dma_wait3A_227 : memref<1x80x128xf32, #tpu.memory_space<vmem>> -> memref<80x128xf32, #tpu.memory_space<vmem>>
      %dma_wait3A_229 = arith.constant 0 : i32
      %dma_wait3A_230 = tpu.memref_slice %arg9[%add3A_15, %dma_wait3A_229] : memref<10000x128xf32, #tpu.memory_space<vmem_shared>> -> memref<80x128xf32, #tpu.memory_space<vmem_shared>>
      %dma_wait3A_231 = arith.constant 0 : i32
      %dma_wait3A_232 = tpu.memref_slice %arg9[%add3A_15, %dma_wait3A_231] : memref<10000x128xf32, #tpu.memory_space<vmem_shared>> -> memref<80x128xf32, #tpu.memory_space<vmem_shared>>
      %dma_wait3A_233 = arith.constant 0 : i32
      %dma_wait3A_234 = arith.constant 0 : i32
      %dma_wait3A_235 = tpu.memref_slice %arg8[%run_scoped3A_16, %dma_wait3A_233, %dma_wait3A_234] : memref<3x80x128xf32, #tpu.memory_space<vmem>> -> memref<1x80x128xf32, #tpu.memory_space<vmem>>
      %dma_wait3A_236 = tpu.memref_squeeze %dma_wait3A_235 : memref<1x80x128xf32, #tpu.memory_space<vmem>> -> memref<80x128xf32, #tpu.memory_space<vmem>>
      tpu.wait_dma2 semaphore(%run_scoped3A_212 : memref<!tpu.dma_semaphore, #tpu.memory_space<semaphore_mem>>) src(%dma_wait3A_236 : memref<80x128xf32, #tpu.memory_space<vmem>>) dst(%dma_wait3A_232 : memref<80x128xf32, #tpu.memory_space<vmem_shared>>)
      tpu.yield
    }) : () -> ()
    %add3A_17 = arith.constant 240 : i32
    %add3A_18 = arith.addi %mul3A_8, %add3A_17 : i32
    %run_scoped3A_19 = arith.constant 0 : i32
    "tpu.region"() ({
      %run_scoped3A_212 = tpu.sem_alloc : memref<!tpu.dma_semaphore, #tpu.memory_space<semaphore_mem>>
      %dma_start3A_213 = arith.constant 0 : i32
      %dma_start3A_214 = arith.constant 0 : i32
      %dma_start3A_215 = tpu.memref_slice %arg8[%run_scoped3A_19, %dma_start3A_213, %dma_start3A_214] : memref<3x80x128xf32, #tpu.memory_space<vmem>> -> memref<1x80x128xf32, #tpu.memory_space<vmem>>
      %dma_start3A_216 = tpu.memref_squeeze %dma_start3A_215 : memref<1x80x128xf32, #tpu.memory_space<vmem>> -> memref<80x128xf32, #tpu.memory_space<vmem>>
      %dma_start3A_217 = arith.constant 0 : i32
      %dma_start3A_218 = tpu.memref_slice %arg9[%add3A_18, %dma_start3A_217] : memref<10000x128xf32, #tpu.memory_space<vmem_shared>> -> memref<80x128xf32, #tpu.memory_space<vmem_shared>>
      %dma_start3A_219 = arith.constant 0 : i32
      %dma_start3A_220 = tpu.memref_slice %arg9[%add3A_18, %dma_start3A_219] : memref<10000x128xf32, #tpu.memory_space<vmem_shared>> -> memref<80x128xf32, #tpu.memory_space<vmem_shared>>
      %dma_start3A_221 = arith.constant 0 : i32
      %dma_start3A_222 = arith.constant 0 : i32
      %dma_start3A_223 = tpu.memref_slice %arg8[%run_scoped3A_19, %dma_start3A_221, %dma_start3A_222] : memref<3x80x128xf32, #tpu.memory_space<vmem>> -> memref<1x80x128xf32, #tpu.memory_space<vmem>>
      %dma_start3A_224 = tpu.memref_squeeze %dma_start3A_223 : memref<1x80x128xf32, #tpu.memory_space<vmem>> -> memref<80x128xf32, #tpu.memory_space<vmem>>
      tpu.enqueue_dma source(%dma_start3A_224 : memref<80x128xf32, #tpu.memory_space<vmem>>) target(%dma_start3A_220 : memref<80x128xf32, #tpu.memory_space<vmem_shared>>) target_semaphore(%run_scoped3A_212 : memref<!tpu.dma_semaphore, #tpu.memory_space<semaphore_mem>>)
      %dma_wait3A_225 = arith.constant 0 : i32
      %dma_wait3A_226 = arith.constant 0 : i32
      %dma_wait3A_227 = tpu.memref_slice %arg8[%run_scoped3A_19, %dma_wait3A_225, %dma_wait3A_226] : memref<3x80x128xf32, #tpu.memory_space<vmem>> -> memref<1x80x128xf32, #tpu.memory_space<vmem>>
      %dma_wait3A_228 = tpu.memref_squeeze %dma_wait3A_227 : memref<1x80x128xf32, #tpu.memory_space<vmem>> -> memref<80x128xf32, #tpu.memory_space<vmem>>
      %dma_wait3A_229 = arith.constant 0 : i32
      %dma_wait3A_230 = tpu.memref_slice %arg9[%add3A_18, %dma_wait3A_229] : memref<10000x128xf32, #tpu.memory_space<vmem_shared>> -> memref<80x128xf32, #tpu.memory_space<vmem_shared>>
      %dma_wait3A_231 = arith.constant 0 : i32
      %dma_wait3A_232 = tpu.memref_slice %arg9[%add3A_18, %dma_wait3A_231] : memref<10000x128xf32, #tpu.memory_space<vmem_shared>> -> memref<80x128xf32, #tpu.memory_space<vmem_shared>>
      %dma_wait3A_233 = arith.constant 0 : i32
      %dma_wait3A_234 = arith.constant 0 : i32
      %dma_wait3A_235 = tpu.memref_slice %arg8[%run_scoped3A_19, %dma_wait3A_233, %dma_wait3A_234] : memref<3x80x128xf32, #tpu.memory_space<vmem>> -> memref<1x80x128xf32, #tpu.memory_space<vmem>>
      %dma_wait3A_236 = tpu.memref_squeeze %dma_wait3A_235 : memref<1x80x128xf32, #tpu.memory_space<vmem>> -> memref<80x128xf32, #tpu.memory_space<vmem>>
      tpu.wait_dma2 semaphore(%run_scoped3A_212 : memref<!tpu.dma_semaphore, #tpu.memory_space<semaphore_mem>>) src(%dma_wait3A_236 : memref<80x128xf32, #tpu.memory_space<vmem>>) dst(%dma_wait3A_232 : memref<80x128xf32, #tpu.memory_space<vmem_shared>>)
      tpu.yield
    }) : () -> ()
    %add3A_20 = arith.constant 320 : i32
    %add3A_21 = arith.addi %mul3A_8, %add3A_20 : i32
    %run_scoped3A_22 = arith.constant 0 : i32
    "tpu.region"() ({
      %run_scoped3A_212 = tpu.sem_alloc : memref<!tpu.dma_semaphore, #tpu.memory_space<semaphore_mem>>
      %dma_start3A_213 = arith.constant 0 : i32
      %dma_start3A_214 = arith.constant 0 : i32
      %dma_start3A_215 = tpu.memref_slice %arg8[%run_scoped3A_22, %dma_start3A_213, %dma_start3A_214] : memref<3x80x128xf32, #tpu.memory_space<vmem>> -> memref<1x80x128xf32, #tpu.memory_space<vmem>>
      %dma_start3A_216 = tpu.memref_squeeze %dma_start3A_215 : memref<1x80x128xf32, #tpu.memory_space<vmem>> -> memref<80x128xf32, #tpu.memory_space<vmem>>
      %dma_start3A_217 = arith.constant 0 : i32
      %dma_start3A_218 = tpu.memref_slice %arg9[%add3A_21, %dma_start3A_217] : memref<10000x128xf32, #tpu.memory_space<vmem_shared>> -> memref<80x128xf32, #tpu.memory_space<vmem_shared>>
      %dma_start3A_219 = arith.constant 0 : i32
      %dma_start3A_220 = tpu.memref_slice %arg9[%add3A_21, %dma_start3A_219] : memref<10000x128xf32, #tpu.memory_space<vmem_shared>> -> memref<80x128xf32, #tpu.memory_space<vmem_shared>>
      %dma_start3A_221 = arith.constant 0 : i32
      %dma_start3A_222 = arith.constant 0 : i32
      %dma_start3A_223 = tpu.memref_slice %arg8[%run_scoped3A_22, %dma_start3A_221, %dma_start3A_222] : memref<3x80x128xf32, #tpu.memory_space<vmem>> -> memref<1x80x128xf32, #tpu.memory_space<vmem>>
      %dma_start3A_224 = tpu.memref_squeeze %dma_start3A_223 : memref<1x80x128xf32, #tpu.memory_space<vmem>> -> memref<80x128xf32, #tpu.memory_space<vmem>>
      tpu.enqueue_dma source(%dma_start3A_224 : memref<80x128xf32, #tpu.memory_space<vmem>>) target(%dma_start3A_220 : memref<80x128xf32, #tpu.memory_space<vmem_shared>>) target_semaphore(%run_scoped3A_212 : memref<!tpu.dma_semaphore, #tpu.memory_space<semaphore_mem>>)
      %dma_wait3A_225 = arith.constant 0 : i32
      %dma_wait3A_226 = arith.constant 0 : i32
      %dma_wait3A_227 = tpu.memref_slice %arg8[%run_scoped3A_22, %dma_wait3A_225, %dma_wait3A_226] : memref<3x80x128xf32, #tpu.memory_space<vmem>> -> memref<1x80x128xf32, #tpu.memory_space<vmem>>
      %dma_wait3A_228 = tpu.memref_squeeze %dma_wait3A_227 : memref<1x80x128xf32, #tpu.memory_space<vmem>> -> memref<80x128xf32, #tpu.memory_space<vmem>>
      %dma_wait3A_229 = arith.constant 0 : i32
      %dma_wait3A_230 = tpu.memref_slice %arg9[%add3A_21, %dma_wait3A_229] : memref<10000x128xf32, #tpu.memory_space<vmem_shared>> -> memref<80x128xf32, #tpu.memory_space<vmem_shared>>
      %dma_wait3A_231 = arith.constant 0 : i32
      %dma_wait3A_232 = tpu.memref_slice %arg9[%add3A_21, %dma_wait3A_231] : memref<10000x128xf32, #tpu.memory_space<vmem_shared>> -> memref<80x128xf32, #tpu.memory_space<vmem_shared>>
      %dma_wait3A_233 = arith.constant 0 : i32
      %dma_wait3A_234 = arith.constant 0 : i32
      %dma_wait3A_235 = tpu.memref_slice %arg8[%run_scoped3A_22, %dma_wait3A_233, %dma_wait3A_234] : memref<3x80x128xf32, #tpu.memory_space<vmem>> -> memref<1x80x128xf32, #tpu.memory_space<vmem>>
      %dma_wait3A_236 = tpu.memref_squeeze %dma_wait3A_235 : memref<1x80x128xf32, #tpu.memory_space<vmem>> -> memref<80x128xf32, #tpu.memory_space<vmem>>
      tpu.wait_dma2 semaphore(%run_scoped3A_212 : memref<!tpu.dma_semaphore, #tpu.memory_space<semaphore_mem>>) src(%dma_wait3A_236 : memref<80x128xf32, #tpu.memory_space<vmem>>) dst(%dma_wait3A_232 : memref<80x128xf32, #tpu.memory_space<vmem_shared>>)
      tpu.yield
    }) : () -> ()
    %add3A_23 = arith.constant 400 : i32
    %add3A_24 = arith.addi %mul3A_8, %add3A_23 : i32
    %run_scoped3A_25 = arith.constant 0 : i32
    "tpu.region"() ({
      %run_scoped3A_212 = tpu.sem_alloc : memref<!tpu.dma_semaphore, #tpu.memory_space<semaphore_mem>>
      %dma_start3A_213 = arith.constant 0 : i32
      %dma_start3A_214 = arith.constant 0 : i32
      %dma_start3A_215 = tpu.memref_slice %arg8[%run_scoped3A_25, %dma_start3A_213, %dma_start3A_214] : memref<3x80x128xf32, #tpu.memory_space<vmem>> -> memref<1x80x128xf32, #tpu.memory_space<vmem>>
      %dma_start3A_216 = tpu.memref_squeeze %dma_start3A_215 : memref<1x80x128xf32, #tpu.memory_space<vmem>> -> memref<80x128xf32, #tpu.memory_space<vmem>>
      %dma_start3A_217 = arith.constant 0 : i32
      %dma_start3A_218 = tpu.memref_slice %arg9[%add3A_24, %dma_start3A_217] : memref<10000x128xf32, #tpu.memory_space<vmem_shared>> -> memref<80x128xf32, #tpu.memory_space<vmem_shared>>
      %dma_start3A_219 = arith.constant 0 : i32
      %dma_start3A_220 = tpu.memref_slice %arg9[%add3A_24, %dma_start3A_219] : memref<10000x128xf32, #tpu.memory_space<vmem_shared>> -> memref<80x128xf32, #tpu.memory_space<vmem_shared>>
      %dma_start3A_221 = arith.constant 0 : i32
      %dma_start3A_222 = arith.constant 0 : i32
      %dma_start3A_223 = tpu.memref_slice %arg8[%run_scoped3A_25, %dma_start3A_221, %dma_start3A_222] : memref<3x80x128xf32, #tpu.memory_space<vmem>> -> memref<1x80x128xf32, #tpu.memory_space<vmem>>
      %dma_start3A_224 = tpu.memref_squeeze %dma_start3A_223 : memref<1x80x128xf32, #tpu.memory_space<vmem>> -> memref<80x128xf32, #tpu.memory_space<vmem>>
      tpu.enqueue_dma source(%dma_start3A_224 : memref<80x128xf32, #tpu.memory_space<vmem>>) target(%dma_start3A_220 : memref<80x128xf32, #tpu.memory_space<vmem_shared>>) target_semaphore(%run_scoped3A_212 : memref<!tpu.dma_semaphore, #tpu.memory_space<semaphore_mem>>)
      %dma_wait3A_225 = arith.constant 0 : i32
      %dma_wait3A_226 = arith.constant 0 : i32
      %dma_wait3A_227 = tpu.memref_slice %arg8[%run_scoped3A_25, %dma_wait3A_225, %dma_wait3A_226] : memref<3x80x128xf32, #tpu.memory_space<vmem>> -> memref<1x80x128xf32, #tpu.memory_space<vmem>>
      %dma_wait3A_228 = tpu.memref_squeeze %dma_wait3A_227 : memref<1x80x128xf32, #tpu.memory_space<vmem>> -> memref<80x128xf32, #tpu.memory_space<vmem>>
      %dma_wait3A_229 = arith.constant 0 : i32
      %dma_wait3A_230 = tpu.memref_slice %arg9[%add3A_24, %dma_wait3A_229] : memref<10000x128xf32, #tpu.memory_space<vmem_shared>> -> memref<80x128xf32, #tpu.memory_space<vmem_shared>>
      %dma_wait3A_231 = arith.constant 0 : i32
      %dma_wait3A_232 = tpu.memref_slice %arg9[%add3A_24, %dma_wait3A_231] : memref<10000x128xf32, #tpu.memory_space<vmem_shared>> -> memref<80x128xf32, #tpu.memory_space<vmem_shared>>
      %dma_wait3A_233 = arith.constant 0 : i32
      %dma_wait3A_234 = arith.constant 0 : i32
      %dma_wait3A_235 = tpu.memref_slice %arg8[%run_scoped3A_25, %dma_wait3A_233, %dma_wait3A_234] : memref<3x80x128xf32, #tpu.memory_space<vmem>> -> memref<1x80x128xf32, #tpu.memory_space<vmem>>
      %dma_wait3A_236 = tpu.memref_squeeze %dma_wait3A_235 : memref<1x80x128xf32, #tpu.memory_space<vmem>> -> memref<80x128xf32, #tpu.memory_space<vmem>>
      tpu.wait_dma2 semaphore(%run_scoped3A_212 : memref<!tpu.dma_semaphore, #tpu.memory_space<semaphore_mem>>) src(%dma_wait3A_236 : memref<80x128xf32, #tpu.memory_space<vmem>>) dst(%dma_wait3A_232 : memref<80x128xf32, #tpu.memory_space<vmem_shared>>)
      tpu.yield
    }) : () -> ()
    %add3A_26 = arith.constant 480 : i32
    %add3A_27 = arith.addi %mul3A_8, %add3A_26 : i32
    %run_scoped3A_28 = arith.constant 0 : i32
    "tpu.region"() ({
      %run_scoped3A_212 = tpu.sem_alloc : memref<!tpu.dma_semaphore, #tpu.memory_space<semaphore_mem>>
      %dma_start3A_213 = arith.constant 0 : i32
      %dma_start3A_214 = arith.constant 0 : i32
      %dma_start3A_215 = tpu.memref_slice %arg8[%run_scoped3A_28, %dma_start3A_213, %dma_start3A_214] : memref<3x80x128xf32, #tpu.memory_space<vmem>> -> memref<1x80x128xf32, #tpu.memory_space<vmem>>
      %dma_start3A_216 = tpu.memref_squeeze %dma_start3A_215 : memref<1x80x128xf32, #tpu.memory_space<vmem>> -> memref<80x128xf32, #tpu.memory_space<vmem>>
      %dma_start3A_217 = arith.constant 0 : i32
      %dma_start3A_218 = tpu.memref_slice %arg9[%add3A_27, %dma_start3A_217] : memref<10000x128xf32, #tpu.memory_space<vmem_shared>> -> memref<80x128xf32, #tpu.memory_space<vmem_shared>>
      %dma_start3A_219 = arith.constant 0 : i32
      %dma_start3A_220 = tpu.memref_slice %arg9[%add3A_27, %dma_start3A_219] : memref<10000x128xf32, #tpu.memory_space<vmem_shared>> -> memref<80x128xf32, #tpu.memory_space<vmem_shared>>
      %dma_start3A_221 = arith.constant 0 : i32
      %dma_start3A_222 = arith.constant 0 : i32
      %dma_start3A_223 = tpu.memref_slice %arg8[%run_scoped3A_28, %dma_start3A_221, %dma_start3A_222] : memref<3x80x128xf32, #tpu.memory_space<vmem>> -> memref<1x80x128xf32, #tpu.memory_space<vmem>>
      %dma_start3A_224 = tpu.memref_squeeze %dma_start3A_223 : memref<1x80x128xf32, #tpu.memory_space<vmem>> -> memref<80x128xf32, #tpu.memory_space<vmem>>
      tpu.enqueue_dma source(%dma_start3A_224 : memref<80x128xf32, #tpu.memory_space<vmem>>) target(%dma_start3A_220 : memref<80x128xf32, #tpu.memory_space<vmem_shared>>) target_semaphore(%run_scoped3A_212 : memref<!tpu.dma_semaphore, #tpu.memory_space<semaphore_mem>>)
      %dma_wait3A_225 = arith.constant 0 : i32
      %dma_wait3A_226 = arith.constant 0 : i32
      %dma_wait3A_227 = tpu.memref_slice %arg8[%run_scoped3A_28, %dma_wait3A_225, %dma_wait3A_226] : memref<3x80x128xf32, #tpu.memory_space<vmem>> -> memref<1x80x128xf32, #tpu.memory_space<vmem>>
      %dma_wait3A_228 = tpu.memref_squeeze %dma_wait3A_227 : memref<1x80x128xf32, #tpu.memory_space<vmem>> -> memref<80x128xf32, #tpu.memory_space<vmem>>
      %dma_wait3A_229 = arith.constant 0 : i32
      %dma_wait3A_230 = tpu.memref_slice %arg9[%add3A_27, %dma_wait3A_229] : memref<10000x128xf32, #tpu.memory_space<vmem_shared>> -> memref<80x128xf32, #tpu.memory_space<vmem_shared>>
      %dma_wait3A_231 = arith.constant 0 : i32
      %dma_wait3A_232 = tpu.memref_slice %arg9[%add3A_27, %dma_wait3A_231] : memref<10000x128xf32, #tpu.memory_space<vmem_shared>> -> memref<80x128xf32, #tpu.memory_space<vmem_shared>>
      %dma_wait3A_233 = arith.constant 0 : i32
      %dma_wait3A_234 = arith.constant 0 : i32
      %dma_wait3A_235 = tpu.memref_slice %arg8[%run_scoped3A_28, %dma_wait3A_233, %dma_wait3A_234] : memref<3x80x128xf32, #tpu.memory_space<vmem>> -> memref<1x80x128xf32, #tpu.memory_space<vmem>>
      %dma_wait3A_236 = tpu.memref_squeeze %dma_wait3A_235 : memref<1x80x128xf32, #tpu.memory_space<vmem>> -> memref<80x128xf32, #tpu.memory_space<vmem>>
      tpu.wait_dma2 semaphore(%run_scoped3A_212 : memref<!tpu.dma_semaphore, #tpu.memory_space<semaphore_mem>>) src(%dma_wait3A_236 : memref<80x128xf32, #tpu.memory_space<vmem>>) dst(%dma_wait3A_232 : memref<80x128xf32, #tpu.memory_space<vmem_shared>>)
      tpu.yield
    }) : () -> ()
    %eq3A = arith.constant 15 : i32
    %eq3A_29 = arith.cmpi eq, %arg1, %eq3A : i32
    %convert_element_type3A = arith.extui %eq3A_29 : i1 to i32
    %cond3A = arith.constant 0 : i32
    %cond3A_30 = arith.cmpi ne, %convert_element_type3A, %cond3A : i32
    scf.if %cond3A_30 {
      %add3A_212 = arith.constant 560 : i32
      %add3A_213 = arith.addi %mul3A_8, %add3A_212 : i32
      %run_scoped3A_214 = arith.constant 0 : i32
      "tpu.region"() ({
        %run_scoped3A_215 = tpu.sem_alloc : memref<!tpu.dma_semaphore, #tpu.memory_space<semaphore_mem>>
        %dma_start3A_216 = arith.constant 0 : i32
        %dma_start3A_217 = arith.constant 0 : i32
        %dma_start3A_218 = tpu.memref_slice %arg8[%run_scoped3A_214, %dma_start3A_216, %dma_start3A_217] : memref<3x80x128xf32, #tpu.memory_space<vmem>> -> memref<1x80x128xf32, #tpu.memory_space<vmem>>
        %dma_start3A_219 = tpu.memref_squeeze %dma_start3A_218 : memref<1x80x128xf32, #tpu.memory_space<vmem>> -> memref<80x128xf32, #tpu.memory_space<vmem>>
        %dma_start3A_220 = arith.constant 0 : i32
        %dma_start3A_221 = tpu.memref_slice %arg9[%add3A_213, %dma_start3A_220] : memref<10000x128xf32, #tpu.memory_space<vmem_shared>> -> memref<80x128xf32, #tpu.memory_space<vmem_shared>>
        %dma_start3A_222 = arith.constant 0 : i32
        %dma_start3A_223 = tpu.memref_slice %arg9[%add3A_213, %dma_start3A_222] : memref<10000x128xf32, #tpu.memory_space<vmem_shared>> -> memref<80x128xf32, #tpu.memory_space<vmem_shared>>
        %dma_start3A_224 = arith.constant 0 : i32
        %dma_start3A_225 = arith.constant 0 : i32
        %dma_start3A_226 = tpu.memref_slice %arg8[%run_scoped3A_214, %dma_start3A_224, %dma_start3A_225] : memref<3x80x128xf32, #tpu.memory_space<vmem>> -> memref<1x80x128xf32, #tpu.memory_space<vmem>>
        %dma_start3A_227 = tpu.memref_squeeze %dma_start3A_226 : memref<1x80x128xf32, #tpu.memory_space<vmem>> -> memref<80x128xf32, #tpu.memory_space<vmem>>
        tpu.enqueue_dma source(%dma_start3A_227 : memref<80x128xf32, #tpu.memory_space<vmem>>) target(%dma_start3A_223 : memref<80x128xf32, #tpu.memory_space<vmem_shared>>) target_semaphore(%run_scoped3A_215 : memref<!tpu.dma_semaphore, #tpu.memory_space<semaphore_mem>>)
        %dma_wait3A_228 = arith.constant 0 : i32
        %dma_wait3A_229 = arith.constant 0 : i32
        %dma_wait3A_230 = tpu.memref_slice %arg8[%run_scoped3A_214, %dma_wait3A_228, %dma_wait3A_229] : memref<3x80x128xf32, #tpu.memory_space<vmem>> -> memref<1x80x128xf32, #tpu.memory_space<vmem>>
        %dma_wait3A_231 = tpu.memref_squeeze %dma_wait3A_230 : memref<1x80x128xf32, #tpu.memory_space<vmem>> -> memref<80x128xf32, #tpu.memory_space<vmem>>
        %dma_wait3A_232 = arith.constant 0 : i32
        %dma_wait3A_233 = tpu.memref_slice %arg9[%add3A_213, %dma_wait3A_232] : memref<10000x128xf32, #tpu.memory_space<vmem_shared>> -> memref<80x128xf32, #tpu.memory_space<vmem_shared>>
        %dma_wait3A_234 = arith.constant 0 : i32
        %dma_wait3A_235 = tpu.memref_slice %arg9[%add3A_213, %dma_wait3A_234] : memref<10000x128xf32, #tpu.memory_space<vmem_shared>> -> memref<80x128xf32, #tpu.memory_space<vmem_shared>>
        %dma_wait3A_236 = arith.constant 0 : i32
        %dma_wait3A_237 = arith.constant 0 : i32
        %dma_wait3A_238 = tpu.memref_slice %arg8[%run_scoped3A_214, %dma_wait3A_236, %dma_wait3A_237] : memref<3x80x128xf32, #tpu.memory_space<vmem>> -> memref<1x80x128xf32, #tpu.memory_space<vmem>>
        %dma_wait3A_239 = tpu.memref_squeeze %dma_wait3A_238 : memref<1x80x128xf32, #tpu.memory_space<vmem>> -> memref<80x128xf32, #tpu.memory_space<vmem>>
        tpu.wait_dma2 semaphore(%run_scoped3A_215 : memref<!tpu.dma_semaphore, #tpu.memory_space<semaphore_mem>>) src(%dma_wait3A_239 : memref<80x128xf32, #tpu.memory_space<vmem>>) dst(%dma_wait3A_235 : memref<80x128xf32, #tpu.memory_space<vmem_shared>>)
        tpu.yield
      }) : () -> ()
    } else {
    }
    %lt3A = arith.constant 15 : i32
    %lt3A_31 = arith.cmpi slt, %arg1, %lt3A : i32
    %convert_element_type3A_32 = arith.extui %lt3A_31 : i1 to i32
    %cond3A_33 = arith.constant 0 : i32
    %cond3A_34 = arith.cmpi ne, %convert_element_type3A_32, %cond3A_33 : i32
    scf.if %cond3A_34 {
      %add3A_212 = arith.constant 560 : i32
      %add3A_213 = arith.addi %mul3A_8, %add3A_212 : i32
      %run_scoped3A_214 = arith.constant 0 : i32
      "tpu.region"() ({
        %run_scoped3A_215 = tpu.sem_alloc : memref<!tpu.dma_semaphore, #tpu.memory_space<semaphore_mem>>
        %dma_start3A_216 = arith.constant 0 : i32
        %dma_start3A_217 = arith.constant 0 : i32
        %dma_start3A_218 = tpu.memref_slice %arg8[%run_scoped3A_214, %dma_start3A_216, %dma_start3A_217] : memref<3x80x128xf32, #tpu.memory_space<vmem>> -> memref<1x64x128xf32, #tpu.memory_space<vmem>>
        %dma_start3A_219 = tpu.memref_squeeze %dma_start3A_218 : memref<1x64x128xf32, #tpu.memory_space<vmem>> -> memref<64x128xf32, #tpu.memory_space<vmem>>
        %dma_start3A_220 = arith.constant 0 : i32
        %dma_start3A_221 = tpu.memref_slice %arg9[%add3A_213, %dma_start3A_220] : memref<10000x128xf32, #tpu.memory_space<vmem_shared>> -> memref<64x128xf32, #tpu.memory_space<vmem_shared>>
        %dma_start3A_222 = arith.constant 0 : i32
        %dma_start3A_223 = tpu.memref_slice %arg9[%add3A_213, %dma_start3A_222] : memref<10000x128xf32, #tpu.memory_space<vmem_shared>> -> memref<64x128xf32, #tpu.memory_space<vmem_shared>>
        %dma_start3A_224 = arith.constant 0 : i32
        %dma_start3A_225 = arith.constant 0 : i32
        %dma_start3A_226 = tpu.memref_slice %arg8[%run_scoped3A_214, %dma_start3A_224, %dma_start3A_225] : memref<3x80x128xf32, #tpu.memory_space<vmem>> -> memref<1x64x128xf32, #tpu.memory_space<vmem>>
        %dma_start3A_227 = tpu.memref_squeeze %dma_start3A_226 : memref<1x64x128xf32, #tpu.memory_space<vmem>> -> memref<64x128xf32, #tpu.memory_space<vmem>>
        tpu.enqueue_dma source(%dma_start3A_227 : memref<64x128xf32, #tpu.memory_space<vmem>>) target(%dma_start3A_223 : memref<64x128xf32, #tpu.memory_space<vmem_shared>>) target_semaphore(%run_scoped3A_215 : memref<!tpu.dma_semaphore, #tpu.memory_space<semaphore_mem>>)
        %dma_wait3A_228 = arith.constant 0 : i32
        %dma_wait3A_229 = arith.constant 0 : i32
        %dma_wait3A_230 = tpu.memref_slice %arg8[%run_scoped3A_214, %dma_wait3A_228, %dma_wait3A_229] : memref<3x80x128xf32, #tpu.memory_space<vmem>> -> memref<1x64x128xf32, #tpu.memory_space<vmem>>
        %dma_wait3A_231 = tpu.memref_squeeze %dma_wait3A_230 : memref<1x64x128xf32, #tpu.memory_space<vmem>> -> memref<64x128xf32, #tpu.memory_space<vmem>>
        %dma_wait3A_232 = arith.constant 0 : i32
        %dma_wait3A_233 = tpu.memref_slice %arg9[%add3A_213, %dma_wait3A_232] : memref<10000x128xf32, #tpu.memory_space<vmem_shared>> -> memref<64x128xf32, #tpu.memory_space<vmem_shared>>
        %dma_wait3A_234 = arith.constant 0 : i32
        %dma_wait3A_235 = tpu.memref_slice %arg9[%add3A_213, %dma_wait3A_234] : memref<10000x128xf32, #tpu.memory_space<vmem_shared>> -> memref<64x128xf32, #tpu.memory_space<vmem_shared>>
        %dma_wait3A_236 = arith.constant 0 : i32
        %dma_wait3A_237 = arith.constant 0 : i32
        %dma_wait3A_238 = tpu.memref_slice %arg8[%run_scoped3A_214, %dma_wait3A_236, %dma_wait3A_237] : memref<3x80x128xf32, #tpu.memory_space<vmem>> -> memref<1x64x128xf32, #tpu.memory_space<vmem>>
        %dma_wait3A_239 = tpu.memref_squeeze %dma_wait3A_238 : memref<1x64x128xf32, #tpu.memory_space<vmem>> -> memref<64x128xf32, #tpu.memory_space<vmem>>
        tpu.wait_dma2 semaphore(%run_scoped3A_215 : memref<!tpu.dma_semaphore, #tpu.memory_space<semaphore_mem>>) src(%dma_wait3A_239 : memref<64x128xf32, #tpu.memory_space<vmem>>) dst(%dma_wait3A_235 : memref<64x128xf32, #tpu.memory_space<vmem_shared>>)
        tpu.yield
      }) : () -> ()
    } else {
    }
    "tpu.region"() ({
      %run_scoped3A_212 = tpu.sem_alloc : memref<!tpu.dma_semaphore, #tpu.memory_space<semaphore_mem>>
      %dma_start3A_213 = arith.constant 0 : i32
      %dma_start3A_214 = arith.constant 0 : i32
      %dma_start3A_215 = tpu.memref_slice %arg4[%add3A, %dma_start3A_213, %dma_start3A_214] : memref<32x126x80xf32, #tpu.memory_space<hbm>> -> memref<1x126x80xf32, #tpu.memory_space<hbm>>
      %dma_start3A_216 = tpu.memref_squeeze %dma_start3A_215 : memref<1x126x80xf32, #tpu.memory_space<hbm>> -> memref<126x80xf32, #tpu.memory_space<hbm>>
      %dma_start3A_217 = arith.constant 0 : i32
      %dma_start3A_218 = arith.constant 0 : i32
      %dma_start3A_219 = tpu.memref_slice %arg4[%add3A, %dma_start3A_217, %dma_start3A_218] : memref<32x126x80xf32, #tpu.memory_space<hbm>> -> memref<1x126x80xf32, #tpu.memory_space<hbm>>
      %dma_start3A_220 = tpu.memref_squeeze %dma_start3A_219 : memref<1x126x80xf32, #tpu.memory_space<hbm>> -> memref<126x80xf32, #tpu.memory_space<hbm>>
      tpu.enqueue_dma source(%dma_start3A_220 : memref<126x80xf32, #tpu.memory_space<hbm>>) target(%arg7 : memref<126x80xf32, #tpu.memory_space<vmem>>) target_semaphore(%run_scoped3A_212 : memref<!tpu.dma_semaphore, #tpu.memory_space<semaphore_mem>>)
      %dma_wait3A_221 = arith.constant 0 : i32
      %dma_wait3A_222 = arith.constant 0 : i32
      %dma_wait3A_223 = tpu.memref_slice %arg4[%add3A, %dma_wait3A_221, %dma_wait3A_222] : memref<32x126x80xf32, #tpu.memory_space<hbm>> -> memref<1x126x80xf32, #tpu.memory_space<hbm>>
      %dma_wait3A_224 = tpu.memref_squeeze %dma_wait3A_223 : memref<1x126x80xf32, #tpu.memory_space<hbm>> -> memref<126x80xf32, #tpu.memory_space<hbm>>
      %dma_wait3A_225 = arith.constant 0 : i32
      %dma_wait3A_226 = arith.constant 0 : i32
      %dma_wait3A_227 = tpu.memref_slice %arg4[%add3A, %dma_wait3A_225, %dma_wait3A_226] : memref<32x126x80xf32, #tpu.memory_space<hbm>> -> memref<1x126x80xf32, #tpu.memory_space<hbm>>
      %dma_wait3A_228 = tpu.memref_squeeze %dma_wait3A_227 : memref<1x126x80xf32, #tpu.memory_space<hbm>> -> memref<126x80xf32, #tpu.memory_space<hbm>>
      tpu.wait_dma2 semaphore(%run_scoped3A_212 : memref<!tpu.dma_semaphore, #tpu.memory_space<semaphore_mem>>) src(%dma_wait3A_228 : memref<126x80xf32, #tpu.memory_space<hbm>>) dst(%arg7 : memref<126x80xf32, #tpu.memory_space<vmem>>)
      tpu.yield
    }) : () -> ()
    %barrier3A = arith.constant 0 : index
    tpu.barrier barrier_id(%barrier3A)
    %run_scoped3A_35 = arith.constant 0 : i32
    %run_scoped3A_36 = arith.constant 0 : i32
    "tpu.region"() ({
      %run_scoped3A_212 = tpu.sem_alloc : memref<!tpu.dma_semaphore, #tpu.memory_space<semaphore_mem>>
      %dma_start3A_213 = arith.constant 0 : i32
      %dma_start3A_214 = arith.constant 0 : i32
      %dma_start3A_215 = tpu.memref_slice %arg6[%run_scoped3A_36, %dma_start3A_213, %dma_start3A_214] : memref<3x2x80xi32, #tpu.memory_space<vmem>> -> memref<1x2x80xi32, #tpu.memory_space<vmem>>
      %dma_start3A_216 = tpu.memref_squeeze %dma_start3A_215 : memref<1x2x80xi32, #tpu.memory_space<vmem>> -> memref<2x80xi32, #tpu.memory_space<vmem>>
      %dma_start3A_217 = arith.constant 0 : i32
      %dma_start3A_218 = arith.constant 0 : i32
      %dma_start3A_219 = tpu.memref_slice %arg3[%add3A, %run_scoped3A_35, %dma_start3A_217, %dma_start3A_218] : memref<32x126x2x80xi32, #tpu.memory_space<hbm>> -> memref<1x1x2x80xi32, #tpu.memory_space<hbm>>
      %dma_start3A_220 = tpu.memref_squeeze %dma_start3A_219 : memref<1x1x2x80xi32, #tpu.memory_space<hbm>> -> memref<2x80xi32, #tpu.memory_space<hbm>>
      %dma_start3A_221 = arith.constant 0 : i32
      %dma_start3A_222 = arith.constant 0 : i32
      %dma_start3A_223 = tpu.memref_slice %arg6[%run_scoped3A_36, %dma_start3A_221, %dma_start3A_222] : memref<3x2x80xi32, #tpu.memory_space<vmem>> -> memref<1x2x80xi32, #tpu.memory_space<vmem>>
      %dma_start3A_224 = tpu.memref_squeeze %dma_start3A_223 : memref<1x2x80xi32, #tpu.memory_space<vmem>> -> memref<2x80xi32, #tpu.memory_space<vmem>>
      %dma_start3A_225 = arith.constant 0 : i32
      %dma_start3A_226 = arith.constant 0 : i32
      %dma_start3A_227 = tpu.memref_slice %arg3[%add3A, %run_scoped3A_35, %dma_start3A_225, %dma_start3A_226] : memref<32x126x2x80xi32, #tpu.memory_space<hbm>> -> memref<1x1x2x80xi32, #tpu.memory_space<hbm>>
      %dma_start3A_228 = tpu.memref_squeeze %dma_start3A_227 : memref<1x1x2x80xi32, #tpu.memory_space<hbm>> -> memref<2x80xi32, #tpu.memory_space<hbm>>
      tpu.enqueue_dma source(%dma_start3A_228 : memref<2x80xi32, #tpu.memory_space<hbm>>) target(%dma_start3A_224 : memref<2x80xi32, #tpu.memory_space<vmem>>) target_semaphore(%run_scoped3A_212 : memref<!tpu.dma_semaphore, #tpu.memory_space<semaphore_mem>>)
      %dma_wait3A_229 = arith.constant 0 : i32
      %dma_wait3A_230 = arith.constant 0 : i32
      %dma_wait3A_231 = tpu.memref_slice %arg6[%run_scoped3A_36, %dma_wait3A_229, %dma_wait3A_230] : memref<3x2x80xi32, #tpu.memory_space<vmem>> -> memref<1x2x80xi32, #tpu.memory_space<vmem>>
      %dma_wait3A_232 = tpu.memref_squeeze %dma_wait3A_231 : memref<1x2x80xi32, #tpu.memory_space<vmem>> -> memref<2x80xi32, #tpu.memory_space<vmem>>
      %dma_wait3A_233 = arith.constant 0 : i32
      %dma_wait3A_234 = arith.constant 0 : i32
      %dma_wait3A_235 = tpu.memref_slice %arg3[%add3A, %run_scoped3A_35, %dma_wait3A_233, %dma_wait3A_234] : memref<32x126x2x80xi32, #tpu.memory_space<hbm>> -> memref<1x1x2x80xi32, #tpu.memory_space<hbm>>
      %dma_wait3A_236 = tpu.memref_squeeze %dma_wait3A_235 : memref<1x1x2x80xi32, #tpu.memory_space<hbm>> -> memref<2x80xi32, #tpu.memory_space<hbm>>
      %dma_wait3A_237 = arith.constant 0 : i32
      %dma_wait3A_238 = arith.constant 0 : i32
      %dma_wait3A_239 = tpu.memref_slice %arg6[%run_scoped3A_36, %dma_wait3A_237, %dma_wait3A_238] : memref<3x2x80xi32, #tpu.memory_space<vmem>> -> memref<1x2x80xi32, #tpu.memory_space<vmem>>
      %dma_wait3A_240 = tpu.memref_squeeze %dma_wait3A_239 : memref<1x2x80xi32, #tpu.memory_space<vmem>> -> memref<2x80xi32, #tpu.memory_space<vmem>>
      %dma_wait3A_241 = arith.constant 0 : i32
      %dma_wait3A_242 = arith.constant 0 : i32
      %dma_wait3A_243 = tpu.memref_slice %arg3[%add3A, %run_scoped3A_35, %dma_wait3A_241, %dma_wait3A_242] : memref<32x126x2x80xi32, #tpu.memory_space<hbm>> -> memref<1x1x2x80xi32, #tpu.memory_space<hbm>>
      %dma_wait3A_244 = tpu.memref_squeeze %dma_wait3A_243 : memref<1x1x2x80xi32, #tpu.memory_space<hbm>> -> memref<2x80xi32, #tpu.memory_space<hbm>>
      tpu.wait_dma2 semaphore(%run_scoped3A_212 : memref<!tpu.dma_semaphore, #tpu.memory_space<semaphore_mem>>) src(%dma_wait3A_244 : memref<2x80xi32, #tpu.memory_space<hbm>>) dst(%dma_wait3A_240 : memref<2x80xi32, #tpu.memory_space<vmem>>)
      tpu.yield
    }) : () -> ()
    %run_scoped3A_37 = arith.constant 1 : i32
    %run_scoped3A_38 = arith.constant 1 : i32
    "tpu.region"() ({
      %run_scoped3A_212 = tpu.sem_alloc : memref<!tpu.dma_semaphore, #tpu.memory_space<semaphore_mem>>
      %dma_start3A_213 = arith.constant 0 : i32
      %dma_start3A_214 = arith.constant 0 : i32
      %dma_start3A_215 = tpu.memref_slice %arg6[%run_scoped3A_38, %dma_start3A_213, %dma_start3A_214] : memref<3x2x80xi32, #tpu.memory_space<vmem>> -> memref<1x2x80xi32, #tpu.memory_space<vmem>>
      %dma_start3A_216 = tpu.memref_squeeze %dma_start3A_215 : memref<1x2x80xi32, #tpu.memory_space<vmem>> -> memref<2x80xi32, #tpu.memory_space<vmem>>
      %dma_start3A_217 = arith.constant 0 : i32
      %dma_start3A_218 = arith.constant 0 : i32
      %dma_start3A_219 = tpu.memref_slice %arg3[%add3A, %run_scoped3A_37, %dma_start3A_217, %dma_start3A_218] : memref<32x126x2x80xi32, #tpu.memory_space<hbm>> -> memref<1x1x2x80xi32, #tpu.memory_space<hbm>>
      %dma_start3A_220 = tpu.memref_squeeze %dma_start3A_219 : memref<1x1x2x80xi32, #tpu.memory_space<hbm>> -> memref<2x80xi32, #tpu.memory_space<hbm>>
      %dma_start3A_221 = arith.constant 0 : i32
      %dma_start3A_222 = arith.constant 0 : i32
      %dma_start3A_223 = tpu.memref_slice %arg6[%run_scoped3A_38, %dma_start3A_221, %dma_start3A_222] : memref<3x2x80xi32, #tpu.memory_space<vmem>> -> memref<1x2x80xi32, #tpu.memory_space<vmem>>
      %dma_start3A_224 = tpu.memref_squeeze %dma_start3A_223 : memref<1x2x80xi32, #tpu.memory_space<vmem>> -> memref<2x80xi32, #tpu.memory_space<vmem>>
      %dma_start3A_225 = arith.constant 0 : i32
      %dma_start3A_226 = arith.constant 0 : i32
      %dma_start3A_227 = tpu.memref_slice %arg3[%add3A, %run_scoped3A_37, %dma_start3A_225, %dma_start3A_226] : memref<32x126x2x80xi32, #tpu.memory_space<hbm>> -> memref<1x1x2x80xi32, #tpu.memory_space<hbm>>
      %dma_start3A_228 = tpu.memref_squeeze %dma_start3A_227 : memref<1x1x2x80xi32, #tpu.memory_space<hbm>> -> memref<2x80xi32, #tpu.memory_space<hbm>>
      tpu.enqueue_dma source(%dma_start3A_228 : memref<2x80xi32, #tpu.memory_space<hbm>>) target(%dma_start3A_224 : memref<2x80xi32, #tpu.memory_space<vmem>>) target_semaphore(%run_scoped3A_212 : memref<!tpu.dma_semaphore, #tpu.memory_space<semaphore_mem>>)
      %dma_wait3A_229 = arith.constant 0 : i32
      %dma_wait3A_230 = arith.constant 0 : i32
      %dma_wait3A_231 = tpu.memref_slice %arg6[%run_scoped3A_38, %dma_wait3A_229, %dma_wait3A_230] : memref<3x2x80xi32, #tpu.memory_space<vmem>> -> memref<1x2x80xi32, #tpu.memory_space<vmem>>
      %dma_wait3A_232 = tpu.memref_squeeze %dma_wait3A_231 : memref<1x2x80xi32, #tpu.memory_space<vmem>> -> memref<2x80xi32, #tpu.memory_space<vmem>>
      %dma_wait3A_233 = arith.constant 0 : i32
      %dma_wait3A_234 = arith.constant 0 : i32
      %dma_wait3A_235 = tpu.memref_slice %arg3[%add3A, %run_scoped3A_37, %dma_wait3A_233, %dma_wait3A_234] : memref<32x126x2x80xi32, #tpu.memory_space<hbm>> -> memref<1x1x2x80xi32, #tpu.memory_space<hbm>>
      %dma_wait3A_236 = tpu.memref_squeeze %dma_wait3A_235 : memref<1x1x2x80xi32, #tpu.memory_space<hbm>> -> memref<2x80xi32, #tpu.memory_space<hbm>>
      %dma_wait3A_237 = arith.constant 0 : i32
      %dma_wait3A_238 = arith.constant 0 : i32
      %dma_wait3A_239 = tpu.memref_slice %arg6[%run_scoped3A_38, %dma_wait3A_237, %dma_wait3A_238] : memref<3x2x80xi32, #tpu.memory_space<vmem>> -> memref<1x2x80xi32, #tpu.memory_space<vmem>>
      %dma_wait3A_240 = tpu.memref_squeeze %dma_wait3A_239 : memref<1x2x80xi32, #tpu.memory_space<vmem>> -> memref<2x80xi32, #tpu.memory_space<vmem>>
      %dma_wait3A_241 = arith.constant 0 : i32
      %dma_wait3A_242 = arith.constant 0 : i32
      %dma_wait3A_243 = tpu.memref_slice %arg3[%add3A, %run_scoped3A_37, %dma_wait3A_241, %dma_wait3A_242] : memref<32x126x2x80xi32, #tpu.memory_space<hbm>> -> memref<1x1x2x80xi32, #tpu.memory_space<hbm>>
      %dma_wait3A_244 = tpu.memref_squeeze %dma_wait3A_243 : memref<1x1x2x80xi32, #tpu.memory_space<hbm>> -> memref<2x80xi32, #tpu.memory_space<hbm>>
      tpu.wait_dma2 semaphore(%run_scoped3A_212 : memref<!tpu.dma_semaphore, #tpu.memory_space<semaphore_mem>>) src(%dma_wait3A_244 : memref<2x80xi32, #tpu.memory_space<hbm>>) dst(%dma_wait3A_240 : memref<2x80xi32, #tpu.memory_space<vmem>>)
      tpu.yield
    }) : () -> ()
    %run_scoped3A_39 = arith.constant 2 : i32
    %run_scoped3A_40 = arith.constant 2 : i32
    "tpu.region"() ({
      %run_scoped3A_212 = tpu.sem_alloc : memref<!tpu.dma_semaphore, #tpu.memory_space<semaphore_mem>>
      %dma_start3A_213 = arith.constant 0 : i32
      %dma_start3A_214 = arith.constant 0 : i32
      %dma_start3A_215 = tpu.memref_slice %arg6[%run_scoped3A_40, %dma_start3A_213, %dma_start3A_214] : memref<3x2x80xi32, #tpu.memory_space<vmem>> -> memref<1x2x80xi32, #tpu.memory_space<vmem>>
      %dma_start3A_216 = tpu.memref_squeeze %dma_start3A_215 : memref<1x2x80xi32, #tpu.memory_space<vmem>> -> memref<2x80xi32, #tpu.memory_space<vmem>>
      %dma_start3A_217 = arith.constant 0 : i32
      %dma_start3A_218 = arith.constant 0 : i32
      %dma_start3A_219 = tpu.memref_slice %arg3[%add3A, %run_scoped3A_39, %dma_start3A_217, %dma_start3A_218] : memref<32x126x2x80xi32, #tpu.memory_space<hbm>> -> memref<1x1x2x80xi32, #tpu.memory_space<hbm>>
      %dma_start3A_220 = tpu.memref_squeeze %dma_start3A_219 : memref<1x1x2x80xi32, #tpu.memory_space<hbm>> -> memref<2x80xi32, #tpu.memory_space<hbm>>
      %dma_start3A_221 = arith.constant 0 : i32
      %dma_start3A_222 = arith.constant 0 : i32
      %dma_start3A_223 = tpu.memref_slice %arg6[%run_scoped3A_40, %dma_start3A_221, %dma_start3A_222] : memref<3x2x80xi32, #tpu.memory_space<vmem>> -> memref<1x2x80xi32, #tpu.memory_space<vmem>>
      %dma_start3A_224 = tpu.memref_squeeze %dma_start3A_223 : memref<1x2x80xi32, #tpu.memory_space<vmem>> -> memref<2x80xi32, #tpu.memory_space<vmem>>
      %dma_start3A_225 = arith.constant 0 : i32
      %dma_start3A_226 = arith.constant 0 : i32
      %dma_start3A_227 = tpu.memref_slice %arg3[%add3A, %run_scoped3A_39, %dma_start3A_225, %dma_start3A_226] : memref<32x126x2x80xi32, #tpu.memory_space<hbm>> -> memref<1x1x2x80xi32, #tpu.memory_space<hbm>>
      %dma_start3A_228 = tpu.memref_squeeze %dma_start3A_227 : memref<1x1x2x80xi32, #tpu.memory_space<hbm>> -> memref<2x80xi32, #tpu.memory_space<hbm>>
      tpu.enqueue_dma source(%dma_start3A_228 : memref<2x80xi32, #tpu.memory_space<hbm>>) target(%dma_start3A_224 : memref<2x80xi32, #tpu.memory_space<vmem>>) target_semaphore(%run_scoped3A_212 : memref<!tpu.dma_semaphore, #tpu.memory_space<semaphore_mem>>)
      %dma_wait3A_229 = arith.constant 0 : i32
      %dma_wait3A_230 = arith.constant 0 : i32
      %dma_wait3A_231 = tpu.memref_slice %arg6[%run_scoped3A_40, %dma_wait3A_229, %dma_wait3A_230] : memref<3x2x80xi32, #tpu.memory_space<vmem>> -> memref<1x2x80xi32, #tpu.memory_space<vmem>>
      %dma_wait3A_232 = tpu.memref_squeeze %dma_wait3A_231 : memref<1x2x80xi32, #tpu.memory_space<vmem>> -> memref<2x80xi32, #tpu.memory_space<vmem>>
      %dma_wait3A_233 = arith.constant 0 : i32
      %dma_wait3A_234 = arith.constant 0 : i32
      %dma_wait3A_235 = tpu.memref_slice %arg3[%add3A, %run_scoped3A_39, %dma_wait3A_233, %dma_wait3A_234] : memref<32x126x2x80xi32, #tpu.memory_space<hbm>> -> memref<1x1x2x80xi32, #tpu.memory_space<hbm>>
      %dma_wait3A_236 = tpu.memref_squeeze %dma_wait3A_235 : memref<1x1x2x80xi32, #tpu.memory_space<hbm>> -> memref<2x80xi32, #tpu.memory_space<hbm>>
      %dma_wait3A_237 = arith.constant 0 : i32
      %dma_wait3A_238 = arith.constant 0 : i32
      %dma_wait3A_239 = tpu.memref_slice %arg6[%run_scoped3A_40, %dma_wait3A_237, %dma_wait3A_238] : memref<3x2x80xi32, #tpu.memory_space<vmem>> -> memref<1x2x80xi32, #tpu.memory_space<vmem>>
      %dma_wait3A_240 = tpu.memref_squeeze %dma_wait3A_239 : memref<1x2x80xi32, #tpu.memory_space<vmem>> -> memref<2x80xi32, #tpu.memory_space<vmem>>
      %dma_wait3A_241 = arith.constant 0 : i32
      %dma_wait3A_242 = arith.constant 0 : i32
      %dma_wait3A_243 = tpu.memref_slice %arg3[%add3A, %run_scoped3A_39, %dma_wait3A_241, %dma_wait3A_242] : memref<32x126x2x80xi32, #tpu.memory_space<hbm>> -> memref<1x1x2x80xi32, #tpu.memory_space<hbm>>
      %dma_wait3A_244 = tpu.memref_squeeze %dma_wait3A_243 : memref<1x1x2x80xi32, #tpu.memory_space<hbm>> -> memref<2x80xi32, #tpu.memory_space<hbm>>
      tpu.wait_dma2 semaphore(%run_scoped3A_212 : memref<!tpu.dma_semaphore, #tpu.memory_space<semaphore_mem>>) src(%dma_wait3A_244 : memref<2x80xi32, #tpu.memory_space<hbm>>) dst(%dma_wait3A_240 : memref<2x80xi32, #tpu.memory_space<vmem>>)
      tpu.yield
    }) : () -> ()
    %dma_start3A = arith.constant 0 : i32
    %dma_start3A_41 = arith.constant 0 : i32
    %dma_start3A_42 = arith.constant 0 : i32
    %dma_start3A_43 = arith.constant 0 : i32
    %dma_start3A_44 = arith.constant 0 : i32
    %dma_start3A_45 = tpu.memref_slice %arg8[%dma_start3A_42, %dma_start3A_43, %dma_start3A_44] : memref<3x80x128xf32, #tpu.memory_space<vmem>> -> memref<1x80x128xf32, #tpu.memory_space<vmem>>
    %dma_start3A_46 = tpu.memref_squeeze %dma_start3A_45 : memref<1x80x128xf32, #tpu.memory_space<vmem>> -> memref<80x128xf32, #tpu.memory_space<vmem>>
    %dma_start3A_47 = arith.constant 0 : i32
    %dma_start3A_48 = tpu.memref_slice %arg6[%dma_start3A, %dma_start3A_41, %dma_start3A_47] : memref<3x2x80xi32, #tpu.memory_space<vmem>> -> memref<1x1x80xi32, #tpu.memory_space<vmem>>
    %dma_start3A_49 = tpu.memref_squeeze %dma_start3A_48 : memref<1x1x80xi32, #tpu.memory_space<vmem>> -> memref<80xi32, #tpu.memory_space<vmem>>
    %dma_start3A_50 = arith.constant 0 : i32
    %dma_start3A_51 = arith.constant 0 : i32
    %dma_start3A_52 = tpu.memref_slice %arg2[%dma_start3A_50, %dma_start3A_51] : memref<10000x128xf32, #tpu.memory_space<hbm>> -> memref<10000x128xf32, #tpu.memory_space<hbm>>
    tpu.enqueue_indirect_dma source(%dma_start3A_52 : memref<10000x128xf32, #tpu.memory_space<hbm>>) target(%dma_start3A_46 : memref<80x128xf32, #tpu.memory_space<vmem>>) offsets(%dma_start3A_49 : memref<80xi32, #tpu.memory_space<vmem>>) semaphore(%arg10 : memref<!tpu.dma_semaphore, #tpu.memory_space<semaphore_mem>>)
    %dma_start3A_53 = arith.constant 1 : i32
    %dma_start3A_54 = arith.constant 0 : i32
    %dma_start3A_55 = arith.constant 1 : i32
    %dma_start3A_56 = arith.constant 0 : i32
    %dma_start3A_57 = arith.constant 0 : i32
    %dma_start3A_58 = tpu.memref_slice %arg8[%dma_start3A_55, %dma_start3A_56, %dma_start3A_57] : memref<3x80x128xf32, #tpu.memory_space<vmem>> -> memref<1x80x128xf32, #tpu.memory_space<vmem>>
    %dma_start3A_59 = tpu.memref_squeeze %dma_start3A_58 : memref<1x80x128xf32, #tpu.memory_space<vmem>> -> memref<80x128xf32, #tpu.memory_space<vmem>>
    %dma_start3A_60 = arith.constant 0 : i32
    %dma_start3A_61 = tpu.memref_slice %arg6[%dma_start3A_53, %dma_start3A_54, %dma_start3A_60] : memref<3x2x80xi32, #tpu.memory_space<vmem>> -> memref<1x1x80xi32, #tpu.memory_space<vmem>>
    %dma_start3A_62 = tpu.memref_squeeze %dma_start3A_61 : memref<1x1x80xi32, #tpu.memory_space<vmem>> -> memref<80xi32, #tpu.memory_space<vmem>>
    %dma_start3A_63 = arith.constant 0 : i32
    %dma_start3A_64 = arith.constant 0 : i32
    %dma_start3A_65 = tpu.memref_slice %arg2[%dma_start3A_63, %dma_start3A_64] : memref<10000x128xf32, #tpu.memory_space<hbm>> -> memref<10000x128xf32, #tpu.memory_space<hbm>>
    tpu.enqueue_indirect_dma source(%dma_start3A_65 : memref<10000x128xf32, #tpu.memory_space<hbm>>) target(%dma_start3A_59 : memref<80x128xf32, #tpu.memory_space<vmem>>) offsets(%dma_start3A_62 : memref<80xi32, #tpu.memory_space<vmem>>) semaphore(%arg11 : memref<!tpu.dma_semaphore, #tpu.memory_space<semaphore_mem>>)
    %dma_wait3A = arith.constant 0 : i32
    %dma_wait3A_66 = arith.constant 0 : i32
    %dma_wait3A_67 = arith.constant 0 : i32
    %dma_wait3A_68 = arith.constant 0 : i32
    %dma_wait3A_69 = arith.constant 0 : i32
    %dma_wait3A_70 = tpu.memref_slice %arg8[%dma_wait3A_67, %dma_wait3A_68, %dma_wait3A_69] : memref<3x80x128xf32, #tpu.memory_space<vmem>> -> memref<1x80x128xf32, #tpu.memory_space<vmem>>
    %dma_wait3A_71 = tpu.memref_squeeze %dma_wait3A_70 : memref<1x80x128xf32, #tpu.memory_space<vmem>> -> memref<80x128xf32, #tpu.memory_space<vmem>>
    %dma_wait3A_72 = arith.constant 0 : i32
    %dma_wait3A_73 = tpu.memref_slice %arg6[%dma_wait3A, %dma_wait3A_66, %dma_wait3A_72] : memref<3x2x80xi32, #tpu.memory_space<vmem>> -> memref<1x1x80xi32, #tpu.memory_space<vmem>>
    %dma_wait3A_74 = tpu.memref_squeeze %dma_wait3A_73 : memref<1x1x80xi32, #tpu.memory_space<vmem>> -> memref<80xi32, #tpu.memory_space<vmem>>
    %dma_wait3A_75 = arith.constant 0 : i32
    %dma_wait3A_76 = arith.constant 0 : i32
    %dma_wait3A_77 = tpu.memref_slice %arg2[%dma_wait3A_75, %dma_wait3A_76] : memref<10000x128xf32, #tpu.memory_space<hbm>> -> memref<10000x128xf32, #tpu.memory_space<hbm>>
    tpu.wait_indirect_dma semaphore(%arg10 : memref<!tpu.dma_semaphore, #tpu.memory_space<semaphore_mem>>) src(%dma_wait3A_77 : memref<10000x128xf32, #tpu.memory_space<hbm>>) dst(%dma_wait3A_71 : memref<80x128xf32, #tpu.memory_space<vmem>>)
    %dma_start3A_78 = arith.constant 2 : i32
    %dma_start3A_79 = arith.constant 0 : i32
    %dma_start3A_80 = arith.constant 2 : i32
    %dma_start3A_81 = arith.constant 0 : i32
    %dma_start3A_82 = arith.constant 0 : i32
    %dma_start3A_83 = tpu.memref_slice %arg8[%dma_start3A_80, %dma_start3A_81, %dma_start3A_82] : memref<3x80x128xf32, #tpu.memory_space<vmem>> -> memref<1x80x128xf32, #tpu.memory_space<vmem>>
    %dma_start3A_84 = tpu.memref_squeeze %dma_start3A_83 : memref<1x80x128xf32, #tpu.memory_space<vmem>> -> memref<80x128xf32, #tpu.memory_space<vmem>>
    %dma_start3A_85 = arith.constant 0 : i32
    %dma_start3A_86 = tpu.memref_slice %arg6[%dma_start3A_78, %dma_start3A_79, %dma_start3A_85] : memref<3x2x80xi32, #tpu.memory_space<vmem>> -> memref<1x1x80xi32, #tpu.memory_space<vmem>>
    %dma_start3A_87 = tpu.memref_squeeze %dma_start3A_86 : memref<1x1x80xi32, #tpu.memory_space<vmem>> -> memref<80xi32, #tpu.memory_space<vmem>>
    %dma_start3A_88 = arith.constant 0 : i32
    %dma_start3A_89 = arith.constant 0 : i32
    %dma_start3A_90 = tpu.memref_slice %arg2[%dma_start3A_88, %dma_start3A_89] : memref<10000x128xf32, #tpu.memory_space<hbm>> -> memref<10000x128xf32, #tpu.memory_space<hbm>>
    tpu.enqueue_indirect_dma source(%dma_start3A_90 : memref<10000x128xf32, #tpu.memory_space<hbm>>) target(%dma_start3A_84 : memref<80x128xf32, #tpu.memory_space<vmem>>) offsets(%dma_start3A_87 : memref<80xi32, #tpu.memory_space<vmem>>) semaphore(%arg12 : memref<!tpu.dma_semaphore, #tpu.memory_space<semaphore_mem>>)
    %dma_wait3A_91 = arith.constant 1 : i32
    %dma_wait3A_92 = arith.constant 0 : i32
    %dma_wait3A_93 = arith.constant 1 : i32
    %dma_wait3A_94 = arith.constant 0 : i32
    %dma_wait3A_95 = arith.constant 0 : i32
    %dma_wait3A_96 = tpu.memref_slice %arg8[%dma_wait3A_93, %dma_wait3A_94, %dma_wait3A_95] : memref<3x80x128xf32, #tpu.memory_space<vmem>> -> memref<1x80x128xf32, #tpu.memory_space<vmem>>
    %dma_wait3A_97 = tpu.memref_squeeze %dma_wait3A_96 : memref<1x80x128xf32, #tpu.memory_space<vmem>> -> memref<80x128xf32, #tpu.memory_space<vmem>>
    %dma_wait3A_98 = arith.constant 0 : i32
    %dma_wait3A_99 = tpu.memref_slice %arg6[%dma_wait3A_91, %dma_wait3A_92, %dma_wait3A_98] : memref<3x2x80xi32, #tpu.memory_space<vmem>> -> memref<1x1x80xi32, #tpu.memory_space<vmem>>
    %dma_wait3A_100 = tpu.memref_squeeze %dma_wait3A_99 : memref<1x1x80xi32, #tpu.memory_space<vmem>> -> memref<80xi32, #tpu.memory_space<vmem>>
    %dma_wait3A_101 = arith.constant 0 : i32
    %dma_wait3A_102 = arith.constant 0 : i32
    %dma_wait3A_103 = tpu.memref_slice %arg2[%dma_wait3A_101, %dma_wait3A_102] : memref<10000x128xf32, #tpu.memory_space<hbm>> -> memref<10000x128xf32, #tpu.memory_space<hbm>>
    tpu.wait_indirect_dma semaphore(%arg11 : memref<!tpu.dma_semaphore, #tpu.memory_space<semaphore_mem>>) src(%dma_wait3A_103 : memref<10000x128xf32, #tpu.memory_space<hbm>>) dst(%dma_wait3A_97 : memref<80x128xf32, #tpu.memory_space<vmem>>)
    %dma_start3A_104 = arith.constant 0 : i32
    %dma_start3A_105 = arith.constant 0 : i32
    %dma_start3A_106 = arith.constant 0 : i32
    %dma_start3A_107 = arith.constant 0 : i32
    %dma_start3A_108 = arith.constant 0 : i32
    %dma_start3A_109 = tpu.memref_slice %arg8[%dma_start3A_106, %dma_start3A_107, %dma_start3A_108] : memref<3x80x128xf32, #tpu.memory_space<vmem>> -> memref<1x80x128xf32, #tpu.memory_space<vmem>>
    %dma_start3A_110 = tpu.memref_squeeze %dma_start3A_109 : memref<1x80x128xf32, #tpu.memory_space<vmem>> -> memref<80x128xf32, #tpu.memory_space<vmem>>
    %dma_start3A_111 = arith.constant 0 : i32
    %dma_start3A_112 = tpu.memref_slice %arg6[%dma_start3A_104, %dma_start3A_105, %dma_start3A_111] : memref<3x2x80xi32, #tpu.memory_space<vmem>> -> memref<1x1x80xi32, #tpu.memory_space<vmem>>
    %dma_start3A_113 = tpu.memref_squeeze %dma_start3A_112 : memref<1x1x80xi32, #tpu.memory_space<vmem>> -> memref<80xi32, #tpu.memory_space<vmem>>
    %dma_start3A_114 = arith.constant 0 : i32
    %dma_start3A_115 = arith.constant 0 : i32
    %dma_start3A_116 = tpu.memref_slice %arg2[%dma_start3A_114, %dma_start3A_115] : memref<10000x128xf32, #tpu.memory_space<hbm>> -> memref<10000x128xf32, #tpu.memory_space<hbm>>
    tpu.enqueue_indirect_dma source(%dma_start3A_116 : memref<10000x128xf32, #tpu.memory_space<hbm>>) target(%dma_start3A_110 : memref<80x128xf32, #tpu.memory_space<vmem>>) offsets(%dma_start3A_113 : memref<80xi32, #tpu.memory_space<vmem>>) semaphore(%arg10 : memref<!tpu.dma_semaphore, #tpu.memory_space<semaphore_mem>>)
    %dma_wait3A_117 = arith.constant 2 : i32
    %dma_wait3A_118 = arith.constant 0 : i32
    %dma_wait3A_119 = arith.constant 2 : i32
    %dma_wait3A_120 = arith.constant 0 : i32
    %dma_wait3A_121 = arith.constant 0 : i32
    %dma_wait3A_122 = tpu.memref_slice %arg8[%dma_wait3A_119, %dma_wait3A_120, %dma_wait3A_121] : memref<3x80x128xf32, #tpu.memory_space<vmem>> -> memref<1x80x128xf32, #tpu.memory_space<vmem>>
    %dma_wait3A_123 = tpu.memref_squeeze %dma_wait3A_122 : memref<1x80x128xf32, #tpu.memory_space<vmem>> -> memref<80x128xf32, #tpu.memory_space<vmem>>
    %dma_wait3A_124 = arith.constant 0 : i32
    %dma_wait3A_125 = tpu.memref_slice %arg6[%dma_wait3A_117, %dma_wait3A_118, %dma_wait3A_124] : memref<3x2x80xi32, #tpu.memory_space<vmem>> -> memref<1x1x80xi32, #tpu.memory_space<vmem>>
    %dma_wait3A_126 = tpu.memref_squeeze %dma_wait3A_125 : memref<1x1x80xi32, #tpu.memory_space<vmem>> -> memref<80xi32, #tpu.memory_space<vmem>>
    %dma_wait3A_127 = arith.constant 0 : i32
    %dma_wait3A_128 = arith.constant 0 : i32
    %dma_wait3A_129 = tpu.memref_slice %arg2[%dma_wait3A_127, %dma_wait3A_128] : memref<10000x128xf32, #tpu.memory_space<hbm>> -> memref<10000x128xf32, #tpu.memory_space<hbm>>
    tpu.wait_indirect_dma semaphore(%arg12 : memref<!tpu.dma_semaphore, #tpu.memory_space<semaphore_mem>>) src(%dma_wait3A_129 : memref<10000x128xf32, #tpu.memory_space<hbm>>) dst(%dma_wait3A_123 : memref<80x128xf32, #tpu.memory_space<vmem>>)
    %dma_start3A_130 = arith.constant 1 : i32
    %dma_start3A_131 = arith.constant 0 : i32
    %dma_start3A_132 = arith.constant 1 : i32
    %dma_start3A_133 = arith.constant 0 : i32
    %dma_start3A_134 = arith.constant 0 : i32
    %dma_start3A_135 = tpu.memref_slice %arg8[%dma_start3A_132, %dma_start3A_133, %dma_start3A_134] : memref<3x80x128xf32, #tpu.memory_space<vmem>> -> memref<1x80x128xf32, #tpu.memory_space<vmem>>
    %dma_start3A_136 = tpu.memref_squeeze %dma_start3A_135 : memref<1x80x128xf32, #tpu.memory_space<vmem>> -> memref<80x128xf32, #tpu.memory_space<vmem>>
    %dma_start3A_137 = arith.constant 0 : i32
    %dma_start3A_138 = tpu.memref_slice %arg6[%dma_start3A_130, %dma_start3A_131, %dma_start3A_137] : memref<3x2x80xi32, #tpu.memory_space<vmem>> -> memref<1x1x80xi32, #tpu.memory_space<vmem>>
    %dma_start3A_139 = tpu.memref_squeeze %dma_start3A_138 : memref<1x1x80xi32, #tpu.memory_space<vmem>> -> memref<80xi32, #tpu.memory_space<vmem>>
    %dma_start3A_140 = arith.constant 0 : i32
    %dma_start3A_141 = arith.constant 0 : i32
    %dma_start3A_142 = tpu.memref_slice %arg2[%dma_start3A_140, %dma_start3A_141] : memref<10000x128xf32, #tpu.memory_space<hbm>> -> memref<10000x128xf32, #tpu.memory_space<hbm>>
    tpu.enqueue_indirect_dma source(%dma_start3A_142 : memref<10000x128xf32, #tpu.memory_space<hbm>>) target(%dma_start3A_136 : memref<80x128xf32, #tpu.memory_space<vmem>>) offsets(%dma_start3A_139 : memref<80xi32, #tpu.memory_space<vmem>>) semaphore(%arg11 : memref<!tpu.dma_semaphore, #tpu.memory_space<semaphore_mem>>)
    %scan3A_143 = arith.constant 0 : i32
    %scan3A_144 = arith.constant 1 : i32
    %scan3A_145 = arith.constant 40 : i32
    %scan3A_146 = arith.addi %scan3A_144, %scan3A_145 : i32
    %scan3A_147 = arith.constant 1 : i32
    scf.for %scan3A_212 = %scan3A_144 to %scan3A_146 step %scan3A_147  : i32 {
      %mul3A_213 = arith.constant 3 : i32
      %mul3A_214 = arith.muli %mul3A_213, %scan3A_212 : i32
      %add3A_215 = arith.constant 0 : i32
      %add3A_216 = arith.addi %mul3A_214, %add3A_215 : i32
      %dma_wait3A_217 = arith.constant 0 : i32
      %dma_wait3A_218 = arith.constant 0 : i32
      %dma_wait3A_219 = arith.constant 0 : i32
      %dma_wait3A_220 = arith.constant 0 : i32
      %dma_wait3A_221 = arith.constant 0 : i32
      %dma_wait3A_222 = tpu.memref_slice %arg8[%dma_wait3A_219, %dma_wait3A_220, %dma_wait3A_221] : memref<3x80x128xf32, #tpu.memory_space<vmem>> -> memref<1x80x128xf32, #tpu.memory_space<vmem>>
      %dma_wait3A_223 = tpu.memref_squeeze %dma_wait3A_222 : memref<1x80x128xf32, #tpu.memory_space<vmem>> -> memref<80x128xf32, #tpu.memory_space<vmem>>
      %dma_wait3A_224 = arith.constant 0 : i32
      %dma_wait3A_225 = tpu.memref_slice %arg6[%dma_wait3A_217, %dma_wait3A_218, %dma_wait3A_224] : memref<3x2x80xi32, #tpu.memory_space<vmem>> -> memref<1x1x80xi32, #tpu.memory_space<vmem>>
      %dma_wait3A_226 = tpu.memref_squeeze %dma_wait3A_225 : memref<1x1x80xi32, #tpu.memory_space<vmem>> -> memref<80xi32, #tpu.memory_space<vmem>>
      %dma_wait3A_227 = arith.constant 0 : i32
      %dma_wait3A_228 = arith.constant 0 : i32
      %dma_wait3A_229 = tpu.memref_slice %arg2[%dma_wait3A_227, %dma_wait3A_228] : memref<10000x128xf32, #tpu.memory_space<hbm>> -> memref<10000x128xf32, #tpu.memory_space<hbm>>
      tpu.wait_indirect_dma semaphore(%arg10 : memref<!tpu.dma_semaphore, #tpu.memory_space<semaphore_mem>>) src(%dma_wait3A_229 : memref<10000x128xf32, #tpu.memory_space<hbm>>) dst(%dma_wait3A_223 : memref<80x128xf32, #tpu.memory_space<vmem>>)
      %add3A_230 = arith.constant 2 : i32
      %add3A_231 = arith.addi %add3A_216, %add3A_230 : i32
      %dma_start3A_232 = arith.constant 2 : i32
      %dma_start3A_233 = arith.constant 0 : i32
      %dma_start3A_234 = arith.constant 2 : i32
      %dma_start3A_235 = arith.constant 0 : i32
      %dma_start3A_236 = arith.constant 0 : i32
      %dma_start3A_237 = tpu.memref_slice %arg8[%dma_start3A_234, %dma_start3A_235, %dma_start3A_236] : memref<3x80x128xf32, #tpu.memory_space<vmem>> -> memref<1x80x128xf32, #tpu.memory_space<vmem>>
      %dma_start3A_238 = tpu.memref_squeeze %dma_start3A_237 : memref<1x80x128xf32, #tpu.memory_space<vmem>> -> memref<80x128xf32, #tpu.memory_space<vmem>>
      %dma_start3A_239 = arith.constant 0 : i32
      %dma_start3A_240 = tpu.memref_slice %arg6[%dma_start3A_232, %dma_start3A_233, %dma_start3A_239] : memref<3x2x80xi32, #tpu.memory_space<vmem>> -> memref<1x1x80xi32, #tpu.memory_space<vmem>>
      %dma_start3A_241 = tpu.memref_squeeze %dma_start3A_240 : memref<1x1x80xi32, #tpu.memory_space<vmem>> -> memref<80xi32, #tpu.memory_space<vmem>>
      %dma_start3A_242 = arith.constant 0 : i32
      %dma_start3A_243 = arith.constant 0 : i32
      %dma_start3A_244 = tpu.memref_slice %arg2[%dma_start3A_242, %dma_start3A_243] : memref<10000x128xf32, #tpu.memory_space<hbm>> -> memref<10000x128xf32, #tpu.memory_space<hbm>>
      tpu.enqueue_indirect_dma source(%dma_start3A_244 : memref<10000x128xf32, #tpu.memory_space<hbm>>) target(%dma_start3A_238 : memref<80x128xf32, #tpu.memory_space<vmem>>) offsets(%dma_start3A_241 : memref<80xi32, #tpu.memory_space<vmem>>) semaphore(%arg12 : memref<!tpu.dma_semaphore, #tpu.memory_space<semaphore_mem>>)
      %add3A_245 = arith.constant 1 : i32
      %add3A_246 = arith.addi %mul3A_214, %add3A_245 : i32
      %dma_wait3A_247 = arith.constant 1 : i32
      %dma_wait3A_248 = arith.constant 0 : i32
      %dma_wait3A_249 = arith.constant 1 : i32
      %dma_wait3A_250 = arith.constant 0 : i32
      %dma_wait3A_251 = arith.constant 0 : i32
      %dma_wait3A_252 = tpu.memref_slice %arg8[%dma_wait3A_249, %dma_wait3A_250, %dma_wait3A_251] : memref<3x80x128xf32, #tpu.memory_space<vmem>> -> memref<1x80x128xf32, #tpu.memory_space<vmem>>
      %dma_wait3A_253 = tpu.memref_squeeze %dma_wait3A_252 : memref<1x80x128xf32, #tpu.memory_space<vmem>> -> memref<80x128xf32, #tpu.memory_space<vmem>>
      %dma_wait3A_254 = arith.constant 0 : i32
      %dma_wait3A_255 = tpu.memref_slice %arg6[%dma_wait3A_247, %dma_wait3A_248, %dma_wait3A_254] : memref<3x2x80xi32, #tpu.memory_space<vmem>> -> memref<1x1x80xi32, #tpu.memory_space<vmem>>
      %dma_wait3A_256 = tpu.memref_squeeze %dma_wait3A_255 : memref<1x1x80xi32, #tpu.memory_space<vmem>> -> memref<80xi32, #tpu.memory_space<vmem>>
      %dma_wait3A_257 = arith.constant 0 : i32
      %dma_wait3A_258 = arith.constant 0 : i32
      %dma_wait3A_259 = tpu.memref_slice %arg2[%dma_wait3A_257, %dma_wait3A_258] : memref<10000x128xf32, #tpu.memory_space<hbm>> -> memref<10000x128xf32, #tpu.memory_space<hbm>>
      tpu.wait_indirect_dma semaphore(%arg11 : memref<!tpu.dma_semaphore, #tpu.memory_space<semaphore_mem>>) src(%dma_wait3A_259 : memref<10000x128xf32, #tpu.memory_space<hbm>>) dst(%dma_wait3A_253 : memref<80x128xf32, #tpu.memory_space<vmem>>)
      %add3A_260 = arith.constant 2 : i32
      %add3A_261 = arith.addi %add3A_246, %add3A_260 : i32
      %dma_start3A_262 = arith.constant 0 : i32
      %dma_start3A_263 = arith.constant 0 : i32
      %dma_start3A_264 = arith.constant 0 : i32
      %dma_start3A_265 = arith.constant 0 : i32
      %dma_start3A_266 = arith.constant 0 : i32
      %dma_start3A_267 = tpu.memref_slice %arg8[%dma_start3A_264, %dma_start3A_265, %dma_start3A_266] : memref<3x80x128xf32, #tpu.memory_space<vmem>> -> memref<1x80x128xf32, #tpu.memory_space<vmem>>
      %dma_start3A_268 = tpu.memref_squeeze %dma_start3A_267 : memref<1x80x128xf32, #tpu.memory_space<vmem>> -> memref<80x128xf32, #tpu.memory_space<vmem>>
      %dma_start3A_269 = arith.constant 0 : i32
      %dma_start3A_270 = tpu.memref_slice %arg6[%dma_start3A_262, %dma_start3A_263, %dma_start3A_269] : memref<3x2x80xi32, #tpu.memory_space<vmem>> -> memref<1x1x80xi32, #tpu.memory_space<vmem>>
      %dma_start3A_271 = tpu.memref_squeeze %dma_start3A_270 : memref<1x1x80xi32, #tpu.memory_space<vmem>> -> memref<80xi32, #tpu.memory_space<vmem>>
      %dma_start3A_272 = arith.constant 0 : i32
      %dma_start3A_273 = arith.constant 0 : i32
      %dma_start3A_274 = tpu.memref_slice %arg2[%dma_start3A_272, %dma_start3A_273] : memref<10000x128xf32, #tpu.memory_space<hbm>> -> memref<10000x128xf32, #tpu.memory_space<hbm>>
      tpu.enqueue_indirect_dma source(%dma_start3A_274 : memref<10000x128xf32, #tpu.memory_space<hbm>>) target(%dma_start3A_268 : memref<80x128xf32, #tpu.memory_space<vmem>>) offsets(%dma_start3A_271 : memref<80xi32, #tpu.memory_space<vmem>>) semaphore(%arg10 : memref<!tpu.dma_semaphore, #tpu.memory_space<semaphore_mem>>)
      %add3A_275 = arith.constant 2 : i32
      %add3A_276 = arith.addi %mul3A_214, %add3A_275 : i32
      %dma_wait3A_277 = arith.constant 2 : i32
      %dma_wait3A_278 = arith.constant 0 : i32
      %dma_wait3A_279 = arith.constant 2 : i32
      %dma_wait3A_280 = arith.constant 0 : i32
      %dma_wait3A_281 = arith.constant 0 : i32
      %dma_wait3A_282 = tpu.memref_slice %arg8[%dma_wait3A_279, %dma_wait3A_280, %dma_wait3A_281] : memref<3x80x128xf32, #tpu.memory_space<vmem>> -> memref<1x80x128xf32, #tpu.memory_space<vmem>>
      %dma_wait3A_283 = tpu.memref_squeeze %dma_wait3A_282 : memref<1x80x128xf32, #tpu.memory_space<vmem>> -> memref<80x128xf32, #tpu.memory_space<vmem>>
      %dma_wait3A_284 = arith.constant 0 : i32
      %dma_wait3A_285 = tpu.memref_slice %arg6[%dma_wait3A_277, %dma_wait3A_278, %dma_wait3A_284] : memref<3x2x80xi32, #tpu.memory_space<vmem>> -> memref<1x1x80xi32, #tpu.memory_space<vmem>>
      %dma_wait3A_286 = tpu.memref_squeeze %dma_wait3A_285 : memref<1x1x80xi32, #tpu.memory_space<vmem>> -> memref<80xi32, #tpu.memory_space<vmem>>
      %dma_wait3A_287 = arith.constant 0 : i32
      %dma_wait3A_288 = arith.constant 0 : i32
      %dma_wait3A_289 = tpu.memref_slice %arg2[%dma_wait3A_287, %dma_wait3A_288] : memref<10000x128xf32, #tpu.memory_space<hbm>> -> memref<10000x128xf32, #tpu.memory_space<hbm>>
      tpu.wait_indirect_dma semaphore(%arg12 : memref<!tpu.dma_semaphore, #tpu.memory_space<semaphore_mem>>) src(%dma_wait3A_289 : memref<10000x128xf32, #tpu.memory_space<hbm>>) dst(%dma_wait3A_283 : memref<80x128xf32, #tpu.memory_space<vmem>>)
      %add3A_290 = arith.constant 2 : i32
      %add3A_291 = arith.addi %add3A_276, %add3A_290 : i32
      %dma_start3A_292 = arith.constant 1 : i32
      %dma_start3A_293 = arith.constant 0 : i32
      %dma_start3A_294 = arith.constant 1 : i32
      %dma_start3A_295 = arith.constant 0 : i32
      %dma_start3A_296 = arith.constant 0 : i32
      %dma_start3A_297 = tpu.memref_slice %arg8[%dma_start3A_294, %dma_start3A_295, %dma_start3A_296] : memref<3x80x128xf32, #tpu.memory_space<vmem>> -> memref<1x80x128xf32, #tpu.memory_space<vmem>>
      %dma_start3A_298 = tpu.memref_squeeze %dma_start3A_297 : memref<1x80x128xf32, #tpu.memory_space<vmem>> -> memref<80x128xf32, #tpu.memory_space<vmem>>
      %dma_start3A_299 = arith.constant 0 : i32
      %dma_start3A_300 = tpu.memref_slice %arg6[%dma_start3A_292, %dma_start3A_293, %dma_start3A_299] : memref<3x2x80xi32, #tpu.memory_space<vmem>> -> memref<1x1x80xi32, #tpu.memory_space<vmem>>
      %dma_start3A_301 = tpu.memref_squeeze %dma_start3A_300 : memref<1x1x80xi32, #tpu.memory_space<vmem>> -> memref<80xi32, #tpu.memory_space<vmem>>
      %dma_start3A_302 = arith.constant 0 : i32
      %dma_start3A_303 = arith.constant 0 : i32
      %dma_start3A_304 = tpu.memref_slice %arg2[%dma_start3A_302, %dma_start3A_303] : memref<10000x128xf32, #tpu.memory_space<hbm>> -> memref<10000x128xf32, #tpu.memory_space<hbm>>
      tpu.enqueue_indirect_dma source(%dma_start3A_304 : memref<10000x128xf32, #tpu.memory_space<hbm>>) target(%dma_start3A_298 : memref<80x128xf32, #tpu.memory_space<vmem>>) offsets(%dma_start3A_301 : memref<80xi32, #tpu.memory_space<vmem>>) semaphore(%arg11 : memref<!tpu.dma_semaphore, #tpu.memory_space<semaphore_mem>>)
    }
    %scan3A_148 = arith.constant 40 : i32
    %dma_wait3A_149 = arith.constant 0 : i32
    %dma_wait3A_150 = arith.constant 0 : i32
    %dma_wait3A_151 = arith.constant 0 : i32
    %dma_wait3A_152 = arith.constant 0 : i32
    %dma_wait3A_153 = arith.constant 0 : i32
    %dma_wait3A_154 = tpu.memref_slice %arg8[%dma_wait3A_151, %dma_wait3A_152, %dma_wait3A_153] : memref<3x80x128xf32, #tpu.memory_space<vmem>> -> memref<1x80x128xf32, #tpu.memory_space<vmem>>
    %dma_wait3A_155 = tpu.memref_squeeze %dma_wait3A_154 : memref<1x80x128xf32, #tpu.memory_space<vmem>> -> memref<80x128xf32, #tpu.memory_space<vmem>>
    %dma_wait3A_156 = arith.constant 0 : i32
    %dma_wait3A_157 = tpu.memref_slice %arg6[%dma_wait3A_149, %dma_wait3A_150, %dma_wait3A_156] : memref<3x2x80xi32, #tpu.memory_space<vmem>> -> memref<1x1x80xi32, #tpu.memory_space<vmem>>
    %dma_wait3A_158 = tpu.memref_squeeze %dma_wait3A_157 : memref<1x1x80xi32, #tpu.memory_space<vmem>> -> memref<80xi32, #tpu.memory_space<vmem>>
    %dma_wait3A_159 = arith.constant 0 : i32
    %dma_wait3A_160 = arith.constant 0 : i32
    %dma_wait3A_161 = tpu.memref_slice %arg2[%dma_wait3A_159, %dma_wait3A_160] : memref<10000x128xf32, #tpu.memory_space<hbm>> -> memref<10000x128xf32, #tpu.memory_space<hbm>>
    tpu.wait_indirect_dma semaphore(%arg10 : memref<!tpu.dma_semaphore, #tpu.memory_space<semaphore_mem>>) src(%dma_wait3A_161 : memref<10000x128xf32, #tpu.memory_space<hbm>>) dst(%dma_wait3A_155 : memref<80x128xf32, #tpu.memory_space<vmem>>)
    %dma_start3A_162 = arith.constant 2 : i32
    %dma_start3A_163 = arith.constant 0 : i32
    %dma_start3A_164 = arith.constant 2 : i32
    %dma_start3A_165 = arith.constant 0 : i32
    %dma_start3A_166 = arith.constant 0 : i32
    %dma_start3A_167 = tpu.memref_slice %arg8[%dma_start3A_164, %dma_start3A_165, %dma_start3A_166] : memref<3x80x128xf32, #tpu.memory_space<vmem>> -> memref<1x80x128xf32, #tpu.memory_space<vmem>>
    %dma_start3A_168 = tpu.memref_squeeze %dma_start3A_167 : memref<1x80x128xf32, #tpu.memory_space<vmem>> -> memref<80x128xf32, #tpu.memory_space<vmem>>
    %dma_start3A_169 = arith.constant 0 : i32
    %dma_start3A_170 = tpu.memref_slice %arg6[%dma_start3A_162, %dma_start3A_163, %dma_start3A_169] : memref<3x2x80xi32, #tpu.memory_space<vmem>> -> memref<1x1x80xi32, #tpu.memory_space<vmem>>
    %dma_start3A_171 = tpu.memref_squeeze %dma_start3A_170 : memref<1x1x80xi32, #tpu.memory_space<vmem>> -> memref<80xi32, #tpu.memory_space<vmem>>
    %dma_start3A_172 = arith.constant 0 : i32
    %dma_start3A_173 = arith.constant 0 : i32
    %dma_start3A_174 = tpu.memref_slice %arg2[%dma_start3A_172, %dma_start3A_173] : memref<10000x128xf32, #tpu.memory_space<hbm>> -> memref<10000x128xf32, #tpu.memory_space<hbm>>
    tpu.enqueue_indirect_dma source(%dma_start3A_174 : memref<10000x128xf32, #tpu.memory_space<hbm>>) target(%dma_start3A_168 : memref<80x128xf32, #tpu.memory_space<vmem>>) offsets(%dma_start3A_171 : memref<80xi32, #tpu.memory_space<vmem>>) semaphore(%arg12 : memref<!tpu.dma_semaphore, #tpu.memory_space<semaphore_mem>>)
    %dma_wait3A_175 = arith.constant 1 : i32
    %dma_wait3A_176 = arith.constant 0 : i32
    %dma_wait3A_177 = arith.constant 1 : i32
    %dma_wait3A_178 = arith.constant 0 : i32
    %dma_wait3A_179 = arith.constant 0 : i32
    %dma_wait3A_180 = tpu.memref_slice %arg8[%dma_wait3A_177, %dma_wait3A_178, %dma_wait3A_179] : memref<3x80x128xf32, #tpu.memory_space<vmem>> -> memref<1x80x128xf32, #tpu.memory_space<vmem>>
    %dma_wait3A_181 = tpu.memref_squeeze %dma_wait3A_180 : memref<1x80x128xf32, #tpu.memory_space<vmem>> -> memref<80x128xf32, #tpu.memory_space<vmem>>
    %dma_wait3A_182 = arith.constant 0 : i32
    %dma_wait3A_183 = tpu.memref_slice %arg6[%dma_wait3A_175, %dma_wait3A_176, %dma_wait3A_182] : memref<3x2x80xi32, #tpu.memory_space<vmem>> -> memref<1x1x80xi32, #tpu.memory_space<vmem>>
    %dma_wait3A_184 = tpu.memref_squeeze %dma_wait3A_183 : memref<1x1x80xi32, #tpu.memory_space<vmem>> -> memref<80xi32, #tpu.memory_space<vmem>>
    %dma_wait3A_185 = arith.constant 0 : i32
    %dma_wait3A_186 = arith.constant 0 : i32
    %dma_wait3A_187 = tpu.memref_slice %arg2[%dma_wait3A_185, %dma_wait3A_186] : memref<10000x128xf32, #tpu.memory_space<hbm>> -> memref<10000x128xf32, #tpu.memory_space<hbm>>
    tpu.wait_indirect_dma semaphore(%arg11 : memref<!tpu.dma_semaphore, #tpu.memory_space<semaphore_mem>>) src(%dma_wait3A_187 : memref<10000x128xf32, #tpu.memory_space<hbm>>) dst(%dma_wait3A_181 : memref<80x128xf32, #tpu.memory_space<vmem>>)
    %dma_wait3A_188 = arith.constant 2 : i32
    %dma_wait3A_189 = arith.constant 0 : i32
    %dma_wait3A_190 = arith.constant 2 : i32
    %dma_wait3A_191 = arith.constant 0 : i32
    %dma_wait3A_192 = arith.constant 0 : i32
    %dma_wait3A_193 = tpu.memref_slice %arg8[%dma_wait3A_190, %dma_wait3A_191, %dma_wait3A_192] : memref<3x80x128xf32, #tpu.memory_space<vmem>> -> memref<1x80x128xf32, #tpu.memory_space<vmem>>
    %dma_wait3A_194 = tpu.memref_squeeze %dma_wait3A_193 : memref<1x80x128xf32, #tpu.memory_space<vmem>> -> memref<80x128xf32, #tpu.memory_space<vmem>>
    %dma_wait3A_195 = arith.constant 0 : i32
    %dma_wait3A_196 = tpu.memref_slice %arg6[%dma_wait3A_188, %dma_wait3A_189, %dma_wait3A_195] : memref<3x2x80xi32, #tpu.memory_space<vmem>> -> memref<1x1x80xi32, #tpu.memory_space<vmem>>
    %dma_wait3A_197 = tpu.memref_squeeze %dma_wait3A_196 : memref<1x1x80xi32, #tpu.memory_space<vmem>> -> memref<80xi32, #tpu.memory_space<vmem>>
    %dma_wait3A_198 = arith.constant 0 : i32
    %dma_wait3A_199 = arith.constant 0 : i32
    %dma_wait3A_200 = tpu.memref_slice %arg2[%dma_wait3A_198, %dma_wait3A_199] : memref<10000x128xf32, #tpu.memory_space<hbm>> -> memref<10000x128xf32, #tpu.memory_space<hbm>>
    tpu.wait_indirect_dma semaphore(%arg12 : memref<!tpu.dma_semaphore, #tpu.memory_space<semaphore_mem>>) src(%dma_wait3A_200 : memref<10000x128xf32, #tpu.memory_space<hbm>>) dst(%dma_wait3A_194 : memref<80x128xf32, #tpu.memory_space<vmem>>)
    %barrier3A_201 = arith.constant 0 : index
    tpu.barrier barrier_id(%barrier3A_201)
    %eq3A_202 = arith.constant 15 : i32
    %eq3A_203 = arith.cmpi eq, %arg1, %eq3A_202 : i32
    %convert_element_type3A_204 = arith.extui %eq3A_203 : i1 to i32
    %cond3A_205 = arith.constant 0 : i32
    %cond3A_206 = arith.cmpi ne, %convert_element_type3A_204, %cond3A_205 : i32
    scf.if %cond3A_206 {
      "tpu.region"() ({
        %run_scoped3A_212 = tpu.sem_alloc : memref<!tpu.dma_semaphore, #tpu.memory_space<semaphore_mem>>
        %dma_start3A_213 = arith.constant 0 : i32
        %dma_start3A_214 = tpu.memref_slice %arg5[%arg0, %mul3A_8, %dma_start3A_213] : memref<2x10000x128xf32, #tpu.memory_space<hbm>> -> memref<1x640x128xf32, #tpu.memory_space<hbm>>
        %dma_start3A_215 = tpu.memref_squeeze %dma_start3A_214 : memref<1x640x128xf32, #tpu.memory_space<hbm>> -> memref<640x128xf32, #tpu.memory_space<hbm>>
        %dma_start3A_216 = arith.constant 0 : i32
        %dma_start3A_217 = tpu.memref_slice %arg9[%mul3A_8, %dma_start3A_216] : memref<10000x128xf32, #tpu.memory_space<vmem_shared>> -> memref<640x128xf32, #tpu.memory_space<vmem_shared>>
        tpu.enqueue_dma source(%dma_start3A_217 : memref<640x128xf32, #tpu.memory_space<vmem_shared>>) target(%dma_start3A_215 : memref<640x128xf32, #tpu.memory_space<hbm>>) target_semaphore(%run_scoped3A_212 : memref<!tpu.dma_semaphore, #tpu.memory_space<semaphore_mem>>)
        %dma_wait3A_218 = arith.constant 0 : i32
        %dma_wait3A_219 = tpu.memref_slice %arg5[%arg0, %mul3A_8, %dma_wait3A_218] : memref<2x10000x128xf32, #tpu.memory_space<hbm>> -> memref<1x640x128xf32, #tpu.memory_space<hbm>>
        %dma_wait3A_220 = tpu.memref_squeeze %dma_wait3A_219 : memref<1x640x128xf32, #tpu.memory_space<hbm>> -> memref<640x128xf32, #tpu.memory_space<hbm>>
        %dma_wait3A_221 = arith.constant 0 : i32
        %dma_wait3A_222 = tpu.memref_slice %arg9[%mul3A_8, %dma_wait3A_221] : memref<10000x128xf32, #tpu.memory_space<vmem_shared>> -> memref<640x128xf32, #tpu.memory_space<vmem_shared>>
        tpu.wait_dma2 semaphore(%run_scoped3A_212 : memref<!tpu.dma_semaphore, #tpu.memory_space<semaphore_mem>>) src(%dma_wait3A_222 : memref<640x128xf32, #tpu.memory_space<vmem_shared>>) dst(%dma_wait3A_220 : memref<640x128xf32, #tpu.memory_space<hbm>>)
        tpu.yield
      }) : () -> ()
    } else {
    }
    %lt3A_207 = arith.constant 15 : i32
    %lt3A_208 = arith.cmpi slt, %arg1, %lt3A_207 : i32
    %convert_element_type3A_209 = arith.extui %lt3A_208 : i1 to i32
    %cond3A_210 = arith.constant 0 : i32
    %cond3A_211 = arith.cmpi ne, %convert_element_type3A_209, %cond3A_210 : i32
    scf.if %cond3A_211 {
      "tpu.region"() ({
        %run_scoped3A_212 = tpu.sem_alloc : memref<!tpu.dma_semaphore, #tpu.memory_space<semaphore_mem>>
        %dma_start3A_213 = arith.constant 0 : i32
        %dma_start3A_214 = tpu.memref_slice %arg5[%arg0, %mul3A_8, %dma_start3A_213] : memref<2x10000x128xf32, #tpu.memory_space<hbm>> -> memref<1x624x128xf32, #tpu.memory_space<hbm>>
        %dma_start3A_215 = tpu.memref_squeeze %dma_start3A_214 : memref<1x624x128xf32, #tpu.memory_space<hbm>> -> memref<624x128xf32, #tpu.memory_space<hbm>>
        %dma_start3A_216 = arith.constant 0 : i32
        %dma_start3A_217 = tpu.memref_slice %arg9[%mul3A_8, %dma_start3A_216] : memref<10000x128xf32, #tpu.memory_space<vmem_shared>> -> memref<624x128xf32, #tpu.memory_space<vmem_shared>>
        tpu.enqueue_dma source(%dma_start3A_217 : memref<624x128xf32, #tpu.memory_space<vmem_shared>>) target(%dma_start3A_215 : memref<624x128xf32, #tpu.memory_space<hbm>>) target_semaphore(%run_scoped3A_212 : memref<!tpu.dma_semaphore, #tpu.memory_space<semaphore_mem>>)
        %dma_wait3A_218 = arith.constant 0 : i32
        %dma_wait3A_219 = tpu.memref_slice %arg5[%arg0, %mul3A_8, %dma_wait3A_218] : memref<2x10000x128xf32, #tpu.memory_space<hbm>> -> memref<1x624x128xf32, #tpu.memory_space<hbm>>
        %dma_wait3A_220 = tpu.memref_squeeze %dma_wait3A_219 : memref<1x624x128xf32, #tpu.memory_space<hbm>> -> memref<624x128xf32, #tpu.memory_space<hbm>>
        %dma_wait3A_221 = arith.constant 0 : i32
        %dma_wait3A_222 = tpu.memref_slice %arg9[%mul3A_8, %dma_wait3A_221] : memref<10000x128xf32, #tpu.memory_space<vmem_shared>> -> memref<624x128xf32, #tpu.memory_space<vmem_shared>>
        tpu.wait_dma2 semaphore(%run_scoped3A_212 : memref<!tpu.dma_semaphore, #tpu.memory_space<semaphore_mem>>) src(%dma_wait3A_222 : memref<624x128xf32, #tpu.memory_space<vmem_shared>>) dst(%dma_wait3A_220 : memref<624x128xf32, #tpu.memory_space<hbm>>)
        tpu.yield
      }) : () -> ()
    } else {
    }
    return
  }
}

#map = affine_map<(d0, d1) -> (0, 0)>
#map1 = affine_map<(d0, d1) -> (0, 0, 0, 0)>
#map2 = affine_map<(d0, d1) -> (0, 0, 0)>
module attributes {stable_mosaic.version = 14 : i64} {
  func.func @k(%arg0: i32, %arg1: i32, %arg2: memref<10000x128xf32, #tpu.memory_space<hbm>>, %arg3: memref<32x126x2x80xi32, #tpu.memory_space<hbm>>, %arg4: memref<32x126x80xf32, #tpu.memory_space<hbm>>, %arg5: memref<2x10000x128xf32, #tpu.memory_space<hbm>>, %arg6: memref<3x2x80xi32, #tpu.memory_space<vmem>>, %arg7: memref<126x80xf32, #tpu.memory_space<vmem>>, %arg8: memref<3x80x128xf32, #tpu.memory_space<vmem>>, %arg9: memref<10000x128xf32, #tpu.memory_space<vmem_shared>>, %arg10: memref<!tpu.dma_semaphore, #tpu.memory_space<semaphore_mem>>, %arg11: memref<!tpu.dma_semaphore, #tpu.memory_space<semaphore_mem>>, %arg12: memref<!tpu.dma_semaphore, #tpu.memory_space<semaphore_mem>>, %arg13: memref<!tpu.dma_semaphore, #tpu.memory_space<semaphore_mem>>, %arg14: memref<!tpu.dma_semaphore, #tpu.memory_space<semaphore_mem>>, %arg15: memref<!tpu.dma_semaphore, #tpu.memory_space<semaphore_mem>>) attributes {dimension_semantics = [#tpu.dimension_semantics<core_parallel>, #tpu.dimension_semantics<subcore_parallel>], iteration_bounds = array<i64: 2, 16>, scalar_prefetch = 0 : i64, scratch_operands = 10 : i64, tpu.core_type = #tpu.core_type<sc_vector_subcore>, window_params = [{transform_indices = #map}, {transform_indices = #map1}, {transform_indices = #map2}, {transform_indices = #map2}]} {
    %mul3A = arith.constant 16 : i32
    %mul3A_0 = arith.muli %arg0, %mul3A : i32
    %add3A = arith.addi %mul3A_0, %arg1 : i32
    %broadcast_in_dim3A = arith.constant 0.000000e+00 : f32
    %broadcast_in_dim3A_1 = vector.broadcast %broadcast_in_dim3A : f32 to vector<16xf32>
    %scan3A = arith.constant 0 : i32
    %scan3A_2 = arith.constant 0 : i32
    %scan3A_3 = arith.constant 80 : i32
    %scan3A_4 = arith.addi %scan3A_2, %scan3A_3 : i32
    %scan3A_5 = arith.constant 1 : i32
    scf.for %scan3A_212 = %scan3A_2 to %scan3A_4 step %scan3A_5  : i32 {
      %swap3A = arith.constant 0 : i32
      %swap3A_213 = arith.index_cast %swap3A : i32 to index
      %swap3A_214 = arith.index_cast %scan3A_212 : i32 to index
      %swap3A_215 = arith.constant 0 : index
      %swap3A_216 = tpu.vector_load %arg8[%swap3A_213, %swap3A_214, %swap3A_215] {strides = array<i32>} : memref<3x80x128xf32, #tpu.memory_space<vmem>>, vector<1x1x16xf32>,
      %swap3A_217 = vector.shape_cast %swap3A_216 : vector<1x1x16xf32> to vector<16xf32>
      %swap3A_218 = vector.shape_cast %broadcast_in_dim3A_1 : vector<16xf32> to vector<1x1x16xf32>
      tpu.vector_store %arg8[%swap3A_213, %swap3A_214, %swap3A_215], %swap3A_218 {strides = array<i32>} : memref<3x80x128xf32, #tpu.memory_space<vmem>>, vector<1x1x16xf32>,
      %swap3A_219 = arith.constant 0 : i32
      %swap3A_220 = arith.index_cast %swap3A_219 : i32 to index
      %swap3A_221 = arith.index_cast %scan3A_212 : i32 to index
      %swap3A_222 = arith.constant 16 : index
      %swap3A_223 = tpu.vector_load %arg8[%swap3A_220, %swap3A_221, %swap3A_222] {strides = array<i32>} : memref<3x80x128xf32, #tpu.memory_space<vmem>>, vector<1x1x16xf32>,
      %swap3A_224 = vector.shape_cast %swap3A_223 : vector<1x1x16xf32> to vector<16xf32>
      %swap3A_225 = vector.shape_cast %broadcast_in_dim3A_1 : vector<16xf32> to vector<1x1x16xf32>
      tpu.vector_store %arg8[%swap3A_220, %swap3A_221, %swap3A_222], %swap3A_225 {strides = array<i32>} : memref<3x80x128xf32, #tpu.memory_space<vmem>>, vector<1x1x16xf32>,
      %swap3A_226 = arith.constant 0 : i32
      %swap3A_227 = arith.index_cast %swap3A_226 : i32 to index
      %swap3A_228 = arith.index_cast %scan3A_212 : i32 to index
      %swap3A_229 = arith.constant 32 : index
      %swap3A_230 = tpu.vector_load %arg8[%swap3A_227, %swap3A_228, %swap3A_229] {strides = array<i32>} : memref<3x80x128xf32, #tpu.memory_space<vmem>>, vector<1x1x16xf32>,
      %swap3A_231 = vector.shape_cast %swap3A_230 : vector<1x1x16xf32> to vector<16xf32>
      %swap3A_232 = vector.shape_cast %broadcast_in_dim3A_1 : vector<16xf32> to vector<1x1x16xf32>
      tpu.vector_store %arg8[%swap3A_227, %swap3A_228, %swap3A_229], %swap3A_232 {strides = array<i32>} : memref<3x80x128xf32, #tpu.memory_space<vmem>>, vector<1x1x16xf32>,
      %swap3A_233 = arith.constant 0 : i32
      %swap3A_234 = arith.index_cast %swap3A_233 : i32 to index
      %swap3A_235 = arith.index_cast %scan3A_212 : i32 to index
      %swap3A_236 = arith.constant 48 : index
      %swap3A_237 = tpu.vector_load %arg8[%swap3A_234, %swap3A_235, %swap3A_236] {strides = array<i32>} : memref<3x80x128xf32, #tpu.memory_space<vmem>>, vector<1x1x16xf32>,
      %swap3A_238 = vector.shape_cast %swap3A_237 : vector<1x1x16xf32> to vector<16xf32>
      %swap3A_239 = vector.shape_cast %broadcast_in_dim3A_1 : vector<16xf32> to vector<1x1x16xf32>
      tpu.vector_store %arg8[%swap3A_234, %swap3A_235, %swap3A_236], %swap3A_239 {strides = array<i32>} : memref<3x80x128xf32, #tpu.memory_space<vmem>>, vector<1x1x16xf32>,
      %swap3A_240 = arith.constant 0 : i32
      %swap3A_241 = arith.index_cast %swap3A_240 : i32 to index
      %swap3A_242 = arith.index_cast %scan3A_212 : i32 to index
      %swap3A_243 = arith.constant 64 : index
      %swap3A_244 = tpu.vector_load %arg8[%swap3A_241, %swap3A_242, %swap3A_243] {strides = array<i32>} : memref<3x80x128xf32, #tpu.memory_space<vmem>>, vector<1x1x16xf32>,
      %swap3A_245 = vector.shape_cast %swap3A_244 : vector<1x1x16xf32> to vector<16xf32>
      %swap3A_246 = vector.shape_cast %broadcast_in_dim3A_1 : vector<16xf32> to vector<1x1x16xf32>
      tpu.vector_store %arg8[%swap3A_241, %swap3A_242, %swap3A_243], %swap3A_246 {strides = array<i32>} : memref<3x80x128xf32, #tpu.memory_space<vmem>>, vector<1x1x16xf32>,
      %swap3A_247 = arith.constant 0 : i32
      %swap3A_248 = arith.index_cast %swap3A_247 : i32 to index
      %swap3A_249 = arith.index_cast %scan3A_212 : i32 to index
      %swap3A_250 = arith.constant 80 : index
      %swap3A_251 = tpu.vector_load %arg8[%swap3A_248, %swap3A_249, %swap3A_250] {strides = array<i32>} : memref<3x80x128xf32, #tpu.memory_space<vmem>>, vector<1x1x16xf32>,
      %swap3A_252 = vector.shape_cast %swap3A_251 : vector<1x1x16xf32> to vector<16xf32>
      %swap3A_253 = vector.shape_cast %broadcast_in_dim3A_1 : vector<16xf32> to vector<1x1x16xf32>
      tpu.vector_store %arg8[%swap3A_248, %swap3A_249, %swap3A_250], %swap3A_253 {strides = array<i32>} : memref<3x80x128xf32, #tpu.memory_space<vmem>>, vector<1x1x16xf32>,
      %swap3A_254 = arith.constant 0 : i32
      %swap3A_255 = arith.index_cast %swap3A_254 : i32 to index
      %swap3A_256 = arith.index_cast %scan3A_212 : i32 to index
      %swap3A_257 = arith.constant 96 : index
      %swap3A_258 = tpu.vector_load %arg8[%swap3A_255, %swap3A_256, %swap3A_257] {strides = array<i32>} : memref<3x80x128xf32, #tpu.memory_space<vmem>>, vector<1x1x16xf32>,
      %swap3A_259 = vector.shape_cast %swap3A_258 : vector<1x1x16xf32> to vector<16xf32>
      %swap3A_260 = vector.shape_cast %broadcast_in_dim3A_1 : vector<16xf32> to vector<1x1x16xf32>
      tpu.vector_store %arg8[%swap3A_255, %swap3A_256, %swap3A_257], %swap3A_260 {strides = array<i32>} : memref<3x80x128xf32, #tpu.memory_space<vmem>>, vector<1x1x16xf32>,
      %swap3A_261 = arith.constant 0 : i32
      %swap3A_262 = arith.index_cast %swap3A_261 : i32 to index
      %swap3A_263 = arith.index_cast %scan3A_212 : i32 to index
      %swap3A_264 = arith.constant 112 : index
      %swap3A_265 = tpu.vector_load %arg8[%swap3A_262, %swap3A_263, %swap3A_264] {strides = array<i32>} : memref<3x80x128xf32, #tpu.memory_space<vmem>>, vector<1x1x16xf32>,
      %swap3A_266 = vector.shape_cast %swap3A_265 : vector<1x1x16xf32> to vector<16xf32>
      %swap3A_267 = vector.shape_cast %broadcast_in_dim3A_1 : vector<16xf32> to vector<1x1x16xf32>
      tpu.vector_store %arg8[%swap3A_262, %swap3A_263, %swap3A_264], %swap3A_267 {strides = array<i32>} : memref<3x80x128xf32, #tpu.memory_space<vmem>>, vector<1x1x16xf32>,
    }
    %scan3A_6 = arith.constant 80 : i32
    %mul3A_7 = arith.constant 624 : i32
    %mul3A_8 = arith.muli %arg1, %mul3A_7 : i32
    %add3A_9 = arith.constant 0 : i32
    %add3A_10 = arith.addi %mul3A_8, %add3A_9 : i32
    %run_scoped3A = arith.constant 0 : i32
    "tpu.region"() ({
      %run_scoped3A_212 = tpu.sem_alloc : memref<!tpu.dma_semaphore, #tpu.memory_space<semaphore_mem>>
      %dma_start3A_213 = arith.constant 0 : i32
      %dma_start3A_214 = arith.constant 0 : i32
      %dma_start3A_215 = tpu.memref_slice %arg8[%run_scoped3A, %dma_start3A_213, %dma_start3A_214] : memref<3x80x128xf32, #tpu.memory_space<vmem>> -> memref<1x80x128xf32, #tpu.memory_space<vmem>>
      %dma_start3A_216 = tpu.memref_squeeze %dma_start3A_215 : memref<1x80x128xf32, #tpu.memory_space<vmem>> -> memref<80x128xf32, #tpu.memory_space<vmem>>
      %dma_start3A_217 = arith.constant 0 : i32
      %dma_start3A_218 = tpu.memref_slice %arg9[%add3A_10, %dma_start3A_217] : memref<10000x128xf32, #tpu.memory_space<vmem_shared>> -> memref<80x128xf32, #tpu.memory_space<vmem_shared>>
      %dma_start3A_219 = arith.constant 0 : i32
      %dma_start3A_220 = tpu.memref_slice %arg9[%add3A_10, %dma_start3A_219] : memref<10000x128xf32, #tpu.memory_space<vmem_shared>> -> memref<80x128xf32, #tpu.memory_space<vmem_shared>>
      %dma_start3A_221 = arith.constant 0 : i32
      %dma_start3A_222 = arith.constant 0 : i32
      %dma_start3A_223 = tpu.memref_slice %arg8[%run_scoped3A, %dma_start3A_221, %dma_start3A_222] : memref<3x80x128xf32, #tpu.memory_space<vmem>> -> memref<1x80x128xf32, #tpu.memory_space<vmem>>
      %dma_start3A_224 = tpu.memref_squeeze %dma_start3A_223 : memref<1x80x128xf32, #tpu.memory_space<vmem>> -> memref<80x128xf32, #tpu.memory_space<vmem>>
      tpu.enqueue_dma source(%dma_start3A_224 : memref<80x128xf32, #tpu.memory_space<vmem>>) target(%dma_start3A_220 : memref<80x128xf32, #tpu.memory_space<vmem_shared>>) target_semaphore(%run_scoped3A_212 : memref<!tpu.dma_semaphore, #tpu.memory_space<semaphore_mem>>)
      %dma_wait3A_225 = arith.constant 0 : i32
      %dma_wait3A_226 = arith.constant 0 : i32
      %dma_wait3A_227 = tpu.memref_slice %arg8[%run_scoped3A, %dma_wait3A_225, %dma_wait3A_226] : memref<3x80x128xf32, #tpu.memory_space<vmem>> -> memref<1x80x128xf32, #tpu.memory_space<vmem>>
      %dma_wait3A_228 = tpu.memref_squeeze %dma_wait3A_227 : memref<1x80x128xf32, #tpu.memory_space<vmem>> -> memref<80x128xf32, #tpu.memory_space<vmem>>
      %dma_wait3A_229 = arith.constant 0 : i32
      %dma_wait3A_230 = tpu.memref_slice %arg9[%add3A_10, %dma_wait3A_229] : memref<10000x128xf32, #tpu.memory_space<vmem_shared>> -> memref<80x128xf32, #tpu.memory_space<vmem_shared>>
      %dma_wait3A_231 = arith.constant 0 : i32
      %dma_wait3A_232 = tpu.memref_slice %arg9[%add3A_10, %dma_wait3A_231] : memref<10000x128xf32, #tpu.memory_space<vmem_shared>> -> memref<80x128xf32, #tpu.memory_space<vmem_shared>>
      %dma_wait3A_233 = arith.constant 0 : i32
      %dma_wait3A_234 = arith.constant 0 : i32
      %dma_wait3A_235 = tpu.memref_slice %arg8[%run_scoped3A, %dma_wait3A_233, %dma_wait3A_234] : memref<3x80x128xf32, #tpu.memory_space<vmem>> -> memref<1x80x128xf32, #tpu.memory_space<vmem>>
      %dma_wait3A_236 = tpu.memref_squeeze %dma_wait3A_235 : memref<1x80x128xf32, #tpu.memory_space<vmem>> -> memref<80x128xf32, #tpu.memory_space<vmem>>
      tpu.wait_dma2 semaphore(%run_scoped3A_212 : memref<!tpu.dma_semaphore, #tpu.memory_space<semaphore_mem>>) src(%dma_wait3A_236 : memref<80x128xf32, #tpu.memory_space<vmem>>) dst(%dma_wait3A_232 : memref<80x128xf32, #tpu.memory_space<vmem_shared>>)
      tpu.yield
    }) : () -> ()
    %add3A_11 = arith.constant 80 : i32
    %add3A_12 = arith.addi %mul3A_8, %add3A_11 : i32
    %run_scoped3A_13 = arith.constant 0 : i32
    "tpu.region"() ({
      %run_scoped3A_212 = tpu.sem_alloc : memref<!tpu.dma_semaphore, #tpu.memory_space<semaphore_mem>>
      %dma_start3A_213 = arith.constant 0 : i32
      %dma_start3A_214 = arith.constant 0 : i32
      %dma_start3A_215 = tpu.memref_slice %arg8[%run_scoped3A_13, %dma_start3A_213, %dma_start3A_214] : memref<3x80x128xf32, #tpu.memory_space<vmem>> -> memref<1x80x128xf32, #tpu.memory_space<vmem>>
      %dma_start3A_216 = tpu.memref_squeeze %dma_start3A_215 : memref<1x80x128xf32, #tpu.memory_space<vmem>> -> memref<80x128xf32, #tpu.memory_space<vmem>>
      %dma_start3A_217 = arith.constant 0 : i32
      %dma_start3A_218 = tpu.memref_slice %arg9[%add3A_12, %dma_start3A_217] : memref<10000x128xf32, #tpu.memory_space<vmem_shared>> -> memref<80x128xf32, #tpu.memory_space<vmem_shared>>
      %dma_start3A_219 = arith.constant 0 : i32
      %dma_start3A_220 = tpu.memref_slice %arg9[%add3A_12, %dma_start3A_219] : memref<10000x128xf32, #tpu.memory_space<vmem_shared>> -> memref<80x128xf32, #tpu.memory_space<vmem_shared>>
      %dma_start3A_221 = arith.constant 0 : i32
      %dma_start3A_222 = arith.constant 0 : i32
      %dma_start3A_223 = tpu.memref_slice %arg8[%run_scoped3A_13, %dma_start3A_221, %dma_start3A_222] : memref<3x80x128xf32, #tpu.memory_space<vmem>> -> memref<1x80x128xf32, #tpu.memory_space<vmem>>
      %dma_start3A_224 = tpu.memref_squeeze %dma_start3A_223 : memref<1x80x128xf32, #tpu.memory_space<vmem>> -> memref<80x128xf32, #tpu.memory_space<vmem>>
      tpu.enqueue_dma source(%dma_start3A_224 : memref<80x128xf32, #tpu.memory_space<vmem>>) target(%dma_start3A_220 : memref<80x128xf32, #tpu.memory_space<vmem_shared>>) target_semaphore(%run_scoped3A_212 : memref<!tpu.dma_semaphore, #tpu.memory_space<semaphore_mem>>)
      %dma_wait3A_225 = arith.constant 0 : i32
      %dma_wait3A_226 = arith.constant 0 : i32
      %dma_wait3A_227 = tpu.memref_slice %arg8[%run_scoped3A_13, %dma_wait3A_225, %dma_wait3A_226] : memref<3x80x128xf32, #tpu.memory_space<vmem>> -> memref<1x80x128xf32, #tpu.memory_space<vmem>>
      %dma_wait3A_228 = tpu.memref_squeeze %dma_wait3A_227 : memref<1x80x128xf32, #tpu.memory_space<vmem>> -> memref<80x128xf32, #tpu.memory_space<vmem>>
      %dma_wait3A_229 = arith.constant 0 : i32
      %dma_wait3A_230 = tpu.memref_slice %arg9[%add3A_12, %dma_wait3A_229] : memref<10000x128xf32, #tpu.memory_space<vmem_shared>> -> memref<80x128xf32, #tpu.memory_space<vmem_shared>>
      %dma_wait3A_231 = arith.constant 0 : i32
      %dma_wait3A_232 = tpu.memref_slice %arg9[%add3A_12, %dma_wait3A_231] : memref<10000x128xf32, #tpu.memory_space<vmem_shared>> -> memref<80x128xf32, #tpu.memory_space<vmem_shared>>
      %dma_wait3A_233 = arith.constant 0 : i32
      %dma_wait3A_234 = arith.constant 0 : i32
      %dma_wait3A_235 = tpu.memref_slice %arg8[%run_scoped3A_13, %dma_wait3A_233, %dma_wait3A_234] : memref<3x80x128xf32, #tpu.memory_space<vmem>> -> memref<1x80x128xf32, #tpu.memory_space<vmem>>
      %dma_wait3A_236 = tpu.memref_squeeze %dma_wait3A_235 : memref<1x80x128xf32, #tpu.memory_space<vmem>> -> memref<80x128xf32, #tpu.memory_space<vmem>>
      tpu.wait_dma2 semaphore(%run_scoped3A_212 : memref<!tpu.dma_semaphore, #tpu.memory_space<semaphore_mem>>) src(%dma_wait3A_236 : memref<80x128xf32, #tpu.memory_space<vmem>>) dst(%dma_wait3A_232 : memref<80x128xf32, #tpu.memory_space<vmem_shared>>)
      tpu.yield
    }) : () -> ()
    %add3A_14 = arith.constant 160 : i32
    %add3A_15 = arith.addi %mul3A_8, %add3A_14 : i32
    %run_scoped3A_16 = arith.constant 0 : i32
    "tpu.region"() ({
      %run_scoped3A_212 = tpu.sem_alloc : memref<!tpu.dma_semaphore, #tpu.memory_space<semaphore_mem>>
      %dma_start3A_213 = arith.constant 0 : i32
      %dma_start3A_214 = arith.constant 0 : i32
      %dma_start3A_215 = tpu.memref_slice %arg8[%run_scoped3A_16, %dma_start3A_213, %dma_start3A_214] : memref<3x80x128xf32, #tpu.memory_space<vmem>> -> memref<1x80x128xf32, #tpu.memory_space<vmem>>
      %dma_start3A_216 = tpu.memref_squeeze %dma_start3A_215 : memref<1x80x128xf32, #tpu.memory_space<vmem>> -> memref<80x128xf32, #tpu.memory_space<vmem>>
      %dma_start3A_217 = arith.constant 0 : i32
      %dma_start3A_218 = tpu.memref_slice %arg9[%add3A_15, %dma_start3A_217] : memref<10000x128xf32, #tpu.memory_space<vmem_shared>> -> memref<80x128xf32, #tpu.memory_space<vmem_shared>>
      %dma_start3A_219 = arith.constant 0 : i32
      %dma_start3A_220 = tpu.memref_slice %arg9[%add3A_15, %dma_start3A_219] : memref<10000x128xf32, #tpu.memory_space<vmem_shared>> -> memref<80x128xf32, #tpu.memory_space<vmem_shared>>
      %dma_start3A_221 = arith.constant 0 : i32
      %dma_start3A_222 = arith.constant 0 : i32
      %dma_start3A_223 = tpu.memref_slice %arg8[%run_scoped3A_16, %dma_start3A_221, %dma_start3A_222] : memref<3x80x128xf32, #tpu.memory_space<vmem>> -> memref<1x80x128xf32, #tpu.memory_space<vmem>>
      %dma_start3A_224 = tpu.memref_squeeze %dma_start3A_223 : memref<1x80x128xf32, #tpu.memory_space<vmem>> -> memref<80x128xf32, #tpu.memory_space<vmem>>
      tpu.enqueue_dma source(%dma_start3A_224 : memref<80x128xf32, #tpu.memory_space<vmem>>) target(%dma_start3A_220 : memref<80x128xf32, #tpu.memory_space<vmem_shared>>) target_semaphore(%run_scoped3A_212 : memref<!tpu.dma_semaphore, #tpu.memory_space<semaphore_mem>>)
      %dma_wait3A_225 = arith.constant 0 : i32
      %dma_wait3A_226 = arith.constant 0 : i32
      %dma_wait3A_227 = tpu.memref_slice %arg8[%run_scoped3A_16, %dma_wait3A_225, %dma_wait3A_226] : memref<3x80x128xf32, #tpu.memory_space<vmem>> -> memref<1x80x128xf32, #tpu.memory_space<vmem>>
      %dma_wait3A_228 = tpu.memref_squeeze %dma_wait3A_227 : memref<1x80x128xf32, #tpu.memory_space<vmem>> -> memref<80x128xf32, #tpu.memory_space<vmem>>
      %dma_wait3A_229 = arith.constant 0 : i32
      %dma_wait3A_230 = tpu.memref_slice %arg9[%add3A_15, %dma_wait3A_229] : memref<10000x128xf32, #tpu.memory_space<vmem_shared>> -> memref<80x128xf32, #tpu.memory_space<vmem_shared>>
      %dma_wait3A_231 = arith.constant 0 : i32
      %dma_wait3A_232 = tpu.memref_slice %arg9[%add3A_15, %dma_wait3A_231] : memref<10000x128xf32, #tpu.memory_space<vmem_shared>> -> memref<80x128xf32, #tpu.memory_space<vmem_shared>>
      %dma_wait3A_233 = arith.constant 0 : i32
      %dma_wait3A_234 = arith.constant 0 : i32
      %dma_wait3A_235 = tpu.memref_slice %arg8[%run_scoped3A_16, %dma_wait3A_233, %dma_wait3A_234] : memref<3x80x128xf32, #tpu.memory_space<vmem>> -> memref<1x80x128xf32, #tpu.memory_space<vmem>>
      %dma_wait3A_236 = tpu.memref_squeeze %dma_wait3A_235 : memref<1x80x128xf32, #tpu.memory_space<vmem>> -> memref<80x128xf32, #tpu.memory_space<vmem>>
      tpu.wait_dma2 semaphore(%run_scoped3A_212 : memref<!tpu.dma_semaphore, #tpu.memory_space<semaphore_mem>>) src(%dma_wait3A_236 : memref<80x128xf32, #tpu.memory_space<vmem>>) dst(%dma_wait3A_232 : memref<80x128xf32, #tpu.memory_space<vmem_shared>>)
      tpu.yield
    }) : () -> ()
    %add3A_17 = arith.constant 240 : i32
    %add3A_18 = arith.addi %mul3A_8, %add3A_17 : i32
    %run_scoped3A_19 = arith.constant 0 : i32
    "tpu.region"() ({
      %run_scoped3A_212 = tpu.sem_alloc : memref<!tpu.dma_semaphore, #tpu.memory_space<semaphore_mem>>
      %dma_start3A_213 = arith.constant 0 : i32
      %dma_start3A_214 = arith.constant 0 : i32
      %dma_start3A_215 = tpu.memref_slice %arg8[%run_scoped3A_19, %dma_start3A_213, %dma_start3A_214] : memref<3x80x128xf32, #tpu.memory_space<vmem>> -> memref<1x80x128xf32, #tpu.memory_space<vmem>>
      %dma_start3A_216 = tpu.memref_squeeze %dma_start3A_215 : memref<1x80x128xf32, #tpu.memory_space<vmem>> -> memref<80x128xf32, #tpu.memory_space<vmem>>
      %dma_start3A_217 = arith.constant 0 : i32
      %dma_start3A_218 = tpu.memref_slice %arg9[%add3A_18, %dma_start3A_217] : memref<10000x128xf32, #tpu.memory_space<vmem_shared>> -> memref<80x128xf32, #tpu.memory_space<vmem_shared>>
      %dma_start3A_219 = arith.constant 0 : i32
      %dma_start3A_220 = tpu.memref_slice %arg9[%add3A_18, %dma_start3A_219] : memref<10000x128xf32, #tpu.memory_space<vmem_shared>> -> memref<80x128xf32, #tpu.memory_space<vmem_shared>>
      %dma_start3A_221 = arith.constant 0 : i32
      %dma_start3A_222 = arith.constant 0 : i32
      %dma_start3A_223 = tpu.memref_slice %arg8[%run_scoped3A_19, %dma_start3A_221, %dma_start3A_222] : memref<3x80x128xf32, #tpu.memory_space<vmem>> -> memref<1x80x128xf32, #tpu.memory_space<vmem>>
      %dma_start3A_224 = tpu.memref_squeeze %dma_start3A_223 : memref<1x80x128xf32, #tpu.memory_space<vmem>> -> memref<80x128xf32, #tpu.memory_space<vmem>>
      tpu.enqueue_dma source(%dma_start3A_224 : memref<80x128xf32, #tpu.memory_space<vmem>>) target(%dma_start3A_220 : memref<80x128xf32, #tpu.memory_space<vmem_shared>>) target_semaphore(%run_scoped3A_212 : memref<!tpu.dma_semaphore, #tpu.memory_space<semaphore_mem>>)
      %dma_wait3A_225 = arith.constant 0 : i32
      %dma_wait3A_226 = arith.constant 0 : i32
      %dma_wait3A_227 = tpu.memref_slice %arg8[%run_scoped3A_19, %dma_wait3A_225, %dma_wait3A_226] : memref<3x80x128xf32, #tpu.memory_space<vmem>> -> memref<1x80x128xf32, #tpu.memory_space<vmem>>
      %dma_wait3A_228 = tpu.memref_squeeze %dma_wait3A_227 : memref<1x80x128xf32, #tpu.memory_space<vmem>> -> memref<80x128xf32, #tpu.memory_space<vmem>>
      %dma_wait3A_229 = arith.constant 0 : i32
      %dma_wait3A_230 = tpu.memref_slice %arg9[%add3A_18, %dma_wait3A_229] : memref<10000x128xf32, #tpu.memory_space<vmem_shared>> -> memref<80x128xf32, #tpu.memory_space<vmem_shared>>
      %dma_wait3A_231 = arith.constant 0 : i32
      %dma_wait3A_232 = tpu.memref_slice %arg9[%add3A_18, %dma_wait3A_231] : memref<10000x128xf32, #tpu.memory_space<vmem_shared>> -> memref<80x128xf32, #tpu.memory_space<vmem_shared>>
      %dma_wait3A_233 = arith.constant 0 : i32
      %dma_wait3A_234 = arith.constant 0 : i32
      %dma_wait3A_235 = tpu.memref_slice %arg8[%run_scoped3A_19, %dma_wait3A_233, %dma_wait3A_234] : memref<3x80x128xf32, #tpu.memory_space<vmem>> -> memref<1x80x128xf32, #tpu.memory_space<vmem>>
      %dma_wait3A_236 = tpu.memref_squeeze %dma_wait3A_235 : memref<1x80x128xf32, #tpu.memory_space<vmem>> -> memref<80x128xf32, #tpu.memory_space<vmem>>
      tpu.wait_dma2 semaphore(%run_scoped3A_212 : memref<!tpu.dma_semaphore, #tpu.memory_space<semaphore_mem>>) src(%dma_wait3A_236 : memref<80x128xf32, #tpu.memory_space<vmem>>) dst(%dma_wait3A_232 : memref<80x128xf32, #tpu.memory_space<vmem_shared>>)
      tpu.yield
    }) : () -> ()
    %add3A_20 = arith.constant 320 : i32
    %add3A_21 = arith.addi %mul3A_8, %add3A_20 : i32
    %run_scoped3A_22 = arith.constant 0 : i32
    "tpu.region"() ({
      %run_scoped3A_212 = tpu.sem_alloc : memref<!tpu.dma_semaphore, #tpu.memory_space<semaphore_mem>>
      %dma_start3A_213 = arith.constant 0 : i32
      %dma_start3A_214 = arith.constant 0 : i32
      %dma_start3A_215 = tpu.memref_slice %arg8[%run_scoped3A_22, %dma_start3A_213, %dma_start3A_214] : memref<3x80x128xf32, #tpu.memory_space<vmem>> -> memref<1x80x128xf32, #tpu.memory_space<vmem>>
      %dma_start3A_216 = tpu.memref_squeeze %dma_start3A_215 : memref<1x80x128xf32, #tpu.memory_space<vmem>> -> memref<80x128xf32, #tpu.memory_space<vmem>>
      %dma_start3A_217 = arith.constant 0 : i32
      %dma_start3A_218 = tpu.memref_slice %arg9[%add3A_21, %dma_start3A_217] : memref<10000x128xf32, #tpu.memory_space<vmem_shared>> -> memref<80x128xf32, #tpu.memory_space<vmem_shared>>
      %dma_start3A_219 = arith.constant 0 : i32
      %dma_start3A_220 = tpu.memref_slice %arg9[%add3A_21, %dma_start3A_219] : memref<10000x128xf32, #tpu.memory_space<vmem_shared>> -> memref<80x128xf32, #tpu.memory_space<vmem_shared>>
      %dma_start3A_221 = arith.constant 0 : i32
      %dma_start3A_222 = arith.constant 0 : i32
      %dma_start3A_223 = tpu.memref_slice %arg8[%run_scoped3A_22, %dma_start3A_221, %dma_start3A_222] : memref<3x80x128xf32, #tpu.memory_space<vmem>> -> memref<1x80x128xf32, #tpu.memory_space<vmem>>
      %dma_start3A_224 = tpu.memref_squeeze %dma_start3A_223 : memref<1x80x128xf32, #tpu.memory_space<vmem>> -> memref<80x128xf32, #tpu.memory_space<vmem>>
      tpu.enqueue_dma source(%dma_start3A_224 : memref<80x128xf32, #tpu.memory_space<vmem>>) target(%dma_start3A_220 : memref<80x128xf32, #tpu.memory_space<vmem_shared>>) target_semaphore(%run_scoped3A_212 : memref<!tpu.dma_semaphore, #tpu.memory_space<semaphore_mem>>)
      %dma_wait3A_225 = arith.constant 0 : i32
      %dma_wait3A_226 = arith.constant 0 : i32
      %dma_wait3A_227 = tpu.memref_slice %arg8[%run_scoped3A_22, %dma_wait3A_225, %dma_wait3A_226] : memref<3x80x128xf32, #tpu.memory_space<vmem>> -> memref<1x80x128xf32, #tpu.memory_space<vmem>>
      %dma_wait3A_228 = tpu.memref_squeeze %dma_wait3A_227 : memref<1x80x128xf32, #tpu.memory_space<vmem>> -> memref<80x128xf32, #tpu.memory_space<vmem>>
      %dma_wait3A_229 = arith.constant 0 : i32
      %dma_wait3A_230 = tpu.memref_slice %arg9[%add3A_21, %dma_wait3A_229] : memref<10000x128xf32, #tpu.memory_space<vmem_shared>> -> memref<80x128xf32, #tpu.memory_space<vmem_shared>>
      %dma_wait3A_231 = arith.constant 0 : i32
      %dma_wait3A_232 = tpu.memref_slice %arg9[%add3A_21, %dma_wait3A_231] : memref<10000x128xf32, #tpu.memory_space<vmem_shared>> -> memref<80x128xf32, #tpu.memory_space<vmem_shared>>
      %dma_wait3A_233 = arith.constant 0 : i32
      %dma_wait3A_234 = arith.constant 0 : i32
      %dma_wait3A_235 = tpu.memref_slice %arg8[%run_scoped3A_22, %dma_wait3A_233, %dma_wait3A_234] : memref<3x80x128xf32, #tpu.memory_space<vmem>> -> memref<1x80x128xf32, #tpu.memory_space<vmem>>
      %dma_wait3A_236 = tpu.memref_squeeze %dma_wait3A_235 : memref<1x80x128xf32, #tpu.memory_space<vmem>> -> memref<80x128xf32, #tpu.memory_space<vmem>>
      tpu.wait_dma2 semaphore(%run_scoped3A_212 : memref<!tpu.dma_semaphore, #tpu.memory_space<semaphore_mem>>) src(%dma_wait3A_236 : memref<80x128xf32, #tpu.memory_space<vmem>>) dst(%dma_wait3A_232 : memref<80x128xf32, #tpu.memory_space<vmem_shared>>)
      tpu.yield
    }) : () -> ()
    %add3A_23 = arith.constant 400 : i32
    %add3A_24 = arith.addi %mul3A_8, %add3A_23 : i32
    %run_scoped3A_25 = arith.constant 0 : i32
    "tpu.region"() ({
      %run_scoped3A_212 = tpu.sem_alloc : memref<!tpu.dma_semaphore, #tpu.memory_space<semaphore_mem>>
      %dma_start3A_213 = arith.constant 0 : i32
      %dma_start3A_214 = arith.constant 0 : i32
      %dma_start3A_215 = tpu.memref_slice %arg8[%run_scoped3A_25, %dma_start3A_213, %dma_start3A_214] : memref<3x80x128xf32, #tpu.memory_space<vmem>> -> memref<1x80x128xf32, #tpu.memory_space<vmem>>
      %dma_start3A_216 = tpu.memref_squeeze %dma_start3A_215 : memref<1x80x128xf32, #tpu.memory_space<vmem>> -> memref<80x128xf32, #tpu.memory_space<vmem>>
      %dma_start3A_217 = arith.constant 0 : i32
      %dma_start3A_218 = tpu.memref_slice %arg9[%add3A_24, %dma_start3A_217] : memref<10000x128xf32, #tpu.memory_space<vmem_shared>> -> memref<80x128xf32, #tpu.memory_space<vmem_shared>>
      %dma_start3A_219 = arith.constant 0 : i32
      %dma_start3A_220 = tpu.memref_slice %arg9[%add3A_24, %dma_start3A_219] : memref<10000x128xf32, #tpu.memory_space<vmem_shared>> -> memref<80x128xf32, #tpu.memory_space<vmem_shared>>
      %dma_start3A_221 = arith.constant 0 : i32
      %dma_start3A_222 = arith.constant 0 : i32
      %dma_start3A_223 = tpu.memref_slice %arg8[%run_scoped3A_25, %dma_start3A_221, %dma_start3A_222] : memref<3x80x128xf32, #tpu.memory_space<vmem>> -> memref<1x80x128xf32, #tpu.memory_space<vmem>>
      %dma_start3A_224 = tpu.memref_squeeze %dma_start3A_223 : memref<1x80x128xf32, #tpu.memory_space<vmem>> -> memref<80x128xf32, #tpu.memory_space<vmem>>
      tpu.enqueue_dma source(%dma_start3A_224 : memref<80x128xf32, #tpu.memory_space<vmem>>) target(%dma_start3A_220 : memref<80x128xf32, #tpu.memory_space<vmem_shared>>) target_semaphore(%run_scoped3A_212 : memref<!tpu.dma_semaphore, #tpu.memory_space<semaphore_mem>>)
      %dma_wait3A_225 = arith.constant 0 : i32
      %dma_wait3A_226 = arith.constant 0 : i32
      %dma_wait3A_227 = tpu.memref_slice %arg8[%run_scoped3A_25, %dma_wait3A_225, %dma_wait3A_226] : memref<3x80x128xf32, #tpu.memory_space<vmem>> -> memref<1x80x128xf32, #tpu.memory_space<vmem>>
      %dma_wait3A_228 = tpu.memref_squeeze %dma_wait3A_227 : memref<1x80x128xf32, #tpu.memory_space<vmem>> -> memref<80x128xf32, #tpu.memory_space<vmem>>
      %dma_wait3A_229 = arith.constant 0 : i32
      %dma_wait3A_230 = tpu.memref_slice %arg9[%add3A_24, %dma_wait3A_229] : memref<10000x128xf32, #tpu.memory_space<vmem_shared>> -> memref<80x128xf32, #tpu.memory_space<vmem_shared>>
      %dma_wait3A_231 = arith.constant 0 : i32
      %dma_wait3A_232 = tpu.memref_slice %arg9[%add3A_24, %dma_wait3A_231] : memref<10000x128xf32, #tpu.memory_space<vmem_shared>> -> memref<80x128xf32, #tpu.memory_space<vmem_shared>>
      %dma_wait3A_233 = arith.constant 0 : i32
      %dma_wait3A_234 = arith.constant 0 : i32
      %dma_wait3A_235 = tpu.memref_slice %arg8[%run_scoped3A_25, %dma_wait3A_233, %dma_wait3A_234] : memref<3x80x128xf32, #tpu.memory_space<vmem>> -> memref<1x80x128xf32, #tpu.memory_space<vmem>>
      %dma_wait3A_236 = tpu.memref_squeeze %dma_wait3A_235 : memref<1x80x128xf32, #tpu.memory_space<vmem>> -> memref<80x128xf32, #tpu.memory_space<vmem>>
      tpu.wait_dma2 semaphore(%run_scoped3A_212 : memref<!tpu.dma_semaphore, #tpu.memory_space<semaphore_mem>>) src(%dma_wait3A_236 : memref<80x128xf32, #tpu.memory_space<vmem>>) dst(%dma_wait3A_232 : memref<80x128xf32, #tpu.memory_space<vmem_shared>>)
      tpu.yield
    }) : () -> ()
    %add3A_26 = arith.constant 480 : i32
    %add3A_27 = arith.addi %mul3A_8, %add3A_26 : i32
    %run_scoped3A_28 = arith.constant 0 : i32
    "tpu.region"() ({
      %run_scoped3A_212 = tpu.sem_alloc : memref<!tpu.dma_semaphore, #tpu.memory_space<semaphore_mem>>
      %dma_start3A_213 = arith.constant 0 : i32
      %dma_start3A_214 = arith.constant 0 : i32
      %dma_start3A_215 = tpu.memref_slice %arg8[%run_scoped3A_28, %dma_start3A_213, %dma_start3A_214] : memref<3x80x128xf32, #tpu.memory_space<vmem>> -> memref<1x80x128xf32, #tpu.memory_space<vmem>>
      %dma_start3A_216 = tpu.memref_squeeze %dma_start3A_215 : memref<1x80x128xf32, #tpu.memory_space<vmem>> -> memref<80x128xf32, #tpu.memory_space<vmem>>
      %dma_start3A_217 = arith.constant 0 : i32
      %dma_start3A_218 = tpu.memref_slice %arg9[%add3A_27, %dma_start3A_217] : memref<10000x128xf32, #tpu.memory_space<vmem_shared>> -> memref<80x128xf32, #tpu.memory_space<vmem_shared>>
      %dma_start3A_219 = arith.constant 0 : i32
      %dma_start3A_220 = tpu.memref_slice %arg9[%add3A_27, %dma_start3A_219] : memref<10000x128xf32, #tpu.memory_space<vmem_shared>> -> memref<80x128xf32, #tpu.memory_space<vmem_shared>>
      %dma_start3A_221 = arith.constant 0 : i32
      %dma_start3A_222 = arith.constant 0 : i32
      %dma_start3A_223 = tpu.memref_slice %arg8[%run_scoped3A_28, %dma_start3A_221, %dma_start3A_222] : memref<3x80x128xf32, #tpu.memory_space<vmem>> -> memref<1x80x128xf32, #tpu.memory_space<vmem>>
      %dma_start3A_224 = tpu.memref_squeeze %dma_start3A_223 : memref<1x80x128xf32, #tpu.memory_space<vmem>> -> memref<80x128xf32, #tpu.memory_space<vmem>>
      tpu.enqueue_dma source(%dma_start3A_224 : memref<80x128xf32, #tpu.memory_space<vmem>>) target(%dma_start3A_220 : memref<80x128xf32, #tpu.memory_space<vmem_shared>>) target_semaphore(%run_scoped3A_212 : memref<!tpu.dma_semaphore, #tpu.memory_space<semaphore_mem>>)
      %dma_wait3A_225 = arith.constant 0 : i32
      %dma_wait3A_226 = arith.constant 0 : i32
      %dma_wait3A_227 = tpu.memref_slice %arg8[%run_scoped3A_28, %dma_wait3A_225, %dma_wait3A_226] : memref<3x80x128xf32, #tpu.memory_space<vmem>> -> memref<1x80x128xf32, #tpu.memory_space<vmem>>
      %dma_wait3A_228 = tpu.memref_squeeze %dma_wait3A_227 : memref<1x80x128xf32, #tpu.memory_space<vmem>> -> memref<80x128xf32, #tpu.memory_space<vmem>>
      %dma_wait3A_229 = arith.constant 0 : i32
      %dma_wait3A_230 = tpu.memref_slice %arg9[%add3A_27, %dma_wait3A_229] : memref<10000x128xf32, #tpu.memory_space<vmem_shared>> -> memref<80x128xf32, #tpu.memory_space<vmem_shared>>
      %dma_wait3A_231 = arith.constant 0 : i32
      %dma_wait3A_232 = tpu.memref_slice %arg9[%add3A_27, %dma_wait3A_231] : memref<10000x128xf32, #tpu.memory_space<vmem_shared>> -> memref<80x128xf32, #tpu.memory_space<vmem_shared>>
      %dma_wait3A_233 = arith.constant 0 : i32
      %dma_wait3A_234 = arith.constant 0 : i32
      %dma_wait3A_235 = tpu.memref_slice %arg8[%run_scoped3A_28, %dma_wait3A_233, %dma_wait3A_234] : memref<3x80x128xf32, #tpu.memory_space<vmem>> -> memref<1x80x128xf32, #tpu.memory_space<vmem>>
      %dma_wait3A_236 = tpu.memref_squeeze %dma_wait3A_235 : memref<1x80x128xf32, #tpu.memory_space<vmem>> -> memref<80x128xf32, #tpu.memory_space<vmem>>
      tpu.wait_dma2 semaphore(%run_scoped3A_212 : memref<!tpu.dma_semaphore, #tpu.memory_space<semaphore_mem>>) src(%dma_wait3A_236 : memref<80x128xf32, #tpu.memory_space<vmem>>) dst(%dma_wait3A_232 : memref<80x128xf32, #tpu.memory_space<vmem_shared>>)
      tpu.yield
    }) : () -> ()
    %eq3A = arith.constant 15 : i32
    %eq3A_29 = arith.cmpi eq, %arg1, %eq3A : i32
    %convert_element_type3A = arith.extui %eq3A_29 : i1 to i32
    %cond3A = arith.constant 0 : i32
    %cond3A_30 = arith.cmpi ne, %convert_element_type3A, %cond3A : i32
    scf.if %cond3A_30 {
      %add3A_212 = arith.constant 560 : i32
      %add3A_213 = arith.addi %mul3A_8, %add3A_212 : i32
      %run_scoped3A_214 = arith.constant 0 : i32
      "tpu.region"() ({
        %run_scoped3A_215 = tpu.sem_alloc : memref<!tpu.dma_semaphore, #tpu.memory_space<semaphore_mem>>
        %dma_start3A_216 = arith.constant 0 : i32
        %dma_start3A_217 = arith.constant 0 : i32
        %dma_start3A_218 = tpu.memref_slice %arg8[%run_scoped3A_214, %dma_start3A_216, %dma_start3A_217] : memref<3x80x128xf32, #tpu.memory_space<vmem>> -> memref<1x80x128xf32, #tpu.memory_space<vmem>>
        %dma_start3A_219 = tpu.memref_squeeze %dma_start3A_218 : memref<1x80x128xf32, #tpu.memory_space<vmem>> -> memref<80x128xf32, #tpu.memory_space<vmem>>
        %dma_start3A_220 = arith.constant 0 : i32
        %dma_start3A_221 = tpu.memref_slice %arg9[%add3A_213, %dma_start3A_220] : memref<10000x128xf32, #tpu.memory_space<vmem_shared>> -> memref<80x128xf32, #tpu.memory_space<vmem_shared>>
        %dma_start3A_222 = arith.constant 0 : i32
        %dma_start3A_223 = tpu.memref_slice %arg9[%add3A_213, %dma_start3A_222] : memref<10000x128xf32, #tpu.memory_space<vmem_shared>> -> memref<80x128xf32, #tpu.memory_space<vmem_shared>>
        %dma_start3A_224 = arith.constant 0 : i32
        %dma_start3A_225 = arith.constant 0 : i32
        %dma_start3A_226 = tpu.memref_slice %arg8[%run_scoped3A_214, %dma_start3A_224, %dma_start3A_225] : memref<3x80x128xf32, #tpu.memory_space<vmem>> -> memref<1x80x128xf32, #tpu.memory_space<vmem>>
        %dma_start3A_227 = tpu.memref_squeeze %dma_start3A_226 : memref<1x80x128xf32, #tpu.memory_space<vmem>> -> memref<80x128xf32, #tpu.memory_space<vmem>>
        tpu.enqueue_dma source(%dma_start3A_227 : memref<80x128xf32, #tpu.memory_space<vmem>>) target(%dma_start3A_223 : memref<80x128xf32, #tpu.memory_space<vmem_shared>>) target_semaphore(%run_scoped3A_215 : memref<!tpu.dma_semaphore, #tpu.memory_space<semaphore_mem>>)
        %dma_wait3A_228 = arith.constant 0 : i32
        %dma_wait3A_229 = arith.constant 0 : i32
        %dma_wait3A_230 = tpu.memref_slice %arg8[%run_scoped3A_214, %dma_wait3A_228, %dma_wait3A_229] : memref<3x80x128xf32, #tpu.memory_space<vmem>> -> memref<1x80x128xf32, #tpu.memory_space<vmem>>
        %dma_wait3A_231 = tpu.memref_squeeze %dma_wait3A_230 : memref<1x80x128xf32, #tpu.memory_space<vmem>> -> memref<80x128xf32, #tpu.memory_space<vmem>>
        %dma_wait3A_232 = arith.constant 0 : i32
        %dma_wait3A_233 = tpu.memref_slice %arg9[%add3A_213, %dma_wait3A_232] : memref<10000x128xf32, #tpu.memory_space<vmem_shared>> -> memref<80x128xf32, #tpu.memory_space<vmem_shared>>
        %dma_wait3A_234 = arith.constant 0 : i32
        %dma_wait3A_235 = tpu.memref_slice %arg9[%add3A_213, %dma_wait3A_234] : memref<10000x128xf32, #tpu.memory_space<vmem_shared>> -> memref<80x128xf32, #tpu.memory_space<vmem_shared>>
        %dma_wait3A_236 = arith.constant 0 : i32
        %dma_wait3A_237 = arith.constant 0 : i32
        %dma_wait3A_238 = tpu.memref_slice %arg8[%run_scoped3A_214, %dma_wait3A_236, %dma_wait3A_237] : memref<3x80x128xf32, #tpu.memory_space<vmem>> -> memref<1x80x128xf32, #tpu.memory_space<vmem>>
        %dma_wait3A_239 = tpu.memref_squeeze %dma_wait3A_238 : memref<1x80x128xf32, #tpu.memory_space<vmem>> -> memref<80x128xf32, #tpu.memory_space<vmem>>
        tpu.wait_dma2 semaphore(%run_scoped3A_215 : memref<!tpu.dma_semaphore, #tpu.memory_space<semaphore_mem>>) src(%dma_wait3A_239 : memref<80x128xf32, #tpu.memory_space<vmem>>) dst(%dma_wait3A_235 : memref<80x128xf32, #tpu.memory_space<vmem_shared>>)
        tpu.yield
      }) : () -> ()
    } else {
    }
    %lt3A = arith.constant 15 : i32
    %lt3A_31 = arith.cmpi slt, %arg1, %lt3A : i32
    %convert_element_type3A_32 = arith.extui %lt3A_31 : i1 to i32
    %cond3A_33 = arith.constant 0 : i32
    %cond3A_34 = arith.cmpi ne, %convert_element_type3A_32, %cond3A_33 : i32
    scf.if %cond3A_34 {
      %add3A_212 = arith.constant 560 : i32
      %add3A_213 = arith.addi %mul3A_8, %add3A_212 : i32
      %run_scoped3A_214 = arith.constant 0 : i32
      "tpu.region"() ({
        %run_scoped3A_215 = tpu.sem_alloc : memref<!tpu.dma_semaphore, #tpu.memory_space<semaphore_mem>>
        %dma_start3A_216 = arith.constant 0 : i32
        %dma_start3A_217 = arith.constant 0 : i32
        %dma_start3A_218 = tpu.memref_slice %arg8[%run_scoped3A_214, %dma_start3A_216, %dma_start3A_217] : memref<3x80x128xf32, #tpu.memory_space<vmem>> -> memref<1x64x128xf32, #tpu.memory_space<vmem>>
        %dma_start3A_219 = tpu.memref_squeeze %dma_start3A_218 : memref<1x64x128xf32, #tpu.memory_space<vmem>> -> memref<64x128xf32, #tpu.memory_space<vmem>>
        %dma_start3A_220 = arith.constant 0 : i32
        %dma_start3A_221 = tpu.memref_slice %arg9[%add3A_213, %dma_start3A_220] : memref<10000x128xf32, #tpu.memory_space<vmem_shared>> -> memref<64x128xf32, #tpu.memory_space<vmem_shared>>
        %dma_start3A_222 = arith.constant 0 : i32
        %dma_start3A_223 = tpu.memref_slice %arg9[%add3A_213, %dma_start3A_222] : memref<10000x128xf32, #tpu.memory_space<vmem_shared>> -> memref<64x128xf32, #tpu.memory_space<vmem_shared>>
        %dma_start3A_224 = arith.constant 0 : i32
        %dma_start3A_225 = arith.constant 0 : i32
        %dma_start3A_226 = tpu.memref_slice %arg8[%run_scoped3A_214, %dma_start3A_224, %dma_start3A_225] : memref<3x80x128xf32, #tpu.memory_space<vmem>> -> memref<1x64x128xf32, #tpu.memory_space<vmem>>
        %dma_start3A_227 = tpu.memref_squeeze %dma_start3A_226 : memref<1x64x128xf32, #tpu.memory_space<vmem>> -> memref<64x128xf32, #tpu.memory_space<vmem>>
        tpu.enqueue_dma source(%dma_start3A_227 : memref<64x128xf32, #tpu.memory_space<vmem>>) target(%dma_start3A_223 : memref<64x128xf32, #tpu.memory_space<vmem_shared>>) target_semaphore(%run_scoped3A_215 : memref<!tpu.dma_semaphore, #tpu.memory_space<semaphore_mem>>)
        %dma_wait3A_228 = arith.constant 0 : i32
        %dma_wait3A_229 = arith.constant 0 : i32
        %dma_wait3A_230 = tpu.memref_slice %arg8[%run_scoped3A_214, %dma_wait3A_228, %dma_wait3A_229] : memref<3x80x128xf32, #tpu.memory_space<vmem>> -> memref<1x64x128xf32, #tpu.memory_space<vmem>>
        %dma_wait3A_231 = tpu.memref_squeeze %dma_wait3A_230 : memref<1x64x128xf32, #tpu.memory_space<vmem>> -> memref<64x128xf32, #tpu.memory_space<vmem>>
        %dma_wait3A_232 = arith.constant 0 : i32
        %dma_wait3A_233 = tpu.memref_slice %arg9[%add3A_213, %dma_wait3A_232] : memref<10000x128xf32, #tpu.memory_space<vmem_shared>> -> memref<64x128xf32, #tpu.memory_space<vmem_shared>>
        %dma_wait3A_234 = arith.constant 0 : i32
        %dma_wait3A_235 = tpu.memref_slice %arg9[%add3A_213, %dma_wait3A_234] : memref<10000x128xf32, #tpu.memory_space<vmem_shared>> -> memref<64x128xf32, #tpu.memory_space<vmem_shared>>
        %dma_wait3A_236 = arith.constant 0 : i32
        %dma_wait3A_237 = arith.constant 0 : i32
        %dma_wait3A_238 = tpu.memref_slice %arg8[%run_scoped3A_214, %dma_wait3A_236, %dma_wait3A_237] : memref<3x80x128xf32, #tpu.memory_space<vmem>> -> memref<1x64x128xf32, #tpu.memory_space<vmem>>
        %dma_wait3A_239 = tpu.memref_squeeze %dma_wait3A_238 : memref<1x64x128xf32, #tpu.memory_space<vmem>> -> memref<64x128xf32, #tpu.memory_space<vmem>>
        tpu.wait_dma2 semaphore(%run_scoped3A_215 : memref<!tpu.dma_semaphore, #tpu.memory_space<semaphore_mem>>) src(%dma_wait3A_239 : memref<64x128xf32, #tpu.memory_space<vmem>>) dst(%dma_wait3A_235 : memref<64x128xf32, #tpu.memory_space<vmem_shared>>)
        tpu.yield
      }) : () -> ()
    } else {
    }
    "tpu.region"() ({
      %run_scoped3A_212 = tpu.sem_alloc : memref<!tpu.dma_semaphore, #tpu.memory_space<semaphore_mem>>
      %dma_start3A_213 = arith.constant 0 : i32
      %dma_start3A_214 = arith.constant 0 : i32
      %dma_start3A_215 = tpu.memref_slice %arg4[%add3A, %dma_start3A_213, %dma_start3A_214] : memref<32x126x80xf32, #tpu.memory_space<hbm>> -> memref<1x126x80xf32, #tpu.memory_space<hbm>>
      %dma_start3A_216 = tpu.memref_squeeze %dma_start3A_215 : memref<1x126x80xf32, #tpu.memory_space<hbm>> -> memref<126x80xf32, #tpu.memory_space<hbm>>
      %dma_start3A_217 = arith.constant 0 : i32
      %dma_start3A_218 = arith.constant 0 : i32
      %dma_start3A_219 = tpu.memref_slice %arg4[%add3A, %dma_start3A_217, %dma_start3A_218] : memref<32x126x80xf32, #tpu.memory_space<hbm>> -> memref<1x126x80xf32, #tpu.memory_space<hbm>>
      %dma_start3A_220 = tpu.memref_squeeze %dma_start3A_219 : memref<1x126x80xf32, #tpu.memory_space<hbm>> -> memref<126x80xf32, #tpu.memory_space<hbm>>
      tpu.enqueue_dma source(%dma_start3A_220 : memref<126x80xf32, #tpu.memory_space<hbm>>) target(%arg7 : memref<126x80xf32, #tpu.memory_space<vmem>>) target_semaphore(%run_scoped3A_212 : memref<!tpu.dma_semaphore, #tpu.memory_space<semaphore_mem>>)
      %dma_wait3A_221 = arith.constant 0 : i32
      %dma_wait3A_222 = arith.constant 0 : i32
      %dma_wait3A_223 = tpu.memref_slice %arg4[%add3A, %dma_wait3A_221, %dma_wait3A_222] : memref<32x126x80xf32, #tpu.memory_space<hbm>> -> memref<1x126x80xf32, #tpu.memory_space<hbm>>
      %dma_wait3A_224 = tpu.memref_squeeze %dma_wait3A_223 : memref<1x126x80xf32, #tpu.memory_space<hbm>> -> memref<126x80xf32, #tpu.memory_space<hbm>>
      %dma_wait3A_225 = arith.constant 0 : i32
      %dma_wait3A_226 = arith.constant 0 : i32
      %dma_wait3A_227 = tpu.memref_slice %arg4[%add3A, %dma_wait3A_225, %dma_wait3A_226] : memref<32x126x80xf32, #tpu.memory_space<hbm>> -> memref<1x126x80xf32, #tpu.memory_space<hbm>>
      %dma_wait3A_228 = tpu.memref_squeeze %dma_wait3A_227 : memref<1x126x80xf32, #tpu.memory_space<hbm>> -> memref<126x80xf32, #tpu.memory_space<hbm>>
      tpu.wait_dma2 semaphore(%run_scoped3A_212 : memref<!tpu.dma_semaphore, #tpu.memory_space<semaphore_mem>>) src(%dma_wait3A_228 : memref<126x80xf32, #tpu.memory_space<hbm>>) dst(%arg7 : memref<126x80xf32, #tpu.memory_space<vmem>>)
      tpu.yield
    }) : () -> ()
    %barrier3A = arith.constant 0 : index
    tpu.barrier barrier_id(%barrier3A)
    %run_scoped3A_35 = arith.constant 0 : i32
    %run_scoped3A_36 = arith.constant 0 : i32
    "tpu.region"() ({
      %run_scoped3A_212 = tpu.sem_alloc : memref<!tpu.dma_semaphore, #tpu.memory_space<semaphore_mem>>
      %dma_start3A_213 = arith.constant 0 : i32
      %dma_start3A_214 = arith.constant 0 : i32
      %dma_start3A_215 = tpu.memref_slice %arg6[%run_scoped3A_36, %dma_start3A_213, %dma_start3A_214] : memref<3x2x80xi32, #tpu.memory_space<vmem>> -> memref<1x2x80xi32, #tpu.memory_space<vmem>>
      %dma_start3A_216 = tpu.memref_squeeze %dma_start3A_215 : memref<1x2x80xi32, #tpu.memory_space<vmem>> -> memref<2x80xi32, #tpu.memory_space<vmem>>
      %dma_start3A_217 = arith.constant 0 : i32
      %dma_start3A_218 = arith.constant 0 : i32
      %dma_start3A_219 = tpu.memref_slice %arg3[%add3A, %run_scoped3A_35, %dma_start3A_217, %dma_start3A_218] : memref<32x126x2x80xi32, #tpu.memory_space<hbm>> -> memref<1x1x2x80xi32, #tpu.memory_space<hbm>>
      %dma_start3A_220 = tpu.memref_squeeze %dma_start3A_219 : memref<1x1x2x80xi32, #tpu.memory_space<hbm>> -> memref<2x80xi32, #tpu.memory_space<hbm>>
      %dma_start3A_221 = arith.constant 0 : i32
      %dma_start3A_222 = arith.constant 0 : i32
      %dma_start3A_223 = tpu.memref_slice %arg6[%run_scoped3A_36, %dma_start3A_221, %dma_start3A_222] : memref<3x2x80xi32, #tpu.memory_space<vmem>> -> memref<1x2x80xi32, #tpu.memory_space<vmem>>
      %dma_start3A_224 = tpu.memref_squeeze %dma_start3A_223 : memref<1x2x80xi32, #tpu.memory_space<vmem>> -> memref<2x80xi32, #tpu.memory_space<vmem>>
      %dma_start3A_225 = arith.constant 0 : i32
      %dma_start3A_226 = arith.constant 0 : i32
      %dma_start3A_227 = tpu.memref_slice %arg3[%add3A, %run_scoped3A_35, %dma_start3A_225, %dma_start3A_226] : memref<32x126x2x80xi32, #tpu.memory_space<hbm>> -> memref<1x1x2x80xi32, #tpu.memory_space<hbm>>
      %dma_start3A_228 = tpu.memref_squeeze %dma_start3A_227 : memref<1x1x2x80xi32, #tpu.memory_space<hbm>> -> memref<2x80xi32, #tpu.memory_space<hbm>>
      tpu.enqueue_dma source(%dma_start3A_228 : memref<2x80xi32, #tpu.memory_space<hbm>>) target(%dma_start3A_224 : memref<2x80xi32, #tpu.memory_space<vmem>>) target_semaphore(%run_scoped3A_212 : memref<!tpu.dma_semaphore, #tpu.memory_space<semaphore_mem>>)
      %dma_wait3A_229 = arith.constant 0 : i32
      %dma_wait3A_230 = arith.constant 0 : i32
      %dma_wait3A_231 = tpu.memref_slice %arg6[%run_scoped3A_36, %dma_wait3A_229, %dma_wait3A_230] : memref<3x2x80xi32, #tpu.memory_space<vmem>> -> memref<1x2x80xi32, #tpu.memory_space<vmem>>
      %dma_wait3A_232 = tpu.memref_squeeze %dma_wait3A_231 : memref<1x2x80xi32, #tpu.memory_space<vmem>> -> memref<2x80xi32, #tpu.memory_space<vmem>>
      %dma_wait3A_233 = arith.constant 0 : i32
      %dma_wait3A_234 = arith.constant 0 : i32
      %dma_wait3A_235 = tpu.memref_slice %arg3[%add3A, %run_scoped3A_35, %dma_wait3A_233, %dma_wait3A_234] : memref<32x126x2x80xi32, #tpu.memory_space<hbm>> -> memref<1x1x2x80xi32, #tpu.memory_space<hbm>>
      %dma_wait3A_236 = tpu.memref_squeeze %dma_wait3A_235 : memref<1x1x2x80xi32, #tpu.memory_space<hbm>> -> memref<2x80xi32, #tpu.memory_space<hbm>>
      %dma_wait3A_237 = arith.constant 0 : i32
      %dma_wait3A_238 = arith.constant 0 : i32
      %dma_wait3A_239 = tpu.memref_slice %arg6[%run_scoped3A_36, %dma_wait3A_237, %dma_wait3A_238] : memref<3x2x80xi32, #tpu.memory_space<vmem>> -> memref<1x2x80xi32, #tpu.memory_space<vmem>>
      %dma_wait3A_240 = tpu.memref_squeeze %dma_wait3A_239 : memref<1x2x80xi32, #tpu.memory_space<vmem>> -> memref<2x80xi32, #tpu.memory_space<vmem>>
      %dma_wait3A_241 = arith.constant 0 : i32
      %dma_wait3A_242 = arith.constant 0 : i32
      %dma_wait3A_243 = tpu.memref_slice %arg3[%add3A, %run_scoped3A_35, %dma_wait3A_241, %dma_wait3A_242] : memref<32x126x2x80xi32, #tpu.memory_space<hbm>> -> memref<1x1x2x80xi32, #tpu.memory_space<hbm>>
      %dma_wait3A_244 = tpu.memref_squeeze %dma_wait3A_243 : memref<1x1x2x80xi32, #tpu.memory_space<hbm>> -> memref<2x80xi32, #tpu.memory_space<hbm>>
      tpu.wait_dma2 semaphore(%run_scoped3A_212 : memref<!tpu.dma_semaphore, #tpu.memory_space<semaphore_mem>>) src(%dma_wait3A_244 : memref<2x80xi32, #tpu.memory_space<hbm>>) dst(%dma_wait3A_240 : memref<2x80xi32, #tpu.memory_space<vmem>>)
      tpu.yield
    }) : () -> ()
    %run_scoped3A_37 = arith.constant 1 : i32
    %run_scoped3A_38 = arith.constant 1 : i32
    "tpu.region"() ({
      %run_scoped3A_212 = tpu.sem_alloc : memref<!tpu.dma_semaphore, #tpu.memory_space<semaphore_mem>>
      %dma_start3A_213 = arith.constant 0 : i32
      %dma_start3A_214 = arith.constant 0 : i32
      %dma_start3A_215 = tpu.memref_slice %arg6[%run_scoped3A_38, %dma_start3A_213, %dma_start3A_214] : memref<3x2x80xi32, #tpu.memory_space<vmem>> -> memref<1x2x80xi32, #tpu.memory_space<vmem>>
      %dma_start3A_216 = tpu.memref_squeeze %dma_start3A_215 : memref<1x2x80xi32, #tpu.memory_space<vmem>> -> memref<2x80xi32, #tpu.memory_space<vmem>>
      %dma_start3A_217 = arith.constant 0 : i32
      %dma_start3A_218 = arith.constant 0 : i32
      %dma_start3A_219 = tpu.memref_slice %arg3[%add3A, %run_scoped3A_37, %dma_start3A_217, %dma_start3A_218] : memref<32x126x2x80xi32, #tpu.memory_space<hbm>> -> memref<1x1x2x80xi32, #tpu.memory_space<hbm>>
      %dma_start3A_220 = tpu.memref_squeeze %dma_start3A_219 : memref<1x1x2x80xi32, #tpu.memory_space<hbm>> -> memref<2x80xi32, #tpu.memory_space<hbm>>
      %dma_start3A_221 = arith.constant 0 : i32
      %dma_start3A_222 = arith.constant 0 : i32
      %dma_start3A_223 = tpu.memref_slice %arg6[%run_scoped3A_38, %dma_start3A_221, %dma_start3A_222] : memref<3x2x80xi32, #tpu.memory_space<vmem>> -> memref<1x2x80xi32, #tpu.memory_space<vmem>>
      %dma_start3A_224 = tpu.memref_squeeze %dma_start3A_223 : memref<1x2x80xi32, #tpu.memory_space<vmem>> -> memref<2x80xi32, #tpu.memory_space<vmem>>
      %dma_start3A_225 = arith.constant 0 : i32
      %dma_start3A_226 = arith.constant 0 : i32
      %dma_start3A_227 = tpu.memref_slice %arg3[%add3A, %run_scoped3A_37, %dma_start3A_225, %dma_start3A_226] : memref<32x126x2x80xi32, #tpu.memory_space<hbm>> -> memref<1x1x2x80xi32, #tpu.memory_space<hbm>>
      %dma_start3A_228 = tpu.memref_squeeze %dma_start3A_227 : memref<1x1x2x80xi32, #tpu.memory_space<hbm>> -> memref<2x80xi32, #tpu.memory_space<hbm>>
      tpu.enqueue_dma source(%dma_start3A_228 : memref<2x80xi32, #tpu.memory_space<hbm>>) target(%dma_start3A_224 : memref<2x80xi32, #tpu.memory_space<vmem>>) target_semaphore(%run_scoped3A_212 : memref<!tpu.dma_semaphore, #tpu.memory_space<semaphore_mem>>)
      %dma_wait3A_229 = arith.constant 0 : i32
      %dma_wait3A_230 = arith.constant 0 : i32
      %dma_wait3A_231 = tpu.memref_slice %arg6[%run_scoped3A_38, %dma_wait3A_229, %dma_wait3A_230] : memref<3x2x80xi32, #tpu.memory_space<vmem>> -> memref<1x2x80xi32, #tpu.memory_space<vmem>>
      %dma_wait3A_232 = tpu.memref_squeeze %dma_wait3A_231 : memref<1x2x80xi32, #tpu.memory_space<vmem>> -> memref<2x80xi32, #tpu.memory_space<vmem>>
      %dma_wait3A_233 = arith.constant 0 : i32
      %dma_wait3A_234 = arith.constant 0 : i32
      %dma_wait3A_235 = tpu.memref_slice %arg3[%add3A, %run_scoped3A_37, %dma_wait3A_233, %dma_wait3A_234] : memref<32x126x2x80xi32, #tpu.memory_space<hbm>> -> memref<1x1x2x80xi32, #tpu.memory_space<hbm>>
      %dma_wait3A_236 = tpu.memref_squeeze %dma_wait3A_235 : memref<1x1x2x80xi32, #tpu.memory_space<hbm>> -> memref<2x80xi32, #tpu.memory_space<hbm>>
      %dma_wait3A_237 = arith.constant 0 : i32
      %dma_wait3A_238 = arith.constant 0 : i32
      %dma_wait3A_239 = tpu.memref_slice %arg6[%run_scoped3A_38, %dma_wait3A_237, %dma_wait3A_238] : memref<3x2x80xi32, #tpu.memory_space<vmem>> -> memref<1x2x80xi32, #tpu.memory_space<vmem>>
      %dma_wait3A_240 = tpu.memref_squeeze %dma_wait3A_239 : memref<1x2x80xi32, #tpu.memory_space<vmem>> -> memref<2x80xi32, #tpu.memory_space<vmem>>
      %dma_wait3A_241 = arith.constant 0 : i32
      %dma_wait3A_242 = arith.constant 0 : i32
      %dma_wait3A_243 = tpu.memref_slice %arg3[%add3A, %run_scoped3A_37, %dma_wait3A_241, %dma_wait3A_242] : memref<32x126x2x80xi32, #tpu.memory_space<hbm>> -> memref<1x1x2x80xi32, #tpu.memory_space<hbm>>
      %dma_wait3A_244 = tpu.memref_squeeze %dma_wait3A_243 : memref<1x1x2x80xi32, #tpu.memory_space<hbm>> -> memref<2x80xi32, #tpu.memory_space<hbm>>
      tpu.wait_dma2 semaphore(%run_scoped3A_212 : memref<!tpu.dma_semaphore, #tpu.memory_space<semaphore_mem>>) src(%dma_wait3A_244 : memref<2x80xi32, #tpu.memory_space<hbm>>) dst(%dma_wait3A_240 : memref<2x80xi32, #tpu.memory_space<vmem>>)
      tpu.yield
    }) : () -> ()
    %run_scoped3A_39 = arith.constant 2 : i32
    %run_scoped3A_40 = arith.constant 2 : i32
    "tpu.region"() ({
      %run_scoped3A_212 = tpu.sem_alloc : memref<!tpu.dma_semaphore, #tpu.memory_space<semaphore_mem>>
      %dma_start3A_213 = arith.constant 0 : i32
      %dma_start3A_214 = arith.constant 0 : i32
      %dma_start3A_215 = tpu.memref_slice %arg6[%run_scoped3A_40, %dma_start3A_213, %dma_start3A_214] : memref<3x2x80xi32, #tpu.memory_space<vmem>> -> memref<1x2x80xi32, #tpu.memory_space<vmem>>
      %dma_start3A_216 = tpu.memref_squeeze %dma_start3A_215 : memref<1x2x80xi32, #tpu.memory_space<vmem>> -> memref<2x80xi32, #tpu.memory_space<vmem>>
      %dma_start3A_217 = arith.constant 0 : i32
      %dma_start3A_218 = arith.constant 0 : i32
      %dma_start3A_219 = tpu.memref_slice %arg3[%add3A, %run_scoped3A_39, %dma_start3A_217, %dma_start3A_218] : memref<32x126x2x80xi32, #tpu.memory_space<hbm>> -> memref<1x1x2x80xi32, #tpu.memory_space<hbm>>
      %dma_start3A_220 = tpu.memref_squeeze %dma_start3A_219 : memref<1x1x2x80xi32, #tpu.memory_space<hbm>> -> memref<2x80xi32, #tpu.memory_space<hbm>>
      %dma_start3A_221 = arith.constant 0 : i32
      %dma_start3A_222 = arith.constant 0 : i32
      %dma_start3A_223 = tpu.memref_slice %arg6[%run_scoped3A_40, %dma_start3A_221, %dma_start3A_222] : memref<3x2x80xi32, #tpu.memory_space<vmem>> -> memref<1x2x80xi32, #tpu.memory_space<vmem>>
      %dma_start3A_224 = tpu.memref_squeeze %dma_start3A_223 : memref<1x2x80xi32, #tpu.memory_space<vmem>> -> memref<2x80xi32, #tpu.memory_space<vmem>>
      %dma_start3A_225 = arith.constant 0 : i32
      %dma_start3A_226 = arith.constant 0 : i32
      %dma_start3A_227 = tpu.memref_slice %arg3[%add3A, %run_scoped3A_39, %dma_start3A_225, %dma_start3A_226] : memref<32x126x2x80xi32, #tpu.memory_space<hbm>> -> memref<1x1x2x80xi32, #tpu.memory_space<hbm>>
      %dma_start3A_228 = tpu.memref_squeeze %dma_start3A_227 : memref<1x1x2x80xi32, #tpu.memory_space<hbm>> -> memref<2x80xi32, #tpu.memory_space<hbm>>
      tpu.enqueue_dma source(%dma_start3A_228 : memref<2x80xi32, #tpu.memory_space<hbm>>) target(%dma_start3A_224 : memref<2x80xi32, #tpu.memory_space<vmem>>) target_semaphore(%run_scoped3A_212 : memref<!tpu.dma_semaphore, #tpu.memory_space<semaphore_mem>>)
      %dma_wait3A_229 = arith.constant 0 : i32
      %dma_wait3A_230 = arith.constant 0 : i32
      %dma_wait3A_231 = tpu.memref_slice %arg6[%run_scoped3A_40, %dma_wait3A_229, %dma_wait3A_230] : memref<3x2x80xi32, #tpu.memory_space<vmem>> -> memref<1x2x80xi32, #tpu.memory_space<vmem>>
      %dma_wait3A_232 = tpu.memref_squeeze %dma_wait3A_231 : memref<1x2x80xi32, #tpu.memory_space<vmem>> -> memref<2x80xi32, #tpu.memory_space<vmem>>
      %dma_wait3A_233 = arith.constant 0 : i32
      %dma_wait3A_234 = arith.constant 0 : i32
      %dma_wait3A_235 = tpu.memref_slice %arg3[%add3A, %run_scoped3A_39, %dma_wait3A_233, %dma_wait3A_234] : memref<32x126x2x80xi32, #tpu.memory_space<hbm>> -> memref<1x1x2x80xi32, #tpu.memory_space<hbm>>
      %dma_wait3A_236 = tpu.memref_squeeze %dma_wait3A_235 : memref<1x1x2x80xi32, #tpu.memory_space<hbm>> -> memref<2x80xi32, #tpu.memory_space<hbm>>
      %dma_wait3A_237 = arith.constant 0 : i32
      %dma_wait3A_238 = arith.constant 0 : i32
      %dma_wait3A_239 = tpu.memref_slice %arg6[%run_scoped3A_40, %dma_wait3A_237, %dma_wait3A_238] : memref<3x2x80xi32, #tpu.memory_space<vmem>> -> memref<1x2x80xi32, #tpu.memory_space<vmem>>
      %dma_wait3A_240 = tpu.memref_squeeze %dma_wait3A_239 : memref<1x2x80xi32, #tpu.memory_space<vmem>> -> memref<2x80xi32, #tpu.memory_space<vmem>>
      %dma_wait3A_241 = arith.constant 0 : i32
      %dma_wait3A_242 = arith.constant 0 : i32
      %dma_wait3A_243 = tpu.memref_slice %arg3[%add3A, %run_scoped3A_39, %dma_wait3A_241, %dma_wait3A_242] : memref<32x126x2x80xi32, #tpu.memory_space<hbm>> -> memref<1x1x2x80xi32, #tpu.memory_space<hbm>>
      %dma_wait3A_244 = tpu.memref_squeeze %dma_wait3A_243 : memref<1x1x2x80xi32, #tpu.memory_space<hbm>> -> memref<2x80xi32, #tpu.memory_space<hbm>>
      tpu.wait_dma2 semaphore(%run_scoped3A_212 : memref<!tpu.dma_semaphore, #tpu.memory_space<semaphore_mem>>) src(%dma_wait3A_244 : memref<2x80xi32, #tpu.memory_space<hbm>>) dst(%dma_wait3A_240 : memref<2x80xi32, #tpu.memory_space<vmem>>)
      tpu.yield
    }) : () -> ()
    %dma_start3A = arith.constant 0 : i32
    %dma_start3A_41 = arith.constant 0 : i32
    %dma_start3A_42 = arith.constant 0 : i32
    %dma_start3A_43 = arith.constant 0 : i32
    %dma_start3A_44 = arith.constant 0 : i32
    %dma_start3A_45 = tpu.memref_slice %arg8[%dma_start3A_42, %dma_start3A_43, %dma_start3A_44] : memref<3x80x128xf32, #tpu.memory_space<vmem>> -> memref<1x80x128xf32, #tpu.memory_space<vmem>>
    %dma_start3A_46 = tpu.memref_squeeze %dma_start3A_45 : memref<1x80x128xf32, #tpu.memory_space<vmem>> -> memref<80x128xf32, #tpu.memory_space<vmem>>
    %dma_start3A_47 = arith.constant 0 : i32
    %dma_start3A_48 = tpu.memref_slice %arg6[%dma_start3A, %dma_start3A_41, %dma_start3A_47] : memref<3x2x80xi32, #tpu.memory_space<vmem>> -> memref<1x1x80xi32, #tpu.memory_space<vmem>>
    %dma_start3A_49 = tpu.memref_squeeze %dma_start3A_48 : memref<1x1x80xi32, #tpu.memory_space<vmem>> -> memref<80xi32, #tpu.memory_space<vmem>>
    %dma_start3A_50 = arith.constant 0 : i32
    %dma_start3A_51 = arith.constant 0 : i32
    %dma_start3A_52 = tpu.memref_slice %arg2[%dma_start3A_50, %dma_start3A_51] : memref<10000x128xf32, #tpu.memory_space<hbm>> -> memref<10000x128xf32, #tpu.memory_space<hbm>>
    tpu.enqueue_indirect_dma source(%dma_start3A_52 : memref<10000x128xf32, #tpu.memory_space<hbm>>) target(%dma_start3A_46 : memref<80x128xf32, #tpu.memory_space<vmem>>) offsets(%dma_start3A_49 : memref<80xi32, #tpu.memory_space<vmem>>) semaphore(%arg10 : memref<!tpu.dma_semaphore, #tpu.memory_space<semaphore_mem>>)
    %dma_start3A_53 = arith.constant 1 : i32
    %dma_start3A_54 = arith.constant 0 : i32
    %dma_start3A_55 = arith.constant 1 : i32
    %dma_start3A_56 = arith.constant 0 : i32
    %dma_start3A_57 = arith.constant 0 : i32
    %dma_start3A_58 = tpu.memref_slice %arg8[%dma_start3A_55, %dma_start3A_56, %dma_start3A_57] : memref<3x80x128xf32, #tpu.memory_space<vmem>> -> memref<1x80x128xf32, #tpu.memory_space<vmem>>
    %dma_start3A_59 = tpu.memref_squeeze %dma_start3A_58 : memref<1x80x128xf32, #tpu.memory_space<vmem>> -> memref<80x128xf32, #tpu.memory_space<vmem>>
    %dma_start3A_60 = arith.constant 0 : i32
    %dma_start3A_61 = tpu.memref_slice %arg6[%dma_start3A_53, %dma_start3A_54, %dma_start3A_60] : memref<3x2x80xi32, #tpu.memory_space<vmem>> -> memref<1x1x80xi32, #tpu.memory_space<vmem>>
    %dma_start3A_62 = tpu.memref_squeeze %dma_start3A_61 : memref<1x1x80xi32, #tpu.memory_space<vmem>> -> memref<80xi32, #tpu.memory_space<vmem>>
    %dma_start3A_63 = arith.constant 0 : i32
    %dma_start3A_64 = arith.constant 0 : i32
    %dma_start3A_65 = tpu.memref_slice %arg2[%dma_start3A_63, %dma_start3A_64] : memref<10000x128xf32, #tpu.memory_space<hbm>> -> memref<10000x128xf32, #tpu.memory_space<hbm>>
    tpu.enqueue_indirect_dma source(%dma_start3A_65 : memref<10000x128xf32, #tpu.memory_space<hbm>>) target(%dma_start3A_59 : memref<80x128xf32, #tpu.memory_space<vmem>>) offsets(%dma_start3A_62 : memref<80xi32, #tpu.memory_space<vmem>>) semaphore(%arg11 : memref<!tpu.dma_semaphore, #tpu.memory_space<semaphore_mem>>)
    %dma_wait3A = arith.constant 0 : i32
    %dma_wait3A_66 = arith.constant 0 : i32
    %dma_wait3A_67 = arith.constant 0 : i32
    %dma_wait3A_68 = arith.constant 0 : i32
    %dma_wait3A_69 = arith.constant 0 : i32
    %dma_wait3A_70 = tpu.memref_slice %arg8[%dma_wait3A_67, %dma_wait3A_68, %dma_wait3A_69] : memref<3x80x128xf32, #tpu.memory_space<vmem>> -> memref<1x80x128xf32, #tpu.memory_space<vmem>>
    %dma_wait3A_71 = tpu.memref_squeeze %dma_wait3A_70 : memref<1x80x128xf32, #tpu.memory_space<vmem>> -> memref<80x128xf32, #tpu.memory_space<vmem>>
    %dma_wait3A_72 = arith.constant 0 : i32
    %dma_wait3A_73 = tpu.memref_slice %arg6[%dma_wait3A, %dma_wait3A_66, %dma_wait3A_72] : memref<3x2x80xi32, #tpu.memory_space<vmem>> -> memref<1x1x80xi32, #tpu.memory_space<vmem>>
    %dma_wait3A_74 = tpu.memref_squeeze %dma_wait3A_73 : memref<1x1x80xi32, #tpu.memory_space<vmem>> -> memref<80xi32, #tpu.memory_space<vmem>>
    %dma_wait3A_75 = arith.constant 0 : i32
    %dma_wait3A_76 = arith.constant 0 : i32
    %dma_wait3A_77 = tpu.memref_slice %arg2[%dma_wait3A_75, %dma_wait3A_76] : memref<10000x128xf32, #tpu.memory_space<hbm>> -> memref<10000x128xf32, #tpu.memory_space<hbm>>
    tpu.wait_indirect_dma semaphore(%arg10 : memref<!tpu.dma_semaphore, #tpu.memory_space<semaphore_mem>>) src(%dma_wait3A_77 : memref<10000x128xf32, #tpu.memory_space<hbm>>) dst(%dma_wait3A_71 : memref<80x128xf32, #tpu.memory_space<vmem>>)
    %dma_start3A_78 = arith.constant 2 : i32
    %dma_start3A_79 = arith.constant 0 : i32
    %dma_start3A_80 = arith.constant 2 : i32
    %dma_start3A_81 = arith.constant 0 : i32
    %dma_start3A_82 = arith.constant 0 : i32
    %dma_start3A_83 = tpu.memref_slice %arg8[%dma_start3A_80, %dma_start3A_81, %dma_start3A_82] : memref<3x80x128xf32, #tpu.memory_space<vmem>> -> memref<1x80x128xf32, #tpu.memory_space<vmem>>
    %dma_start3A_84 = tpu.memref_squeeze %dma_start3A_83 : memref<1x80x128xf32, #tpu.memory_space<vmem>> -> memref<80x128xf32, #tpu.memory_space<vmem>>
    %dma_start3A_85 = arith.constant 0 : i32
    %dma_start3A_86 = tpu.memref_slice %arg6[%dma_start3A_78, %dma_start3A_79, %dma_start3A_85] : memref<3x2x80xi32, #tpu.memory_space<vmem>> -> memref<1x1x80xi32, #tpu.memory_space<vmem>>
    %dma_start3A_87 = tpu.memref_squeeze %dma_start3A_86 : memref<1x1x80xi32, #tpu.memory_space<vmem>> -> memref<80xi32, #tpu.memory_space<vmem>>
    %dma_start3A_88 = arith.constant 0 : i32
    %dma_start3A_89 = arith.constant 0 : i32
    %dma_start3A_90 = tpu.memref_slice %arg2[%dma_start3A_88, %dma_start3A_89] : memref<10000x128xf32, #tpu.memory_space<hbm>> -> memref<10000x128xf32, #tpu.memory_space<hbm>>
    tpu.enqueue_indirect_dma source(%dma_start3A_90 : memref<10000x128xf32, #tpu.memory_space<hbm>>) target(%dma_start3A_84 : memref<80x128xf32, #tpu.memory_space<vmem>>) offsets(%dma_start3A_87 : memref<80xi32, #tpu.memory_space<vmem>>) semaphore(%arg12 : memref<!tpu.dma_semaphore, #tpu.memory_space<semaphore_mem>>)
    %dma_wait3A_91 = arith.constant 1 : i32
    %dma_wait3A_92 = arith.constant 0 : i32
    %dma_wait3A_93 = arith.constant 1 : i32
    %dma_wait3A_94 = arith.constant 0 : i32
    %dma_wait3A_95 = arith.constant 0 : i32
    %dma_wait3A_96 = tpu.memref_slice %arg8[%dma_wait3A_93, %dma_wait3A_94, %dma_wait3A_95] : memref<3x80x128xf32, #tpu.memory_space<vmem>> -> memref<1x80x128xf32, #tpu.memory_space<vmem>>
    %dma_wait3A_97 = tpu.memref_squeeze %dma_wait3A_96 : memref<1x80x128xf32, #tpu.memory_space<vmem>> -> memref<80x128xf32, #tpu.memory_space<vmem>>
    %dma_wait3A_98 = arith.constant 0 : i32
    %dma_wait3A_99 = tpu.memref_slice %arg6[%dma_wait3A_91, %dma_wait3A_92, %dma_wait3A_98] : memref<3x2x80xi32, #tpu.memory_space<vmem>> -> memref<1x1x80xi32, #tpu.memory_space<vmem>>
    %dma_wait3A_100 = tpu.memref_squeeze %dma_wait3A_99 : memref<1x1x80xi32, #tpu.memory_space<vmem>> -> memref<80xi32, #tpu.memory_space<vmem>>
    %dma_wait3A_101 = arith.constant 0 : i32
    %dma_wait3A_102 = arith.constant 0 : i32
    %dma_wait3A_103 = tpu.memref_slice %arg2[%dma_wait3A_101, %dma_wait3A_102] : memref<10000x128xf32, #tpu.memory_space<hbm>> -> memref<10000x128xf32, #tpu.memory_space<hbm>>
    tpu.wait_indirect_dma semaphore(%arg11 : memref<!tpu.dma_semaphore, #tpu.memory_space<semaphore_mem>>) src(%dma_wait3A_103 : memref<10000x128xf32, #tpu.memory_space<hbm>>) dst(%dma_wait3A_97 : memref<80x128xf32, #tpu.memory_space<vmem>>)
    %dma_start3A_104 = arith.constant 0 : i32
    %dma_start3A_105 = arith.constant 0 : i32
    %dma_start3A_106 = arith.constant 0 : i32
    %dma_start3A_107 = arith.constant 0 : i32
    %dma_start3A_108 = arith.constant 0 : i32
    %dma_start3A_109 = tpu.memref_slice %arg8[%dma_start3A_106, %dma_start3A_107, %dma_start3A_108] : memref<3x80x128xf32, #tpu.memory_space<vmem>> -> memref<1x80x128xf32, #tpu.memory_space<vmem>>
    %dma_start3A_110 = tpu.memref_squeeze %dma_start3A_109 : memref<1x80x128xf32, #tpu.memory_space<vmem>> -> memref<80x128xf32, #tpu.memory_space<vmem>>
    %dma_start3A_111 = arith.constant 0 : i32
    %dma_start3A_112 = tpu.memref_slice %arg6[%dma_start3A_104, %dma_start3A_105, %dma_start3A_111] : memref<3x2x80xi32, #tpu.memory_space<vmem>> -> memref<1x1x80xi32, #tpu.memory_space<vmem>>
    %dma_start3A_113 = tpu.memref_squeeze %dma_start3A_112 : memref<1x1x80xi32, #tpu.memory_space<vmem>> -> memref<80xi32, #tpu.memory_space<vmem>>
    %dma_start3A_114 = arith.constant 0 : i32
    %dma_start3A_115 = arith.constant 0 : i32
    %dma_start3A_116 = tpu.memref_slice %arg2[%dma_start3A_114, %dma_start3A_115] : memref<10000x128xf32, #tpu.memory_space<hbm>> -> memref<10000x128xf32, #tpu.memory_space<hbm>>
    tpu.enqueue_indirect_dma source(%dma_start3A_116 : memref<10000x128xf32, #tpu.memory_space<hbm>>) target(%dma_start3A_110 : memref<80x128xf32, #tpu.memory_space<vmem>>) offsets(%dma_start3A_113 : memref<80xi32, #tpu.memory_space<vmem>>) semaphore(%arg10 : memref<!tpu.dma_semaphore, #tpu.memory_space<semaphore_mem>>)
    %dma_wait3A_117 = arith.constant 2 : i32
    %dma_wait3A_118 = arith.constant 0 : i32
    %dma_wait3A_119 = arith.constant 2 : i32
    %dma_wait3A_120 = arith.constant 0 : i32
    %dma_wait3A_121 = arith.constant 0 : i32
    %dma_wait3A_122 = tpu.memref_slice %arg8[%dma_wait3A_119, %dma_wait3A_120, %dma_wait3A_121] : memref<3x80x128xf32, #tpu.memory_space<vmem>> -> memref<1x80x128xf32, #tpu.memory_space<vmem>>
    %dma_wait3A_123 = tpu.memref_squeeze %dma_wait3A_122 : memref<1x80x128xf32, #tpu.memory_space<vmem>> -> memref<80x128xf32, #tpu.memory_space<vmem>>
    %dma_wait3A_124 = arith.constant 0 : i32
    %dma_wait3A_125 = tpu.memref_slice %arg6[%dma_wait3A_117, %dma_wait3A_118, %dma_wait3A_124] : memref<3x2x80xi32, #tpu.memory_space<vmem>> -> memref<1x1x80xi32, #tpu.memory_space<vmem>>
    %dma_wait3A_126 = tpu.memref_squeeze %dma_wait3A_125 : memref<1x1x80xi32, #tpu.memory_space<vmem>> -> memref<80xi32, #tpu.memory_space<vmem>>
    %dma_wait3A_127 = arith.constant 0 : i32
    %dma_wait3A_128 = arith.constant 0 : i32
    %dma_wait3A_129 = tpu.memref_slice %arg2[%dma_wait3A_127, %dma_wait3A_128] : memref<10000x128xf32, #tpu.memory_space<hbm>> -> memref<10000x128xf32, #tpu.memory_space<hbm>>
    tpu.wait_indirect_dma semaphore(%arg12 : memref<!tpu.dma_semaphore, #tpu.memory_space<semaphore_mem>>) src(%dma_wait3A_129 : memref<10000x128xf32, #tpu.memory_space<hbm>>) dst(%dma_wait3A_123 : memref<80x128xf32, #tpu.memory_space<vmem>>)
    %dma_start3A_130 = arith.constant 1 : i32
    %dma_start3A_131 = arith.constant 0 : i32
    %dma_start3A_132 = arith.constant 1 : i32
    %dma_start3A_133 = arith.constant 0 : i32
    %dma_start3A_134 = arith.constant 0 : i32
    %dma_start3A_135 = tpu.memref_slice %arg8[%dma_start3A_132, %dma_start3A_133, %dma_start3A_134] : memref<3x80x128xf32, #tpu.memory_space<vmem>> -> memref<1x80x128xf32, #tpu.memory_space<vmem>>
    %dma_start3A_136 = tpu.memref_squeeze %dma_start3A_135 : memref<1x80x128xf32, #tpu.memory_space<vmem>> -> memref<80x128xf32, #tpu.memory_space<vmem>>
    %dma_start3A_137 = arith.constant 0 : i32
    %dma_start3A_138 = tpu.memref_slice %arg6[%dma_start3A_130, %dma_start3A_131, %dma_start3A_137] : memref<3x2x80xi32, #tpu.memory_space<vmem>> -> memref<1x1x80xi32, #tpu.memory_space<vmem>>
    %dma_start3A_139 = tpu.memref_squeeze %dma_start3A_138 : memref<1x1x80xi32, #tpu.memory_space<vmem>> -> memref<80xi32, #tpu.memory_space<vmem>>
    %dma_start3A_140 = arith.constant 0 : i32
    %dma_start3A_141 = arith.constant 0 : i32
    %dma_start3A_142 = tpu.memref_slice %arg2[%dma_start3A_140, %dma_start3A_141] : memref<10000x128xf32, #tpu.memory_space<hbm>> -> memref<10000x128xf32, #tpu.memory_space<hbm>>
    tpu.enqueue_indirect_dma source(%dma_start3A_142 : memref<10000x128xf32, #tpu.memory_space<hbm>>) target(%dma_start3A_136 : memref<80x128xf32, #tpu.memory_space<vmem>>) offsets(%dma_start3A_139 : memref<80xi32, #tpu.memory_space<vmem>>) semaphore(%arg11 : memref<!tpu.dma_semaphore, #tpu.memory_space<semaphore_mem>>)
    %scan3A_143 = arith.constant 0 : i32
    %scan3A_144 = arith.constant 1 : i32
    %scan3A_145 = arith.constant 40 : i32
    %scan3A_146 = arith.addi %scan3A_144, %scan3A_145 : i32
    %scan3A_147 = arith.constant 1 : i32
    scf.for %scan3A_212 = %scan3A_144 to %scan3A_146 step %scan3A_147  : i32 {
      %mul3A_213 = arith.constant 3 : i32
      %mul3A_214 = arith.muli %mul3A_213, %scan3A_212 : i32
      %add3A_215 = arith.constant 0 : i32
      %add3A_216 = arith.addi %mul3A_214, %add3A_215 : i32
      %dma_wait3A_217 = arith.constant 0 : i32
      %dma_wait3A_218 = arith.constant 0 : i32
      %dma_wait3A_219 = arith.constant 0 : i32
      %dma_wait3A_220 = arith.constant 0 : i32
      %dma_wait3A_221 = arith.constant 0 : i32
      %dma_wait3A_222 = tpu.memref_slice %arg8[%dma_wait3A_219, %dma_wait3A_220, %dma_wait3A_221] : memref<3x80x128xf32, #tpu.memory_space<vmem>> -> memref<1x80x128xf32, #tpu.memory_space<vmem>>
      %dma_wait3A_223 = tpu.memref_squeeze %dma_wait3A_222 : memref<1x80x128xf32, #tpu.memory_space<vmem>> -> memref<80x128xf32, #tpu.memory_space<vmem>>
      %dma_wait3A_224 = arith.constant 0 : i32
      %dma_wait3A_225 = tpu.memref_slice %arg6[%dma_wait3A_217, %dma_wait3A_218, %dma_wait3A_224] : memref<3x2x80xi32, #tpu.memory_space<vmem>> -> memref<1x1x80xi32, #tpu.memory_space<vmem>>
      %dma_wait3A_226 = tpu.memref_squeeze %dma_wait3A_225 : memref<1x1x80xi32, #tpu.memory_space<vmem>> -> memref<80xi32, #tpu.memory_space<vmem>>
      %dma_wait3A_227 = arith.constant 0 : i32
      %dma_wait3A_228 = arith.constant 0 : i32
      %dma_wait3A_229 = tpu.memref_slice %arg2[%dma_wait3A_227, %dma_wait3A_228] : memref<10000x128xf32, #tpu.memory_space<hbm>> -> memref<10000x128xf32, #tpu.memory_space<hbm>>
      tpu.wait_indirect_dma semaphore(%arg10 : memref<!tpu.dma_semaphore, #tpu.memory_space<semaphore_mem>>) src(%dma_wait3A_229 : memref<10000x128xf32, #tpu.memory_space<hbm>>) dst(%dma_wait3A_223 : memref<80x128xf32, #tpu.memory_space<vmem>>)
      %add3A_230 = arith.constant 2 : i32
      %add3A_231 = arith.addi %add3A_216, %add3A_230 : i32
      %dma_start3A_232 = arith.constant 2 : i32
      %dma_start3A_233 = arith.constant 0 : i32
      %dma_start3A_234 = arith.constant 2 : i32
      %dma_start3A_235 = arith.constant 0 : i32
      %dma_start3A_236 = arith.constant 0 : i32
      %dma_start3A_237 = tpu.memref_slice %arg8[%dma_start3A_234, %dma_start3A_235, %dma_start3A_236] : memref<3x80x128xf32, #tpu.memory_space<vmem>> -> memref<1x80x128xf32, #tpu.memory_space<vmem>>
      %dma_start3A_238 = tpu.memref_squeeze %dma_start3A_237 : memref<1x80x128xf32, #tpu.memory_space<vmem>> -> memref<80x128xf32, #tpu.memory_space<vmem>>
      %dma_start3A_239 = arith.constant 0 : i32
      %dma_start3A_240 = tpu.memref_slice %arg6[%dma_start3A_232, %dma_start3A_233, %dma_start3A_239] : memref<3x2x80xi32, #tpu.memory_space<vmem>> -> memref<1x1x80xi32, #tpu.memory_space<vmem>>
      %dma_start3A_241 = tpu.memref_squeeze %dma_start3A_240 : memref<1x1x80xi32, #tpu.memory_space<vmem>> -> memref<80xi32, #tpu.memory_space<vmem>>
      %dma_start3A_242 = arith.constant 0 : i32
      %dma_start3A_243 = arith.constant 0 : i32
      %dma_start3A_244 = tpu.memref_slice %arg2[%dma_start3A_242, %dma_start3A_243] : memref<10000x128xf32, #tpu.memory_space<hbm>> -> memref<10000x128xf32, #tpu.memory_space<hbm>>
      tpu.enqueue_indirect_dma source(%dma_start3A_244 : memref<10000x128xf32, #tpu.memory_space<hbm>>) target(%dma_start3A_238 : memref<80x128xf32, #tpu.memory_space<vmem>>) offsets(%dma_start3A_241 : memref<80xi32, #tpu.memory_space<vmem>>) semaphore(%arg12 : memref<!tpu.dma_semaphore, #tpu.memory_space<semaphore_mem>>)
      %add3A_245 = arith.constant 1 : i32
      %add3A_246 = arith.addi %mul3A_214, %add3A_245 : i32
      %dma_wait3A_247 = arith.constant 1 : i32
      %dma_wait3A_248 = arith.constant 0 : i32
      %dma_wait3A_249 = arith.constant 1 : i32
      %dma_wait3A_250 = arith.constant 0 : i32
      %dma_wait3A_251 = arith.constant 0 : i32
      %dma_wait3A_252 = tpu.memref_slice %arg8[%dma_wait3A_249, %dma_wait3A_250, %dma_wait3A_251] : memref<3x80x128xf32, #tpu.memory_space<vmem>> -> memref<1x80x128xf32, #tpu.memory_space<vmem>>
      %dma_wait3A_253 = tpu.memref_squeeze %dma_wait3A_252 : memref<1x80x128xf32, #tpu.memory_space<vmem>> -> memref<80x128xf32, #tpu.memory_space<vmem>>
      %dma_wait3A_254 = arith.constant 0 : i32
      %dma_wait3A_255 = tpu.memref_slice %arg6[%dma_wait3A_247, %dma_wait3A_248, %dma_wait3A_254] : memref<3x2x80xi32, #tpu.memory_space<vmem>> -> memref<1x1x80xi32, #tpu.memory_space<vmem>>
      %dma_wait3A_256 = tpu.memref_squeeze %dma_wait3A_255 : memref<1x1x80xi32, #tpu.memory_space<vmem>> -> memref<80xi32, #tpu.memory_space<vmem>>
      %dma_wait3A_257 = arith.constant 0 : i32
      %dma_wait3A_258 = arith.constant 0 : i32
      %dma_wait3A_259 = tpu.memref_slice %arg2[%dma_wait3A_257, %dma_wait3A_258] : memref<10000x128xf32, #tpu.memory_space<hbm>> -> memref<10000x128xf32, #tpu.memory_space<hbm>>
      tpu.wait_indirect_dma semaphore(%arg11 : memref<!tpu.dma_semaphore, #tpu.memory_space<semaphore_mem>>) src(%dma_wait3A_259 : memref<10000x128xf32, #tpu.memory_space<hbm>>) dst(%dma_wait3A_253 : memref<80x128xf32, #tpu.memory_space<vmem>>)
      %add3A_260 = arith.constant 2 : i32
      %add3A_261 = arith.addi %add3A_246, %add3A_260 : i32
      %dma_start3A_262 = arith.constant 0 : i32
      %dma_start3A_263 = arith.constant 0 : i32
      %dma_start3A_264 = arith.constant 0 : i32
      %dma_start3A_265 = arith.constant 0 : i32
      %dma_start3A_266 = arith.constant 0 : i32
      %dma_start3A_267 = tpu.memref_slice %arg8[%dma_start3A_264, %dma_start3A_265, %dma_start3A_266] : memref<3x80x128xf32, #tpu.memory_space<vmem>> -> memref<1x80x128xf32, #tpu.memory_space<vmem>>
      %dma_start3A_268 = tpu.memref_squeeze %dma_start3A_267 : memref<1x80x128xf32, #tpu.memory_space<vmem>> -> memref<80x128xf32, #tpu.memory_space<vmem>>
      %dma_start3A_269 = arith.constant 0 : i32
      %dma_start3A_270 = tpu.memref_slice %arg6[%dma_start3A_262, %dma_start3A_263, %dma_start3A_269] : memref<3x2x80xi32, #tpu.memory_space<vmem>> -> memref<1x1x80xi32, #tpu.memory_space<vmem>>
      %dma_start3A_271 = tpu.memref_squeeze %dma_start3A_270 : memref<1x1x80xi32, #tpu.memory_space<vmem>> -> memref<80xi32, #tpu.memory_space<vmem>>
      %dma_start3A_272 = arith.constant 0 : i32
      %dma_start3A_273 = arith.constant 0 : i32
      %dma_start3A_274 = tpu.memref_slice %arg2[%dma_start3A_272, %dma_start3A_273] : memref<10000x128xf32, #tpu.memory_space<hbm>> -> memref<10000x128xf32, #tpu.memory_space<hbm>>
      tpu.enqueue_indirect_dma source(%dma_start3A_274 : memref<10000x128xf32, #tpu.memory_space<hbm>>) target(%dma_start3A_268 : memref<80x128xf32, #tpu.memory_space<vmem>>) offsets(%dma_start3A_271 : memref<80xi32, #tpu.memory_space<vmem>>) semaphore(%arg10 : memref<!tpu.dma_semaphore, #tpu.memory_space<semaphore_mem>>)
      %add3A_275 = arith.constant 2 : i32
      %add3A_276 = arith.addi %mul3A_214, %add3A_275 : i32
      %dma_wait3A_277 = arith.constant 2 : i32
      %dma_wait3A_278 = arith.constant 0 : i32
      %dma_wait3A_279 = arith.constant 2 : i32
      %dma_wait3A_280 = arith.constant 0 : i32
      %dma_wait3A_281 = arith.constant 0 : i32
      %dma_wait3A_282 = tpu.memref_slice %arg8[%dma_wait3A_279, %dma_wait3A_280, %dma_wait3A_281] : memref<3x80x128xf32, #tpu.memory_space<vmem>> -> memref<1x80x128xf32, #tpu.memory_space<vmem>>
      %dma_wait3A_283 = tpu.memref_squeeze %dma_wait3A_282 : memref<1x80x128xf32, #tpu.memory_space<vmem>> -> memref<80x128xf32, #tpu.memory_space<vmem>>
      %dma_wait3A_284 = arith.constant 0 : i32
      %dma_wait3A_285 = tpu.memref_slice %arg6[%dma_wait3A_277, %dma_wait3A_278, %dma_wait3A_284] : memref<3x2x80xi32, #tpu.memory_space<vmem>> -> memref<1x1x80xi32, #tpu.memory_space<vmem>>
      %dma_wait3A_286 = tpu.memref_squeeze %dma_wait3A_285 : memref<1x1x80xi32, #tpu.memory_space<vmem>> -> memref<80xi32, #tpu.memory_space<vmem>>
      %dma_wait3A_287 = arith.constant 0 : i32
      %dma_wait3A_288 = arith.constant 0 : i32
      %dma_wait3A_289 = tpu.memref_slice %arg2[%dma_wait3A_287, %dma_wait3A_288] : memref<10000x128xf32, #tpu.memory_space<hbm>> -> memref<10000x128xf32, #tpu.memory_space<hbm>>
      tpu.wait_indirect_dma semaphore(%arg12 : memref<!tpu.dma_semaphore, #tpu.memory_space<semaphore_mem>>) src(%dma_wait3A_289 : memref<10000x128xf32, #tpu.memory_space<hbm>>) dst(%dma_wait3A_283 : memref<80x128xf32, #tpu.memory_space<vmem>>)
      %add3A_290 = arith.constant 2 : i32
      %add3A_291 = arith.addi %add3A_276, %add3A_290 : i32
      %dma_start3A_292 = arith.constant 1 : i32
      %dma_start3A_293 = arith.constant 0 : i32
      %dma_start3A_294 = arith.constant 1 : i32
      %dma_start3A_295 = arith.constant 0 : i32
      %dma_start3A_296 = arith.constant 0 : i32
      %dma_start3A_297 = tpu.memref_slice %arg8[%dma_start3A_294, %dma_start3A_295, %dma_start3A_296] : memref<3x80x128xf32, #tpu.memory_space<vmem>> -> memref<1x80x128xf32, #tpu.memory_space<vmem>>
      %dma_start3A_298 = tpu.memref_squeeze %dma_start3A_297 : memref<1x80x128xf32, #tpu.memory_space<vmem>> -> memref<80x128xf32, #tpu.memory_space<vmem>>
      %dma_start3A_299 = arith.constant 0 : i32
      %dma_start3A_300 = tpu.memref_slice %arg6[%dma_start3A_292, %dma_start3A_293, %dma_start3A_299] : memref<3x2x80xi32, #tpu.memory_space<vmem>> -> memref<1x1x80xi32, #tpu.memory_space<vmem>>
      %dma_start3A_301 = tpu.memref_squeeze %dma_start3A_300 : memref<1x1x80xi32, #tpu.memory_space<vmem>> -> memref<80xi32, #tpu.memory_space<vmem>>
      %dma_start3A_302 = arith.constant 0 : i32
      %dma_start3A_303 = arith.constant 0 : i32
      %dma_start3A_304 = tpu.memref_slice %arg2[%dma_start3A_302, %dma_start3A_303] : memref<10000x128xf32, #tpu.memory_space<hbm>> -> memref<10000x128xf32, #tpu.memory_space<hbm>>
      tpu.enqueue_indirect_dma source(%dma_start3A_304 : memref<10000x128xf32, #tpu.memory_space<hbm>>) target(%dma_start3A_298 : memref<80x128xf32, #tpu.memory_space<vmem>>) offsets(%dma_start3A_301 : memref<80xi32, #tpu.memory_space<vmem>>) semaphore(%arg11 : memref<!tpu.dma_semaphore, #tpu.memory_space<semaphore_mem>>)
    }
    %scan3A_148 = arith.constant 40 : i32
    %dma_wait3A_149 = arith.constant 0 : i32
    %dma_wait3A_150 = arith.constant 0 : i32
    %dma_wait3A_151 = arith.constant 0 : i32
    %dma_wait3A_152 = arith.constant 0 : i32
    %dma_wait3A_153 = arith.constant 0 : i32
    %dma_wait3A_154 = tpu.memref_slice %arg8[%dma_wait3A_151, %dma_wait3A_152, %dma_wait3A_153] : memref<3x80x128xf32, #tpu.memory_space<vmem>> -> memref<1x80x128xf32, #tpu.memory_space<vmem>>
    %dma_wait3A_155 = tpu.memref_squeeze %dma_wait3A_154 : memref<1x80x128xf32, #tpu.memory_space<vmem>> -> memref<80x128xf32, #tpu.memory_space<vmem>>
    %dma_wait3A_156 = arith.constant 0 : i32
    %dma_wait3A_157 = tpu.memref_slice %arg6[%dma_wait3A_149, %dma_wait3A_150, %dma_wait3A_156] : memref<3x2x80xi32, #tpu.memory_space<vmem>> -> memref<1x1x80xi32, #tpu.memory_space<vmem>>
    %dma_wait3A_158 = tpu.memref_squeeze %dma_wait3A_157 : memref<1x1x80xi32, #tpu.memory_space<vmem>> -> memref<80xi32, #tpu.memory_space<vmem>>
    %dma_wait3A_159 = arith.constant 0 : i32
    %dma_wait3A_160 = arith.constant 0 : i32
    %dma_wait3A_161 = tpu.memref_slice %arg2[%dma_wait3A_159, %dma_wait3A_160] : memref<10000x128xf32, #tpu.memory_space<hbm>> -> memref<10000x128xf32, #tpu.memory_space<hbm>>
    tpu.wait_indirect_dma semaphore(%arg10 : memref<!tpu.dma_semaphore, #tpu.memory_space<semaphore_mem>>) src(%dma_wait3A_161 : memref<10000x128xf32, #tpu.memory_space<hbm>>) dst(%dma_wait3A_155 : memref<80x128xf32, #tpu.memory_space<vmem>>)
    %dma_start3A_162 = arith.constant 2 : i32
    %dma_start3A_163 = arith.constant 0 : i32
    %dma_start3A_164 = arith.constant 2 : i32
    %dma_start3A_165 = arith.constant 0 : i32
    %dma_start3A_166 = arith.constant 0 : i32
    %dma_start3A_167 = tpu.memref_slice %arg8[%dma_start3A_164, %dma_start3A_165, %dma_start3A_166] : memref<3x80x128xf32, #tpu.memory_space<vmem>> -> memref<1x80x128xf32, #tpu.memory_space<vmem>>
    %dma_start3A_168 = tpu.memref_squeeze %dma_start3A_167 : memref<1x80x128xf32, #tpu.memory_space<vmem>> -> memref<80x128xf32, #tpu.memory_space<vmem>>
    %dma_start3A_169 = arith.constant 0 : i32
    %dma_start3A_170 = tpu.memref_slice %arg6[%dma_start3A_162, %dma_start3A_163, %dma_start3A_169] : memref<3x2x80xi32, #tpu.memory_space<vmem>> -> memref<1x1x80xi32, #tpu.memory_space<vmem>>
    %dma_start3A_171 = tpu.memref_squeeze %dma_start3A_170 : memref<1x1x80xi32, #tpu.memory_space<vmem>> -> memref<80xi32, #tpu.memory_space<vmem>>
    %dma_start3A_172 = arith.constant 0 : i32
    %dma_start3A_173 = arith.constant 0 : i32
    %dma_start3A_174 = tpu.memref_slice %arg2[%dma_start3A_172, %dma_start3A_173] : memref<10000x128xf32, #tpu.memory_space<hbm>> -> memref<10000x128xf32, #tpu.memory_space<hbm>>
    tpu.enqueue_indirect_dma source(%dma_start3A_174 : memref<10000x128xf32, #tpu.memory_space<hbm>>) target(%dma_start3A_168 : memref<80x128xf32, #tpu.memory_space<vmem>>) offsets(%dma_start3A_171 : memref<80xi32, #tpu.memory_space<vmem>>) semaphore(%arg12 : memref<!tpu.dma_semaphore, #tpu.memory_space<semaphore_mem>>)
    %dma_wait3A_175 = arith.constant 1 : i32
    %dma_wait3A_176 = arith.constant 0 : i32
    %dma_wait3A_177 = arith.constant 1 : i32
    %dma_wait3A_178 = arith.constant 0 : i32
    %dma_wait3A_179 = arith.constant 0 : i32
    %dma_wait3A_180 = tpu.memref_slice %arg8[%dma_wait3A_177, %dma_wait3A_178, %dma_wait3A_179] : memref<3x80x128xf32, #tpu.memory_space<vmem>> -> memref<1x80x128xf32, #tpu.memory_space<vmem>>
    %dma_wait3A_181 = tpu.memref_squeeze %dma_wait3A_180 : memref<1x80x128xf32, #tpu.memory_space<vmem>> -> memref<80x128xf32, #tpu.memory_space<vmem>>
    %dma_wait3A_182 = arith.constant 0 : i32
    %dma_wait3A_183 = tpu.memref_slice %arg6[%dma_wait3A_175, %dma_wait3A_176, %dma_wait3A_182] : memref<3x2x80xi32, #tpu.memory_space<vmem>> -> memref<1x1x80xi32, #tpu.memory_space<vmem>>
    %dma_wait3A_184 = tpu.memref_squeeze %dma_wait3A_183 : memref<1x1x80xi32, #tpu.memory_space<vmem>> -> memref<80xi32, #tpu.memory_space<vmem>>
    %dma_wait3A_185 = arith.constant 0 : i32
    %dma_wait3A_186 = arith.constant 0 : i32
    %dma_wait3A_187 = tpu.memref_slice %arg2[%dma_wait3A_185, %dma_wait3A_186] : memref<10000x128xf32, #tpu.memory_space<hbm>> -> memref<10000x128xf32, #tpu.memory_space<hbm>>
    tpu.wait_indirect_dma semaphore(%arg11 : memref<!tpu.dma_semaphore, #tpu.memory_space<semaphore_mem>>) src(%dma_wait3A_187 : memref<10000x128xf32, #tpu.memory_space<hbm>>) dst(%dma_wait3A_181 : memref<80x128xf32, #tpu.memory_space<vmem>>)
    %dma_wait3A_188 = arith.constant 2 : i32
    %dma_wait3A_189 = arith.constant 0 : i32
    %dma_wait3A_190 = arith.constant 2 : i32
    %dma_wait3A_191 = arith.constant 0 : i32
    %dma_wait3A_192 = arith.constant 0 : i32
    %dma_wait3A_193 = tpu.memref_slice %arg8[%dma_wait3A_190, %dma_wait3A_191, %dma_wait3A_192] : memref<3x80x128xf32, #tpu.memory_space<vmem>> -> memref<1x80x128xf32, #tpu.memory_space<vmem>>
    %dma_wait3A_194 = tpu.memref_squeeze %dma_wait3A_193 : memref<1x80x128xf32, #tpu.memory_space<vmem>> -> memref<80x128xf32, #tpu.memory_space<vmem>>
    %dma_wait3A_195 = arith.constant 0 : i32
    %dma_wait3A_196 = tpu.memref_slice %arg6[%dma_wait3A_188, %dma_wait3A_189, %dma_wait3A_195] : memref<3x2x80xi32, #tpu.memory_space<vmem>> -> memref<1x1x80xi32, #tpu.memory_space<vmem>>
    %dma_wait3A_197 = tpu.memref_squeeze %dma_wait3A_196 : memref<1x1x80xi32, #tpu.memory_space<vmem>> -> memref<80xi32, #tpu.memory_space<vmem>>
    %dma_wait3A_198 = arith.constant 0 : i32
    %dma_wait3A_199 = arith.constant 0 : i32
    %dma_wait3A_200 = tpu.memref_slice %arg2[%dma_wait3A_198, %dma_wait3A_199] : memref<10000x128xf32, #tpu.memory_space<hbm>> -> memref<10000x128xf32, #tpu.memory_space<hbm>>
    tpu.wait_indirect_dma semaphore(%arg12 : memref<!tpu.dma_semaphore, #tpu.memory_space<semaphore_mem>>) src(%dma_wait3A_200 : memref<10000x128xf32, #tpu.memory_space<hbm>>) dst(%dma_wait3A_194 : memref<80x128xf32, #tpu.memory_space<vmem>>)
    %barrier3A_201 = arith.constant 0 : index
    tpu.barrier barrier_id(%barrier3A_201)
    %eq3A_202 = arith.constant 15 : i32
    %eq3A_203 = arith.cmpi eq, %arg1, %eq3A_202 : i32
    %convert_element_type3A_204 = arith.extui %eq3A_203 : i1 to i32
    %cond3A_205 = arith.constant 0 : i32
    %cond3A_206 = arith.cmpi ne, %convert_element_type3A_204, %cond3A_205 : i32
    scf.if %cond3A_206 {
      "tpu.region"() ({
        %run_scoped3A_212 = tpu.sem_alloc : memref<!tpu.dma_semaphore, #tpu.memory_space<semaphore_mem>>
        %dma_start3A_213 = arith.constant 0 : i32
        %dma_start3A_214 = tpu.memref_slice %arg5[%arg0, %mul3A_8, %dma_start3A_213] : memref<2x10000x128xf32, #tpu.memory_space<hbm>> -> memref<1x640x128xf32, #tpu.memory_space<hbm>>
        %dma_start3A_215 = tpu.memref_squeeze %dma_start3A_214 : memref<1x640x128xf32, #tpu.memory_space<hbm>> -> memref<640x128xf32, #tpu.memory_space<hbm>>
        %dma_start3A_216 = arith.constant 0 : i32
        %dma_start3A_217 = tpu.memref_slice %arg9[%mul3A_8, %dma_start3A_216] : memref<10000x128xf32, #tpu.memory_space<vmem_shared>> -> memref<640x128xf32, #tpu.memory_space<vmem_shared>>
        tpu.enqueue_dma source(%dma_start3A_217 : memref<640x128xf32, #tpu.memory_space<vmem_shared>>) target(%dma_start3A_215 : memref<640x128xf32, #tpu.memory_space<hbm>>) target_semaphore(%run_scoped3A_212 : memref<!tpu.dma_semaphore, #tpu.memory_space<semaphore_mem>>)
        %dma_wait3A_218 = arith.constant 0 : i32
        %dma_wait3A_219 = tpu.memref_slice %arg5[%arg0, %mul3A_8, %dma_wait3A_218] : memref<2x10000x128xf32, #tpu.memory_space<hbm>> -> memref<1x640x128xf32, #tpu.memory_space<hbm>>
        %dma_wait3A_220 = tpu.memref_squeeze %dma_wait3A_219 : memref<1x640x128xf32, #tpu.memory_space<hbm>> -> memref<640x128xf32, #tpu.memory_space<hbm>>
        %dma_wait3A_221 = arith.constant 0 : i32
        %dma_wait3A_222 = tpu.memref_slice %arg9[%mul3A_8, %dma_wait3A_221] : memref<10000x128xf32, #tpu.memory_space<vmem_shared>> -> memref<640x128xf32, #tpu.memory_space<vmem_shared>>
        tpu.wait_dma2 semaphore(%run_scoped3A_212 : memref<!tpu.dma_semaphore, #tpu.memory_space<semaphore_mem>>) src(%dma_wait3A_222 : memref<640x128xf32, #tpu.memory_space<vmem_shared>>) dst(%dma_wait3A_220 : memref<640x128xf32, #tpu.memory_space<hbm>>)
        tpu.yield
      }) : () -> ()
    } else {
    }
    %lt3A_207 = arith.constant 15 : i32
    %lt3A_208 = arith.cmpi slt, %arg1, %lt3A_207 : i32
    %convert_element_type3A_209 = arith.extui %lt3A_208 : i1 to i32
    %cond3A_210 = arith.constant 0 : i32
    %cond3A_211 = arith.cmpi ne, %convert_element_type3A_209, %cond3A_210 : i32
    scf.if %cond3A_211 {
      "tpu.region"() ({
        %run_scoped3A_212 = tpu.sem_alloc : memref<!tpu.dma_semaphore, #tpu.memory_space<semaphore_mem>>
        %dma_start3A_213 = arith.constant 0 : i32
        %dma_start3A_214 = tpu.memref_slice %arg5[%arg0, %mul3A_8, %dma_start3A_213] : memref<2x10000x128xf32, #tpu.memory_space<hbm>> -> memref<1x624x128xf32, #tpu.memory_space<hbm>>
        %dma_start3A_215 = tpu.memref_squeeze %dma_start3A_214 : memref<1x624x128xf32, #tpu.memory_space<hbm>> -> memref<624x128xf32, #tpu.memory_space<hbm>>
        %dma_start3A_216 = arith.constant 0 : i32
        %dma_start3A_217 = tpu.memref_slice %arg9[%mul3A_8, %dma_start3A_216] : memref<10000x128xf32, #tpu.memory_space<vmem_shared>> -> memref<624x128xf32, #tpu.memory_space<vmem_shared>>
        tpu.enqueue_dma source(%dma_start3A_217 : memref<624x128xf32, #tpu.memory_space<vmem_shared>>) target(%dma_start3A_215 : memref<624x128xf32, #tpu.memory_space<hbm>>) target_semaphore(%run_scoped3A_212 : memref<!tpu.dma_semaphore, #tpu.memory_space<semaphore_mem>>)
        %dma_wait3A_218 = arith.constant 0 : i32
        %dma_wait3A_219 = tpu.memref_slice %arg5[%arg0, %mul3A_8, %dma_wait3A_218] : memref<2x10000x128xf32, #tpu.memory_space<hbm>> -> memref<1x624x128xf32, #tpu.memory_space<hbm>>
        %dma_wait3A_220 = tpu.memref_squeeze %dma_wait3A_219 : memref<1x624x128xf32, #tpu.memory_space<hbm>> -> memref<624x128xf32, #tpu.memory_space<hbm>>
        %dma_wait3A_221 = arith.constant 0 : i32
        %dma_wait3A_222 = tpu.memref_slice %arg9[%mul3A_8, %dma_wait3A_221] : memref<10000x128xf32, #tpu.memory_space<vmem_shared>> -> memref<624x128xf32, #tpu.memory_space<vmem_shared>>
        tpu.wait_dma2 semaphore(%run_scoped3A_212 : memref<!tpu.dma_semaphore, #tpu.memory_space<semaphore_mem>>) src(%dma_wait3A_222 : memref<624x128xf32, #tpu.memory_space<vmem_shared>>) dst(%dma_wait3A_220 : memref<624x128xf32, #tpu.memory_space<hbm>>)
        tpu.yield
      }) : () -> ()
    } else {
    }
    return
  }
}

#map = affine_map<(d0, d1) -> (0, 0)>
#map1 = affine_map<(d0, d1) -> (0, 0, 0, 0)>
#map2 = affine_map<(d0, d1) -> (0, 0, 0)>
module attributes {stable_mosaic.version = 14 : i64} {
  func.func @k(%arg0: i32, %arg1: i32, %arg2: memref<10000x128xf32, #tpu.memory_space<hbm>>, %arg3: memref<32x126x2x80xi32, #tpu.memory_space<hbm>>, %arg4: memref<32x126x80xf32, #tpu.memory_space<hbm>>, %arg5: memref<2x10000x128xf32, #tpu.memory_space<hbm>>, %arg6: memref<3x2x80xi32, #tpu.memory_space<vmem>>, %arg7: memref<126x80xf32, #tpu.memory_space<vmem>>, %arg8: memref<3x80x128xf32, #tpu.memory_space<vmem>>, %arg9: memref<10000x128xf32, #tpu.memory_space<vmem_shared>>, %arg10: memref<!tpu.dma_semaphore, #tpu.memory_space<semaphore_mem>>, %arg11: memref<!tpu.dma_semaphore, #tpu.memory_space<semaphore_mem>>, %arg12: memref<!tpu.dma_semaphore, #tpu.memory_space<semaphore_mem>>, %arg13: memref<!tpu.dma_semaphore, #tpu.memory_space<semaphore_mem>>, %arg14: memref<!tpu.dma_semaphore, #tpu.memory_space<semaphore_mem>>, %arg15: memref<!tpu.dma_semaphore, #tpu.memory_space<semaphore_mem>>) attributes {dimension_semantics = [#tpu.dimension_semantics<core_parallel>, #tpu.dimension_semantics<subcore_parallel>], iteration_bounds = array<i64: 2, 16>, scalar_prefetch = 0 : i64, scratch_operands = 10 : i64, tpu.core_type = #tpu.core_type<sc_vector_subcore>, window_params = [{transform_indices = #map}, {transform_indices = #map1}, {transform_indices = #map2}, {transform_indices = #map2}]} {
    %mul3A = arith.constant 16 : i32
    %mul3A_0 = arith.muli %arg0, %mul3A : i32
    %add3A = arith.addi %mul3A_0, %arg1 : i32
    %broadcast_in_dim3A = arith.constant 0.000000e+00 : f32
    %broadcast_in_dim3A_1 = vector.broadcast %broadcast_in_dim3A : f32 to vector<16xf32>
    %scan3A = arith.constant 0 : i32
    %scan3A_2 = arith.constant 0 : i32
    %scan3A_3 = arith.constant 80 : i32
    %scan3A_4 = arith.addi %scan3A_2, %scan3A_3 : i32
    %scan3A_5 = arith.constant 1 : i32
    scf.for %scan3A_212 = %scan3A_2 to %scan3A_4 step %scan3A_5  : i32 {
      %swap3A = arith.constant 0 : i32
      %swap3A_213 = arith.index_cast %swap3A : i32 to index
      %swap3A_214 = arith.index_cast %scan3A_212 : i32 to index
      %swap3A_215 = arith.constant 0 : index
      %swap3A_216 = tpu.vector_load %arg8[%swap3A_213, %swap3A_214, %swap3A_215] {strides = array<i32>} : memref<3x80x128xf32, #tpu.memory_space<vmem>>, vector<1x1x16xf32>,
      %swap3A_217 = vector.shape_cast %swap3A_216 : vector<1x1x16xf32> to vector<16xf32>
      %swap3A_218 = vector.shape_cast %broadcast_in_dim3A_1 : vector<16xf32> to vector<1x1x16xf32>
      tpu.vector_store %arg8[%swap3A_213, %swap3A_214, %swap3A_215], %swap3A_218 {strides = array<i32>} : memref<3x80x128xf32, #tpu.memory_space<vmem>>, vector<1x1x16xf32>,
      %swap3A_219 = arith.constant 0 : i32
      %swap3A_220 = arith.index_cast %swap3A_219 : i32 to index
      %swap3A_221 = arith.index_cast %scan3A_212 : i32 to index
      %swap3A_222 = arith.constant 16 : index
      %swap3A_223 = tpu.vector_load %arg8[%swap3A_220, %swap3A_221, %swap3A_222] {strides = array<i32>} : memref<3x80x128xf32, #tpu.memory_space<vmem>>, vector<1x1x16xf32>,
      %swap3A_224 = vector.shape_cast %swap3A_223 : vector<1x1x16xf32> to vector<16xf32>
      %swap3A_225 = vector.shape_cast %broadcast_in_dim3A_1 : vector<16xf32> to vector<1x1x16xf32>
      tpu.vector_store %arg8[%swap3A_220, %swap3A_221, %swap3A_222], %swap3A_225 {strides = array<i32>} : memref<3x80x128xf32, #tpu.memory_space<vmem>>, vector<1x1x16xf32>,
      %swap3A_226 = arith.constant 0 : i32
      %swap3A_227 = arith.index_cast %swap3A_226 : i32 to index
      %swap3A_228 = arith.index_cast %scan3A_212 : i32 to index
      %swap3A_229 = arith.constant 32 : index
      %swap3A_230 = tpu.vector_load %arg8[%swap3A_227, %swap3A_228, %swap3A_229] {strides = array<i32>} : memref<3x80x128xf32, #tpu.memory_space<vmem>>, vector<1x1x16xf32>,
      %swap3A_231 = vector.shape_cast %swap3A_230 : vector<1x1x16xf32> to vector<16xf32>
      %swap3A_232 = vector.shape_cast %broadcast_in_dim3A_1 : vector<16xf32> to vector<1x1x16xf32>
      tpu.vector_store %arg8[%swap3A_227, %swap3A_228, %swap3A_229], %swap3A_232 {strides = array<i32>} : memref<3x80x128xf32, #tpu.memory_space<vmem>>, vector<1x1x16xf32>,
      %swap3A_233 = arith.constant 0 : i32
      %swap3A_234 = arith.index_cast %swap3A_233 : i32 to index
      %swap3A_235 = arith.index_cast %scan3A_212 : i32 to index
      %swap3A_236 = arith.constant 48 : index
      %swap3A_237 = tpu.vector_load %arg8[%swap3A_234, %swap3A_235, %swap3A_236] {strides = array<i32>} : memref<3x80x128xf32, #tpu.memory_space<vmem>>, vector<1x1x16xf32>,
      %swap3A_238 = vector.shape_cast %swap3A_237 : vector<1x1x16xf32> to vector<16xf32>
      %swap3A_239 = vector.shape_cast %broadcast_in_dim3A_1 : vector<16xf32> to vector<1x1x16xf32>
      tpu.vector_store %arg8[%swap3A_234, %swap3A_235, %swap3A_236], %swap3A_239 {strides = array<i32>} : memref<3x80x128xf32, #tpu.memory_space<vmem>>, vector<1x1x16xf32>,
      %swap3A_240 = arith.constant 0 : i32
      %swap3A_241 = arith.index_cast %swap3A_240 : i32 to index
      %swap3A_242 = arith.index_cast %scan3A_212 : i32 to index
      %swap3A_243 = arith.constant 64 : index
      %swap3A_244 = tpu.vector_load %arg8[%swap3A_241, %swap3A_242, %swap3A_243] {strides = array<i32>} : memref<3x80x128xf32, #tpu.memory_space<vmem>>, vector<1x1x16xf32>,
      %swap3A_245 = vector.shape_cast %swap3A_244 : vector<1x1x16xf32> to vector<16xf32>
      %swap3A_246 = vector.shape_cast %broadcast_in_dim3A_1 : vector<16xf32> to vector<1x1x16xf32>
      tpu.vector_store %arg8[%swap3A_241, %swap3A_242, %swap3A_243], %swap3A_246 {strides = array<i32>} : memref<3x80x128xf32, #tpu.memory_space<vmem>>, vector<1x1x16xf32>,
      %swap3A_247 = arith.constant 0 : i32
      %swap3A_248 = arith.index_cast %swap3A_247 : i32 to index
      %swap3A_249 = arith.index_cast %scan3A_212 : i32 to index
      %swap3A_250 = arith.constant 80 : index
      %swap3A_251 = tpu.vector_load %arg8[%swap3A_248, %swap3A_249, %swap3A_250] {strides = array<i32>} : memref<3x80x128xf32, #tpu.memory_space<vmem>>, vector<1x1x16xf32>,
      %swap3A_252 = vector.shape_cast %swap3A_251 : vector<1x1x16xf32> to vector<16xf32>
      %swap3A_253 = vector.shape_cast %broadcast_in_dim3A_1 : vector<16xf32> to vector<1x1x16xf32>
      tpu.vector_store %arg8[%swap3A_248, %swap3A_249, %swap3A_250], %swap3A_253 {strides = array<i32>} : memref<3x80x128xf32, #tpu.memory_space<vmem>>, vector<1x1x16xf32>,
      %swap3A_254 = arith.constant 0 : i32
      %swap3A_255 = arith.index_cast %swap3A_254 : i32 to index
      %swap3A_256 = arith.index_cast %scan3A_212 : i32 to index
      %swap3A_257 = arith.constant 96 : index
      %swap3A_258 = tpu.vector_load %arg8[%swap3A_255, %swap3A_256, %swap3A_257] {strides = array<i32>} : memref<3x80x128xf32, #tpu.memory_space<vmem>>, vector<1x1x16xf32>,
      %swap3A_259 = vector.shape_cast %swap3A_258 : vector<1x1x16xf32> to vector<16xf32>
      %swap3A_260 = vector.shape_cast %broadcast_in_dim3A_1 : vector<16xf32> to vector<1x1x16xf32>
      tpu.vector_store %arg8[%swap3A_255, %swap3A_256, %swap3A_257], %swap3A_260 {strides = array<i32>} : memref<3x80x128xf32, #tpu.memory_space<vmem>>, vector<1x1x16xf32>,
      %swap3A_261 = arith.constant 0 : i32
      %swap3A_262 = arith.index_cast %swap3A_261 : i32 to index
      %swap3A_263 = arith.index_cast %scan3A_212 : i32 to index
      %swap3A_264 = arith.constant 112 : index
      %swap3A_265 = tpu.vector_load %arg8[%swap3A_262, %swap3A_263, %swap3A_264] {strides = array<i32>} : memref<3x80x128xf32, #tpu.memory_space<vmem>>, vector<1x1x16xf32>,
      %swap3A_266 = vector.shape_cast %swap3A_265 : vector<1x1x16xf32> to vector<16xf32>
      %swap3A_267 = vector.shape_cast %broadcast_in_dim3A_1 : vector<16xf32> to vector<1x1x16xf32>
      tpu.vector_store %arg8[%swap3A_262, %swap3A_263, %swap3A_264], %swap3A_267 {strides = array<i32>} : memref<3x80x128xf32, #tpu.memory_space<vmem>>, vector<1x1x16xf32>,
    }
    %scan3A_6 = arith.constant 80 : i32
    %mul3A_7 = arith.constant 624 : i32
    %mul3A_8 = arith.muli %arg1, %mul3A_7 : i32
    %add3A_9 = arith.constant 0 : i32
    %add3A_10 = arith.addi %mul3A_8, %add3A_9 : i32
    %run_scoped3A = arith.constant 0 : i32
    "tpu.region"() ({
      %run_scoped3A_212 = tpu.sem_alloc : memref<!tpu.dma_semaphore, #tpu.memory_space<semaphore_mem>>
      %dma_start3A_213 = arith.constant 0 : i32
      %dma_start3A_214 = arith.constant 0 : i32
      %dma_start3A_215 = tpu.memref_slice %arg8[%run_scoped3A, %dma_start3A_213, %dma_start3A_214] : memref<3x80x128xf32, #tpu.memory_space<vmem>> -> memref<1x80x128xf32, #tpu.memory_space<vmem>>
      %dma_start3A_216 = tpu.memref_squeeze %dma_start3A_215 : memref<1x80x128xf32, #tpu.memory_space<vmem>> -> memref<80x128xf32, #tpu.memory_space<vmem>>
      %dma_start3A_217 = arith.constant 0 : i32
      %dma_start3A_218 = tpu.memref_slice %arg9[%add3A_10, %dma_start3A_217] : memref<10000x128xf32, #tpu.memory_space<vmem_shared>> -> memref<80x128xf32, #tpu.memory_space<vmem_shared>>
      %dma_start3A_219 = arith.constant 0 : i32
      %dma_start3A_220 = tpu.memref_slice %arg9[%add3A_10, %dma_start3A_219] : memref<10000x128xf32, #tpu.memory_space<vmem_shared>> -> memref<80x128xf32, #tpu.memory_space<vmem_shared>>
      %dma_start3A_221 = arith.constant 0 : i32
      %dma_start3A_222 = arith.constant 0 : i32
      %dma_start3A_223 = tpu.memref_slice %arg8[%run_scoped3A, %dma_start3A_221, %dma_start3A_222] : memref<3x80x128xf32, #tpu.memory_space<vmem>> -> memref<1x80x128xf32, #tpu.memory_space<vmem>>
      %dma_start3A_224 = tpu.memref_squeeze %dma_start3A_223 : memref<1x80x128xf32, #tpu.memory_space<vmem>> -> memref<80x128xf32, #tpu.memory_space<vmem>>
      tpu.enqueue_dma source(%dma_start3A_224 : memref<80x128xf32, #tpu.memory_space<vmem>>) target(%dma_start3A_220 : memref<80x128xf32, #tpu.memory_space<vmem_shared>>) target_semaphore(%run_scoped3A_212 : memref<!tpu.dma_semaphore, #tpu.memory_space<semaphore_mem>>)
      %dma_wait3A_225 = arith.constant 0 : i32
      %dma_wait3A_226 = arith.constant 0 : i32
      %dma_wait3A_227 = tpu.memref_slice %arg8[%run_scoped3A, %dma_wait3A_225, %dma_wait3A_226] : memref<3x80x128xf32, #tpu.memory_space<vmem>> -> memref<1x80x128xf32, #tpu.memory_space<vmem>>
      %dma_wait3A_228 = tpu.memref_squeeze %dma_wait3A_227 : memref<1x80x128xf32, #tpu.memory_space<vmem>> -> memref<80x128xf32, #tpu.memory_space<vmem>>
      %dma_wait3A_229 = arith.constant 0 : i32
      %dma_wait3A_230 = tpu.memref_slice %arg9[%add3A_10, %dma_wait3A_229] : memref<10000x128xf32, #tpu.memory_space<vmem_shared>> -> memref<80x128xf32, #tpu.memory_space<vmem_shared>>
      %dma_wait3A_231 = arith.constant 0 : i32
      %dma_wait3A_232 = tpu.memref_slice %arg9[%add3A_10, %dma_wait3A_231] : memref<10000x128xf32, #tpu.memory_space<vmem_shared>> -> memref<80x128xf32, #tpu.memory_space<vmem_shared>>
      %dma_wait3A_233 = arith.constant 0 : i32
      %dma_wait3A_234 = arith.constant 0 : i32
      %dma_wait3A_235 = tpu.memref_slice %arg8[%run_scoped3A, %dma_wait3A_233, %dma_wait3A_234] : memref<3x80x128xf32, #tpu.memory_space<vmem>> -> memref<1x80x128xf32, #tpu.memory_space<vmem>>
      %dma_wait3A_236 = tpu.memref_squeeze %dma_wait3A_235 : memref<1x80x128xf32, #tpu.memory_space<vmem>> -> memref<80x128xf32, #tpu.memory_space<vmem>>
      tpu.wait_dma2 semaphore(%run_scoped3A_212 : memref<!tpu.dma_semaphore, #tpu.memory_space<semaphore_mem>>) src(%dma_wait3A_236 : memref<80x128xf32, #tpu.memory_space<vmem>>) dst(%dma_wait3A_232 : memref<80x128xf32, #tpu.memory_space<vmem_shared>>)
      tpu.yield
    }) : () -> ()
    %add3A_11 = arith.constant 80 : i32
    %add3A_12 = arith.addi %mul3A_8, %add3A_11 : i32
    %run_scoped3A_13 = arith.constant 0 : i32
    "tpu.region"() ({
      %run_scoped3A_212 = tpu.sem_alloc : memref<!tpu.dma_semaphore, #tpu.memory_space<semaphore_mem>>
      %dma_start3A_213 = arith.constant 0 : i32
      %dma_start3A_214 = arith.constant 0 : i32
      %dma_start3A_215 = tpu.memref_slice %arg8[%run_scoped3A_13, %dma_start3A_213, %dma_start3A_214] : memref<3x80x128xf32, #tpu.memory_space<vmem>> -> memref<1x80x128xf32, #tpu.memory_space<vmem>>
      %dma_start3A_216 = tpu.memref_squeeze %dma_start3A_215 : memref<1x80x128xf32, #tpu.memory_space<vmem>> -> memref<80x128xf32, #tpu.memory_space<vmem>>
      %dma_start3A_217 = arith.constant 0 : i32
      %dma_start3A_218 = tpu.memref_slice %arg9[%add3A_12, %dma_start3A_217] : memref<10000x128xf32, #tpu.memory_space<vmem_shared>> -> memref<80x128xf32, #tpu.memory_space<vmem_shared>>
      %dma_start3A_219 = arith.constant 0 : i32
      %dma_start3A_220 = tpu.memref_slice %arg9[%add3A_12, %dma_start3A_219] : memref<10000x128xf32, #tpu.memory_space<vmem_shared>> -> memref<80x128xf32, #tpu.memory_space<vmem_shared>>
      %dma_start3A_221 = arith.constant 0 : i32
      %dma_start3A_222 = arith.constant 0 : i32
      %dma_start3A_223 = tpu.memref_slice %arg8[%run_scoped3A_13, %dma_start3A_221, %dma_start3A_222] : memref<3x80x128xf32, #tpu.memory_space<vmem>> -> memref<1x80x128xf32, #tpu.memory_space<vmem>>
      %dma_start3A_224 = tpu.memref_squeeze %dma_start3A_223 : memref<1x80x128xf32, #tpu.memory_space<vmem>> -> memref<80x128xf32, #tpu.memory_space<vmem>>
      tpu.enqueue_dma source(%dma_start3A_224 : memref<80x128xf32, #tpu.memory_space<vmem>>) target(%dma_start3A_220 : memref<80x128xf32, #tpu.memory_space<vmem_shared>>) target_semaphore(%run_scoped3A_212 : memref<!tpu.dma_semaphore, #tpu.memory_space<semaphore_mem>>)
      %dma_wait3A_225 = arith.constant 0 : i32
      %dma_wait3A_226 = arith.constant 0 : i32
      %dma_wait3A_227 = tpu.memref_slice %arg8[%run_scoped3A_13, %dma_wait3A_225, %dma_wait3A_226] : memref<3x80x128xf32, #tpu.memory_space<vmem>> -> memref<1x80x128xf32, #tpu.memory_space<vmem>>
      %dma_wait3A_228 = tpu.memref_squeeze %dma_wait3A_227 : memref<1x80x128xf32, #tpu.memory_space<vmem>> -> memref<80x128xf32, #tpu.memory_space<vmem>>
      %dma_wait3A_229 = arith.constant 0 : i32
      %dma_wait3A_230 = tpu.memref_slice %arg9[%add3A_12, %dma_wait3A_229] : memref<10000x128xf32, #tpu.memory_space<vmem_shared>> -> memref<80x128xf32, #tpu.memory_space<vmem_shared>>
      %dma_wait3A_231 = arith.constant 0 : i32
      %dma_wait3A_232 = tpu.memref_slice %arg9[%add3A_12, %dma_wait3A_231] : memref<10000x128xf32, #tpu.memory_space<vmem_shared>> -> memref<80x128xf32, #tpu.memory_space<vmem_shared>>
      %dma_wait3A_233 = arith.constant 0 : i32
      %dma_wait3A_234 = arith.constant 0 : i32
      %dma_wait3A_235 = tpu.memref_slice %arg8[%run_scoped3A_13, %dma_wait3A_233, %dma_wait3A_234] : memref<3x80x128xf32, #tpu.memory_space<vmem>> -> memref<1x80x128xf32, #tpu.memory_space<vmem>>
      %dma_wait3A_236 = tpu.memref_squeeze %dma_wait3A_235 : memref<1x80x128xf32, #tpu.memory_space<vmem>> -> memref<80x128xf32, #tpu.memory_space<vmem>>
      tpu.wait_dma2 semaphore(%run_scoped3A_212 : memref<!tpu.dma_semaphore, #tpu.memory_space<semaphore_mem>>) src(%dma_wait3A_236 : memref<80x128xf32, #tpu.memory_space<vmem>>) dst(%dma_wait3A_232 : memref<80x128xf32, #tpu.memory_space<vmem_shared>>)
      tpu.yield
    }) : () -> ()
    %add3A_14 = arith.constant 160 : i32
    %add3A_15 = arith.addi %mul3A_8, %add3A_14 : i32
    %run_scoped3A_16 = arith.constant 0 : i32
    "tpu.region"() ({
      %run_scoped3A_212 = tpu.sem_alloc : memref<!tpu.dma_semaphore, #tpu.memory_space<semaphore_mem>>
      %dma_start3A_213 = arith.constant 0 : i32
      %dma_start3A_214 = arith.constant 0 : i32
      %dma_start3A_215 = tpu.memref_slice %arg8[%run_scoped3A_16, %dma_start3A_213, %dma_start3A_214] : memref<3x80x128xf32, #tpu.memory_space<vmem>> -> memref<1x80x128xf32, #tpu.memory_space<vmem>>
      %dma_start3A_216 = tpu.memref_squeeze %dma_start3A_215 : memref<1x80x128xf32, #tpu.memory_space<vmem>> -> memref<80x128xf32, #tpu.memory_space<vmem>>
      %dma_start3A_217 = arith.constant 0 : i32
      %dma_start3A_218 = tpu.memref_slice %arg9[%add3A_15, %dma_start3A_217] : memref<10000x128xf32, #tpu.memory_space<vmem_shared>> -> memref<80x128xf32, #tpu.memory_space<vmem_shared>>
      %dma_start3A_219 = arith.constant 0 : i32
      %dma_start3A_220 = tpu.memref_slice %arg9[%add3A_15, %dma_start3A_219] : memref<10000x128xf32, #tpu.memory_space<vmem_shared>> -> memref<80x128xf32, #tpu.memory_space<vmem_shared>>
      %dma_start3A_221 = arith.constant 0 : i32
      %dma_start3A_222 = arith.constant 0 : i32
      %dma_start3A_223 = tpu.memref_slice %arg8[%run_scoped3A_16, %dma_start3A_221, %dma_start3A_222] : memref<3x80x128xf32, #tpu.memory_space<vmem>> -> memref<1x80x128xf32, #tpu.memory_space<vmem>>
      %dma_start3A_224 = tpu.memref_squeeze %dma_start3A_223 : memref<1x80x128xf32, #tpu.memory_space<vmem>> -> memref<80x128xf32, #tpu.memory_space<vmem>>
      tpu.enqueue_dma source(%dma_start3A_224 : memref<80x128xf32, #tpu.memory_space<vmem>>) target(%dma_start3A_220 : memref<80x128xf32, #tpu.memory_space<vmem_shared>>) target_semaphore(%run_scoped3A_212 : memref<!tpu.dma_semaphore, #tpu.memory_space<semaphore_mem>>)
      %dma_wait3A_225 = arith.constant 0 : i32
      %dma_wait3A_226 = arith.constant 0 : i32
      %dma_wait3A_227 = tpu.memref_slice %arg8[%run_scoped3A_16, %dma_wait3A_225, %dma_wait3A_226] : memref<3x80x128xf32, #tpu.memory_space<vmem>> -> memref<1x80x128xf32, #tpu.memory_space<vmem>>
      %dma_wait3A_228 = tpu.memref_squeeze %dma_wait3A_227 : memref<1x80x128xf32, #tpu.memory_space<vmem>> -> memref<80x128xf32, #tpu.memory_space<vmem>>
      %dma_wait3A_229 = arith.constant 0 : i32
      %dma_wait3A_230 = tpu.memref_slice %arg9[%add3A_15, %dma_wait3A_229] : memref<10000x128xf32, #tpu.memory_space<vmem_shared>> -> memref<80x128xf32, #tpu.memory_space<vmem_shared>>
      %dma_wait3A_231 = arith.constant 0 : i32
      %dma_wait3A_232 = tpu.memref_slice %arg9[%add3A_15, %dma_wait3A_231] : memref<10000x128xf32, #tpu.memory_space<vmem_shared>> -> memref<80x128xf32, #tpu.memory_space<vmem_shared>>
      %dma_wait3A_233 = arith.constant 0 : i32
      %dma_wait3A_234 = arith.constant 0 : i32
      %dma_wait3A_235 = tpu.memref_slice %arg8[%run_scoped3A_16, %dma_wait3A_233, %dma_wait3A_234] : memref<3x80x128xf32, #tpu.memory_space<vmem>> -> memref<1x80x128xf32, #tpu.memory_space<vmem>>
      %dma_wait3A_236 = tpu.memref_squeeze %dma_wait3A_235 : memref<1x80x128xf32, #tpu.memory_space<vmem>> -> memref<80x128xf32, #tpu.memory_space<vmem>>
      tpu.wait_dma2 semaphore(%run_scoped3A_212 : memref<!tpu.dma_semaphore, #tpu.memory_space<semaphore_mem>>) src(%dma_wait3A_236 : memref<80x128xf32, #tpu.memory_space<vmem>>) dst(%dma_wait3A_232 : memref<80x128xf32, #tpu.memory_space<vmem_shared>>)
      tpu.yield
    }) : () -> ()
    %add3A_17 = arith.constant 240 : i32
    %add3A_18 = arith.addi %mul3A_8, %add3A_17 : i32
    %run_scoped3A_19 = arith.constant 0 : i32
    "tpu.region"() ({
      %run_scoped3A_212 = tpu.sem_alloc : memref<!tpu.dma_semaphore, #tpu.memory_space<semaphore_mem>>
      %dma_start3A_213 = arith.constant 0 : i32
      %dma_start3A_214 = arith.constant 0 : i32
      %dma_start3A_215 = tpu.memref_slice %arg8[%run_scoped3A_19, %dma_start3A_213, %dma_start3A_214] : memref<3x80x128xf32, #tpu.memory_space<vmem>> -> memref<1x80x128xf32, #tpu.memory_space<vmem>>
      %dma_start3A_216 = tpu.memref_squeeze %dma_start3A_215 : memref<1x80x128xf32, #tpu.memory_space<vmem>> -> memref<80x128xf32, #tpu.memory_space<vmem>>
      %dma_start3A_217 = arith.constant 0 : i32
      %dma_start3A_218 = tpu.memref_slice %arg9[%add3A_18, %dma_start3A_217] : memref<10000x128xf32, #tpu.memory_space<vmem_shared>> -> memref<80x128xf32, #tpu.memory_space<vmem_shared>>
      %dma_start3A_219 = arith.constant 0 : i32
      %dma_start3A_220 = tpu.memref_slice %arg9[%add3A_18, %dma_start3A_219] : memref<10000x128xf32, #tpu.memory_space<vmem_shared>> -> memref<80x128xf32, #tpu.memory_space<vmem_shared>>
      %dma_start3A_221 = arith.constant 0 : i32
      %dma_start3A_222 = arith.constant 0 : i32
      %dma_start3A_223 = tpu.memref_slice %arg8[%run_scoped3A_19, %dma_start3A_221, %dma_start3A_222] : memref<3x80x128xf32, #tpu.memory_space<vmem>> -> memref<1x80x128xf32, #tpu.memory_space<vmem>>
      %dma_start3A_224 = tpu.memref_squeeze %dma_start3A_223 : memref<1x80x128xf32, #tpu.memory_space<vmem>> -> memref<80x128xf32, #tpu.memory_space<vmem>>
      tpu.enqueue_dma source(%dma_start3A_224 : memref<80x128xf32, #tpu.memory_space<vmem>>) target(%dma_start3A_220 : memref<80x128xf32, #tpu.memory_space<vmem_shared>>) target_semaphore(%run_scoped3A_212 : memref<!tpu.dma_semaphore, #tpu.memory_space<semaphore_mem>>)
      %dma_wait3A_225 = arith.constant 0 : i32
      %dma_wait3A_226 = arith.constant 0 : i32
      %dma_wait3A_227 = tpu.memref_slice %arg8[%run_scoped3A_19, %dma_wait3A_225, %dma_wait3A_226] : memref<3x80x128xf32, #tpu.memory_space<vmem>> -> memref<1x80x128xf32, #tpu.memory_space<vmem>>
      %dma_wait3A_228 = tpu.memref_squeeze %dma_wait3A_227 : memref<1x80x128xf32, #tpu.memory_space<vmem>> -> memref<80x128xf32, #tpu.memory_space<vmem>>
      %dma_wait3A_229 = arith.constant 0 : i32
      %dma_wait3A_230 = tpu.memref_slice %arg9[%add3A_18, %dma_wait3A_229] : memref<10000x128xf32, #tpu.memory_space<vmem_shared>> -> memref<80x128xf32, #tpu.memory_space<vmem_shared>>
      %dma_wait3A_231 = arith.constant 0 : i32
      %dma_wait3A_232 = tpu.memref_slice %arg9[%add3A_18, %dma_wait3A_231] : memref<10000x128xf32, #tpu.memory_space<vmem_shared>> -> memref<80x128xf32, #tpu.memory_space<vmem_shared>>
      %dma_wait3A_233 = arith.constant 0 : i32
      %dma_wait3A_234 = arith.constant 0 : i32
      %dma_wait3A_235 = tpu.memref_slice %arg8[%run_scoped3A_19, %dma_wait3A_233, %dma_wait3A_234] : memref<3x80x128xf32, #tpu.memory_space<vmem>> -> memref<1x80x128xf32, #tpu.memory_space<vmem>>
      %dma_wait3A_236 = tpu.memref_squeeze %dma_wait3A_235 : memref<1x80x128xf32, #tpu.memory_space<vmem>> -> memref<80x128xf32, #tpu.memory_space<vmem>>
      tpu.wait_dma2 semaphore(%run_scoped3A_212 : memref<!tpu.dma_semaphore, #tpu.memory_space<semaphore_mem>>) src(%dma_wait3A_236 : memref<80x128xf32, #tpu.memory_space<vmem>>) dst(%dma_wait3A_232 : memref<80x128xf32, #tpu.memory_space<vmem_shared>>)
      tpu.yield
    }) : () -> ()
    %add3A_20 = arith.constant 320 : i32
    %add3A_21 = arith.addi %mul3A_8, %add3A_20 : i32
    %run_scoped3A_22 = arith.constant 0 : i32
    "tpu.region"() ({
      %run_scoped3A_212 = tpu.sem_alloc : memref<!tpu.dma_semaphore, #tpu.memory_space<semaphore_mem>>
      %dma_start3A_213 = arith.constant 0 : i32
      %dma_start3A_214 = arith.constant 0 : i32
      %dma_start3A_215 = tpu.memref_slice %arg8[%run_scoped3A_22, %dma_start3A_213, %dma_start3A_214] : memref<3x80x128xf32, #tpu.memory_space<vmem>> -> memref<1x80x128xf32, #tpu.memory_space<vmem>>
      %dma_start3A_216 = tpu.memref_squeeze %dma_start3A_215 : memref<1x80x128xf32, #tpu.memory_space<vmem>> -> memref<80x128xf32, #tpu.memory_space<vmem>>
      %dma_start3A_217 = arith.constant 0 : i32
      %dma_start3A_218 = tpu.memref_slice %arg9[%add3A_21, %dma_start3A_217] : memref<10000x128xf32, #tpu.memory_space<vmem_shared>> -> memref<80x128xf32, #tpu.memory_space<vmem_shared>>
      %dma_start3A_219 = arith.constant 0 : i32
      %dma_start3A_220 = tpu.memref_slice %arg9[%add3A_21, %dma_start3A_219] : memref<10000x128xf32, #tpu.memory_space<vmem_shared>> -> memref<80x128xf32, #tpu.memory_space<vmem_shared>>
      %dma_start3A_221 = arith.constant 0 : i32
      %dma_start3A_222 = arith.constant 0 : i32
      %dma_start3A_223 = tpu.memref_slice %arg8[%run_scoped3A_22, %dma_start3A_221, %dma_start3A_222] : memref<3x80x128xf32, #tpu.memory_space<vmem>> -> memref<1x80x128xf32, #tpu.memory_space<vmem>>
      %dma_start3A_224 = tpu.memref_squeeze %dma_start3A_223 : memref<1x80x128xf32, #tpu.memory_space<vmem>> -> memref<80x128xf32, #tpu.memory_space<vmem>>
      tpu.enqueue_dma source(%dma_start3A_224 : memref<80x128xf32, #tpu.memory_space<vmem>>) target(%dma_start3A_220 : memref<80x128xf32, #tpu.memory_space<vmem_shared>>) target_semaphore(%run_scoped3A_212 : memref<!tpu.dma_semaphore, #tpu.memory_space<semaphore_mem>>)
      %dma_wait3A_225 = arith.constant 0 : i32
      %dma_wait3A_226 = arith.constant 0 : i32
      %dma_wait3A_227 = tpu.memref_slice %arg8[%run_scoped3A_22, %dma_wait3A_225, %dma_wait3A_226] : memref<3x80x128xf32, #tpu.memory_space<vmem>> -> memref<1x80x128xf32, #tpu.memory_space<vmem>>
      %dma_wait3A_228 = tpu.memref_squeeze %dma_wait3A_227 : memref<1x80x128xf32, #tpu.memory_space<vmem>> -> memref<80x128xf32, #tpu.memory_space<vmem>>
      %dma_wait3A_229 = arith.constant 0 : i32
      %dma_wait3A_230 = tpu.memref_slice %arg9[%add3A_21, %dma_wait3A_229] : memref<10000x128xf32, #tpu.memory_space<vmem_shared>> -> memref<80x128xf32, #tpu.memory_space<vmem_shared>>
      %dma_wait3A_231 = arith.constant 0 : i32
      %dma_wait3A_232 = tpu.memref_slice %arg9[%add3A_21, %dma_wait3A_231] : memref<10000x128xf32, #tpu.memory_space<vmem_shared>> -> memref<80x128xf32, #tpu.memory_space<vmem_shared>>
      %dma_wait3A_233 = arith.constant 0 : i32
      %dma_wait3A_234 = arith.constant 0 : i32
      %dma_wait3A_235 = tpu.memref_slice %arg8[%run_scoped3A_22, %dma_wait3A_233, %dma_wait3A_234] : memref<3x80x128xf32, #tpu.memory_space<vmem>> -> memref<1x80x128xf32, #tpu.memory_space<vmem>>
      %dma_wait3A_236 = tpu.memref_squeeze %dma_wait3A_235 : memref<1x80x128xf32, #tpu.memory_space<vmem>> -> memref<80x128xf32, #tpu.memory_space<vmem>>
      tpu.wait_dma2 semaphore(%run_scoped3A_212 : memref<!tpu.dma_semaphore, #tpu.memory_space<semaphore_mem>>) src(%dma_wait3A_236 : memref<80x128xf32, #tpu.memory_space<vmem>>) dst(%dma_wait3A_232 : memref<80x128xf32, #tpu.memory_space<vmem_shared>>)
      tpu.yield
    }) : () -> ()
    %add3A_23 = arith.constant 400 : i32
    %add3A_24 = arith.addi %mul3A_8, %add3A_23 : i32
    %run_scoped3A_25 = arith.constant 0 : i32
    "tpu.region"() ({
      %run_scoped3A_212 = tpu.sem_alloc : memref<!tpu.dma_semaphore, #tpu.memory_space<semaphore_mem>>
      %dma_start3A_213 = arith.constant 0 : i32
      %dma_start3A_214 = arith.constant 0 : i32
      %dma_start3A_215 = tpu.memref_slice %arg8[%run_scoped3A_25, %dma_start3A_213, %dma_start3A_214] : memref<3x80x128xf32, #tpu.memory_space<vmem>> -> memref<1x80x128xf32, #tpu.memory_space<vmem>>
      %dma_start3A_216 = tpu.memref_squeeze %dma_start3A_215 : memref<1x80x128xf32, #tpu.memory_space<vmem>> -> memref<80x128xf32, #tpu.memory_space<vmem>>
      %dma_start3A_217 = arith.constant 0 : i32
      %dma_start3A_218 = tpu.memref_slice %arg9[%add3A_24, %dma_start3A_217] : memref<10000x128xf32, #tpu.memory_space<vmem_shared>> -> memref<80x128xf32, #tpu.memory_space<vmem_shared>>
      %dma_start3A_219 = arith.constant 0 : i32
      %dma_start3A_220 = tpu.memref_slice %arg9[%add3A_24, %dma_start3A_219] : memref<10000x128xf32, #tpu.memory_space<vmem_shared>> -> memref<80x128xf32, #tpu.memory_space<vmem_shared>>
      %dma_start3A_221 = arith.constant 0 : i32
      %dma_start3A_222 = arith.constant 0 : i32
      %dma_start3A_223 = tpu.memref_slice %arg8[%run_scoped3A_25, %dma_start3A_221, %dma_start3A_222] : memref<3x80x128xf32, #tpu.memory_space<vmem>> -> memref<1x80x128xf32, #tpu.memory_space<vmem>>
      %dma_start3A_224 = tpu.memref_squeeze %dma_start3A_223 : memref<1x80x128xf32, #tpu.memory_space<vmem>> -> memref<80x128xf32, #tpu.memory_space<vmem>>
      tpu.enqueue_dma source(%dma_start3A_224 : memref<80x128xf32, #tpu.memory_space<vmem>>) target(%dma_start3A_220 : memref<80x128xf32, #tpu.memory_space<vmem_shared>>) target_semaphore(%run_scoped3A_212 : memref<!tpu.dma_semaphore, #tpu.memory_space<semaphore_mem>>)
      %dma_wait3A_225 = arith.constant 0 : i32
      %dma_wait3A_226 = arith.constant 0 : i32
      %dma_wait3A_227 = tpu.memref_slice %arg8[%run_scoped3A_25, %dma_wait3A_225, %dma_wait3A_226] : memref<3x80x128xf32, #tpu.memory_space<vmem>> -> memref<1x80x128xf32, #tpu.memory_space<vmem>>
      %dma_wait3A_228 = tpu.memref_squeeze %dma_wait3A_227 : memref<1x80x128xf32, #tpu.memory_space<vmem>> -> memref<80x128xf32, #tpu.memory_space<vmem>>
      %dma_wait3A_229 = arith.constant 0 : i32
      %dma_wait3A_230 = tpu.memref_slice %arg9[%add3A_24, %dma_wait3A_229] : memref<10000x128xf32, #tpu.memory_space<vmem_shared>> -> memref<80x128xf32, #tpu.memory_space<vmem_shared>>
      %dma_wait3A_231 = arith.constant 0 : i32
      %dma_wait3A_232 = tpu.memref_slice %arg9[%add3A_24, %dma_wait3A_231] : memref<10000x128xf32, #tpu.memory_space<vmem_shared>> -> memref<80x128xf32, #tpu.memory_space<vmem_shared>>
      %dma_wait3A_233 = arith.constant 0 : i32
      %dma_wait3A_234 = arith.constant 0 : i32
      %dma_wait3A_235 = tpu.memref_slice %arg8[%run_scoped3A_25, %dma_wait3A_233, %dma_wait3A_234] : memref<3x80x128xf32, #tpu.memory_space<vmem>> -> memref<1x80x128xf32, #tpu.memory_space<vmem>>
      %dma_wait3A_236 = tpu.memref_squeeze %dma_wait3A_235 : memref<1x80x128xf32, #tpu.memory_space<vmem>> -> memref<80x128xf32, #tpu.memory_space<vmem>>
      tpu.wait_dma2 semaphore(%run_scoped3A_212 : memref<!tpu.dma_semaphore, #tpu.memory_space<semaphore_mem>>) src(%dma_wait3A_236 : memref<80x128xf32, #tpu.memory_space<vmem>>) dst(%dma_wait3A_232 : memref<80x128xf32, #tpu.memory_space<vmem_shared>>)
      tpu.yield
    }) : () -> ()
    %add3A_26 = arith.constant 480 : i32
    %add3A_27 = arith.addi %mul3A_8, %add3A_26 : i32
    %run_scoped3A_28 = arith.constant 0 : i32
    "tpu.region"() ({
      %run_scoped3A_212 = tpu.sem_alloc : memref<!tpu.dma_semaphore, #tpu.memory_space<semaphore_mem>>
      %dma_start3A_213 = arith.constant 0 : i32
      %dma_start3A_214 = arith.constant 0 : i32
      %dma_start3A_215 = tpu.memref_slice %arg8[%run_scoped3A_28, %dma_start3A_213, %dma_start3A_214] : memref<3x80x128xf32, #tpu.memory_space<vmem>> -> memref<1x80x128xf32, #tpu.memory_space<vmem>>
      %dma_start3A_216 = tpu.memref_squeeze %dma_start3A_215 : memref<1x80x128xf32, #tpu.memory_space<vmem>> -> memref<80x128xf32, #tpu.memory_space<vmem>>
      %dma_start3A_217 = arith.constant 0 : i32
      %dma_start3A_218 = tpu.memref_slice %arg9[%add3A_27, %dma_start3A_217] : memref<10000x128xf32, #tpu.memory_space<vmem_shared>> -> memref<80x128xf32, #tpu.memory_space<vmem_shared>>
      %dma_start3A_219 = arith.constant 0 : i32
      %dma_start3A_220 = tpu.memref_slice %arg9[%add3A_27, %dma_start3A_219] : memref<10000x128xf32, #tpu.memory_space<vmem_shared>> -> memref<80x128xf32, #tpu.memory_space<vmem_shared>>
      %dma_start3A_221 = arith.constant 0 : i32
      %dma_start3A_222 = arith.constant 0 : i32
      %dma_start3A_223 = tpu.memref_slice %arg8[%run_scoped3A_28, %dma_start3A_221, %dma_start3A_222] : memref<3x80x128xf32, #tpu.memory_space<vmem>> -> memref<1x80x128xf32, #tpu.memory_space<vmem>>
      %dma_start3A_224 = tpu.memref_squeeze %dma_start3A_223 : memref<1x80x128xf32, #tpu.memory_space<vmem>> -> memref<80x128xf32, #tpu.memory_space<vmem>>
      tpu.enqueue_dma source(%dma_start3A_224 : memref<80x128xf32, #tpu.memory_space<vmem>>) target(%dma_start3A_220 : memref<80x128xf32, #tpu.memory_space<vmem_shared>>) target_semaphore(%run_scoped3A_212 : memref<!tpu.dma_semaphore, #tpu.memory_space<semaphore_mem>>)
      %dma_wait3A_225 = arith.constant 0 : i32
      %dma_wait3A_226 = arith.constant 0 : i32
      %dma_wait3A_227 = tpu.memref_slice %arg8[%run_scoped3A_28, %dma_wait3A_225, %dma_wait3A_226] : memref<3x80x128xf32, #tpu.memory_space<vmem>> -> memref<1x80x128xf32, #tpu.memory_space<vmem>>
      %dma_wait3A_228 = tpu.memref_squeeze %dma_wait3A_227 : memref<1x80x128xf32, #tpu.memory_space<vmem>> -> memref<80x128xf32, #tpu.memory_space<vmem>>
      %dma_wait3A_229 = arith.constant 0 : i32
      %dma_wait3A_230 = tpu.memref_slice %arg9[%add3A_27, %dma_wait3A_229] : memref<10000x128xf32, #tpu.memory_space<vmem_shared>> -> memref<80x128xf32, #tpu.memory_space<vmem_shared>>
      %dma_wait3A_231 = arith.constant 0 : i32
      %dma_wait3A_232 = tpu.memref_slice %arg9[%add3A_27, %dma_wait3A_231] : memref<10000x128xf32, #tpu.memory_space<vmem_shared>> -> memref<80x128xf32, #tpu.memory_space<vmem_shared>>
      %dma_wait3A_233 = arith.constant 0 : i32
      %dma_wait3A_234 = arith.constant 0 : i32
      %dma_wait3A_235 = tpu.memref_slice %arg8[%run_scoped3A_28, %dma_wait3A_233, %dma_wait3A_234] : memref<3x80x128xf32, #tpu.memory_space<vmem>> -> memref<1x80x128xf32, #tpu.memory_space<vmem>>
      %dma_wait3A_236 = tpu.memref_squeeze %dma_wait3A_235 : memref<1x80x128xf32, #tpu.memory_space<vmem>> -> memref<80x128xf32, #tpu.memory_space<vmem>>
      tpu.wait_dma2 semaphore(%run_scoped3A_212 : memref<!tpu.dma_semaphore, #tpu.memory_space<semaphore_mem>>) src(%dma_wait3A_236 : memref<80x128xf32, #tpu.memory_space<vmem>>) dst(%dma_wait3A_232 : memref<80x128xf32, #tpu.memory_space<vmem_shared>>)
      tpu.yield
    }) : () -> ()
    %eq3A = arith.constant 15 : i32
    %eq3A_29 = arith.cmpi eq, %arg1, %eq3A : i32
    %convert_element_type3A = arith.extui %eq3A_29 : i1 to i32
    %cond3A = arith.constant 0 : i32
    %cond3A_30 = arith.cmpi ne, %convert_element_type3A, %cond3A : i32
    scf.if %cond3A_30 {
      %add3A_212 = arith.constant 560 : i32
      %add3A_213 = arith.addi %mul3A_8, %add3A_212 : i32
      %run_scoped3A_214 = arith.constant 0 : i32
      "tpu.region"() ({
        %run_scoped3A_215 = tpu.sem_alloc : memref<!tpu.dma_semaphore, #tpu.memory_space<semaphore_mem>>
        %dma_start3A_216 = arith.constant 0 : i32
        %dma_start3A_217 = arith.constant 0 : i32
        %dma_start3A_218 = tpu.memref_slice %arg8[%run_scoped3A_214, %dma_start3A_216, %dma_start3A_217] : memref<3x80x128xf32, #tpu.memory_space<vmem>> -> memref<1x80x128xf32, #tpu.memory_space<vmem>>
        %dma_start3A_219 = tpu.memref_squeeze %dma_start3A_218 : memref<1x80x128xf32, #tpu.memory_space<vmem>> -> memref<80x128xf32, #tpu.memory_space<vmem>>
        %dma_start3A_220 = arith.constant 0 : i32
        %dma_start3A_221 = tpu.memref_slice %arg9[%add3A_213, %dma_start3A_220] : memref<10000x128xf32, #tpu.memory_space<vmem_shared>> -> memref<80x128xf32, #tpu.memory_space<vmem_shared>>
        %dma_start3A_222 = arith.constant 0 : i32
        %dma_start3A_223 = tpu.memref_slice %arg9[%add3A_213, %dma_start3A_222] : memref<10000x128xf32, #tpu.memory_space<vmem_shared>> -> memref<80x128xf32, #tpu.memory_space<vmem_shared>>
        %dma_start3A_224 = arith.constant 0 : i32
        %dma_start3A_225 = arith.constant 0 : i32
        %dma_start3A_226 = tpu.memref_slice %arg8[%run_scoped3A_214, %dma_start3A_224, %dma_start3A_225] : memref<3x80x128xf32, #tpu.memory_space<vmem>> -> memref<1x80x128xf32, #tpu.memory_space<vmem>>
        %dma_start3A_227 = tpu.memref_squeeze %dma_start3A_226 : memref<1x80x128xf32, #tpu.memory_space<vmem>> -> memref<80x128xf32, #tpu.memory_space<vmem>>
        tpu.enqueue_dma source(%dma_start3A_227 : memref<80x128xf32, #tpu.memory_space<vmem>>) target(%dma_start3A_223 : memref<80x128xf32, #tpu.memory_space<vmem_shared>>) target_semaphore(%run_scoped3A_215 : memref<!tpu.dma_semaphore, #tpu.memory_space<semaphore_mem>>)
        %dma_wait3A_228 = arith.constant 0 : i32
        %dma_wait3A_229 = arith.constant 0 : i32
        %dma_wait3A_230 = tpu.memref_slice %arg8[%run_scoped3A_214, %dma_wait3A_228, %dma_wait3A_229] : memref<3x80x128xf32, #tpu.memory_space<vmem>> -> memref<1x80x128xf32, #tpu.memory_space<vmem>>
        %dma_wait3A_231 = tpu.memref_squeeze %dma_wait3A_230 : memref<1x80x128xf32, #tpu.memory_space<vmem>> -> memref<80x128xf32, #tpu.memory_space<vmem>>
        %dma_wait3A_232 = arith.constant 0 : i32
        %dma_wait3A_233 = tpu.memref_slice %arg9[%add3A_213, %dma_wait3A_232] : memref<10000x128xf32, #tpu.memory_space<vmem_shared>> -> memref<80x128xf32, #tpu.memory_space<vmem_shared>>
        %dma_wait3A_234 = arith.constant 0 : i32
        %dma_wait3A_235 = tpu.memref_slice %arg9[%add3A_213, %dma_wait3A_234] : memref<10000x128xf32, #tpu.memory_space<vmem_shared>> -> memref<80x128xf32, #tpu.memory_space<vmem_shared>>
        %dma_wait3A_236 = arith.constant 0 : i32
        %dma_wait3A_237 = arith.constant 0 : i32
        %dma_wait3A_238 = tpu.memref_slice %arg8[%run_scoped3A_214, %dma_wait3A_236, %dma_wait3A_237] : memref<3x80x128xf32, #tpu.memory_space<vmem>> -> memref<1x80x128xf32, #tpu.memory_space<vmem>>
        %dma_wait3A_239 = tpu.memref_squeeze %dma_wait3A_238 : memref<1x80x128xf32, #tpu.memory_space<vmem>> -> memref<80x128xf32, #tpu.memory_space<vmem>>
        tpu.wait_dma2 semaphore(%run_scoped3A_215 : memref<!tpu.dma_semaphore, #tpu.memory_space<semaphore_mem>>) src(%dma_wait3A_239 : memref<80x128xf32, #tpu.memory_space<vmem>>) dst(%dma_wait3A_235 : memref<80x128xf32, #tpu.memory_space<vmem_shared>>)
        tpu.yield
      }) : () -> ()
    } else {
    }
    %lt3A = arith.constant 15 : i32
    %lt3A_31 = arith.cmpi slt, %arg1, %lt3A : i32
    %convert_element_type3A_32 = arith.extui %lt3A_31 : i1 to i32
    %cond3A_33 = arith.constant 0 : i32
    %cond3A_34 = arith.cmpi ne, %convert_element_type3A_32, %cond3A_33 : i32
    scf.if %cond3A_34 {
      %add3A_212 = arith.constant 560 : i32
      %add3A_213 = arith.addi %mul3A_8, %add3A_212 : i32
      %run_scoped3A_214 = arith.constant 0 : i32
      "tpu.region"() ({
        %run_scoped3A_215 = tpu.sem_alloc : memref<!tpu.dma_semaphore, #tpu.memory_space<semaphore_mem>>
        %dma_start3A_216 = arith.constant 0 : i32
        %dma_start3A_217 = arith.constant 0 : i32
        %dma_start3A_218 = tpu.memref_slice %arg8[%run_scoped3A_214, %dma_start3A_216, %dma_start3A_217] : memref<3x80x128xf32, #tpu.memory_space<vmem>> -> memref<1x64x128xf32, #tpu.memory_space<vmem>>
        %dma_start3A_219 = tpu.memref_squeeze %dma_start3A_218 : memref<1x64x128xf32, #tpu.memory_space<vmem>> -> memref<64x128xf32, #tpu.memory_space<vmem>>
        %dma_start3A_220 = arith.constant 0 : i32
        %dma_start3A_221 = tpu.memref_slice %arg9[%add3A_213, %dma_start3A_220] : memref<10000x128xf32, #tpu.memory_space<vmem_shared>> -> memref<64x128xf32, #tpu.memory_space<vmem_shared>>
        %dma_start3A_222 = arith.constant 0 : i32
        %dma_start3A_223 = tpu.memref_slice %arg9[%add3A_213, %dma_start3A_222] : memref<10000x128xf32, #tpu.memory_space<vmem_shared>> -> memref<64x128xf32, #tpu.memory_space<vmem_shared>>
        %dma_start3A_224 = arith.constant 0 : i32
        %dma_start3A_225 = arith.constant 0 : i32
        %dma_start3A_226 = tpu.memref_slice %arg8[%run_scoped3A_214, %dma_start3A_224, %dma_start3A_225] : memref<3x80x128xf32, #tpu.memory_space<vmem>> -> memref<1x64x128xf32, #tpu.memory_space<vmem>>
        %dma_start3A_227 = tpu.memref_squeeze %dma_start3A_226 : memref<1x64x128xf32, #tpu.memory_space<vmem>> -> memref<64x128xf32, #tpu.memory_space<vmem>>
        tpu.enqueue_dma source(%dma_start3A_227 : memref<64x128xf32, #tpu.memory_space<vmem>>) target(%dma_start3A_223 : memref<64x128xf32, #tpu.memory_space<vmem_shared>>) target_semaphore(%run_scoped3A_215 : memref<!tpu.dma_semaphore, #tpu.memory_space<semaphore_mem>>)
        %dma_wait3A_228 = arith.constant 0 : i32
        %dma_wait3A_229 = arith.constant 0 : i32
        %dma_wait3A_230 = tpu.memref_slice %arg8[%run_scoped3A_214, %dma_wait3A_228, %dma_wait3A_229] : memref<3x80x128xf32, #tpu.memory_space<vmem>> -> memref<1x64x128xf32, #tpu.memory_space<vmem>>
        %dma_wait3A_231 = tpu.memref_squeeze %dma_wait3A_230 : memref<1x64x128xf32, #tpu.memory_space<vmem>> -> memref<64x128xf32, #tpu.memory_space<vmem>>
        %dma_wait3A_232 = arith.constant 0 : i32
        %dma_wait3A_233 = tpu.memref_slice %arg9[%add3A_213, %dma_wait3A_232] : memref<10000x128xf32, #tpu.memory_space<vmem_shared>> -> memref<64x128xf32, #tpu.memory_space<vmem_shared>>
        %dma_wait3A_234 = arith.constant 0 : i32
        %dma_wait3A_235 = tpu.memref_slice %arg9[%add3A_213, %dma_wait3A_234] : memref<10000x128xf32, #tpu.memory_space<vmem_shared>> -> memref<64x128xf32, #tpu.memory_space<vmem_shared>>
        %dma_wait3A_236 = arith.constant 0 : i32
        %dma_wait3A_237 = arith.constant 0 : i32
        %dma_wait3A_238 = tpu.memref_slice %arg8[%run_scoped3A_214, %dma_wait3A_236, %dma_wait3A_237] : memref<3x80x128xf32, #tpu.memory_space<vmem>> -> memref<1x64x128xf32, #tpu.memory_space<vmem>>
        %dma_wait3A_239 = tpu.memref_squeeze %dma_wait3A_238 : memref<1x64x128xf32, #tpu.memory_space<vmem>> -> memref<64x128xf32, #tpu.memory_space<vmem>>
        tpu.wait_dma2 semaphore(%run_scoped3A_215 : memref<!tpu.dma_semaphore, #tpu.memory_space<semaphore_mem>>) src(%dma_wait3A_239 : memref<64x128xf32, #tpu.memory_space<vmem>>) dst(%dma_wait3A_235 : memref<64x128xf32, #tpu.memory_space<vmem_shared>>)
        tpu.yield
      }) : () -> ()
    } else {
    }
    "tpu.region"() ({
      %run_scoped3A_212 = tpu.sem_alloc : memref<!tpu.dma_semaphore, #tpu.memory_space<semaphore_mem>>
      %dma_start3A_213 = arith.constant 0 : i32
      %dma_start3A_214 = arith.constant 0 : i32
      %dma_start3A_215 = tpu.memref_slice %arg4[%add3A, %dma_start3A_213, %dma_start3A_214] : memref<32x126x80xf32, #tpu.memory_space<hbm>> -> memref<1x126x80xf32, #tpu.memory_space<hbm>>
      %dma_start3A_216 = tpu.memref_squeeze %dma_start3A_215 : memref<1x126x80xf32, #tpu.memory_space<hbm>> -> memref<126x80xf32, #tpu.memory_space<hbm>>
      %dma_start3A_217 = arith.constant 0 : i32
      %dma_start3A_218 = arith.constant 0 : i32
      %dma_start3A_219 = tpu.memref_slice %arg4[%add3A, %dma_start3A_217, %dma_start3A_218] : memref<32x126x80xf32, #tpu.memory_space<hbm>> -> memref<1x126x80xf32, #tpu.memory_space<hbm>>
      %dma_start3A_220 = tpu.memref_squeeze %dma_start3A_219 : memref<1x126x80xf32, #tpu.memory_space<hbm>> -> memref<126x80xf32, #tpu.memory_space<hbm>>
      tpu.enqueue_dma source(%dma_start3A_220 : memref<126x80xf32, #tpu.memory_space<hbm>>) target(%arg7 : memref<126x80xf32, #tpu.memory_space<vmem>>) target_semaphore(%run_scoped3A_212 : memref<!tpu.dma_semaphore, #tpu.memory_space<semaphore_mem>>)
      %dma_wait3A_221 = arith.constant 0 : i32
      %dma_wait3A_222 = arith.constant 0 : i32
      %dma_wait3A_223 = tpu.memref_slice %arg4[%add3A, %dma_wait3A_221, %dma_wait3A_222] : memref<32x126x80xf32, #tpu.memory_space<hbm>> -> memref<1x126x80xf32, #tpu.memory_space<hbm>>
      %dma_wait3A_224 = tpu.memref_squeeze %dma_wait3A_223 : memref<1x126x80xf32, #tpu.memory_space<hbm>> -> memref<126x80xf32, #tpu.memory_space<hbm>>
      %dma_wait3A_225 = arith.constant 0 : i32
      %dma_wait3A_226 = arith.constant 0 : i32
      %dma_wait3A_227 = tpu.memref_slice %arg4[%add3A, %dma_wait3A_225, %dma_wait3A_226] : memref<32x126x80xf32, #tpu.memory_space<hbm>> -> memref<1x126x80xf32, #tpu.memory_space<hbm>>
      %dma_wait3A_228 = tpu.memref_squeeze %dma_wait3A_227 : memref<1x126x80xf32, #tpu.memory_space<hbm>> -> memref<126x80xf32, #tpu.memory_space<hbm>>
      tpu.wait_dma2 semaphore(%run_scoped3A_212 : memref<!tpu.dma_semaphore, #tpu.memory_space<semaphore_mem>>) src(%dma_wait3A_228 : memref<126x80xf32, #tpu.memory_space<hbm>>) dst(%arg7 : memref<126x80xf32, #tpu.memory_space<vmem>>)
      tpu.yield
    }) : () -> ()
    %barrier3A = arith.constant 0 : index
    tpu.barrier barrier_id(%barrier3A)
    %run_scoped3A_35 = arith.constant 0 : i32
    %run_scoped3A_36 = arith.constant 0 : i32
    "tpu.region"() ({
      %run_scoped3A_212 = tpu.sem_alloc : memref<!tpu.dma_semaphore, #tpu.memory_space<semaphore_mem>>
      %dma_start3A_213 = arith.constant 0 : i32
      %dma_start3A_214 = arith.constant 0 : i32
      %dma_start3A_215 = tpu.memref_slice %arg6[%run_scoped3A_36, %dma_start3A_213, %dma_start3A_214] : memref<3x2x80xi32, #tpu.memory_space<vmem>> -> memref<1x2x80xi32, #tpu.memory_space<vmem>>
      %dma_start3A_216 = tpu.memref_squeeze %dma_start3A_215 : memref<1x2x80xi32, #tpu.memory_space<vmem>> -> memref<2x80xi32, #tpu.memory_space<vmem>>
      %dma_start3A_217 = arith.constant 0 : i32
      %dma_start3A_218 = arith.constant 0 : i32
      %dma_start3A_219 = tpu.memref_slice %arg3[%add3A, %run_scoped3A_35, %dma_start3A_217, %dma_start3A_218] : memref<32x126x2x80xi32, #tpu.memory_space<hbm>> -> memref<1x1x2x80xi32, #tpu.memory_space<hbm>>
      %dma_start3A_220 = tpu.memref_squeeze %dma_start3A_219 : memref<1x1x2x80xi32, #tpu.memory_space<hbm>> -> memref<2x80xi32, #tpu.memory_space<hbm>>
      %dma_start3A_221 = arith.constant 0 : i32
      %dma_start3A_222 = arith.constant 0 : i32
      %dma_start3A_223 = tpu.memref_slice %arg6[%run_scoped3A_36, %dma_start3A_221, %dma_start3A_222] : memref<3x2x80xi32, #tpu.memory_space<vmem>> -> memref<1x2x80xi32, #tpu.memory_space<vmem>>
      %dma_start3A_224 = tpu.memref_squeeze %dma_start3A_223 : memref<1x2x80xi32, #tpu.memory_space<vmem>> -> memref<2x80xi32, #tpu.memory_space<vmem>>
      %dma_start3A_225 = arith.constant 0 : i32
      %dma_start3A_226 = arith.constant 0 : i32
      %dma_start3A_227 = tpu.memref_slice %arg3[%add3A, %run_scoped3A_35, %dma_start3A_225, %dma_start3A_226] : memref<32x126x2x80xi32, #tpu.memory_space<hbm>> -> memref<1x1x2x80xi32, #tpu.memory_space<hbm>>
      %dma_start3A_228 = tpu.memref_squeeze %dma_start3A_227 : memref<1x1x2x80xi32, #tpu.memory_space<hbm>> -> memref<2x80xi32, #tpu.memory_space<hbm>>
      tpu.enqueue_dma source(%dma_start3A_228 : memref<2x80xi32, #tpu.memory_space<hbm>>) target(%dma_start3A_224 : memref<2x80xi32, #tpu.memory_space<vmem>>) target_semaphore(%run_scoped3A_212 : memref<!tpu.dma_semaphore, #tpu.memory_space<semaphore_mem>>)
      %dma_wait3A_229 = arith.constant 0 : i32
      %dma_wait3A_230 = arith.constant 0 : i32
      %dma_wait3A_231 = tpu.memref_slice %arg6[%run_scoped3A_36, %dma_wait3A_229, %dma_wait3A_230] : memref<3x2x80xi32, #tpu.memory_space<vmem>> -> memref<1x2x80xi32, #tpu.memory_space<vmem>>
      %dma_wait3A_232 = tpu.memref_squeeze %dma_wait3A_231 : memref<1x2x80xi32, #tpu.memory_space<vmem>> -> memref<2x80xi32, #tpu.memory_space<vmem>>
      %dma_wait3A_233 = arith.constant 0 : i32
      %dma_wait3A_234 = arith.constant 0 : i32
      %dma_wait3A_235 = tpu.memref_slice %arg3[%add3A, %run_scoped3A_35, %dma_wait3A_233, %dma_wait3A_234] : memref<32x126x2x80xi32, #tpu.memory_space<hbm>> -> memref<1x1x2x80xi32, #tpu.memory_space<hbm>>
      %dma_wait3A_236 = tpu.memref_squeeze %dma_wait3A_235 : memref<1x1x2x80xi32, #tpu.memory_space<hbm>> -> memref<2x80xi32, #tpu.memory_space<hbm>>
      %dma_wait3A_237 = arith.constant 0 : i32
      %dma_wait3A_238 = arith.constant 0 : i32
      %dma_wait3A_239 = tpu.memref_slice %arg6[%run_scoped3A_36, %dma_wait3A_237, %dma_wait3A_238] : memref<3x2x80xi32, #tpu.memory_space<vmem>> -> memref<1x2x80xi32, #tpu.memory_space<vmem>>
      %dma_wait3A_240 = tpu.memref_squeeze %dma_wait3A_239 : memref<1x2x80xi32, #tpu.memory_space<vmem>> -> memref<2x80xi32, #tpu.memory_space<vmem>>
      %dma_wait3A_241 = arith.constant 0 : i32
      %dma_wait3A_242 = arith.constant 0 : i32
      %dma_wait3A_243 = tpu.memref_slice %arg3[%add3A, %run_scoped3A_35, %dma_wait3A_241, %dma_wait3A_242] : memref<32x126x2x80xi32, #tpu.memory_space<hbm>> -> memref<1x1x2x80xi32, #tpu.memory_space<hbm>>
      %dma_wait3A_244 = tpu.memref_squeeze %dma_wait3A_243 : memref<1x1x2x80xi32, #tpu.memory_space<hbm>> -> memref<2x80xi32, #tpu.memory_space<hbm>>
      tpu.wait_dma2 semaphore(%run_scoped3A_212 : memref<!tpu.dma_semaphore, #tpu.memory_space<semaphore_mem>>) src(%dma_wait3A_244 : memref<2x80xi32, #tpu.memory_space<hbm>>) dst(%dma_wait3A_240 : memref<2x80xi32, #tpu.memory_space<vmem>>)
      tpu.yield
    }) : () -> ()
    %run_scoped3A_37 = arith.constant 1 : i32
    %run_scoped3A_38 = arith.constant 1 : i32
    "tpu.region"() ({
      %run_scoped3A_212 = tpu.sem_alloc : memref<!tpu.dma_semaphore, #tpu.memory_space<semaphore_mem>>
      %dma_start3A_213 = arith.constant 0 : i32
      %dma_start3A_214 = arith.constant 0 : i32
      %dma_start3A_215 = tpu.memref_slice %arg6[%run_scoped3A_38, %dma_start3A_213, %dma_start3A_214] : memref<3x2x80xi32, #tpu.memory_space<vmem>> -> memref<1x2x80xi32, #tpu.memory_space<vmem>>
      %dma_start3A_216 = tpu.memref_squeeze %dma_start3A_215 : memref<1x2x80xi32, #tpu.memory_space<vmem>> -> memref<2x80xi32, #tpu.memory_space<vmem>>
      %dma_start3A_217 = arith.constant 0 : i32
      %dma_start3A_218 = arith.constant 0 : i32
      %dma_start3A_219 = tpu.memref_slice %arg3[%add3A, %run_scoped3A_37, %dma_start3A_217, %dma_start3A_218] : memref<32x126x2x80xi32, #tpu.memory_space<hbm>> -> memref<1x1x2x80xi32, #tpu.memory_space<hbm>>
      %dma_start3A_220 = tpu.memref_squeeze %dma_start3A_219 : memref<1x1x2x80xi32, #tpu.memory_space<hbm>> -> memref<2x80xi32, #tpu.memory_space<hbm>>
      %dma_start3A_221 = arith.constant 0 : i32
      %dma_start3A_222 = arith.constant 0 : i32
      %dma_start3A_223 = tpu.memref_slice %arg6[%run_scoped3A_38, %dma_start3A_221, %dma_start3A_222] : memref<3x2x80xi32, #tpu.memory_space<vmem>> -> memref<1x2x80xi32, #tpu.memory_space<vmem>>
      %dma_start3A_224 = tpu.memref_squeeze %dma_start3A_223 : memref<1x2x80xi32, #tpu.memory_space<vmem>> -> memref<2x80xi32, #tpu.memory_space<vmem>>
      %dma_start3A_225 = arith.constant 0 : i32
      %dma_start3A_226 = arith.constant 0 : i32
      %dma_start3A_227 = tpu.memref_slice %arg3[%add3A, %run_scoped3A_37, %dma_start3A_225, %dma_start3A_226] : memref<32x126x2x80xi32, #tpu.memory_space<hbm>> -> memref<1x1x2x80xi32, #tpu.memory_space<hbm>>
      %dma_start3A_228 = tpu.memref_squeeze %dma_start3A_227 : memref<1x1x2x80xi32, #tpu.memory_space<hbm>> -> memref<2x80xi32, #tpu.memory_space<hbm>>
      tpu.enqueue_dma source(%dma_start3A_228 : memref<2x80xi32, #tpu.memory_space<hbm>>) target(%dma_start3A_224 : memref<2x80xi32, #tpu.memory_space<vmem>>) target_semaphore(%run_scoped3A_212 : memref<!tpu.dma_semaphore, #tpu.memory_space<semaphore_mem>>)
      %dma_wait3A_229 = arith.constant 0 : i32
      %dma_wait3A_230 = arith.constant 0 : i32
      %dma_wait3A_231 = tpu.memref_slice %arg6[%run_scoped3A_38, %dma_wait3A_229, %dma_wait3A_230] : memref<3x2x80xi32, #tpu.memory_space<vmem>> -> memref<1x2x80xi32, #tpu.memory_space<vmem>>
      %dma_wait3A_232 = tpu.memref_squeeze %dma_wait3A_231 : memref<1x2x80xi32, #tpu.memory_space<vmem>> -> memref<2x80xi32, #tpu.memory_space<vmem>>
      %dma_wait3A_233 = arith.constant 0 : i32
      %dma_wait3A_234 = arith.constant 0 : i32
      %dma_wait3A_235 = tpu.memref_slice %arg3[%add3A, %run_scoped3A_37, %dma_wait3A_233, %dma_wait3A_234] : memref<32x126x2x80xi32, #tpu.memory_space<hbm>> -> memref<1x1x2x80xi32, #tpu.memory_space<hbm>>
      %dma_wait3A_236 = tpu.memref_squeeze %dma_wait3A_235 : memref<1x1x2x80xi32, #tpu.memory_space<hbm>> -> memref<2x80xi32, #tpu.memory_space<hbm>>
      %dma_wait3A_237 = arith.constant 0 : i32
      %dma_wait3A_238 = arith.constant 0 : i32
      %dma_wait3A_239 = tpu.memref_slice %arg6[%run_scoped3A_38, %dma_wait3A_237, %dma_wait3A_238] : memref<3x2x80xi32, #tpu.memory_space<vmem>> -> memref<1x2x80xi32, #tpu.memory_space<vmem>>
      %dma_wait3A_240 = tpu.memref_squeeze %dma_wait3A_239 : memref<1x2x80xi32, #tpu.memory_space<vmem>> -> memref<2x80xi32, #tpu.memory_space<vmem>>
      %dma_wait3A_241 = arith.constant 0 : i32
      %dma_wait3A_242 = arith.constant 0 : i32
      %dma_wait3A_243 = tpu.memref_slice %arg3[%add3A, %run_scoped3A_37, %dma_wait3A_241, %dma_wait3A_242] : memref<32x126x2x80xi32, #tpu.memory_space<hbm>> -> memref<1x1x2x80xi32, #tpu.memory_space<hbm>>
      %dma_wait3A_244 = tpu.memref_squeeze %dma_wait3A_243 : memref<1x1x2x80xi32, #tpu.memory_space<hbm>> -> memref<2x80xi32, #tpu.memory_space<hbm>>
      tpu.wait_dma2 semaphore(%run_scoped3A_212 : memref<!tpu.dma_semaphore, #tpu.memory_space<semaphore_mem>>) src(%dma_wait3A_244 : memref<2x80xi32, #tpu.memory_space<hbm>>) dst(%dma_wait3A_240 : memref<2x80xi32, #tpu.memory_space<vmem>>)
      tpu.yield
    }) : () -> ()
    %run_scoped3A_39 = arith.constant 2 : i32
    %run_scoped3A_40 = arith.constant 2 : i32
    "tpu.region"() ({
      %run_scoped3A_212 = tpu.sem_alloc : memref<!tpu.dma_semaphore, #tpu.memory_space<semaphore_mem>>
      %dma_start3A_213 = arith.constant 0 : i32
      %dma_start3A_214 = arith.constant 0 : i32
      %dma_start3A_215 = tpu.memref_slice %arg6[%run_scoped3A_40, %dma_start3A_213, %dma_start3A_214] : memref<3x2x80xi32, #tpu.memory_space<vmem>> -> memref<1x2x80xi32, #tpu.memory_space<vmem>>
      %dma_start3A_216 = tpu.memref_squeeze %dma_start3A_215 : memref<1x2x80xi32, #tpu.memory_space<vmem>> -> memref<2x80xi32, #tpu.memory_space<vmem>>
      %dma_start3A_217 = arith.constant 0 : i32
      %dma_start3A_218 = arith.constant 0 : i32
      %dma_start3A_219 = tpu.memref_slice %arg3[%add3A, %run_scoped3A_39, %dma_start3A_217, %dma_start3A_218] : memref<32x126x2x80xi32, #tpu.memory_space<hbm>> -> memref<1x1x2x80xi32, #tpu.memory_space<hbm>>
      %dma_start3A_220 = tpu.memref_squeeze %dma_start3A_219 : memref<1x1x2x80xi32, #tpu.memory_space<hbm>> -> memref<2x80xi32, #tpu.memory_space<hbm>>
      %dma_start3A_221 = arith.constant 0 : i32
      %dma_start3A_222 = arith.constant 0 : i32
      %dma_start3A_223 = tpu.memref_slice %arg6[%run_scoped3A_40, %dma_start3A_221, %dma_start3A_222] : memref<3x2x80xi32, #tpu.memory_space<vmem>> -> memref<1x2x80xi32, #tpu.memory_space<vmem>>
      %dma_start3A_224 = tpu.memref_squeeze %dma_start3A_223 : memref<1x2x80xi32, #tpu.memory_space<vmem>> -> memref<2x80xi32, #tpu.memory_space<vmem>>
      %dma_start3A_225 = arith.constant 0 : i32
      %dma_start3A_226 = arith.constant 0 : i32
      %dma_start3A_227 = tpu.memref_slice %arg3[%add3A, %run_scoped3A_39, %dma_start3A_225, %dma_start3A_226] : memref<32x126x2x80xi32, #tpu.memory_space<hbm>> -> memref<1x1x2x80xi32, #tpu.memory_space<hbm>>
      %dma_start3A_228 = tpu.memref_squeeze %dma_start3A_227 : memref<1x1x2x80xi32, #tpu.memory_space<hbm>> -> memref<2x80xi32, #tpu.memory_space<hbm>>
      tpu.enqueue_dma source(%dma_start3A_228 : memref<2x80xi32, #tpu.memory_space<hbm>>) target(%dma_start3A_224 : memref<2x80xi32, #tpu.memory_space<vmem>>) target_semaphore(%run_scoped3A_212 : memref<!tpu.dma_semaphore, #tpu.memory_space<semaphore_mem>>)
      %dma_wait3A_229 = arith.constant 0 : i32
      %dma_wait3A_230 = arith.constant 0 : i32
      %dma_wait3A_231 = tpu.memref_slice %arg6[%run_scoped3A_40, %dma_wait3A_229, %dma_wait3A_230] : memref<3x2x80xi32, #tpu.memory_space<vmem>> -> memref<1x2x80xi32, #tpu.memory_space<vmem>>
      %dma_wait3A_232 = tpu.memref_squeeze %dma_wait3A_231 : memref<1x2x80xi32, #tpu.memory_space<vmem>> -> memref<2x80xi32, #tpu.memory_space<vmem>>
      %dma_wait3A_233 = arith.constant 0 : i32
      %dma_wait3A_234 = arith.constant 0 : i32
      %dma_wait3A_235 = tpu.memref_slice %arg3[%add3A, %run_scoped3A_39, %dma_wait3A_233, %dma_wait3A_234] : memref<32x126x2x80xi32, #tpu.memory_space<hbm>> -> memref<1x1x2x80xi32, #tpu.memory_space<hbm>>
      %dma_wait3A_236 = tpu.memref_squeeze %dma_wait3A_235 : memref<1x1x2x80xi32, #tpu.memory_space<hbm>> -> memref<2x80xi32, #tpu.memory_space<hbm>>
      %dma_wait3A_237 = arith.constant 0 : i32
      %dma_wait3A_238 = arith.constant 0 : i32
      %dma_wait3A_239 = tpu.memref_slice %arg6[%run_scoped3A_40, %dma_wait3A_237, %dma_wait3A_238] : memref<3x2x80xi32, #tpu.memory_space<vmem>> -> memref<1x2x80xi32, #tpu.memory_space<vmem>>
      %dma_wait3A_240 = tpu.memref_squeeze %dma_wait3A_239 : memref<1x2x80xi32, #tpu.memory_space<vmem>> -> memref<2x80xi32, #tpu.memory_space<vmem>>
      %dma_wait3A_241 = arith.constant 0 : i32
      %dma_wait3A_242 = arith.constant 0 : i32
      %dma_wait3A_243 = tpu.memref_slice %arg3[%add3A, %run_scoped3A_39, %dma_wait3A_241, %dma_wait3A_242] : memref<32x126x2x80xi32, #tpu.memory_space<hbm>> -> memref<1x1x2x80xi32, #tpu.memory_space<hbm>>
      %dma_wait3A_244 = tpu.memref_squeeze %dma_wait3A_243 : memref<1x1x2x80xi32, #tpu.memory_space<hbm>> -> memref<2x80xi32, #tpu.memory_space<hbm>>
      tpu.wait_dma2 semaphore(%run_scoped3A_212 : memref<!tpu.dma_semaphore, #tpu.memory_space<semaphore_mem>>) src(%dma_wait3A_244 : memref<2x80xi32, #tpu.memory_space<hbm>>) dst(%dma_wait3A_240 : memref<2x80xi32, #tpu.memory_space<vmem>>)
      tpu.yield
    }) : () -> ()
    %dma_start3A = arith.constant 0 : i32
    %dma_start3A_41 = arith.constant 0 : i32
    %dma_start3A_42 = arith.constant 0 : i32
    %dma_start3A_43 = arith.constant 0 : i32
    %dma_start3A_44 = arith.constant 0 : i32
    %dma_start3A_45 = tpu.memref_slice %arg8[%dma_start3A_42, %dma_start3A_43, %dma_start3A_44] : memref<3x80x128xf32, #tpu.memory_space<vmem>> -> memref<1x80x128xf32, #tpu.memory_space<vmem>>
    %dma_start3A_46 = tpu.memref_squeeze %dma_start3A_45 : memref<1x80x128xf32, #tpu.memory_space<vmem>> -> memref<80x128xf32, #tpu.memory_space<vmem>>
    %dma_start3A_47 = arith.constant 0 : i32
    %dma_start3A_48 = tpu.memref_slice %arg6[%dma_start3A, %dma_start3A_41, %dma_start3A_47] : memref<3x2x80xi32, #tpu.memory_space<vmem>> -> memref<1x1x80xi32, #tpu.memory_space<vmem>>
    %dma_start3A_49 = tpu.memref_squeeze %dma_start3A_48 : memref<1x1x80xi32, #tpu.memory_space<vmem>> -> memref<80xi32, #tpu.memory_space<vmem>>
    %dma_start3A_50 = arith.constant 0 : i32
    %dma_start3A_51 = arith.constant 0 : i32
    %dma_start3A_52 = tpu.memref_slice %arg2[%dma_start3A_50, %dma_start3A_51] : memref<10000x128xf32, #tpu.memory_space<hbm>> -> memref<10000x128xf32, #tpu.memory_space<hbm>>
    tpu.enqueue_indirect_dma source(%dma_start3A_52 : memref<10000x128xf32, #tpu.memory_space<hbm>>) target(%dma_start3A_46 : memref<80x128xf32, #tpu.memory_space<vmem>>) offsets(%dma_start3A_49 : memref<80xi32, #tpu.memory_space<vmem>>) semaphore(%arg10 : memref<!tpu.dma_semaphore, #tpu.memory_space<semaphore_mem>>)
    %dma_start3A_53 = arith.constant 1 : i32
    %dma_start3A_54 = arith.constant 0 : i32
    %dma_start3A_55 = arith.constant 1 : i32
    %dma_start3A_56 = arith.constant 0 : i32
    %dma_start3A_57 = arith.constant 0 : i32
    %dma_start3A_58 = tpu.memref_slice %arg8[%dma_start3A_55, %dma_start3A_56, %dma_start3A_57] : memref<3x80x128xf32, #tpu.memory_space<vmem>> -> memref<1x80x128xf32, #tpu.memory_space<vmem>>
    %dma_start3A_59 = tpu.memref_squeeze %dma_start3A_58 : memref<1x80x128xf32, #tpu.memory_space<vmem>> -> memref<80x128xf32, #tpu.memory_space<vmem>>
    %dma_start3A_60 = arith.constant 0 : i32
    %dma_start3A_61 = tpu.memref_slice %arg6[%dma_start3A_53, %dma_start3A_54, %dma_start3A_60] : memref<3x2x80xi32, #tpu.memory_space<vmem>> -> memref<1x1x80xi32, #tpu.memory_space<vmem>>
    %dma_start3A_62 = tpu.memref_squeeze %dma_start3A_61 : memref<1x1x80xi32, #tpu.memory_space<vmem>> -> memref<80xi32, #tpu.memory_space<vmem>>
    %dma_start3A_63 = arith.constant 0 : i32
    %dma_start3A_64 = arith.constant 0 : i32
    %dma_start3A_65 = tpu.memref_slice %arg2[%dma_start3A_63, %dma_start3A_64] : memref<10000x128xf32, #tpu.memory_space<hbm>> -> memref<10000x128xf32, #tpu.memory_space<hbm>>
    tpu.enqueue_indirect_dma source(%dma_start3A_65 : memref<10000x128xf32, #tpu.memory_space<hbm>>) target(%dma_start3A_59 : memref<80x128xf32, #tpu.memory_space<vmem>>) offsets(%dma_start3A_62 : memref<80xi32, #tpu.memory_space<vmem>>) semaphore(%arg11 : memref<!tpu.dma_semaphore, #tpu.memory_space<semaphore_mem>>)
    %dma_wait3A = arith.constant 0 : i32
    %dma_wait3A_66 = arith.constant 0 : i32
    %dma_wait3A_67 = arith.constant 0 : i32
    %dma_wait3A_68 = arith.constant 0 : i32
    %dma_wait3A_69 = arith.constant 0 : i32
    %dma_wait3A_70 = tpu.memref_slice %arg8[%dma_wait3A_67, %dma_wait3A_68, %dma_wait3A_69] : memref<3x80x128xf32, #tpu.memory_space<vmem>> -> memref<1x80x128xf32, #tpu.memory_space<vmem>>
    %dma_wait3A_71 = tpu.memref_squeeze %dma_wait3A_70 : memref<1x80x128xf32, #tpu.memory_space<vmem>> -> memref<80x128xf32, #tpu.memory_space<vmem>>
    %dma_wait3A_72 = arith.constant 0 : i32
    %dma_wait3A_73 = tpu.memref_slice %arg6[%dma_wait3A, %dma_wait3A_66, %dma_wait3A_72] : memref<3x2x80xi32, #tpu.memory_space<vmem>> -> memref<1x1x80xi32, #tpu.memory_space<vmem>>
    %dma_wait3A_74 = tpu.memref_squeeze %dma_wait3A_73 : memref<1x1x80xi32, #tpu.memory_space<vmem>> -> memref<80xi32, #tpu.memory_space<vmem>>
    %dma_wait3A_75 = arith.constant 0 : i32
    %dma_wait3A_76 = arith.constant 0 : i32
    %dma_wait3A_77 = tpu.memref_slice %arg2[%dma_wait3A_75, %dma_wait3A_76] : memref<10000x128xf32, #tpu.memory_space<hbm>> -> memref<10000x128xf32, #tpu.memory_space<hbm>>
    tpu.wait_indirect_dma semaphore(%arg10 : memref<!tpu.dma_semaphore, #tpu.memory_space<semaphore_mem>>) src(%dma_wait3A_77 : memref<10000x128xf32, #tpu.memory_space<hbm>>) dst(%dma_wait3A_71 : memref<80x128xf32, #tpu.memory_space<vmem>>)
    %dma_start3A_78 = arith.constant 2 : i32
    %dma_start3A_79 = arith.constant 0 : i32
    %dma_start3A_80 = arith.constant 2 : i32
    %dma_start3A_81 = arith.constant 0 : i32
    %dma_start3A_82 = arith.constant 0 : i32
    %dma_start3A_83 = tpu.memref_slice %arg8[%dma_start3A_80, %dma_start3A_81, %dma_start3A_82] : memref<3x80x128xf32, #tpu.memory_space<vmem>> -> memref<1x80x128xf32, #tpu.memory_space<vmem>>
    %dma_start3A_84 = tpu.memref_squeeze %dma_start3A_83 : memref<1x80x128xf32, #tpu.memory_space<vmem>> -> memref<80x128xf32, #tpu.memory_space<vmem>>
    %dma_start3A_85 = arith.constant 0 : i32
    %dma_start3A_86 = tpu.memref_slice %arg6[%dma_start3A_78, %dma_start3A_79, %dma_start3A_85] : memref<3x2x80xi32, #tpu.memory_space<vmem>> -> memref<1x1x80xi32, #tpu.memory_space<vmem>>
    %dma_start3A_87 = tpu.memref_squeeze %dma_start3A_86 : memref<1x1x80xi32, #tpu.memory_space<vmem>> -> memref<80xi32, #tpu.memory_space<vmem>>
    %dma_start3A_88 = arith.constant 0 : i32
    %dma_start3A_89 = arith.constant 0 : i32
    %dma_start3A_90 = tpu.memref_slice %arg2[%dma_start3A_88, %dma_start3A_89] : memref<10000x128xf32, #tpu.memory_space<hbm>> -> memref<10000x128xf32, #tpu.memory_space<hbm>>
    tpu.enqueue_indirect_dma source(%dma_start3A_90 : memref<10000x128xf32, #tpu.memory_space<hbm>>) target(%dma_start3A_84 : memref<80x128xf32, #tpu.memory_space<vmem>>) offsets(%dma_start3A_87 : memref<80xi32, #tpu.memory_space<vmem>>) semaphore(%arg12 : memref<!tpu.dma_semaphore, #tpu.memory_space<semaphore_mem>>)
    %dma_wait3A_91 = arith.constant 1 : i32
    %dma_wait3A_92 = arith.constant 0 : i32
    %dma_wait3A_93 = arith.constant 1 : i32
    %dma_wait3A_94 = arith.constant 0 : i32
    %dma_wait3A_95 = arith.constant 0 : i32
    %dma_wait3A_96 = tpu.memref_slice %arg8[%dma_wait3A_93, %dma_wait3A_94, %dma_wait3A_95] : memref<3x80x128xf32, #tpu.memory_space<vmem>> -> memref<1x80x128xf32, #tpu.memory_space<vmem>>
    %dma_wait3A_97 = tpu.memref_squeeze %dma_wait3A_96 : memref<1x80x128xf32, #tpu.memory_space<vmem>> -> memref<80x128xf32, #tpu.memory_space<vmem>>
    %dma_wait3A_98 = arith.constant 0 : i32
    %dma_wait3A_99 = tpu.memref_slice %arg6[%dma_wait3A_91, %dma_wait3A_92, %dma_wait3A_98] : memref<3x2x80xi32, #tpu.memory_space<vmem>> -> memref<1x1x80xi32, #tpu.memory_space<vmem>>
    %dma_wait3A_100 = tpu.memref_squeeze %dma_wait3A_99 : memref<1x1x80xi32, #tpu.memory_space<vmem>> -> memref<80xi32, #tpu.memory_space<vmem>>
    %dma_wait3A_101 = arith.constant 0 : i32
    %dma_wait3A_102 = arith.constant 0 : i32
    %dma_wait3A_103 = tpu.memref_slice %arg2[%dma_wait3A_101, %dma_wait3A_102] : memref<10000x128xf32, #tpu.memory_space<hbm>> -> memref<10000x128xf32, #tpu.memory_space<hbm>>
    tpu.wait_indirect_dma semaphore(%arg11 : memref<!tpu.dma_semaphore, #tpu.memory_space<semaphore_mem>>) src(%dma_wait3A_103 : memref<10000x128xf32, #tpu.memory_space<hbm>>) dst(%dma_wait3A_97 : memref<80x128xf32, #tpu.memory_space<vmem>>)
    %dma_start3A_104 = arith.constant 0 : i32
    %dma_start3A_105 = arith.constant 0 : i32
    %dma_start3A_106 = arith.constant 0 : i32
    %dma_start3A_107 = arith.constant 0 : i32
    %dma_start3A_108 = arith.constant 0 : i32
    %dma_start3A_109 = tpu.memref_slice %arg8[%dma_start3A_106, %dma_start3A_107, %dma_start3A_108] : memref<3x80x128xf32, #tpu.memory_space<vmem>> -> memref<1x80x128xf32, #tpu.memory_space<vmem>>
    %dma_start3A_110 = tpu.memref_squeeze %dma_start3A_109 : memref<1x80x128xf32, #tpu.memory_space<vmem>> -> memref<80x128xf32, #tpu.memory_space<vmem>>
    %dma_start3A_111 = arith.constant 0 : i32
    %dma_start3A_112 = tpu.memref_slice %arg6[%dma_start3A_104, %dma_start3A_105, %dma_start3A_111] : memref<3x2x80xi32, #tpu.memory_space<vmem>> -> memref<1x1x80xi32, #tpu.memory_space<vmem>>
    %dma_start3A_113 = tpu.memref_squeeze %dma_start3A_112 : memref<1x1x80xi32, #tpu.memory_space<vmem>> -> memref<80xi32, #tpu.memory_space<vmem>>
    %dma_start3A_114 = arith.constant 0 : i32
    %dma_start3A_115 = arith.constant 0 : i32
    %dma_start3A_116 = tpu.memref_slice %arg2[%dma_start3A_114, %dma_start3A_115] : memref<10000x128xf32, #tpu.memory_space<hbm>> -> memref<10000x128xf32, #tpu.memory_space<hbm>>
    tpu.enqueue_indirect_dma source(%dma_start3A_116 : memref<10000x128xf32, #tpu.memory_space<hbm>>) target(%dma_start3A_110 : memref<80x128xf32, #tpu.memory_space<vmem>>) offsets(%dma_start3A_113 : memref<80xi32, #tpu.memory_space<vmem>>) semaphore(%arg10 : memref<!tpu.dma_semaphore, #tpu.memory_space<semaphore_mem>>)
    %dma_wait3A_117 = arith.constant 2 : i32
    %dma_wait3A_118 = arith.constant 0 : i32
    %dma_wait3A_119 = arith.constant 2 : i32
    %dma_wait3A_120 = arith.constant 0 : i32
    %dma_wait3A_121 = arith.constant 0 : i32
    %dma_wait3A_122 = tpu.memref_slice %arg8[%dma_wait3A_119, %dma_wait3A_120, %dma_wait3A_121] : memref<3x80x128xf32, #tpu.memory_space<vmem>> -> memref<1x80x128xf32, #tpu.memory_space<vmem>>
    %dma_wait3A_123 = tpu.memref_squeeze %dma_wait3A_122 : memref<1x80x128xf32, #tpu.memory_space<vmem>> -> memref<80x128xf32, #tpu.memory_space<vmem>>
    %dma_wait3A_124 = arith.constant 0 : i32
    %dma_wait3A_125 = tpu.memref_slice %arg6[%dma_wait3A_117, %dma_wait3A_118, %dma_wait3A_124] : memref<3x2x80xi32, #tpu.memory_space<vmem>> -> memref<1x1x80xi32, #tpu.memory_space<vmem>>
    %dma_wait3A_126 = tpu.memref_squeeze %dma_wait3A_125 : memref<1x1x80xi32, #tpu.memory_space<vmem>> -> memref<80xi32, #tpu.memory_space<vmem>>
    %dma_wait3A_127 = arith.constant 0 : i32
    %dma_wait3A_128 = arith.constant 0 : i32
    %dma_wait3A_129 = tpu.memref_slice %arg2[%dma_wait3A_127, %dma_wait3A_128] : memref<10000x128xf32, #tpu.memory_space<hbm>> -> memref<10000x128xf32, #tpu.memory_space<hbm>>
    tpu.wait_indirect_dma semaphore(%arg12 : memref<!tpu.dma_semaphore, #tpu.memory_space<semaphore_mem>>) src(%dma_wait3A_129 : memref<10000x128xf32, #tpu.memory_space<hbm>>) dst(%dma_wait3A_123 : memref<80x128xf32, #tpu.memory_space<vmem>>)
    %dma_start3A_130 = arith.constant 1 : i32
    %dma_start3A_131 = arith.constant 0 : i32
    %dma_start3A_132 = arith.constant 1 : i32
    %dma_start3A_133 = arith.constant 0 : i32
    %dma_start3A_134 = arith.constant 0 : i32
    %dma_start3A_135 = tpu.memref_slice %arg8[%dma_start3A_132, %dma_start3A_133, %dma_start3A_134] : memref<3x80x128xf32, #tpu.memory_space<vmem>> -> memref<1x80x128xf32, #tpu.memory_space<vmem>>
    %dma_start3A_136 = tpu.memref_squeeze %dma_start3A_135 : memref<1x80x128xf32, #tpu.memory_space<vmem>> -> memref<80x128xf32, #tpu.memory_space<vmem>>
    %dma_start3A_137 = arith.constant 0 : i32
    %dma_start3A_138 = tpu.memref_slice %arg6[%dma_start3A_130, %dma_start3A_131, %dma_start3A_137] : memref<3x2x80xi32, #tpu.memory_space<vmem>> -> memref<1x1x80xi32, #tpu.memory_space<vmem>>
    %dma_start3A_139 = tpu.memref_squeeze %dma_start3A_138 : memref<1x1x80xi32, #tpu.memory_space<vmem>> -> memref<80xi32, #tpu.memory_space<vmem>>
    %dma_start3A_140 = arith.constant 0 : i32
    %dma_start3A_141 = arith.constant 0 : i32
    %dma_start3A_142 = tpu.memref_slice %arg2[%dma_start3A_140, %dma_start3A_141] : memref<10000x128xf32, #tpu.memory_space<hbm>> -> memref<10000x128xf32, #tpu.memory_space<hbm>>
    tpu.enqueue_indirect_dma source(%dma_start3A_142 : memref<10000x128xf32, #tpu.memory_space<hbm>>) target(%dma_start3A_136 : memref<80x128xf32, #tpu.memory_space<vmem>>) offsets(%dma_start3A_139 : memref<80xi32, #tpu.memory_space<vmem>>) semaphore(%arg11 : memref<!tpu.dma_semaphore, #tpu.memory_space<semaphore_mem>>)
    %scan3A_143 = arith.constant 0 : i32
    %scan3A_144 = arith.constant 1 : i32
    %scan3A_145 = arith.constant 40 : i32
    %scan3A_146 = arith.addi %scan3A_144, %scan3A_145 : i32
    %scan3A_147 = arith.constant 1 : i32
    scf.for %scan3A_212 = %scan3A_144 to %scan3A_146 step %scan3A_147  : i32 {
      %mul3A_213 = arith.constant 3 : i32
      %mul3A_214 = arith.muli %mul3A_213, %scan3A_212 : i32
      %add3A_215 = arith.constant 0 : i32
      %add3A_216 = arith.addi %mul3A_214, %add3A_215 : i32
      %dma_wait3A_217 = arith.constant 0 : i32
      %dma_wait3A_218 = arith.constant 0 : i32
      %dma_wait3A_219 = arith.constant 0 : i32
      %dma_wait3A_220 = arith.constant 0 : i32
      %dma_wait3A_221 = arith.constant 0 : i32
      %dma_wait3A_222 = tpu.memref_slice %arg8[%dma_wait3A_219, %dma_wait3A_220, %dma_wait3A_221] : memref<3x80x128xf32, #tpu.memory_space<vmem>> -> memref<1x80x128xf32, #tpu.memory_space<vmem>>
      %dma_wait3A_223 = tpu.memref_squeeze %dma_wait3A_222 : memref<1x80x128xf32, #tpu.memory_space<vmem>> -> memref<80x128xf32, #tpu.memory_space<vmem>>
      %dma_wait3A_224 = arith.constant 0 : i32
      %dma_wait3A_225 = tpu.memref_slice %arg6[%dma_wait3A_217, %dma_wait3A_218, %dma_wait3A_224] : memref<3x2x80xi32, #tpu.memory_space<vmem>> -> memref<1x1x80xi32, #tpu.memory_space<vmem>>
      %dma_wait3A_226 = tpu.memref_squeeze %dma_wait3A_225 : memref<1x1x80xi32, #tpu.memory_space<vmem>> -> memref<80xi32, #tpu.memory_space<vmem>>
      %dma_wait3A_227 = arith.constant 0 : i32
      %dma_wait3A_228 = arith.constant 0 : i32
      %dma_wait3A_229 = tpu.memref_slice %arg2[%dma_wait3A_227, %dma_wait3A_228] : memref<10000x128xf32, #tpu.memory_space<hbm>> -> memref<10000x128xf32, #tpu.memory_space<hbm>>
      tpu.wait_indirect_dma semaphore(%arg10 : memref<!tpu.dma_semaphore, #tpu.memory_space<semaphore_mem>>) src(%dma_wait3A_229 : memref<10000x128xf32, #tpu.memory_space<hbm>>) dst(%dma_wait3A_223 : memref<80x128xf32, #tpu.memory_space<vmem>>)
      %add3A_230 = arith.constant 2 : i32
      %add3A_231 = arith.addi %add3A_216, %add3A_230 : i32
      %dma_start3A_232 = arith.constant 2 : i32
      %dma_start3A_233 = arith.constant 0 : i32
      %dma_start3A_234 = arith.constant 2 : i32
      %dma_start3A_235 = arith.constant 0 : i32
      %dma_start3A_236 = arith.constant 0 : i32
      %dma_start3A_237 = tpu.memref_slice %arg8[%dma_start3A_234, %dma_start3A_235, %dma_start3A_236] : memref<3x80x128xf32, #tpu.memory_space<vmem>> -> memref<1x80x128xf32, #tpu.memory_space<vmem>>
      %dma_start3A_238 = tpu.memref_squeeze %dma_start3A_237 : memref<1x80x128xf32, #tpu.memory_space<vmem>> -> memref<80x128xf32, #tpu.memory_space<vmem>>
      %dma_start3A_239 = arith.constant 0 : i32
      %dma_start3A_240 = tpu.memref_slice %arg6[%dma_start3A_232, %dma_start3A_233, %dma_start3A_239] : memref<3x2x80xi32, #tpu.memory_space<vmem>> -> memref<1x1x80xi32, #tpu.memory_space<vmem>>
      %dma_start3A_241 = tpu.memref_squeeze %dma_start3A_240 : memref<1x1x80xi32, #tpu.memory_space<vmem>> -> memref<80xi32, #tpu.memory_space<vmem>>
      %dma_start3A_242 = arith.constant 0 : i32
      %dma_start3A_243 = arith.constant 0 : i32
      %dma_start3A_244 = tpu.memref_slice %arg2[%dma_start3A_242, %dma_start3A_243] : memref<10000x128xf32, #tpu.memory_space<hbm>> -> memref<10000x128xf32, #tpu.memory_space<hbm>>
      tpu.enqueue_indirect_dma source(%dma_start3A_244 : memref<10000x128xf32, #tpu.memory_space<hbm>>) target(%dma_start3A_238 : memref<80x128xf32, #tpu.memory_space<vmem>>) offsets(%dma_start3A_241 : memref<80xi32, #tpu.memory_space<vmem>>) semaphore(%arg12 : memref<!tpu.dma_semaphore, #tpu.memory_space<semaphore_mem>>)
      %add3A_245 = arith.constant 1 : i32
      %add3A_246 = arith.addi %mul3A_214, %add3A_245 : i32
      %dma_wait3A_247 = arith.constant 1 : i32
      %dma_wait3A_248 = arith.constant 0 : i32
      %dma_wait3A_249 = arith.constant 1 : i32
      %dma_wait3A_250 = arith.constant 0 : i32
      %dma_wait3A_251 = arith.constant 0 : i32
      %dma_wait3A_252 = tpu.memref_slice %arg8[%dma_wait3A_249, %dma_wait3A_250, %dma_wait3A_251] : memref<3x80x128xf32, #tpu.memory_space<vmem>> -> memref<1x80x128xf32, #tpu.memory_space<vmem>>
      %dma_wait3A_253 = tpu.memref_squeeze %dma_wait3A_252 : memref<1x80x128xf32, #tpu.memory_space<vmem>> -> memref<80x128xf32, #tpu.memory_space<vmem>>
      %dma_wait3A_254 = arith.constant 0 : i32
      %dma_wait3A_255 = tpu.memref_slice %arg6[%dma_wait3A_247, %dma_wait3A_248, %dma_wait3A_254] : memref<3x2x80xi32, #tpu.memory_space<vmem>> -> memref<1x1x80xi32, #tpu.memory_space<vmem>>
      %dma_wait3A_256 = tpu.memref_squeeze %dma_wait3A_255 : memref<1x1x80xi32, #tpu.memory_space<vmem>> -> memref<80xi32, #tpu.memory_space<vmem>>
      %dma_wait3A_257 = arith.constant 0 : i32
      %dma_wait3A_258 = arith.constant 0 : i32
      %dma_wait3A_259 = tpu.memref_slice %arg2[%dma_wait3A_257, %dma_wait3A_258] : memref<10000x128xf32, #tpu.memory_space<hbm>> -> memref<10000x128xf32, #tpu.memory_space<hbm>>
      tpu.wait_indirect_dma semaphore(%arg11 : memref<!tpu.dma_semaphore, #tpu.memory_space<semaphore_mem>>) src(%dma_wait3A_259 : memref<10000x128xf32, #tpu.memory_space<hbm>>) dst(%dma_wait3A_253 : memref<80x128xf32, #tpu.memory_space<vmem>>)
      %add3A_260 = arith.constant 2 : i32
      %add3A_261 = arith.addi %add3A_246, %add3A_260 : i32
      %dma_start3A_262 = arith.constant 0 : i32
      %dma_start3A_263 = arith.constant 0 : i32
      %dma_start3A_264 = arith.constant 0 : i32
      %dma_start3A_265 = arith.constant 0 : i32
      %dma_start3A_266 = arith.constant 0 : i32
      %dma_start3A_267 = tpu.memref_slice %arg8[%dma_start3A_264, %dma_start3A_265, %dma_start3A_266] : memref<3x80x128xf32, #tpu.memory_space<vmem>> -> memref<1x80x128xf32, #tpu.memory_space<vmem>>
      %dma_start3A_268 = tpu.memref_squeeze %dma_start3A_267 : memref<1x80x128xf32, #tpu.memory_space<vmem>> -> memref<80x128xf32, #tpu.memory_space<vmem>>
      %dma_start3A_269 = arith.constant 0 : i32
      %dma_start3A_270 = tpu.memref_slice %arg6[%dma_start3A_262, %dma_start3A_263, %dma_start3A_269] : memref<3x2x80xi32, #tpu.memory_space<vmem>> -> memref<1x1x80xi32, #tpu.memory_space<vmem>>
      %dma_start3A_271 = tpu.memref_squeeze %dma_start3A_270 : memref<1x1x80xi32, #tpu.memory_space<vmem>> -> memref<80xi32, #tpu.memory_space<vmem>>
      %dma_start3A_272 = arith.constant 0 : i32
      %dma_start3A_273 = arith.constant 0 : i32
      %dma_start3A_274 = tpu.memref_slice %arg2[%dma_start3A_272, %dma_start3A_273] : memref<10000x128xf32, #tpu.memory_space<hbm>> -> memref<10000x128xf32, #tpu.memory_space<hbm>>
      tpu.enqueue_indirect_dma source(%dma_start3A_274 : memref<10000x128xf32, #tpu.memory_space<hbm>>) target(%dma_start3A_268 : memref<80x128xf32, #tpu.memory_space<vmem>>) offsets(%dma_start3A_271 : memref<80xi32, #tpu.memory_space<vmem>>) semaphore(%arg10 : memref<!tpu.dma_semaphore, #tpu.memory_space<semaphore_mem>>)
      %add3A_275 = arith.constant 2 : i32
      %add3A_276 = arith.addi %mul3A_214, %add3A_275 : i32
      %dma_wait3A_277 = arith.constant 2 : i32
      %dma_wait3A_278 = arith.constant 0 : i32
      %dma_wait3A_279 = arith.constant 2 : i32
      %dma_wait3A_280 = arith.constant 0 : i32
      %dma_wait3A_281 = arith.constant 0 : i32
      %dma_wait3A_282 = tpu.memref_slice %arg8[%dma_wait3A_279, %dma_wait3A_280, %dma_wait3A_281] : memref<3x80x128xf32, #tpu.memory_space<vmem>> -> memref<1x80x128xf32, #tpu.memory_space<vmem>>
      %dma_wait3A_283 = tpu.memref_squeeze %dma_wait3A_282 : memref<1x80x128xf32, #tpu.memory_space<vmem>> -> memref<80x128xf32, #tpu.memory_space<vmem>>
      %dma_wait3A_284 = arith.constant 0 : i32
      %dma_wait3A_285 = tpu.memref_slice %arg6[%dma_wait3A_277, %dma_wait3A_278, %dma_wait3A_284] : memref<3x2x80xi32, #tpu.memory_space<vmem>> -> memref<1x1x80xi32, #tpu.memory_space<vmem>>
      %dma_wait3A_286 = tpu.memref_squeeze %dma_wait3A_285 : memref<1x1x80xi32, #tpu.memory_space<vmem>> -> memref<80xi32, #tpu.memory_space<vmem>>
      %dma_wait3A_287 = arith.constant 0 : i32
      %dma_wait3A_288 = arith.constant 0 : i32
      %dma_wait3A_289 = tpu.memref_slice %arg2[%dma_wait3A_287, %dma_wait3A_288] : memref<10000x128xf32, #tpu.memory_space<hbm>> -> memref<10000x128xf32, #tpu.memory_space<hbm>>
      tpu.wait_indirect_dma semaphore(%arg12 : memref<!tpu.dma_semaphore, #tpu.memory_space<semaphore_mem>>) src(%dma_wait3A_289 : memref<10000x128xf32, #tpu.memory_space<hbm>>) dst(%dma_wait3A_283 : memref<80x128xf32, #tpu.memory_space<vmem>>)
      %add3A_290 = arith.constant 2 : i32
      %add3A_291 = arith.addi %add3A_276, %add3A_290 : i32
      %dma_start3A_292 = arith.constant 1 : i32
      %dma_start3A_293 = arith.constant 0 : i32
      %dma_start3A_294 = arith.constant 1 : i32
      %dma_start3A_295 = arith.constant 0 : i32
      %dma_start3A_296 = arith.constant 0 : i32
      %dma_start3A_297 = tpu.memref_slice %arg8[%dma_start3A_294, %dma_start3A_295, %dma_start3A_296] : memref<3x80x128xf32, #tpu.memory_space<vmem>> -> memref<1x80x128xf32, #tpu.memory_space<vmem>>
      %dma_start3A_298 = tpu.memref_squeeze %dma_start3A_297 : memref<1x80x128xf32, #tpu.memory_space<vmem>> -> memref<80x128xf32, #tpu.memory_space<vmem>>
      %dma_start3A_299 = arith.constant 0 : i32
      %dma_start3A_300 = tpu.memref_slice %arg6[%dma_start3A_292, %dma_start3A_293, %dma_start3A_299] : memref<3x2x80xi32, #tpu.memory_space<vmem>> -> memref<1x1x80xi32, #tpu.memory_space<vmem>>
      %dma_start3A_301 = tpu.memref_squeeze %dma_start3A_300 : memref<1x1x80xi32, #tpu.memory_space<vmem>> -> memref<80xi32, #tpu.memory_space<vmem>>
      %dma_start3A_302 = arith.constant 0 : i32
      %dma_start3A_303 = arith.constant 0 : i32
      %dma_start3A_304 = tpu.memref_slice %arg2[%dma_start3A_302, %dma_start3A_303] : memref<10000x128xf32, #tpu.memory_space<hbm>> -> memref<10000x128xf32, #tpu.memory_space<hbm>>
      tpu.enqueue_indirect_dma source(%dma_start3A_304 : memref<10000x128xf32, #tpu.memory_space<hbm>>) target(%dma_start3A_298 : memref<80x128xf32, #tpu.memory_space<vmem>>) offsets(%dma_start3A_301 : memref<80xi32, #tpu.memory_space<vmem>>) semaphore(%arg11 : memref<!tpu.dma_semaphore, #tpu.memory_space<semaphore_mem>>)
    }
    %scan3A_148 = arith.constant 40 : i32
    %dma_wait3A_149 = arith.constant 0 : i32
    %dma_wait3A_150 = arith.constant 0 : i32
    %dma_wait3A_151 = arith.constant 0 : i32
    %dma_wait3A_152 = arith.constant 0 : i32
    %dma_wait3A_153 = arith.constant 0 : i32
    %dma_wait3A_154 = tpu.memref_slice %arg8[%dma_wait3A_151, %dma_wait3A_152, %dma_wait3A_153] : memref<3x80x128xf32, #tpu.memory_space<vmem>> -> memref<1x80x128xf32, #tpu.memory_space<vmem>>
    %dma_wait3A_155 = tpu.memref_squeeze %dma_wait3A_154 : memref<1x80x128xf32, #tpu.memory_space<vmem>> -> memref<80x128xf32, #tpu.memory_space<vmem>>
    %dma_wait3A_156 = arith.constant 0 : i32
    %dma_wait3A_157 = tpu.memref_slice %arg6[%dma_wait3A_149, %dma_wait3A_150, %dma_wait3A_156] : memref<3x2x80xi32, #tpu.memory_space<vmem>> -> memref<1x1x80xi32, #tpu.memory_space<vmem>>
    %dma_wait3A_158 = tpu.memref_squeeze %dma_wait3A_157 : memref<1x1x80xi32, #tpu.memory_space<vmem>> -> memref<80xi32, #tpu.memory_space<vmem>>
    %dma_wait3A_159 = arith.constant 0 : i32
    %dma_wait3A_160 = arith.constant 0 : i32
    %dma_wait3A_161 = tpu.memref_slice %arg2[%dma_wait3A_159, %dma_wait3A_160] : memref<10000x128xf32, #tpu.memory_space<hbm>> -> memref<10000x128xf32, #tpu.memory_space<hbm>>
    tpu.wait_indirect_dma semaphore(%arg10 : memref<!tpu.dma_semaphore, #tpu.memory_space<semaphore_mem>>) src(%dma_wait3A_161 : memref<10000x128xf32, #tpu.memory_space<hbm>>) dst(%dma_wait3A_155 : memref<80x128xf32, #tpu.memory_space<vmem>>)
    %dma_start3A_162 = arith.constant 2 : i32
    %dma_start3A_163 = arith.constant 0 : i32
    %dma_start3A_164 = arith.constant 2 : i32
    %dma_start3A_165 = arith.constant 0 : i32
    %dma_start3A_166 = arith.constant 0 : i32
    %dma_start3A_167 = tpu.memref_slice %arg8[%dma_start3A_164, %dma_start3A_165, %dma_start3A_166] : memref<3x80x128xf32, #tpu.memory_space<vmem>> -> memref<1x80x128xf32, #tpu.memory_space<vmem>>
    %dma_start3A_168 = tpu.memref_squeeze %dma_start3A_167 : memref<1x80x128xf32, #tpu.memory_space<vmem>> -> memref<80x128xf32, #tpu.memory_space<vmem>>
    %dma_start3A_169 = arith.constant 0 : i32
    %dma_start3A_170 = tpu.memref_slice %arg6[%dma_start3A_162, %dma_start3A_163, %dma_start3A_169] : memref<3x2x80xi32, #tpu.memory_space<vmem>> -> memref<1x1x80xi32, #tpu.memory_space<vmem>>
    %dma_start3A_171 = tpu.memref_squeeze %dma_start3A_170 : memref<1x1x80xi32, #tpu.memory_space<vmem>> -> memref<80xi32, #tpu.memory_space<vmem>>
    %dma_start3A_172 = arith.constant 0 : i32
    %dma_start3A_173 = arith.constant 0 : i32
    %dma_start3A_174 = tpu.memref_slice %arg2[%dma_start3A_172, %dma_start3A_173] : memref<10000x128xf32, #tpu.memory_space<hbm>> -> memref<10000x128xf32, #tpu.memory_space<hbm>>
    tpu.enqueue_indirect_dma source(%dma_start3A_174 : memref<10000x128xf32, #tpu.memory_space<hbm>>) target(%dma_start3A_168 : memref<80x128xf32, #tpu.memory_space<vmem>>) offsets(%dma_start3A_171 : memref<80xi32, #tpu.memory_space<vmem>>) semaphore(%arg12 : memref<!tpu.dma_semaphore, #tpu.memory_space<semaphore_mem>>)
    %dma_wait3A_175 = arith.constant 1 : i32
    %dma_wait3A_176 = arith.constant 0 : i32
    %dma_wait3A_177 = arith.constant 1 : i32
    %dma_wait3A_178 = arith.constant 0 : i32
    %dma_wait3A_179 = arith.constant 0 : i32
    %dma_wait3A_180 = tpu.memref_slice %arg8[%dma_wait3A_177, %dma_wait3A_178, %dma_wait3A_179] : memref<3x80x128xf32, #tpu.memory_space<vmem>> -> memref<1x80x128xf32, #tpu.memory_space<vmem>>
    %dma_wait3A_181 = tpu.memref_squeeze %dma_wait3A_180 : memref<1x80x128xf32, #tpu.memory_space<vmem>> -> memref<80x128xf32, #tpu.memory_space<vmem>>
    %dma_wait3A_182 = arith.constant 0 : i32
    %dma_wait3A_183 = tpu.memref_slice %arg6[%dma_wait3A_175, %dma_wait3A_176, %dma_wait3A_182] : memref<3x2x80xi32, #tpu.memory_space<vmem>> -> memref<1x1x80xi32, #tpu.memory_space<vmem>>
    %dma_wait3A_184 = tpu.memref_squeeze %dma_wait3A_183 : memref<1x1x80xi32, #tpu.memory_space<vmem>> -> memref<80xi32, #tpu.memory_space<vmem>>
    %dma_wait3A_185 = arith.constant 0 : i32
    %dma_wait3A_186 = arith.constant 0 : i32
    %dma_wait3A_187 = tpu.memref_slice %arg2[%dma_wait3A_185, %dma_wait3A_186] : memref<10000x128xf32, #tpu.memory_space<hbm>> -> memref<10000x128xf32, #tpu.memory_space<hbm>>
    tpu.wait_indirect_dma semaphore(%arg11 : memref<!tpu.dma_semaphore, #tpu.memory_space<semaphore_mem>>) src(%dma_wait3A_187 : memref<10000x128xf32, #tpu.memory_space<hbm>>) dst(%dma_wait3A_181 : memref<80x128xf32, #tpu.memory_space<vmem>>)
    %dma_wait3A_188 = arith.constant 2 : i32
    %dma_wait3A_189 = arith.constant 0 : i32
    %dma_wait3A_190 = arith.constant 2 : i32
    %dma_wait3A_191 = arith.constant 0 : i32
    %dma_wait3A_192 = arith.constant 0 : i32
    %dma_wait3A_193 = tpu.memref_slice %arg8[%dma_wait3A_190, %dma_wait3A_191, %dma_wait3A_192] : memref<3x80x128xf32, #tpu.memory_space<vmem>> -> memref<1x80x128xf32, #tpu.memory_space<vmem>>
    %dma_wait3A_194 = tpu.memref_squeeze %dma_wait3A_193 : memref<1x80x128xf32, #tpu.memory_space<vmem>> -> memref<80x128xf32, #tpu.memory_space<vmem>>
    %dma_wait3A_195 = arith.constant 0 : i32
    %dma_wait3A_196 = tpu.memref_slice %arg6[%dma_wait3A_188, %dma_wait3A_189, %dma_wait3A_195] : memref<3x2x80xi32, #tpu.memory_space<vmem>> -> memref<1x1x80xi32, #tpu.memory_space<vmem>>
    %dma_wait3A_197 = tpu.memref_squeeze %dma_wait3A_196 : memref<1x1x80xi32, #tpu.memory_space<vmem>> -> memref<80xi32, #tpu.memory_space<vmem>>
    %dma_wait3A_198 = arith.constant 0 : i32
    %dma_wait3A_199 = arith.constant 0 : i32
    %dma_wait3A_200 = tpu.memref_slice %arg2[%dma_wait3A_198, %dma_wait3A_199] : memref<10000x128xf32, #tpu.memory_space<hbm>> -> memref<10000x128xf32, #tpu.memory_space<hbm>>
    tpu.wait_indirect_dma semaphore(%arg12 : memref<!tpu.dma_semaphore, #tpu.memory_space<semaphore_mem>>) src(%dma_wait3A_200 : memref<10000x128xf32, #tpu.memory_space<hbm>>) dst(%dma_wait3A_194 : memref<80x128xf32, #tpu.memory_space<vmem>>)
    %barrier3A_201 = arith.constant 0 : index
    tpu.barrier barrier_id(%barrier3A_201)
    %eq3A_202 = arith.constant 15 : i32
    %eq3A_203 = arith.cmpi eq, %arg1, %eq3A_202 : i32
    %convert_element_type3A_204 = arith.extui %eq3A_203 : i1 to i32
    %cond3A_205 = arith.constant 0 : i32
    %cond3A_206 = arith.cmpi ne, %convert_element_type3A_204, %cond3A_205 : i32
    scf.if %cond3A_206 {
      "tpu.region"() ({
        %run_scoped3A_212 = tpu.sem_alloc : memref<!tpu.dma_semaphore, #tpu.memory_space<semaphore_mem>>
        %dma_start3A_213 = arith.constant 0 : i32
        %dma_start3A_214 = tpu.memref_slice %arg5[%arg0, %mul3A_8, %dma_start3A_213] : memref<2x10000x128xf32, #tpu.memory_space<hbm>> -> memref<1x640x128xf32, #tpu.memory_space<hbm>>
        %dma_start3A_215 = tpu.memref_squeeze %dma_start3A_214 : memref<1x640x128xf32, #tpu.memory_space<hbm>> -> memref<640x128xf32, #tpu.memory_space<hbm>>
        %dma_start3A_216 = arith.constant 0 : i32
        %dma_start3A_217 = tpu.memref_slice %arg9[%mul3A_8, %dma_start3A_216] : memref<10000x128xf32, #tpu.memory_space<vmem_shared>> -> memref<640x128xf32, #tpu.memory_space<vmem_shared>>
        tpu.enqueue_dma source(%dma_start3A_217 : memref<640x128xf32, #tpu.memory_space<vmem_shared>>) target(%dma_start3A_215 : memref<640x128xf32, #tpu.memory_space<hbm>>) target_semaphore(%run_scoped3A_212 : memref<!tpu.dma_semaphore, #tpu.memory_space<semaphore_mem>>)
        %dma_wait3A_218 = arith.constant 0 : i32
        %dma_wait3A_219 = tpu.memref_slice %arg5[%arg0, %mul3A_8, %dma_wait3A_218] : memref<2x10000x128xf32, #tpu.memory_space<hbm>> -> memref<1x640x128xf32, #tpu.memory_space<hbm>>
        %dma_wait3A_220 = tpu.memref_squeeze %dma_wait3A_219 : memref<1x640x128xf32, #tpu.memory_space<hbm>> -> memref<640x128xf32, #tpu.memory_space<hbm>>
        %dma_wait3A_221 = arith.constant 0 : i32
        %dma_wait3A_222 = tpu.memref_slice %arg9[%mul3A_8, %dma_wait3A_221] : memref<10000x128xf32, #tpu.memory_space<vmem_shared>> -> memref<640x128xf32, #tpu.memory_space<vmem_shared>>
        tpu.wait_dma2 semaphore(%run_scoped3A_212 : memref<!tpu.dma_semaphore, #tpu.memory_space<semaphore_mem>>) src(%dma_wait3A_222 : memref<640x128xf32, #tpu.memory_space<vmem_shared>>) dst(%dma_wait3A_220 : memref<640x128xf32, #tpu.memory_space<hbm>>)
        tpu.yield
      }) : () -> ()
    } else {
    }
    %lt3A_207 = arith.constant 15 : i32
    %lt3A_208 = arith.cmpi slt, %arg1, %lt3A_207 : i32
    %convert_element_type3A_209 = arith.extui %lt3A_208 : i1 to i32
    %cond3A_210 = arith.constant 0 : i32
    %cond3A_211 = arith.cmpi ne, %convert_element_type3A_209, %cond3A_210 : i32
    scf.if %cond3A_211 {
      "tpu.region"() ({
        %run_scoped3A_212 = tpu.sem_alloc : memref<!tpu.dma_semaphore, #tpu.memory_space<semaphore_mem>>
        %dma_start3A_213 = arith.constant 0 : i32
        %dma_start3A_214 = tpu.memref_slice %arg5[%arg0, %mul3A_8, %dma_start3A_213] : memref<2x10000x128xf32, #tpu.memory_space<hbm>> -> memref<1x624x128xf32, #tpu.memory_space<hbm>>
        %dma_start3A_215 = tpu.memref_squeeze %dma_start3A_214 : memref<1x624x128xf32, #tpu.memory_space<hbm>> -> memref<624x128xf32, #tpu.memory_space<hbm>>
        %dma_start3A_216 = arith.constant 0 : i32
        %dma_start3A_217 = tpu.memref_slice %arg9[%mul3A_8, %dma_start3A_216] : memref<10000x128xf32, #tpu.memory_space<vmem_shared>> -> memref<624x128xf32, #tpu.memory_space<vmem_shared>>
        tpu.enqueue_dma source(%dma_start3A_217 : memref<624x128xf32, #tpu.memory_space<vmem_shared>>) target(%dma_start3A_215 : memref<624x128xf32, #tpu.memory_space<hbm>>) target_semaphore(%run_scoped3A_212 : memref<!tpu.dma_semaphore, #tpu.memory_space<semaphore_mem>>)
        %dma_wait3A_218 = arith.constant 0 : i32
        %dma_wait3A_219 = tpu.memref_slice %arg5[%arg0, %mul3A_8, %dma_wait3A_218] : memref<2x10000x128xf32, #tpu.memory_space<hbm>> -> memref<1x624x128xf32, #tpu.memory_space<hbm>>
        %dma_wait3A_220 = tpu.memref_squeeze %dma_wait3A_219 : memref<1x624x128xf32, #tpu.memory_space<hbm>> -> memref<624x128xf32, #tpu.memory_space<hbm>>
        %dma_wait3A_221 = arith.constant 0 : i32
        %dma_wait3A_222 = tpu.memref_slice %arg9[%mul3A_8, %dma_wait3A_221] : memref<10000x128xf32, #tpu.memory_space<vmem_shared>> -> memref<624x128xf32, #tpu.memory_space<vmem_shared>>
        tpu.wait_dma2 semaphore(%run_scoped3A_212 : memref<!tpu.dma_semaphore, #tpu.memory_space<semaphore_mem>>) src(%dma_wait3A_222 : memref<624x128xf32, #tpu.memory_space<vmem_shared>>) dst(%dma_wait3A_220 : memref<624x128xf32, #tpu.memory_space<hbm>>)
        tpu.yield
      }) : () -> ()
    } else {
    }
    return
  }
}

#map = affine_map<(d0, d1) -> (0, 0)>
#map1 = affine_map<(d0, d1) -> (0, 0, 0, 0)>
#map2 = affine_map<(d0, d1) -> (0, 0, 0)>
module attributes {stable_mosaic.version = 14 : i64} {
  func.func @k(%arg0: i32, %arg1: i32, %arg2: memref<10000x128xf32, #tpu.memory_space<hbm>>, %arg3: memref<32x126x2x80xi32, #tpu.memory_space<hbm>>, %arg4: memref<32x126x80xf32, #tpu.memory_space<hbm>>, %arg5: memref<2x10000x128xf32, #tpu.memory_space<hbm>>, %arg6: memref<3x2x80xi32, #tpu.memory_space<vmem>>, %arg7: memref<126x80xf32, #tpu.memory_space<vmem>>, %arg8: memref<3x80x128xf32, #tpu.memory_space<vmem>>, %arg9: memref<10000x128xf32, #tpu.memory_space<vmem_shared>>, %arg10: memref<!tpu.dma_semaphore, #tpu.memory_space<semaphore_mem>>, %arg11: memref<!tpu.dma_semaphore, #tpu.memory_space<semaphore_mem>>, %arg12: memref<!tpu.dma_semaphore, #tpu.memory_space<semaphore_mem>>, %arg13: memref<!tpu.dma_semaphore, #tpu.memory_space<semaphore_mem>>, %arg14: memref<!tpu.dma_semaphore, #tpu.memory_space<semaphore_mem>>, %arg15: memref<!tpu.dma_semaphore, #tpu.memory_space<semaphore_mem>>) attributes {dimension_semantics = [#tpu.dimension_semantics<core_parallel>, #tpu.dimension_semantics<subcore_parallel>], iteration_bounds = array<i64: 2, 16>, scalar_prefetch = 0 : i64, scratch_operands = 10 : i64, tpu.core_type = #tpu.core_type<sc_vector_subcore>, window_params = [{transform_indices = #map}, {transform_indices = #map1}, {transform_indices = #map2}, {transform_indices = #map2}]} {
    %mul3A = arith.constant 16 : i32
    %mul3A_0 = arith.muli %arg0, %mul3A : i32
    %add3A = arith.addi %mul3A_0, %arg1 : i32
    %broadcast_in_dim3A = arith.constant 0.000000e+00 : f32
    %broadcast_in_dim3A_1 = vector.broadcast %broadcast_in_dim3A : f32 to vector<16xf32>
    %scan3A = arith.constant 0 : i32
    %scan3A_2 = arith.constant 0 : i32
    %scan3A_3 = arith.constant 80 : i32
    %scan3A_4 = arith.addi %scan3A_2, %scan3A_3 : i32
    %scan3A_5 = arith.constant 1 : i32
    scf.for %scan3A_212 = %scan3A_2 to %scan3A_4 step %scan3A_5  : i32 {
      %swap3A = arith.constant 0 : i32
      %swap3A_213 = arith.index_cast %swap3A : i32 to index
      %swap3A_214 = arith.index_cast %scan3A_212 : i32 to index
      %swap3A_215 = arith.constant 0 : index
      %swap3A_216 = tpu.vector_load %arg8[%swap3A_213, %swap3A_214, %swap3A_215] {strides = array<i32>} : memref<3x80x128xf32, #tpu.memory_space<vmem>>, vector<1x1x16xf32>,
      %swap3A_217 = vector.shape_cast %swap3A_216 : vector<1x1x16xf32> to vector<16xf32>
      %swap3A_218 = vector.shape_cast %broadcast_in_dim3A_1 : vector<16xf32> to vector<1x1x16xf32>
      tpu.vector_store %arg8[%swap3A_213, %swap3A_214, %swap3A_215], %swap3A_218 {strides = array<i32>} : memref<3x80x128xf32, #tpu.memory_space<vmem>>, vector<1x1x16xf32>,
      %swap3A_219 = arith.constant 0 : i32
      %swap3A_220 = arith.index_cast %swap3A_219 : i32 to index
      %swap3A_221 = arith.index_cast %scan3A_212 : i32 to index
      %swap3A_222 = arith.constant 16 : index
      %swap3A_223 = tpu.vector_load %arg8[%swap3A_220, %swap3A_221, %swap3A_222] {strides = array<i32>} : memref<3x80x128xf32, #tpu.memory_space<vmem>>, vector<1x1x16xf32>,
      %swap3A_224 = vector.shape_cast %swap3A_223 : vector<1x1x16xf32> to vector<16xf32>
      %swap3A_225 = vector.shape_cast %broadcast_in_dim3A_1 : vector<16xf32> to vector<1x1x16xf32>
      tpu.vector_store %arg8[%swap3A_220, %swap3A_221, %swap3A_222], %swap3A_225 {strides = array<i32>} : memref<3x80x128xf32, #tpu.memory_space<vmem>>, vector<1x1x16xf32>,
      %swap3A_226 = arith.constant 0 : i32
      %swap3A_227 = arith.index_cast %swap3A_226 : i32 to index
      %swap3A_228 = arith.index_cast %scan3A_212 : i32 to index
      %swap3A_229 = arith.constant 32 : index
      %swap3A_230 = tpu.vector_load %arg8[%swap3A_227, %swap3A_228, %swap3A_229] {strides = array<i32>} : memref<3x80x128xf32, #tpu.memory_space<vmem>>, vector<1x1x16xf32>,
      %swap3A_231 = vector.shape_cast %swap3A_230 : vector<1x1x16xf32> to vector<16xf32>
      %swap3A_232 = vector.shape_cast %broadcast_in_dim3A_1 : vector<16xf32> to vector<1x1x16xf32>
      tpu.vector_store %arg8[%swap3A_227, %swap3A_228, %swap3A_229], %swap3A_232 {strides = array<i32>} : memref<3x80x128xf32, #tpu.memory_space<vmem>>, vector<1x1x16xf32>,
      %swap3A_233 = arith.constant 0 : i32
      %swap3A_234 = arith.index_cast %swap3A_233 : i32 to index
      %swap3A_235 = arith.index_cast %scan3A_212 : i32 to index
      %swap3A_236 = arith.constant 48 : index
      %swap3A_237 = tpu.vector_load %arg8[%swap3A_234, %swap3A_235, %swap3A_236] {strides = array<i32>} : memref<3x80x128xf32, #tpu.memory_space<vmem>>, vector<1x1x16xf32>,
      %swap3A_238 = vector.shape_cast %swap3A_237 : vector<1x1x16xf32> to vector<16xf32>
      %swap3A_239 = vector.shape_cast %broadcast_in_dim3A_1 : vector<16xf32> to vector<1x1x16xf32>
      tpu.vector_store %arg8[%swap3A_234, %swap3A_235, %swap3A_236], %swap3A_239 {strides = array<i32>} : memref<3x80x128xf32, #tpu.memory_space<vmem>>, vector<1x1x16xf32>,
      %swap3A_240 = arith.constant 0 : i32
      %swap3A_241 = arith.index_cast %swap3A_240 : i32 to index
      %swap3A_242 = arith.index_cast %scan3A_212 : i32 to index
      %swap3A_243 = arith.constant 64 : index
      %swap3A_244 = tpu.vector_load %arg8[%swap3A_241, %swap3A_242, %swap3A_243] {strides = array<i32>} : memref<3x80x128xf32, #tpu.memory_space<vmem>>, vector<1x1x16xf32>,
      %swap3A_245 = vector.shape_cast %swap3A_244 : vector<1x1x16xf32> to vector<16xf32>
      %swap3A_246 = vector.shape_cast %broadcast_in_dim3A_1 : vector<16xf32> to vector<1x1x16xf32>
      tpu.vector_store %arg8[%swap3A_241, %swap3A_242, %swap3A_243], %swap3A_246 {strides = array<i32>} : memref<3x80x128xf32, #tpu.memory_space<vmem>>, vector<1x1x16xf32>,
      %swap3A_247 = arith.constant 0 : i32
      %swap3A_248 = arith.index_cast %swap3A_247 : i32 to index
      %swap3A_249 = arith.index_cast %scan3A_212 : i32 to index
      %swap3A_250 = arith.constant 80 : index
      %swap3A_251 = tpu.vector_load %arg8[%swap3A_248, %swap3A_249, %swap3A_250] {strides = array<i32>} : memref<3x80x128xf32, #tpu.memory_space<vmem>>, vector<1x1x16xf32>,
      %swap3A_252 = vector.shape_cast %swap3A_251 : vector<1x1x16xf32> to vector<16xf32>
      %swap3A_253 = vector.shape_cast %broadcast_in_dim3A_1 : vector<16xf32> to vector<1x1x16xf32>
      tpu.vector_store %arg8[%swap3A_248, %swap3A_249, %swap3A_250], %swap3A_253 {strides = array<i32>} : memref<3x80x128xf32, #tpu.memory_space<vmem>>, vector<1x1x16xf32>,
      %swap3A_254 = arith.constant 0 : i32
      %swap3A_255 = arith.index_cast %swap3A_254 : i32 to index
      %swap3A_256 = arith.index_cast %scan3A_212 : i32 to index
      %swap3A_257 = arith.constant 96 : index
      %swap3A_258 = tpu.vector_load %arg8[%swap3A_255, %swap3A_256, %swap3A_257] {strides = array<i32>} : memref<3x80x128xf32, #tpu.memory_space<vmem>>, vector<1x1x16xf32>,
      %swap3A_259 = vector.shape_cast %swap3A_258 : vector<1x1x16xf32> to vector<16xf32>
      %swap3A_260 = vector.shape_cast %broadcast_in_dim3A_1 : vector<16xf32> to vector<1x1x16xf32>
      tpu.vector_store %arg8[%swap3A_255, %swap3A_256, %swap3A_257], %swap3A_260 {strides = array<i32>} : memref<3x80x128xf32, #tpu.memory_space<vmem>>, vector<1x1x16xf32>,
      %swap3A_261 = arith.constant 0 : i32
      %swap3A_262 = arith.index_cast %swap3A_261 : i32 to index
      %swap3A_263 = arith.index_cast %scan3A_212 : i32 to index
      %swap3A_264 = arith.constant 112 : index
      %swap3A_265 = tpu.vector_load %arg8[%swap3A_262, %swap3A_263, %swap3A_264] {strides = array<i32>} : memref<3x80x128xf32, #tpu.memory_space<vmem>>, vector<1x1x16xf32>,
      %swap3A_266 = vector.shape_cast %swap3A_265 : vector<1x1x16xf32> to vector<16xf32>
      %swap3A_267 = vector.shape_cast %broadcast_in_dim3A_1 : vector<16xf32> to vector<1x1x16xf32>
      tpu.vector_store %arg8[%swap3A_262, %swap3A_263, %swap3A_264], %swap3A_267 {strides = array<i32>} : memref<3x80x128xf32, #tpu.memory_space<vmem>>, vector<1x1x16xf32>,
    }
    %scan3A_6 = arith.constant 80 : i32
    %mul3A_7 = arith.constant 624 : i32
    %mul3A_8 = arith.muli %arg1, %mul3A_7 : i32
    %add3A_9 = arith.constant 0 : i32
    %add3A_10 = arith.addi %mul3A_8, %add3A_9 : i32
    %run_scoped3A = arith.constant 0 : i32
    "tpu.region"() ({
      %run_scoped3A_212 = tpu.sem_alloc : memref<!tpu.dma_semaphore, #tpu.memory_space<semaphore_mem>>
      %dma_start3A_213 = arith.constant 0 : i32
      %dma_start3A_214 = arith.constant 0 : i32
      %dma_start3A_215 = tpu.memref_slice %arg8[%run_scoped3A, %dma_start3A_213, %dma_start3A_214] : memref<3x80x128xf32, #tpu.memory_space<vmem>> -> memref<1x80x128xf32, #tpu.memory_space<vmem>>
      %dma_start3A_216 = tpu.memref_squeeze %dma_start3A_215 : memref<1x80x128xf32, #tpu.memory_space<vmem>> -> memref<80x128xf32, #tpu.memory_space<vmem>>
      %dma_start3A_217 = arith.constant 0 : i32
      %dma_start3A_218 = tpu.memref_slice %arg9[%add3A_10, %dma_start3A_217] : memref<10000x128xf32, #tpu.memory_space<vmem_shared>> -> memref<80x128xf32, #tpu.memory_space<vmem_shared>>
      %dma_start3A_219 = arith.constant 0 : i32
      %dma_start3A_220 = tpu.memref_slice %arg9[%add3A_10, %dma_start3A_219] : memref<10000x128xf32, #tpu.memory_space<vmem_shared>> -> memref<80x128xf32, #tpu.memory_space<vmem_shared>>
      %dma_start3A_221 = arith.constant 0 : i32
      %dma_start3A_222 = arith.constant 0 : i32
      %dma_start3A_223 = tpu.memref_slice %arg8[%run_scoped3A, %dma_start3A_221, %dma_start3A_222] : memref<3x80x128xf32, #tpu.memory_space<vmem>> -> memref<1x80x128xf32, #tpu.memory_space<vmem>>
      %dma_start3A_224 = tpu.memref_squeeze %dma_start3A_223 : memref<1x80x128xf32, #tpu.memory_space<vmem>> -> memref<80x128xf32, #tpu.memory_space<vmem>>
      tpu.enqueue_dma source(%dma_start3A_224 : memref<80x128xf32, #tpu.memory_space<vmem>>) target(%dma_start3A_220 : memref<80x128xf32, #tpu.memory_space<vmem_shared>>) target_semaphore(%run_scoped3A_212 : memref<!tpu.dma_semaphore, #tpu.memory_space<semaphore_mem>>)
      %dma_wait3A_225 = arith.constant 0 : i32
      %dma_wait3A_226 = arith.constant 0 : i32
      %dma_wait3A_227 = tpu.memref_slice %arg8[%run_scoped3A, %dma_wait3A_225, %dma_wait3A_226] : memref<3x80x128xf32, #tpu.memory_space<vmem>> -> memref<1x80x128xf32, #tpu.memory_space<vmem>>
      %dma_wait3A_228 = tpu.memref_squeeze %dma_wait3A_227 : memref<1x80x128xf32, #tpu.memory_space<vmem>> -> memref<80x128xf32, #tpu.memory_space<vmem>>
      %dma_wait3A_229 = arith.constant 0 : i32
      %dma_wait3A_230 = tpu.memref_slice %arg9[%add3A_10, %dma_wait3A_229] : memref<10000x128xf32, #tpu.memory_space<vmem_shared>> -> memref<80x128xf32, #tpu.memory_space<vmem_shared>>
      %dma_wait3A_231 = arith.constant 0 : i32
      %dma_wait3A_232 = tpu.memref_slice %arg9[%add3A_10, %dma_wait3A_231] : memref<10000x128xf32, #tpu.memory_space<vmem_shared>> -> memref<80x128xf32, #tpu.memory_space<vmem_shared>>
      %dma_wait3A_233 = arith.constant 0 : i32
      %dma_wait3A_234 = arith.constant 0 : i32
      %dma_wait3A_235 = tpu.memref_slice %arg8[%run_scoped3A, %dma_wait3A_233, %dma_wait3A_234] : memref<3x80x128xf32, #tpu.memory_space<vmem>> -> memref<1x80x128xf32, #tpu.memory_space<vmem>>
      %dma_wait3A_236 = tpu.memref_squeeze %dma_wait3A_235 : memref<1x80x128xf32, #tpu.memory_space<vmem>> -> memref<80x128xf32, #tpu.memory_space<vmem>>
      tpu.wait_dma2 semaphore(%run_scoped3A_212 : memref<!tpu.dma_semaphore, #tpu.memory_space<semaphore_mem>>) src(%dma_wait3A_236 : memref<80x128xf32, #tpu.memory_space<vmem>>) dst(%dma_wait3A_232 : memref<80x128xf32, #tpu.memory_space<vmem_shared>>)
      tpu.yield
    }) : () -> ()
    %add3A_11 = arith.constant 80 : i32
    %add3A_12 = arith.addi %mul3A_8, %add3A_11 : i32
    %run_scoped3A_13 = arith.constant 0 : i32
    "tpu.region"() ({
      %run_scoped3A_212 = tpu.sem_alloc : memref<!tpu.dma_semaphore, #tpu.memory_space<semaphore_mem>>
      %dma_start3A_213 = arith.constant 0 : i32
      %dma_start3A_214 = arith.constant 0 : i32
      %dma_start3A_215 = tpu.memref_slice %arg8[%run_scoped3A_13, %dma_start3A_213, %dma_start3A_214] : memref<3x80x128xf32, #tpu.memory_space<vmem>> -> memref<1x80x128xf32, #tpu.memory_space<vmem>>
      %dma_start3A_216 = tpu.memref_squeeze %dma_start3A_215 : memref<1x80x128xf32, #tpu.memory_space<vmem>> -> memref<80x128xf32, #tpu.memory_space<vmem>>
      %dma_start3A_217 = arith.constant 0 : i32
      %dma_start3A_218 = tpu.memref_slice %arg9[%add3A_12, %dma_start3A_217] : memref<10000x128xf32, #tpu.memory_space<vmem_shared>> -> memref<80x128xf32, #tpu.memory_space<vmem_shared>>
      %dma_start3A_219 = arith.constant 0 : i32
      %dma_start3A_220 = tpu.memref_slice %arg9[%add3A_12, %dma_start3A_219] : memref<10000x128xf32, #tpu.memory_space<vmem_shared>> -> memref<80x128xf32, #tpu.memory_space<vmem_shared>>
      %dma_start3A_221 = arith.constant 0 : i32
      %dma_start3A_222 = arith.constant 0 : i32
      %dma_start3A_223 = tpu.memref_slice %arg8[%run_scoped3A_13, %dma_start3A_221, %dma_start3A_222] : memref<3x80x128xf32, #tpu.memory_space<vmem>> -> memref<1x80x128xf32, #tpu.memory_space<vmem>>
      %dma_start3A_224 = tpu.memref_squeeze %dma_start3A_223 : memref<1x80x128xf32, #tpu.memory_space<vmem>> -> memref<80x128xf32, #tpu.memory_space<vmem>>
      tpu.enqueue_dma source(%dma_start3A_224 : memref<80x128xf32, #tpu.memory_space<vmem>>) target(%dma_start3A_220 : memref<80x128xf32, #tpu.memory_space<vmem_shared>>) target_semaphore(%run_scoped3A_212 : memref<!tpu.dma_semaphore, #tpu.memory_space<semaphore_mem>>)
      %dma_wait3A_225 = arith.constant 0 : i32
      %dma_wait3A_226 = arith.constant 0 : i32
      %dma_wait3A_227 = tpu.memref_slice %arg8[%run_scoped3A_13, %dma_wait3A_225, %dma_wait3A_226] : memref<3x80x128xf32, #tpu.memory_space<vmem>> -> memref<1x80x128xf32, #tpu.memory_space<vmem>>
      %dma_wait3A_228 = tpu.memref_squeeze %dma_wait3A_227 : memref<1x80x128xf32, #tpu.memory_space<vmem>> -> memref<80x128xf32, #tpu.memory_space<vmem>>
      %dma_wait3A_229 = arith.constant 0 : i32
      %dma_wait3A_230 = tpu.memref_slice %arg9[%add3A_12, %dma_wait3A_229] : memref<10000x128xf32, #tpu.memory_space<vmem_shared>> -> memref<80x128xf32, #tpu.memory_space<vmem_shared>>
      %dma_wait3A_231 = arith.constant 0 : i32
      %dma_wait3A_232 = tpu.memref_slice %arg9[%add3A_12, %dma_wait3A_231] : memref<10000x128xf32, #tpu.memory_space<vmem_shared>> -> memref<80x128xf32, #tpu.memory_space<vmem_shared>>
      %dma_wait3A_233 = arith.constant 0 : i32
      %dma_wait3A_234 = arith.constant 0 : i32
      %dma_wait3A_235 = tpu.memref_slice %arg8[%run_scoped3A_13, %dma_wait3A_233, %dma_wait3A_234] : memref<3x80x128xf32, #tpu.memory_space<vmem>> -> memref<1x80x128xf32, #tpu.memory_space<vmem>>
      %dma_wait3A_236 = tpu.memref_squeeze %dma_wait3A_235 : memref<1x80x128xf32, #tpu.memory_space<vmem>> -> memref<80x128xf32, #tpu.memory_space<vmem>>
      tpu.wait_dma2 semaphore(%run_scoped3A_212 : memref<!tpu.dma_semaphore, #tpu.memory_space<semaphore_mem>>) src(%dma_wait3A_236 : memref<80x128xf32, #tpu.memory_space<vmem>>) dst(%dma_wait3A_232 : memref<80x128xf32, #tpu.memory_space<vmem_shared>>)
      tpu.yield
    }) : () -> ()
    %add3A_14 = arith.constant 160 : i32
    %add3A_15 = arith.addi %mul3A_8, %add3A_14 : i32
    %run_scoped3A_16 = arith.constant 0 : i32
    "tpu.region"() ({
      %run_scoped3A_212 = tpu.sem_alloc : memref<!tpu.dma_semaphore, #tpu.memory_space<semaphore_mem>>
      %dma_start3A_213 = arith.constant 0 : i32
      %dma_start3A_214 = arith.constant 0 : i32
      %dma_start3A_215 = tpu.memref_slice %arg8[%run_scoped3A_16, %dma_start3A_213, %dma_start3A_214] : memref<3x80x128xf32, #tpu.memory_space<vmem>> -> memref<1x80x128xf32, #tpu.memory_space<vmem>>
      %dma_start3A_216 = tpu.memref_squeeze %dma_start3A_215 : memref<1x80x128xf32, #tpu.memory_space<vmem>> -> memref<80x128xf32, #tpu.memory_space<vmem>>
      %dma_start3A_217 = arith.constant 0 : i32
      %dma_start3A_218 = tpu.memref_slice %arg9[%add3A_15, %dma_start3A_217] : memref<10000x128xf32, #tpu.memory_space<vmem_shared>> -> memref<80x128xf32, #tpu.memory_space<vmem_shared>>
      %dma_start3A_219 = arith.constant 0 : i32
      %dma_start3A_220 = tpu.memref_slice %arg9[%add3A_15, %dma_start3A_219] : memref<10000x128xf32, #tpu.memory_space<vmem_shared>> -> memref<80x128xf32, #tpu.memory_space<vmem_shared>>
      %dma_start3A_221 = arith.constant 0 : i32
      %dma_start3A_222 = arith.constant 0 : i32
      %dma_start3A_223 = tpu.memref_slice %arg8[%run_scoped3A_16, %dma_start3A_221, %dma_start3A_222] : memref<3x80x128xf32, #tpu.memory_space<vmem>> -> memref<1x80x128xf32, #tpu.memory_space<vmem>>
      %dma_start3A_224 = tpu.memref_squeeze %dma_start3A_223 : memref<1x80x128xf32, #tpu.memory_space<vmem>> -> memref<80x128xf32, #tpu.memory_space<vmem>>
      tpu.enqueue_dma source(%dma_start3A_224 : memref<80x128xf32, #tpu.memory_space<vmem>>) target(%dma_start3A_220 : memref<80x128xf32, #tpu.memory_space<vmem_shared>>) target_semaphore(%run_scoped3A_212 : memref<!tpu.dma_semaphore, #tpu.memory_space<semaphore_mem>>)
      %dma_wait3A_225 = arith.constant 0 : i32
      %dma_wait3A_226 = arith.constant 0 : i32
      %dma_wait3A_227 = tpu.memref_slice %arg8[%run_scoped3A_16, %dma_wait3A_225, %dma_wait3A_226] : memref<3x80x128xf32, #tpu.memory_space<vmem>> -> memref<1x80x128xf32, #tpu.memory_space<vmem>>
      %dma_wait3A_228 = tpu.memref_squeeze %dma_wait3A_227 : memref<1x80x128xf32, #tpu.memory_space<vmem>> -> memref<80x128xf32, #tpu.memory_space<vmem>>
      %dma_wait3A_229 = arith.constant 0 : i32
      %dma_wait3A_230 = tpu.memref_slice %arg9[%add3A_15, %dma_wait3A_229] : memref<10000x128xf32, #tpu.memory_space<vmem_shared>> -> memref<80x128xf32, #tpu.memory_space<vmem_shared>>
      %dma_wait3A_231 = arith.constant 0 : i32
      %dma_wait3A_232 = tpu.memref_slice %arg9[%add3A_15, %dma_wait3A_231] : memref<10000x128xf32, #tpu.memory_space<vmem_shared>> -> memref<80x128xf32, #tpu.memory_space<vmem_shared>>
      %dma_wait3A_233 = arith.constant 0 : i32
      %dma_wait3A_234 = arith.constant 0 : i32
      %dma_wait3A_235 = tpu.memref_slice %arg8[%run_scoped3A_16, %dma_wait3A_233, %dma_wait3A_234] : memref<3x80x128xf32, #tpu.memory_space<vmem>> -> memref<1x80x128xf32, #tpu.memory_space<vmem>>
      %dma_wait3A_236 = tpu.memref_squeeze %dma_wait3A_235 : memref<1x80x128xf32, #tpu.memory_space<vmem>> -> memref<80x128xf32, #tpu.memory_space<vmem>>
      tpu.wait_dma2 semaphore(%run_scoped3A_212 : memref<!tpu.dma_semaphore, #tpu.memory_space<semaphore_mem>>) src(%dma_wait3A_236 : memref<80x128xf32, #tpu.memory_space<vmem>>) dst(%dma_wait3A_232 : memref<80x128xf32, #tpu.memory_space<vmem_shared>>)
      tpu.yield
    }) : () -> ()
    %add3A_17 = arith.constant 240 : i32
    %add3A_18 = arith.addi %mul3A_8, %add3A_17 : i32
    %run_scoped3A_19 = arith.constant 0 : i32
    "tpu.region"() ({
      %run_scoped3A_212 = tpu.sem_alloc : memref<!tpu.dma_semaphore, #tpu.memory_space<semaphore_mem>>
      %dma_start3A_213 = arith.constant 0 : i32
      %dma_start3A_214 = arith.constant 0 : i32
      %dma_start3A_215 = tpu.memref_slice %arg8[%run_scoped3A_19, %dma_start3A_213, %dma_start3A_214] : memref<3x80x128xf32, #tpu.memory_space<vmem>> -> memref<1x80x128xf32, #tpu.memory_space<vmem>>
      %dma_start3A_216 = tpu.memref_squeeze %dma_start3A_215 : memref<1x80x128xf32, #tpu.memory_space<vmem>> -> memref<80x128xf32, #tpu.memory_space<vmem>>
      %dma_start3A_217 = arith.constant 0 : i32
      %dma_start3A_218 = tpu.memref_slice %arg9[%add3A_18, %dma_start3A_217] : memref<10000x128xf32, #tpu.memory_space<vmem_shared>> -> memref<80x128xf32, #tpu.memory_space<vmem_shared>>
      %dma_start3A_219 = arith.constant 0 : i32
      %dma_start3A_220 = tpu.memref_slice %arg9[%add3A_18, %dma_start3A_219] : memref<10000x128xf32, #tpu.memory_space<vmem_shared>> -> memref<80x128xf32, #tpu.memory_space<vmem_shared>>
      %dma_start3A_221 = arith.constant 0 : i32
      %dma_start3A_222 = arith.constant 0 : i32
      %dma_start3A_223 = tpu.memref_slice %arg8[%run_scoped3A_19, %dma_start3A_221, %dma_start3A_222] : memref<3x80x128xf32, #tpu.memory_space<vmem>> -> memref<1x80x128xf32, #tpu.memory_space<vmem>>
      %dma_start3A_224 = tpu.memref_squeeze %dma_start3A_223 : memref<1x80x128xf32, #tpu.memory_space<vmem>> -> memref<80x128xf32, #tpu.memory_space<vmem>>
      tpu.enqueue_dma source(%dma_start3A_224 : memref<80x128xf32, #tpu.memory_space<vmem>>) target(%dma_start3A_220 : memref<80x128xf32, #tpu.memory_space<vmem_shared>>) target_semaphore(%run_scoped3A_212 : memref<!tpu.dma_semaphore, #tpu.memory_space<semaphore_mem>>)
      %dma_wait3A_225 = arith.constant 0 : i32
      %dma_wait3A_226 = arith.constant 0 : i32
      %dma_wait3A_227 = tpu.memref_slice %arg8[%run_scoped3A_19, %dma_wait3A_225, %dma_wait3A_226] : memref<3x80x128xf32, #tpu.memory_space<vmem>> -> memref<1x80x128xf32, #tpu.memory_space<vmem>>
      %dma_wait3A_228 = tpu.memref_squeeze %dma_wait3A_227 : memref<1x80x128xf32, #tpu.memory_space<vmem>> -> memref<80x128xf32, #tpu.memory_space<vmem>>
      %dma_wait3A_229 = arith.constant 0 : i32
      %dma_wait3A_230 = tpu.memref_slice %arg9[%add3A_18, %dma_wait3A_229] : memref<10000x128xf32, #tpu.memory_space<vmem_shared>> -> memref<80x128xf32, #tpu.memory_space<vmem_shared>>
      %dma_wait3A_231 = arith.constant 0 : i32
      %dma_wait3A_232 = tpu.memref_slice %arg9[%add3A_18, %dma_wait3A_231] : memref<10000x128xf32, #tpu.memory_space<vmem_shared>> -> memref<80x128xf32, #tpu.memory_space<vmem_shared>>
      %dma_wait3A_233 = arith.constant 0 : i32
      %dma_wait3A_234 = arith.constant 0 : i32
      %dma_wait3A_235 = tpu.memref_slice %arg8[%run_scoped3A_19, %dma_wait3A_233, %dma_wait3A_234] : memref<3x80x128xf32, #tpu.memory_space<vmem>> -> memref<1x80x128xf32, #tpu.memory_space<vmem>>
      %dma_wait3A_236 = tpu.memref_squeeze %dma_wait3A_235 : memref<1x80x128xf32, #tpu.memory_space<vmem>> -> memref<80x128xf32, #tpu.memory_space<vmem>>
      tpu.wait_dma2 semaphore(%run_scoped3A_212 : memref<!tpu.dma_semaphore, #tpu.memory_space<semaphore_mem>>) src(%dma_wait3A_236 : memref<80x128xf32, #tpu.memory_space<vmem>>) dst(%dma_wait3A_232 : memref<80x128xf32, #tpu.memory_space<vmem_shared>>)
      tpu.yield
    }) : () -> ()
    %add3A_20 = arith.constant 320 : i32
    %add3A_21 = arith.addi %mul3A_8, %add3A_20 : i32
    %run_scoped3A_22 = arith.constant 0 : i32
    "tpu.region"() ({
      %run_scoped3A_212 = tpu.sem_alloc : memref<!tpu.dma_semaphore, #tpu.memory_space<semaphore_mem>>
      %dma_start3A_213 = arith.constant 0 : i32
      %dma_start3A_214 = arith.constant 0 : i32
      %dma_start3A_215 = tpu.memref_slice %arg8[%run_scoped3A_22, %dma_start3A_213, %dma_start3A_214] : memref<3x80x128xf32, #tpu.memory_space<vmem>> -> memref<1x80x128xf32, #tpu.memory_space<vmem>>
      %dma_start3A_216 = tpu.memref_squeeze %dma_start3A_215 : memref<1x80x128xf32, #tpu.memory_space<vmem>> -> memref<80x128xf32, #tpu.memory_space<vmem>>
      %dma_start3A_217 = arith.constant 0 : i32
      %dma_start3A_218 = tpu.memref_slice %arg9[%add3A_21, %dma_start3A_217] : memref<10000x128xf32, #tpu.memory_space<vmem_shared>> -> memref<80x128xf32, #tpu.memory_space<vmem_shared>>
      %dma_start3A_219 = arith.constant 0 : i32
      %dma_start3A_220 = tpu.memref_slice %arg9[%add3A_21, %dma_start3A_219] : memref<10000x128xf32, #tpu.memory_space<vmem_shared>> -> memref<80x128xf32, #tpu.memory_space<vmem_shared>>
      %dma_start3A_221 = arith.constant 0 : i32
      %dma_start3A_222 = arith.constant 0 : i32
      %dma_start3A_223 = tpu.memref_slice %arg8[%run_scoped3A_22, %dma_start3A_221, %dma_start3A_222] : memref<3x80x128xf32, #tpu.memory_space<vmem>> -> memref<1x80x128xf32, #tpu.memory_space<vmem>>
      %dma_start3A_224 = tpu.memref_squeeze %dma_start3A_223 : memref<1x80x128xf32, #tpu.memory_space<vmem>> -> memref<80x128xf32, #tpu.memory_space<vmem>>
      tpu.enqueue_dma source(%dma_start3A_224 : memref<80x128xf32, #tpu.memory_space<vmem>>) target(%dma_start3A_220 : memref<80x128xf32, #tpu.memory_space<vmem_shared>>) target_semaphore(%run_scoped3A_212 : memref<!tpu.dma_semaphore, #tpu.memory_space<semaphore_mem>>)
      %dma_wait3A_225 = arith.constant 0 : i32
      %dma_wait3A_226 = arith.constant 0 : i32
      %dma_wait3A_227 = tpu.memref_slice %arg8[%run_scoped3A_22, %dma_wait3A_225, %dma_wait3A_226] : memref<3x80x128xf32, #tpu.memory_space<vmem>> -> memref<1x80x128xf32, #tpu.memory_space<vmem>>
      %dma_wait3A_228 = tpu.memref_squeeze %dma_wait3A_227 : memref<1x80x128xf32, #tpu.memory_space<vmem>> -> memref<80x128xf32, #tpu.memory_space<vmem>>
      %dma_wait3A_229 = arith.constant 0 : i32
      %dma_wait3A_230 = tpu.memref_slice %arg9[%add3A_21, %dma_wait3A_229] : memref<10000x128xf32, #tpu.memory_space<vmem_shared>> -> memref<80x128xf32, #tpu.memory_space<vmem_shared>>
      %dma_wait3A_231 = arith.constant 0 : i32
      %dma_wait3A_232 = tpu.memref_slice %arg9[%add3A_21, %dma_wait3A_231] : memref<10000x128xf32, #tpu.memory_space<vmem_shared>> -> memref<80x128xf32, #tpu.memory_space<vmem_shared>>
      %dma_wait3A_233 = arith.constant 0 : i32
      %dma_wait3A_234 = arith.constant 0 : i32
      %dma_wait3A_235 = tpu.memref_slice %arg8[%run_scoped3A_22, %dma_wait3A_233, %dma_wait3A_234] : memref<3x80x128xf32, #tpu.memory_space<vmem>> -> memref<1x80x128xf32, #tpu.memory_space<vmem>>
      %dma_wait3A_236 = tpu.memref_squeeze %dma_wait3A_235 : memref<1x80x128xf32, #tpu.memory_space<vmem>> -> memref<80x128xf32, #tpu.memory_space<vmem>>
      tpu.wait_dma2 semaphore(%run_scoped3A_212 : memref<!tpu.dma_semaphore, #tpu.memory_space<semaphore_mem>>) src(%dma_wait3A_236 : memref<80x128xf32, #tpu.memory_space<vmem>>) dst(%dma_wait3A_232 : memref<80x128xf32, #tpu.memory_space<vmem_shared>>)
      tpu.yield
    }) : () -> ()
    %add3A_23 = arith.constant 400 : i32
    %add3A_24 = arith.addi %mul3A_8, %add3A_23 : i32
    %run_scoped3A_25 = arith.constant 0 : i32
    "tpu.region"() ({
      %run_scoped3A_212 = tpu.sem_alloc : memref<!tpu.dma_semaphore, #tpu.memory_space<semaphore_mem>>
      %dma_start3A_213 = arith.constant 0 : i32
      %dma_start3A_214 = arith.constant 0 : i32
      %dma_start3A_215 = tpu.memref_slice %arg8[%run_scoped3A_25, %dma_start3A_213, %dma_start3A_214] : memref<3x80x128xf32, #tpu.memory_space<vmem>> -> memref<1x80x128xf32, #tpu.memory_space<vmem>>
      %dma_start3A_216 = tpu.memref_squeeze %dma_start3A_215 : memref<1x80x128xf32, #tpu.memory_space<vmem>> -> memref<80x128xf32, #tpu.memory_space<vmem>>
      %dma_start3A_217 = arith.constant 0 : i32
      %dma_start3A_218 = tpu.memref_slice %arg9[%add3A_24, %dma_start3A_217] : memref<10000x128xf32, #tpu.memory_space<vmem_shared>> -> memref<80x128xf32, #tpu.memory_space<vmem_shared>>
      %dma_start3A_219 = arith.constant 0 : i32
      %dma_start3A_220 = tpu.memref_slice %arg9[%add3A_24, %dma_start3A_219] : memref<10000x128xf32, #tpu.memory_space<vmem_shared>> -> memref<80x128xf32, #tpu.memory_space<vmem_shared>>
      %dma_start3A_221 = arith.constant 0 : i32
      %dma_start3A_222 = arith.constant 0 : i32
      %dma_start3A_223 = tpu.memref_slice %arg8[%run_scoped3A_25, %dma_start3A_221, %dma_start3A_222] : memref<3x80x128xf32, #tpu.memory_space<vmem>> -> memref<1x80x128xf32, #tpu.memory_space<vmem>>
      %dma_start3A_224 = tpu.memref_squeeze %dma_start3A_223 : memref<1x80x128xf32, #tpu.memory_space<vmem>> -> memref<80x128xf32, #tpu.memory_space<vmem>>
      tpu.enqueue_dma source(%dma_start3A_224 : memref<80x128xf32, #tpu.memory_space<vmem>>) target(%dma_start3A_220 : memref<80x128xf32, #tpu.memory_space<vmem_shared>>) target_semaphore(%run_scoped3A_212 : memref<!tpu.dma_semaphore, #tpu.memory_space<semaphore_mem>>)
      %dma_wait3A_225 = arith.constant 0 : i32
      %dma_wait3A_226 = arith.constant 0 : i32
      %dma_wait3A_227 = tpu.memref_slice %arg8[%run_scoped3A_25, %dma_wait3A_225, %dma_wait3A_226] : memref<3x80x128xf32, #tpu.memory_space<vmem>> -> memref<1x80x128xf32, #tpu.memory_space<vmem>>
      %dma_wait3A_228 = tpu.memref_squeeze %dma_wait3A_227 : memref<1x80x128xf32, #tpu.memory_space<vmem>> -> memref<80x128xf32, #tpu.memory_space<vmem>>
      %dma_wait3A_229 = arith.constant 0 : i32
      %dma_wait3A_230 = tpu.memref_slice %arg9[%add3A_24, %dma_wait3A_229] : memref<10000x128xf32, #tpu.memory_space<vmem_shared>> -> memref<80x128xf32, #tpu.memory_space<vmem_shared>>
      %dma_wait3A_231 = arith.constant 0 : i32
      %dma_wait3A_232 = tpu.memref_slice %arg9[%add3A_24, %dma_wait3A_231] : memref<10000x128xf32, #tpu.memory_space<vmem_shared>> -> memref<80x128xf32, #tpu.memory_space<vmem_shared>>
      %dma_wait3A_233 = arith.constant 0 : i32
      %dma_wait3A_234 = arith.constant 0 : i32
      %dma_wait3A_235 = tpu.memref_slice %arg8[%run_scoped3A_25, %dma_wait3A_233, %dma_wait3A_234] : memref<3x80x128xf32, #tpu.memory_space<vmem>> -> memref<1x80x128xf32, #tpu.memory_space<vmem>>
      %dma_wait3A_236 = tpu.memref_squeeze %dma_wait3A_235 : memref<1x80x128xf32, #tpu.memory_space<vmem>> -> memref<80x128xf32, #tpu.memory_space<vmem>>
      tpu.wait_dma2 semaphore(%run_scoped3A_212 : memref<!tpu.dma_semaphore, #tpu.memory_space<semaphore_mem>>) src(%dma_wait3A_236 : memref<80x128xf32, #tpu.memory_space<vmem>>) dst(%dma_wait3A_232 : memref<80x128xf32, #tpu.memory_space<vmem_shared>>)
      tpu.yield
    }) : () -> ()
    %add3A_26 = arith.constant 480 : i32
    %add3A_27 = arith.addi %mul3A_8, %add3A_26 : i32
    %run_scoped3A_28 = arith.constant 0 : i32
    "tpu.region"() ({
      %run_scoped3A_212 = tpu.sem_alloc : memref<!tpu.dma_semaphore, #tpu.memory_space<semaphore_mem>>
      %dma_start3A_213 = arith.constant 0 : i32
      %dma_start3A_214 = arith.constant 0 : i32
      %dma_start3A_215 = tpu.memref_slice %arg8[%run_scoped3A_28, %dma_start3A_213, %dma_start3A_214] : memref<3x80x128xf32, #tpu.memory_space<vmem>> -> memref<1x80x128xf32, #tpu.memory_space<vmem>>
      %dma_start3A_216 = tpu.memref_squeeze %dma_start3A_215 : memref<1x80x128xf32, #tpu.memory_space<vmem>> -> memref<80x128xf32, #tpu.memory_space<vmem>>
      %dma_start3A_217 = arith.constant 0 : i32
      %dma_start3A_218 = tpu.memref_slice %arg9[%add3A_27, %dma_start3A_217] : memref<10000x128xf32, #tpu.memory_space<vmem_shared>> -> memref<80x128xf32, #tpu.memory_space<vmem_shared>>
      %dma_start3A_219 = arith.constant 0 : i32
      %dma_start3A_220 = tpu.memref_slice %arg9[%add3A_27, %dma_start3A_219] : memref<10000x128xf32, #tpu.memory_space<vmem_shared>> -> memref<80x128xf32, #tpu.memory_space<vmem_shared>>
      %dma_start3A_221 = arith.constant 0 : i32
      %dma_start3A_222 = arith.constant 0 : i32
      %dma_start3A_223 = tpu.memref_slice %arg8[%run_scoped3A_28, %dma_start3A_221, %dma_start3A_222] : memref<3x80x128xf32, #tpu.memory_space<vmem>> -> memref<1x80x128xf32, #tpu.memory_space<vmem>>
      %dma_start3A_224 = tpu.memref_squeeze %dma_start3A_223 : memref<1x80x128xf32, #tpu.memory_space<vmem>> -> memref<80x128xf32, #tpu.memory_space<vmem>>
      tpu.enqueue_dma source(%dma_start3A_224 : memref<80x128xf32, #tpu.memory_space<vmem>>) target(%dma_start3A_220 : memref<80x128xf32, #tpu.memory_space<vmem_shared>>) target_semaphore(%run_scoped3A_212 : memref<!tpu.dma_semaphore, #tpu.memory_space<semaphore_mem>>)
      %dma_wait3A_225 = arith.constant 0 : i32
      %dma_wait3A_226 = arith.constant 0 : i32
      %dma_wait3A_227 = tpu.memref_slice %arg8[%run_scoped3A_28, %dma_wait3A_225, %dma_wait3A_226] : memref<3x80x128xf32, #tpu.memory_space<vmem>> -> memref<1x80x128xf32, #tpu.memory_space<vmem>>
      %dma_wait3A_228 = tpu.memref_squeeze %dma_wait3A_227 : memref<1x80x128xf32, #tpu.memory_space<vmem>> -> memref<80x128xf32, #tpu.memory_space<vmem>>
      %dma_wait3A_229 = arith.constant 0 : i32
      %dma_wait3A_230 = tpu.memref_slice %arg9[%add3A_27, %dma_wait3A_229] : memref<10000x128xf32, #tpu.memory_space<vmem_shared>> -> memref<80x128xf32, #tpu.memory_space<vmem_shared>>
      %dma_wait3A_231 = arith.constant 0 : i32
      %dma_wait3A_232 = tpu.memref_slice %arg9[%add3A_27, %dma_wait3A_231] : memref<10000x128xf32, #tpu.memory_space<vmem_shared>> -> memref<80x128xf32, #tpu.memory_space<vmem_shared>>
      %dma_wait3A_233 = arith.constant 0 : i32
      %dma_wait3A_234 = arith.constant 0 : i32
      %dma_wait3A_235 = tpu.memref_slice %arg8[%run_scoped3A_28, %dma_wait3A_233, %dma_wait3A_234] : memref<3x80x128xf32, #tpu.memory_space<vmem>> -> memref<1x80x128xf32, #tpu.memory_space<vmem>>
      %dma_wait3A_236 = tpu.memref_squeeze %dma_wait3A_235 : memref<1x80x128xf32, #tpu.memory_space<vmem>> -> memref<80x128xf32, #tpu.memory_space<vmem>>
      tpu.wait_dma2 semaphore(%run_scoped3A_212 : memref<!tpu.dma_semaphore, #tpu.memory_space<semaphore_mem>>) src(%dma_wait3A_236 : memref<80x128xf32, #tpu.memory_space<vmem>>) dst(%dma_wait3A_232 : memref<80x128xf32, #tpu.memory_space<vmem_shared>>)
      tpu.yield
    }) : () -> ()
    %eq3A = arith.constant 15 : i32
    %eq3A_29 = arith.cmpi eq, %arg1, %eq3A : i32
    %convert_element_type3A = arith.extui %eq3A_29 : i1 to i32
    %cond3A = arith.constant 0 : i32
    %cond3A_30 = arith.cmpi ne, %convert_element_type3A, %cond3A : i32
    scf.if %cond3A_30 {
      %add3A_212 = arith.constant 560 : i32
      %add3A_213 = arith.addi %mul3A_8, %add3A_212 : i32
      %run_scoped3A_214 = arith.constant 0 : i32
      "tpu.region"() ({
        %run_scoped3A_215 = tpu.sem_alloc : memref<!tpu.dma_semaphore, #tpu.memory_space<semaphore_mem>>
        %dma_start3A_216 = arith.constant 0 : i32
        %dma_start3A_217 = arith.constant 0 : i32
        %dma_start3A_218 = tpu.memref_slice %arg8[%run_scoped3A_214, %dma_start3A_216, %dma_start3A_217] : memref<3x80x128xf32, #tpu.memory_space<vmem>> -> memref<1x80x128xf32, #tpu.memory_space<vmem>>
        %dma_start3A_219 = tpu.memref_squeeze %dma_start3A_218 : memref<1x80x128xf32, #tpu.memory_space<vmem>> -> memref<80x128xf32, #tpu.memory_space<vmem>>
        %dma_start3A_220 = arith.constant 0 : i32
        %dma_start3A_221 = tpu.memref_slice %arg9[%add3A_213, %dma_start3A_220] : memref<10000x128xf32, #tpu.memory_space<vmem_shared>> -> memref<80x128xf32, #tpu.memory_space<vmem_shared>>
        %dma_start3A_222 = arith.constant 0 : i32
        %dma_start3A_223 = tpu.memref_slice %arg9[%add3A_213, %dma_start3A_222] : memref<10000x128xf32, #tpu.memory_space<vmem_shared>> -> memref<80x128xf32, #tpu.memory_space<vmem_shared>>
        %dma_start3A_224 = arith.constant 0 : i32
        %dma_start3A_225 = arith.constant 0 : i32
        %dma_start3A_226 = tpu.memref_slice %arg8[%run_scoped3A_214, %dma_start3A_224, %dma_start3A_225] : memref<3x80x128xf32, #tpu.memory_space<vmem>> -> memref<1x80x128xf32, #tpu.memory_space<vmem>>
        %dma_start3A_227 = tpu.memref_squeeze %dma_start3A_226 : memref<1x80x128xf32, #tpu.memory_space<vmem>> -> memref<80x128xf32, #tpu.memory_space<vmem>>
        tpu.enqueue_dma source(%dma_start3A_227 : memref<80x128xf32, #tpu.memory_space<vmem>>) target(%dma_start3A_223 : memref<80x128xf32, #tpu.memory_space<vmem_shared>>) target_semaphore(%run_scoped3A_215 : memref<!tpu.dma_semaphore, #tpu.memory_space<semaphore_mem>>)
        %dma_wait3A_228 = arith.constant 0 : i32
        %dma_wait3A_229 = arith.constant 0 : i32
        %dma_wait3A_230 = tpu.memref_slice %arg8[%run_scoped3A_214, %dma_wait3A_228, %dma_wait3A_229] : memref<3x80x128xf32, #tpu.memory_space<vmem>> -> memref<1x80x128xf32, #tpu.memory_space<vmem>>
        %dma_wait3A_231 = tpu.memref_squeeze %dma_wait3A_230 : memref<1x80x128xf32, #tpu.memory_space<vmem>> -> memref<80x128xf32, #tpu.memory_space<vmem>>
        %dma_wait3A_232 = arith.constant 0 : i32
        %dma_wait3A_233 = tpu.memref_slice %arg9[%add3A_213, %dma_wait3A_232] : memref<10000x128xf32, #tpu.memory_space<vmem_shared>> -> memref<80x128xf32, #tpu.memory_space<vmem_shared>>
        %dma_wait3A_234 = arith.constant 0 : i32
        %dma_wait3A_235 = tpu.memref_slice %arg9[%add3A_213, %dma_wait3A_234] : memref<10000x128xf32, #tpu.memory_space<vmem_shared>> -> memref<80x128xf32, #tpu.memory_space<vmem_shared>>
        %dma_wait3A_236 = arith.constant 0 : i32
        %dma_wait3A_237 = arith.constant 0 : i32
        %dma_wait3A_238 = tpu.memref_slice %arg8[%run_scoped3A_214, %dma_wait3A_236, %dma_wait3A_237] : memref<3x80x128xf32, #tpu.memory_space<vmem>> -> memref<1x80x128xf32, #tpu.memory_space<vmem>>
        %dma_wait3A_239 = tpu.memref_squeeze %dma_wait3A_238 : memref<1x80x128xf32, #tpu.memory_space<vmem>> -> memref<80x128xf32, #tpu.memory_space<vmem>>
        tpu.wait_dma2 semaphore(%run_scoped3A_215 : memref<!tpu.dma_semaphore, #tpu.memory_space<semaphore_mem>>) src(%dma_wait3A_239 : memref<80x128xf32, #tpu.memory_space<vmem>>) dst(%dma_wait3A_235 : memref<80x128xf32, #tpu.memory_space<vmem_shared>>)
        tpu.yield
      }) : () -> ()
    } else {
    }
    %lt3A = arith.constant 15 : i32
    %lt3A_31 = arith.cmpi slt, %arg1, %lt3A : i32
    %convert_element_type3A_32 = arith.extui %lt3A_31 : i1 to i32
    %cond3A_33 = arith.constant 0 : i32
    %cond3A_34 = arith.cmpi ne, %convert_element_type3A_32, %cond3A_33 : i32
    scf.if %cond3A_34 {
      %add3A_212 = arith.constant 560 : i32
      %add3A_213 = arith.addi %mul3A_8, %add3A_212 : i32
      %run_scoped3A_214 = arith.constant 0 : i32
      "tpu.region"() ({
        %run_scoped3A_215 = tpu.sem_alloc : memref<!tpu.dma_semaphore, #tpu.memory_space<semaphore_mem>>
        %dma_start3A_216 = arith.constant 0 : i32
        %dma_start3A_217 = arith.constant 0 : i32
        %dma_start3A_218 = tpu.memref_slice %arg8[%run_scoped3A_214, %dma_start3A_216, %dma_start3A_217] : memref<3x80x128xf32, #tpu.memory_space<vmem>> -> memref<1x64x128xf32, #tpu.memory_space<vmem>>
        %dma_start3A_219 = tpu.memref_squeeze %dma_start3A_218 : memref<1x64x128xf32, #tpu.memory_space<vmem>> -> memref<64x128xf32, #tpu.memory_space<vmem>>
        %dma_start3A_220 = arith.constant 0 : i32
        %dma_start3A_221 = tpu.memref_slice %arg9[%add3A_213, %dma_start3A_220] : memref<10000x128xf32, #tpu.memory_space<vmem_shared>> -> memref<64x128xf32, #tpu.memory_space<vmem_shared>>
        %dma_start3A_222 = arith.constant 0 : i32
        %dma_start3A_223 = tpu.memref_slice %arg9[%add3A_213, %dma_start3A_222] : memref<10000x128xf32, #tpu.memory_space<vmem_shared>> -> memref<64x128xf32, #tpu.memory_space<vmem_shared>>
        %dma_start3A_224 = arith.constant 0 : i32
        %dma_start3A_225 = arith.constant 0 : i32
        %dma_start3A_226 = tpu.memref_slice %arg8[%run_scoped3A_214, %dma_start3A_224, %dma_start3A_225] : memref<3x80x128xf32, #tpu.memory_space<vmem>> -> memref<1x64x128xf32, #tpu.memory_space<vmem>>
        %dma_start3A_227 = tpu.memref_squeeze %dma_start3A_226 : memref<1x64x128xf32, #tpu.memory_space<vmem>> -> memref<64x128xf32, #tpu.memory_space<vmem>>
        tpu.enqueue_dma source(%dma_start3A_227 : memref<64x128xf32, #tpu.memory_space<vmem>>) target(%dma_start3A_223 : memref<64x128xf32, #tpu.memory_space<vmem_shared>>) target_semaphore(%run_scoped3A_215 : memref<!tpu.dma_semaphore, #tpu.memory_space<semaphore_mem>>)
        %dma_wait3A_228 = arith.constant 0 : i32
        %dma_wait3A_229 = arith.constant 0 : i32
        %dma_wait3A_230 = tpu.memref_slice %arg8[%run_scoped3A_214, %dma_wait3A_228, %dma_wait3A_229] : memref<3x80x128xf32, #tpu.memory_space<vmem>> -> memref<1x64x128xf32, #tpu.memory_space<vmem>>
        %dma_wait3A_231 = tpu.memref_squeeze %dma_wait3A_230 : memref<1x64x128xf32, #tpu.memory_space<vmem>> -> memref<64x128xf32, #tpu.memory_space<vmem>>
        %dma_wait3A_232 = arith.constant 0 : i32
        %dma_wait3A_233 = tpu.memref_slice %arg9[%add3A_213, %dma_wait3A_232] : memref<10000x128xf32, #tpu.memory_space<vmem_shared>> -> memref<64x128xf32, #tpu.memory_space<vmem_shared>>
        %dma_wait3A_234 = arith.constant 0 : i32
        %dma_wait3A_235 = tpu.memref_slice %arg9[%add3A_213, %dma_wait3A_234] : memref<10000x128xf32, #tpu.memory_space<vmem_shared>> -> memref<64x128xf32, #tpu.memory_space<vmem_shared>>
        %dma_wait3A_236 = arith.constant 0 : i32
        %dma_wait3A_237 = arith.constant 0 : i32
        %dma_wait3A_238 = tpu.memref_slice %arg8[%run_scoped3A_214, %dma_wait3A_236, %dma_wait3A_237] : memref<3x80x128xf32, #tpu.memory_space<vmem>> -> memref<1x64x128xf32, #tpu.memory_space<vmem>>
        %dma_wait3A_239 = tpu.memref_squeeze %dma_wait3A_238 : memref<1x64x128xf32, #tpu.memory_space<vmem>> -> memref<64x128xf32, #tpu.memory_space<vmem>>
        tpu.wait_dma2 semaphore(%run_scoped3A_215 : memref<!tpu.dma_semaphore, #tpu.memory_space<semaphore_mem>>) src(%dma_wait3A_239 : memref<64x128xf32, #tpu.memory_space<vmem>>) dst(%dma_wait3A_235 : memref<64x128xf32, #tpu.memory_space<vmem_shared>>)
        tpu.yield
      }) : () -> ()
    } else {
    }
    "tpu.region"() ({
      %run_scoped3A_212 = tpu.sem_alloc : memref<!tpu.dma_semaphore, #tpu.memory_space<semaphore_mem>>
      %dma_start3A_213 = arith.constant 0 : i32
      %dma_start3A_214 = arith.constant 0 : i32
      %dma_start3A_215 = tpu.memref_slice %arg4[%add3A, %dma_start3A_213, %dma_start3A_214] : memref<32x126x80xf32, #tpu.memory_space<hbm>> -> memref<1x126x80xf32, #tpu.memory_space<hbm>>
      %dma_start3A_216 = tpu.memref_squeeze %dma_start3A_215 : memref<1x126x80xf32, #tpu.memory_space<hbm>> -> memref<126x80xf32, #tpu.memory_space<hbm>>
      %dma_start3A_217 = arith.constant 0 : i32
      %dma_start3A_218 = arith.constant 0 : i32
      %dma_start3A_219 = tpu.memref_slice %arg4[%add3A, %dma_start3A_217, %dma_start3A_218] : memref<32x126x80xf32, #tpu.memory_space<hbm>> -> memref<1x126x80xf32, #tpu.memory_space<hbm>>
      %dma_start3A_220 = tpu.memref_squeeze %dma_start3A_219 : memref<1x126x80xf32, #tpu.memory_space<hbm>> -> memref<126x80xf32, #tpu.memory_space<hbm>>
      tpu.enqueue_dma source(%dma_start3A_220 : memref<126x80xf32, #tpu.memory_space<hbm>>) target(%arg7 : memref<126x80xf32, #tpu.memory_space<vmem>>) target_semaphore(%run_scoped3A_212 : memref<!tpu.dma_semaphore, #tpu.memory_space<semaphore_mem>>)
      %dma_wait3A_221 = arith.constant 0 : i32
      %dma_wait3A_222 = arith.constant 0 : i32
      %dma_wait3A_223 = tpu.memref_slice %arg4[%add3A, %dma_wait3A_221, %dma_wait3A_222] : memref<32x126x80xf32, #tpu.memory_space<hbm>> -> memref<1x126x80xf32, #tpu.memory_space<hbm>>
      %dma_wait3A_224 = tpu.memref_squeeze %dma_wait3A_223 : memref<1x126x80xf32, #tpu.memory_space<hbm>> -> memref<126x80xf32, #tpu.memory_space<hbm>>
      %dma_wait3A_225 = arith.constant 0 : i32
      %dma_wait3A_226 = arith.constant 0 : i32
      %dma_wait3A_227 = tpu.memref_slice %arg4[%add3A, %dma_wait3A_225, %dma_wait3A_226] : memref<32x126x80xf32, #tpu.memory_space<hbm>> -> memref<1x126x80xf32, #tpu.memory_space<hbm>>
      %dma_wait3A_228 = tpu.memref_squeeze %dma_wait3A_227 : memref<1x126x80xf32, #tpu.memory_space<hbm>> -> memref<126x80xf32, #tpu.memory_space<hbm>>
      tpu.wait_dma2 semaphore(%run_scoped3A_212 : memref<!tpu.dma_semaphore, #tpu.memory_space<semaphore_mem>>) src(%dma_wait3A_228 : memref<126x80xf32, #tpu.memory_space<hbm>>) dst(%arg7 : memref<126x80xf32, #tpu.memory_space<vmem>>)
      tpu.yield
    }) : () -> ()
    %barrier3A = arith.constant 0 : index
    tpu.barrier barrier_id(%barrier3A)
    %run_scoped3A_35 = arith.constant 0 : i32
    %run_scoped3A_36 = arith.constant 0 : i32
    "tpu.region"() ({
      %run_scoped3A_212 = tpu.sem_alloc : memref<!tpu.dma_semaphore, #tpu.memory_space<semaphore_mem>>
      %dma_start3A_213 = arith.constant 0 : i32
      %dma_start3A_214 = arith.constant 0 : i32
      %dma_start3A_215 = tpu.memref_slice %arg6[%run_scoped3A_36, %dma_start3A_213, %dma_start3A_214] : memref<3x2x80xi32, #tpu.memory_space<vmem>> -> memref<1x2x80xi32, #tpu.memory_space<vmem>>
      %dma_start3A_216 = tpu.memref_squeeze %dma_start3A_215 : memref<1x2x80xi32, #tpu.memory_space<vmem>> -> memref<2x80xi32, #tpu.memory_space<vmem>>
      %dma_start3A_217 = arith.constant 0 : i32
      %dma_start3A_218 = arith.constant 0 : i32
      %dma_start3A_219 = tpu.memref_slice %arg3[%add3A, %run_scoped3A_35, %dma_start3A_217, %dma_start3A_218] : memref<32x126x2x80xi32, #tpu.memory_space<hbm>> -> memref<1x1x2x80xi32, #tpu.memory_space<hbm>>
      %dma_start3A_220 = tpu.memref_squeeze %dma_start3A_219 : memref<1x1x2x80xi32, #tpu.memory_space<hbm>> -> memref<2x80xi32, #tpu.memory_space<hbm>>
      %dma_start3A_221 = arith.constant 0 : i32
      %dma_start3A_222 = arith.constant 0 : i32
      %dma_start3A_223 = tpu.memref_slice %arg6[%run_scoped3A_36, %dma_start3A_221, %dma_start3A_222] : memref<3x2x80xi32, #tpu.memory_space<vmem>> -> memref<1x2x80xi32, #tpu.memory_space<vmem>>
      %dma_start3A_224 = tpu.memref_squeeze %dma_start3A_223 : memref<1x2x80xi32, #tpu.memory_space<vmem>> -> memref<2x80xi32, #tpu.memory_space<vmem>>
      %dma_start3A_225 = arith.constant 0 : i32
      %dma_start3A_226 = arith.constant 0 : i32
      %dma_start3A_227 = tpu.memref_slice %arg3[%add3A, %run_scoped3A_35, %dma_start3A_225, %dma_start3A_226] : memref<32x126x2x80xi32, #tpu.memory_space<hbm>> -> memref<1x1x2x80xi32, #tpu.memory_space<hbm>>
      %dma_start3A_228 = tpu.memref_squeeze %dma_start3A_227 : memref<1x1x2x80xi32, #tpu.memory_space<hbm>> -> memref<2x80xi32, #tpu.memory_space<hbm>>
      tpu.enqueue_dma source(%dma_start3A_228 : memref<2x80xi32, #tpu.memory_space<hbm>>) target(%dma_start3A_224 : memref<2x80xi32, #tpu.memory_space<vmem>>) target_semaphore(%run_scoped3A_212 : memref<!tpu.dma_semaphore, #tpu.memory_space<semaphore_mem>>)
      %dma_wait3A_229 = arith.constant 0 : i32
      %dma_wait3A_230 = arith.constant 0 : i32
      %dma_wait3A_231 = tpu.memref_slice %arg6[%run_scoped3A_36, %dma_wait3A_229, %dma_wait3A_230] : memref<3x2x80xi32, #tpu.memory_space<vmem>> -> memref<1x2x80xi32, #tpu.memory_space<vmem>>
      %dma_wait3A_232 = tpu.memref_squeeze %dma_wait3A_231 : memref<1x2x80xi32, #tpu.memory_space<vmem>> -> memref<2x80xi32, #tpu.memory_space<vmem>>
      %dma_wait3A_233 = arith.constant 0 : i32
      %dma_wait3A_234 = arith.constant 0 : i32
      %dma_wait3A_235 = tpu.memref_slice %arg3[%add3A, %run_scoped3A_35, %dma_wait3A_233, %dma_wait3A_234] : memref<32x126x2x80xi32, #tpu.memory_space<hbm>> -> memref<1x1x2x80xi32, #tpu.memory_space<hbm>>
      %dma_wait3A_236 = tpu.memref_squeeze %dma_wait3A_235 : memref<1x1x2x80xi32, #tpu.memory_space<hbm>> -> memref<2x80xi32, #tpu.memory_space<hbm>>
      %dma_wait3A_237 = arith.constant 0 : i32
      %dma_wait3A_238 = arith.constant 0 : i32
      %dma_wait3A_239 = tpu.memref_slice %arg6[%run_scoped3A_36, %dma_wait3A_237, %dma_wait3A_238] : memref<3x2x80xi32, #tpu.memory_space<vmem>> -> memref<1x2x80xi32, #tpu.memory_space<vmem>>
      %dma_wait3A_240 = tpu.memref_squeeze %dma_wait3A_239 : memref<1x2x80xi32, #tpu.memory_space<vmem>> -> memref<2x80xi32, #tpu.memory_space<vmem>>
      %dma_wait3A_241 = arith.constant 0 : i32
      %dma_wait3A_242 = arith.constant 0 : i32
      %dma_wait3A_243 = tpu.memref_slice %arg3[%add3A, %run_scoped3A_35, %dma_wait3A_241, %dma_wait3A_242] : memref<32x126x2x80xi32, #tpu.memory_space<hbm>> -> memref<1x1x2x80xi32, #tpu.memory_space<hbm>>
      %dma_wait3A_244 = tpu.memref_squeeze %dma_wait3A_243 : memref<1x1x2x80xi32, #tpu.memory_space<hbm>> -> memref<2x80xi32, #tpu.memory_space<hbm>>
      tpu.wait_dma2 semaphore(%run_scoped3A_212 : memref<!tpu.dma_semaphore, #tpu.memory_space<semaphore_mem>>) src(%dma_wait3A_244 : memref<2x80xi32, #tpu.memory_space<hbm>>) dst(%dma_wait3A_240 : memref<2x80xi32, #tpu.memory_space<vmem>>)
      tpu.yield
    }) : () -> ()
    %run_scoped3A_37 = arith.constant 1 : i32
    %run_scoped3A_38 = arith.constant 1 : i32
    "tpu.region"() ({
      %run_scoped3A_212 = tpu.sem_alloc : memref<!tpu.dma_semaphore, #tpu.memory_space<semaphore_mem>>
      %dma_start3A_213 = arith.constant 0 : i32
      %dma_start3A_214 = arith.constant 0 : i32
      %dma_start3A_215 = tpu.memref_slice %arg6[%run_scoped3A_38, %dma_start3A_213, %dma_start3A_214] : memref<3x2x80xi32, #tpu.memory_space<vmem>> -> memref<1x2x80xi32, #tpu.memory_space<vmem>>
      %dma_start3A_216 = tpu.memref_squeeze %dma_start3A_215 : memref<1x2x80xi32, #tpu.memory_space<vmem>> -> memref<2x80xi32, #tpu.memory_space<vmem>>
      %dma_start3A_217 = arith.constant 0 : i32
      %dma_start3A_218 = arith.constant 0 : i32
      %dma_start3A_219 = tpu.memref_slice %arg3[%add3A, %run_scoped3A_37, %dma_start3A_217, %dma_start3A_218] : memref<32x126x2x80xi32, #tpu.memory_space<hbm>> -> memref<1x1x2x80xi32, #tpu.memory_space<hbm>>
      %dma_start3A_220 = tpu.memref_squeeze %dma_start3A_219 : memref<1x1x2x80xi32, #tpu.memory_space<hbm>> -> memref<2x80xi32, #tpu.memory_space<hbm>>
      %dma_start3A_221 = arith.constant 0 : i32
      %dma_start3A_222 = arith.constant 0 : i32
      %dma_start3A_223 = tpu.memref_slice %arg6[%run_scoped3A_38, %dma_start3A_221, %dma_start3A_222] : memref<3x2x80xi32, #tpu.memory_space<vmem>> -> memref<1x2x80xi32, #tpu.memory_space<vmem>>
      %dma_start3A_224 = tpu.memref_squeeze %dma_start3A_223 : memref<1x2x80xi32, #tpu.memory_space<vmem>> -> memref<2x80xi32, #tpu.memory_space<vmem>>
      %dma_start3A_225 = arith.constant 0 : i32
      %dma_start3A_226 = arith.constant 0 : i32
      %dma_start3A_227 = tpu.memref_slice %arg3[%add3A, %run_scoped3A_37, %dma_start3A_225, %dma_start3A_226] : memref<32x126x2x80xi32, #tpu.memory_space<hbm>> -> memref<1x1x2x80xi32, #tpu.memory_space<hbm>>
      %dma_start3A_228 = tpu.memref_squeeze %dma_start3A_227 : memref<1x1x2x80xi32, #tpu.memory_space<hbm>> -> memref<2x80xi32, #tpu.memory_space<hbm>>
      tpu.enqueue_dma source(%dma_start3A_228 : memref<2x80xi32, #tpu.memory_space<hbm>>) target(%dma_start3A_224 : memref<2x80xi32, #tpu.memory_space<vmem>>) target_semaphore(%run_scoped3A_212 : memref<!tpu.dma_semaphore, #tpu.memory_space<semaphore_mem>>)
      %dma_wait3A_229 = arith.constant 0 : i32
      %dma_wait3A_230 = arith.constant 0 : i32
      %dma_wait3A_231 = tpu.memref_slice %arg6[%run_scoped3A_38, %dma_wait3A_229, %dma_wait3A_230] : memref<3x2x80xi32, #tpu.memory_space<vmem>> -> memref<1x2x80xi32, #tpu.memory_space<vmem>>
      %dma_wait3A_232 = tpu.memref_squeeze %dma_wait3A_231 : memref<1x2x80xi32, #tpu.memory_space<vmem>> -> memref<2x80xi32, #tpu.memory_space<vmem>>
      %dma_wait3A_233 = arith.constant 0 : i32
      %dma_wait3A_234 = arith.constant 0 : i32
      %dma_wait3A_235 = tpu.memref_slice %arg3[%add3A, %run_scoped3A_37, %dma_wait3A_233, %dma_wait3A_234] : memref<32x126x2x80xi32, #tpu.memory_space<hbm>> -> memref<1x1x2x80xi32, #tpu.memory_space<hbm>>
      %dma_wait3A_236 = tpu.memref_squeeze %dma_wait3A_235 : memref<1x1x2x80xi32, #tpu.memory_space<hbm>> -> memref<2x80xi32, #tpu.memory_space<hbm>>
      %dma_wait3A_237 = arith.constant 0 : i32
      %dma_wait3A_238 = arith.constant 0 : i32
      %dma_wait3A_239 = tpu.memref_slice %arg6[%run_scoped3A_38, %dma_wait3A_237, %dma_wait3A_238] : memref<3x2x80xi32, #tpu.memory_space<vmem>> -> memref<1x2x80xi32, #tpu.memory_space<vmem>>
      %dma_wait3A_240 = tpu.memref_squeeze %dma_wait3A_239 : memref<1x2x80xi32, #tpu.memory_space<vmem>> -> memref<2x80xi32, #tpu.memory_space<vmem>>
      %dma_wait3A_241 = arith.constant 0 : i32
      %dma_wait3A_242 = arith.constant 0 : i32
      %dma_wait3A_243 = tpu.memref_slice %arg3[%add3A, %run_scoped3A_37, %dma_wait3A_241, %dma_wait3A_242] : memref<32x126x2x80xi32, #tpu.memory_space<hbm>> -> memref<1x1x2x80xi32, #tpu.memory_space<hbm>>
      %dma_wait3A_244 = tpu.memref_squeeze %dma_wait3A_243 : memref<1x1x2x80xi32, #tpu.memory_space<hbm>> -> memref<2x80xi32, #tpu.memory_space<hbm>>
      tpu.wait_dma2 semaphore(%run_scoped3A_212 : memref<!tpu.dma_semaphore, #tpu.memory_space<semaphore_mem>>) src(%dma_wait3A_244 : memref<2x80xi32, #tpu.memory_space<hbm>>) dst(%dma_wait3A_240 : memref<2x80xi32, #tpu.memory_space<vmem>>)
      tpu.yield
    }) : () -> ()
    %run_scoped3A_39 = arith.constant 2 : i32
    %run_scoped3A_40 = arith.constant 2 : i32
    "tpu.region"() ({
      %run_scoped3A_212 = tpu.sem_alloc : memref<!tpu.dma_semaphore, #tpu.memory_space<semaphore_mem>>
      %dma_start3A_213 = arith.constant 0 : i32
      %dma_start3A_214 = arith.constant 0 : i32
      %dma_start3A_215 = tpu.memref_slice %arg6[%run_scoped3A_40, %dma_start3A_213, %dma_start3A_214] : memref<3x2x80xi32, #tpu.memory_space<vmem>> -> memref<1x2x80xi32, #tpu.memory_space<vmem>>
      %dma_start3A_216 = tpu.memref_squeeze %dma_start3A_215 : memref<1x2x80xi32, #tpu.memory_space<vmem>> -> memref<2x80xi32, #tpu.memory_space<vmem>>
      %dma_start3A_217 = arith.constant 0 : i32
      %dma_start3A_218 = arith.constant 0 : i32
      %dma_start3A_219 = tpu.memref_slice %arg3[%add3A, %run_scoped3A_39, %dma_start3A_217, %dma_start3A_218] : memref<32x126x2x80xi32, #tpu.memory_space<hbm>> -> memref<1x1x2x80xi32, #tpu.memory_space<hbm>>
      %dma_start3A_220 = tpu.memref_squeeze %dma_start3A_219 : memref<1x1x2x80xi32, #tpu.memory_space<hbm>> -> memref<2x80xi32, #tpu.memory_space<hbm>>
      %dma_start3A_221 = arith.constant 0 : i32
      %dma_start3A_222 = arith.constant 0 : i32
      %dma_start3A_223 = tpu.memref_slice %arg6[%run_scoped3A_40, %dma_start3A_221, %dma_start3A_222] : memref<3x2x80xi32, #tpu.memory_space<vmem>> -> memref<1x2x80xi32, #tpu.memory_space<vmem>>
      %dma_start3A_224 = tpu.memref_squeeze %dma_start3A_223 : memref<1x2x80xi32, #tpu.memory_space<vmem>> -> memref<2x80xi32, #tpu.memory_space<vmem>>
      %dma_start3A_225 = arith.constant 0 : i32
      %dma_start3A_226 = arith.constant 0 : i32
      %dma_start3A_227 = tpu.memref_slice %arg3[%add3A, %run_scoped3A_39, %dma_start3A_225, %dma_start3A_226] : memref<32x126x2x80xi32, #tpu.memory_space<hbm>> -> memref<1x1x2x80xi32, #tpu.memory_space<hbm>>
      %dma_start3A_228 = tpu.memref_squeeze %dma_start3A_227 : memref<1x1x2x80xi32, #tpu.memory_space<hbm>> -> memref<2x80xi32, #tpu.memory_space<hbm>>
      tpu.enqueue_dma source(%dma_start3A_228 : memref<2x80xi32, #tpu.memory_space<hbm>>) target(%dma_start3A_224 : memref<2x80xi32, #tpu.memory_space<vmem>>) target_semaphore(%run_scoped3A_212 : memref<!tpu.dma_semaphore, #tpu.memory_space<semaphore_mem>>)
      %dma_wait3A_229 = arith.constant 0 : i32
      %dma_wait3A_230 = arith.constant 0 : i32
      %dma_wait3A_231 = tpu.memref_slice %arg6[%run_scoped3A_40, %dma_wait3A_229, %dma_wait3A_230] : memref<3x2x80xi32, #tpu.memory_space<vmem>> -> memref<1x2x80xi32, #tpu.memory_space<vmem>>
      %dma_wait3A_232 = tpu.memref_squeeze %dma_wait3A_231 : memref<1x2x80xi32, #tpu.memory_space<vmem>> -> memref<2x80xi32, #tpu.memory_space<vmem>>
      %dma_wait3A_233 = arith.constant 0 : i32
      %dma_wait3A_234 = arith.constant 0 : i32
      %dma_wait3A_235 = tpu.memref_slice %arg3[%add3A, %run_scoped3A_39, %dma_wait3A_233, %dma_wait3A_234] : memref<32x126x2x80xi32, #tpu.memory_space<hbm>> -> memref<1x1x2x80xi32, #tpu.memory_space<hbm>>
      %dma_wait3A_236 = tpu.memref_squeeze %dma_wait3A_235 : memref<1x1x2x80xi32, #tpu.memory_space<hbm>> -> memref<2x80xi32, #tpu.memory_space<hbm>>
      %dma_wait3A_237 = arith.constant 0 : i32
      %dma_wait3A_238 = arith.constant 0 : i32
      %dma_wait3A_239 = tpu.memref_slice %arg6[%run_scoped3A_40, %dma_wait3A_237, %dma_wait3A_238] : memref<3x2x80xi32, #tpu.memory_space<vmem>> -> memref<1x2x80xi32, #tpu.memory_space<vmem>>
      %dma_wait3A_240 = tpu.memref_squeeze %dma_wait3A_239 : memref<1x2x80xi32, #tpu.memory_space<vmem>> -> memref<2x80xi32, #tpu.memory_space<vmem>>
      %dma_wait3A_241 = arith.constant 0 : i32
      %dma_wait3A_242 = arith.constant 0 : i32
      %dma_wait3A_243 = tpu.memref_slice %arg3[%add3A, %run_scoped3A_39, %dma_wait3A_241, %dma_wait3A_242] : memref<32x126x2x80xi32, #tpu.memory_space<hbm>> -> memref<1x1x2x80xi32, #tpu.memory_space<hbm>>
      %dma_wait3A_244 = tpu.memref_squeeze %dma_wait3A_243 : memref<1x1x2x80xi32, #tpu.memory_space<hbm>> -> memref<2x80xi32, #tpu.memory_space<hbm>>
      tpu.wait_dma2 semaphore(%run_scoped3A_212 : memref<!tpu.dma_semaphore, #tpu.memory_space<semaphore_mem>>) src(%dma_wait3A_244 : memref<2x80xi32, #tpu.memory_space<hbm>>) dst(%dma_wait3A_240 : memref<2x80xi32, #tpu.memory_space<vmem>>)
      tpu.yield
    }) : () -> ()
    %dma_start3A = arith.constant 0 : i32
    %dma_start3A_41 = arith.constant 0 : i32
    %dma_start3A_42 = arith.constant 0 : i32
    %dma_start3A_43 = arith.constant 0 : i32
    %dma_start3A_44 = arith.constant 0 : i32
    %dma_start3A_45 = tpu.memref_slice %arg8[%dma_start3A_42, %dma_start3A_43, %dma_start3A_44] : memref<3x80x128xf32, #tpu.memory_space<vmem>> -> memref<1x80x128xf32, #tpu.memory_space<vmem>>
    %dma_start3A_46 = tpu.memref_squeeze %dma_start3A_45 : memref<1x80x128xf32, #tpu.memory_space<vmem>> -> memref<80x128xf32, #tpu.memory_space<vmem>>
    %dma_start3A_47 = arith.constant 0 : i32
    %dma_start3A_48 = tpu.memref_slice %arg6[%dma_start3A, %dma_start3A_41, %dma_start3A_47] : memref<3x2x80xi32, #tpu.memory_space<vmem>> -> memref<1x1x80xi32, #tpu.memory_space<vmem>>
    %dma_start3A_49 = tpu.memref_squeeze %dma_start3A_48 : memref<1x1x80xi32, #tpu.memory_space<vmem>> -> memref<80xi32, #tpu.memory_space<vmem>>
    %dma_start3A_50 = arith.constant 0 : i32
    %dma_start3A_51 = arith.constant 0 : i32
    %dma_start3A_52 = tpu.memref_slice %arg2[%dma_start3A_50, %dma_start3A_51] : memref<10000x128xf32, #tpu.memory_space<hbm>> -> memref<10000x128xf32, #tpu.memory_space<hbm>>
    tpu.enqueue_indirect_dma source(%dma_start3A_52 : memref<10000x128xf32, #tpu.memory_space<hbm>>) target(%dma_start3A_46 : memref<80x128xf32, #tpu.memory_space<vmem>>) offsets(%dma_start3A_49 : memref<80xi32, #tpu.memory_space<vmem>>) semaphore(%arg10 : memref<!tpu.dma_semaphore, #tpu.memory_space<semaphore_mem>>)
    %dma_start3A_53 = arith.constant 1 : i32
    %dma_start3A_54 = arith.constant 0 : i32
    %dma_start3A_55 = arith.constant 1 : i32
    %dma_start3A_56 = arith.constant 0 : i32
    %dma_start3A_57 = arith.constant 0 : i32
    %dma_start3A_58 = tpu.memref_slice %arg8[%dma_start3A_55, %dma_start3A_56, %dma_start3A_57] : memref<3x80x128xf32, #tpu.memory_space<vmem>> -> memref<1x80x128xf32, #tpu.memory_space<vmem>>
    %dma_start3A_59 = tpu.memref_squeeze %dma_start3A_58 : memref<1x80x128xf32, #tpu.memory_space<vmem>> -> memref<80x128xf32, #tpu.memory_space<vmem>>
    %dma_start3A_60 = arith.constant 0 : i32
    %dma_start3A_61 = tpu.memref_slice %arg6[%dma_start3A_53, %dma_start3A_54, %dma_start3A_60] : memref<3x2x80xi32, #tpu.memory_space<vmem>> -> memref<1x1x80xi32, #tpu.memory_space<vmem>>
    %dma_start3A_62 = tpu.memref_squeeze %dma_start3A_61 : memref<1x1x80xi32, #tpu.memory_space<vmem>> -> memref<80xi32, #tpu.memory_space<vmem>>
    %dma_start3A_63 = arith.constant 0 : i32
    %dma_start3A_64 = arith.constant 0 : i32
    %dma_start3A_65 = tpu.memref_slice %arg2[%dma_start3A_63, %dma_start3A_64] : memref<10000x128xf32, #tpu.memory_space<hbm>> -> memref<10000x128xf32, #tpu.memory_space<hbm>>
    tpu.enqueue_indirect_dma source(%dma_start3A_65 : memref<10000x128xf32, #tpu.memory_space<hbm>>) target(%dma_start3A_59 : memref<80x128xf32, #tpu.memory_space<vmem>>) offsets(%dma_start3A_62 : memref<80xi32, #tpu.memory_space<vmem>>) semaphore(%arg11 : memref<!tpu.dma_semaphore, #tpu.memory_space<semaphore_mem>>)
    %dma_wait3A = arith.constant 0 : i32
    %dma_wait3A_66 = arith.constant 0 : i32
    %dma_wait3A_67 = arith.constant 0 : i32
    %dma_wait3A_68 = arith.constant 0 : i32
    %dma_wait3A_69 = arith.constant 0 : i32
    %dma_wait3A_70 = tpu.memref_slice %arg8[%dma_wait3A_67, %dma_wait3A_68, %dma_wait3A_69] : memref<3x80x128xf32, #tpu.memory_space<vmem>> -> memref<1x80x128xf32, #tpu.memory_space<vmem>>
    %dma_wait3A_71 = tpu.memref_squeeze %dma_wait3A_70 : memref<1x80x128xf32, #tpu.memory_space<vmem>> -> memref<80x128xf32, #tpu.memory_space<vmem>>
    %dma_wait3A_72 = arith.constant 0 : i32
    %dma_wait3A_73 = tpu.memref_slice %arg6[%dma_wait3A, %dma_wait3A_66, %dma_wait3A_72] : memref<3x2x80xi32, #tpu.memory_space<vmem>> -> memref<1x1x80xi32, #tpu.memory_space<vmem>>
    %dma_wait3A_74 = tpu.memref_squeeze %dma_wait3A_73 : memref<1x1x80xi32, #tpu.memory_space<vmem>> -> memref<80xi32, #tpu.memory_space<vmem>>
    %dma_wait3A_75 = arith.constant 0 : i32
    %dma_wait3A_76 = arith.constant 0 : i32
    %dma_wait3A_77 = tpu.memref_slice %arg2[%dma_wait3A_75, %dma_wait3A_76] : memref<10000x128xf32, #tpu.memory_space<hbm>> -> memref<10000x128xf32, #tpu.memory_space<hbm>>
    tpu.wait_indirect_dma semaphore(%arg10 : memref<!tpu.dma_semaphore, #tpu.memory_space<semaphore_mem>>) src(%dma_wait3A_77 : memref<10000x128xf32, #tpu.memory_space<hbm>>) dst(%dma_wait3A_71 : memref<80x128xf32, #tpu.memory_space<vmem>>)
    %dma_start3A_78 = arith.constant 2 : i32
    %dma_start3A_79 = arith.constant 0 : i32
    %dma_start3A_80 = arith.constant 2 : i32
    %dma_start3A_81 = arith.constant 0 : i32
    %dma_start3A_82 = arith.constant 0 : i32
    %dma_start3A_83 = tpu.memref_slice %arg8[%dma_start3A_80, %dma_start3A_81, %dma_start3A_82] : memref<3x80x128xf32, #tpu.memory_space<vmem>> -> memref<1x80x128xf32, #tpu.memory_space<vmem>>
    %dma_start3A_84 = tpu.memref_squeeze %dma_start3A_83 : memref<1x80x128xf32, #tpu.memory_space<vmem>> -> memref<80x128xf32, #tpu.memory_space<vmem>>
    %dma_start3A_85 = arith.constant 0 : i32
    %dma_start3A_86 = tpu.memref_slice %arg6[%dma_start3A_78, %dma_start3A_79, %dma_start3A_85] : memref<3x2x80xi32, #tpu.memory_space<vmem>> -> memref<1x1x80xi32, #tpu.memory_space<vmem>>
    %dma_start3A_87 = tpu.memref_squeeze %dma_start3A_86 : memref<1x1x80xi32, #tpu.memory_space<vmem>> -> memref<80xi32, #tpu.memory_space<vmem>>
    %dma_start3A_88 = arith.constant 0 : i32
    %dma_start3A_89 = arith.constant 0 : i32
    %dma_start3A_90 = tpu.memref_slice %arg2[%dma_start3A_88, %dma_start3A_89] : memref<10000x128xf32, #tpu.memory_space<hbm>> -> memref<10000x128xf32, #tpu.memory_space<hbm>>
    tpu.enqueue_indirect_dma source(%dma_start3A_90 : memref<10000x128xf32, #tpu.memory_space<hbm>>) target(%dma_start3A_84 : memref<80x128xf32, #tpu.memory_space<vmem>>) offsets(%dma_start3A_87 : memref<80xi32, #tpu.memory_space<vmem>>) semaphore(%arg12 : memref<!tpu.dma_semaphore, #tpu.memory_space<semaphore_mem>>)
    %dma_wait3A_91 = arith.constant 1 : i32
    %dma_wait3A_92 = arith.constant 0 : i32
    %dma_wait3A_93 = arith.constant 1 : i32
    %dma_wait3A_94 = arith.constant 0 : i32
    %dma_wait3A_95 = arith.constant 0 : i32
    %dma_wait3A_96 = tpu.memref_slice %arg8[%dma_wait3A_93, %dma_wait3A_94, %dma_wait3A_95] : memref<3x80x128xf32, #tpu.memory_space<vmem>> -> memref<1x80x128xf32, #tpu.memory_space<vmem>>
    %dma_wait3A_97 = tpu.memref_squeeze %dma_wait3A_96 : memref<1x80x128xf32, #tpu.memory_space<vmem>> -> memref<80x128xf32, #tpu.memory_space<vmem>>
    %dma_wait3A_98 = arith.constant 0 : i32
    %dma_wait3A_99 = tpu.memref_slice %arg6[%dma_wait3A_91, %dma_wait3A_92, %dma_wait3A_98] : memref<3x2x80xi32, #tpu.memory_space<vmem>> -> memref<1x1x80xi32, #tpu.memory_space<vmem>>
    %dma_wait3A_100 = tpu.memref_squeeze %dma_wait3A_99 : memref<1x1x80xi32, #tpu.memory_space<vmem>> -> memref<80xi32, #tpu.memory_space<vmem>>
    %dma_wait3A_101 = arith.constant 0 : i32
    %dma_wait3A_102 = arith.constant 0 : i32
    %dma_wait3A_103 = tpu.memref_slice %arg2[%dma_wait3A_101, %dma_wait3A_102] : memref<10000x128xf32, #tpu.memory_space<hbm>> -> memref<10000x128xf32, #tpu.memory_space<hbm>>
    tpu.wait_indirect_dma semaphore(%arg11 : memref<!tpu.dma_semaphore, #tpu.memory_space<semaphore_mem>>) src(%dma_wait3A_103 : memref<10000x128xf32, #tpu.memory_space<hbm>>) dst(%dma_wait3A_97 : memref<80x128xf32, #tpu.memory_space<vmem>>)
    %dma_start3A_104 = arith.constant 0 : i32
    %dma_start3A_105 = arith.constant 0 : i32
    %dma_start3A_106 = arith.constant 0 : i32
    %dma_start3A_107 = arith.constant 0 : i32
    %dma_start3A_108 = arith.constant 0 : i32
    %dma_start3A_109 = tpu.memref_slice %arg8[%dma_start3A_106, %dma_start3A_107, %dma_start3A_108] : memref<3x80x128xf32, #tpu.memory_space<vmem>> -> memref<1x80x128xf32, #tpu.memory_space<vmem>>
    %dma_start3A_110 = tpu.memref_squeeze %dma_start3A_109 : memref<1x80x128xf32, #tpu.memory_space<vmem>> -> memref<80x128xf32, #tpu.memory_space<vmem>>
    %dma_start3A_111 = arith.constant 0 : i32
    %dma_start3A_112 = tpu.memref_slice %arg6[%dma_start3A_104, %dma_start3A_105, %dma_start3A_111] : memref<3x2x80xi32, #tpu.memory_space<vmem>> -> memref<1x1x80xi32, #tpu.memory_space<vmem>>
    %dma_start3A_113 = tpu.memref_squeeze %dma_start3A_112 : memref<1x1x80xi32, #tpu.memory_space<vmem>> -> memref<80xi32, #tpu.memory_space<vmem>>
    %dma_start3A_114 = arith.constant 0 : i32
    %dma_start3A_115 = arith.constant 0 : i32
    %dma_start3A_116 = tpu.memref_slice %arg2[%dma_start3A_114, %dma_start3A_115] : memref<10000x128xf32, #tpu.memory_space<hbm>> -> memref<10000x128xf32, #tpu.memory_space<hbm>>
    tpu.enqueue_indirect_dma source(%dma_start3A_116 : memref<10000x128xf32, #tpu.memory_space<hbm>>) target(%dma_start3A_110 : memref<80x128xf32, #tpu.memory_space<vmem>>) offsets(%dma_start3A_113 : memref<80xi32, #tpu.memory_space<vmem>>) semaphore(%arg10 : memref<!tpu.dma_semaphore, #tpu.memory_space<semaphore_mem>>)
    %dma_wait3A_117 = arith.constant 2 : i32
    %dma_wait3A_118 = arith.constant 0 : i32
    %dma_wait3A_119 = arith.constant 2 : i32
    %dma_wait3A_120 = arith.constant 0 : i32
    %dma_wait3A_121 = arith.constant 0 : i32
    %dma_wait3A_122 = tpu.memref_slice %arg8[%dma_wait3A_119, %dma_wait3A_120, %dma_wait3A_121] : memref<3x80x128xf32, #tpu.memory_space<vmem>> -> memref<1x80x128xf32, #tpu.memory_space<vmem>>
    %dma_wait3A_123 = tpu.memref_squeeze %dma_wait3A_122 : memref<1x80x128xf32, #tpu.memory_space<vmem>> -> memref<80x128xf32, #tpu.memory_space<vmem>>
    %dma_wait3A_124 = arith.constant 0 : i32
    %dma_wait3A_125 = tpu.memref_slice %arg6[%dma_wait3A_117, %dma_wait3A_118, %dma_wait3A_124] : memref<3x2x80xi32, #tpu.memory_space<vmem>> -> memref<1x1x80xi32, #tpu.memory_space<vmem>>
    %dma_wait3A_126 = tpu.memref_squeeze %dma_wait3A_125 : memref<1x1x80xi32, #tpu.memory_space<vmem>> -> memref<80xi32, #tpu.memory_space<vmem>>
    %dma_wait3A_127 = arith.constant 0 : i32
    %dma_wait3A_128 = arith.constant 0 : i32
    %dma_wait3A_129 = tpu.memref_slice %arg2[%dma_wait3A_127, %dma_wait3A_128] : memref<10000x128xf32, #tpu.memory_space<hbm>> -> memref<10000x128xf32, #tpu.memory_space<hbm>>
    tpu.wait_indirect_dma semaphore(%arg12 : memref<!tpu.dma_semaphore, #tpu.memory_space<semaphore_mem>>) src(%dma_wait3A_129 : memref<10000x128xf32, #tpu.memory_space<hbm>>) dst(%dma_wait3A_123 : memref<80x128xf32, #tpu.memory_space<vmem>>)
    %dma_start3A_130 = arith.constant 1 : i32
    %dma_start3A_131 = arith.constant 0 : i32
    %dma_start3A_132 = arith.constant 1 : i32
    %dma_start3A_133 = arith.constant 0 : i32
    %dma_start3A_134 = arith.constant 0 : i32
    %dma_start3A_135 = tpu.memref_slice %arg8[%dma_start3A_132, %dma_start3A_133, %dma_start3A_134] : memref<3x80x128xf32, #tpu.memory_space<vmem>> -> memref<1x80x128xf32, #tpu.memory_space<vmem>>
    %dma_start3A_136 = tpu.memref_squeeze %dma_start3A_135 : memref<1x80x128xf32, #tpu.memory_space<vmem>> -> memref<80x128xf32, #tpu.memory_space<vmem>>
    %dma_start3A_137 = arith.constant 0 : i32
    %dma_start3A_138 = tpu.memref_slice %arg6[%dma_start3A_130, %dma_start3A_131, %dma_start3A_137] : memref<3x2x80xi32, #tpu.memory_space<vmem>> -> memref<1x1x80xi32, #tpu.memory_space<vmem>>
    %dma_start3A_139 = tpu.memref_squeeze %dma_start3A_138 : memref<1x1x80xi32, #tpu.memory_space<vmem>> -> memref<80xi32, #tpu.memory_space<vmem>>
    %dma_start3A_140 = arith.constant 0 : i32
    %dma_start3A_141 = arith.constant 0 : i32
    %dma_start3A_142 = tpu.memref_slice %arg2[%dma_start3A_140, %dma_start3A_141] : memref<10000x128xf32, #tpu.memory_space<hbm>> -> memref<10000x128xf32, #tpu.memory_space<hbm>>
    tpu.enqueue_indirect_dma source(%dma_start3A_142 : memref<10000x128xf32, #tpu.memory_space<hbm>>) target(%dma_start3A_136 : memref<80x128xf32, #tpu.memory_space<vmem>>) offsets(%dma_start3A_139 : memref<80xi32, #tpu.memory_space<vmem>>) semaphore(%arg11 : memref<!tpu.dma_semaphore, #tpu.memory_space<semaphore_mem>>)
    %scan3A_143 = arith.constant 0 : i32
    %scan3A_144 = arith.constant 1 : i32
    %scan3A_145 = arith.constant 40 : i32
    %scan3A_146 = arith.addi %scan3A_144, %scan3A_145 : i32
    %scan3A_147 = arith.constant 1 : i32
    scf.for %scan3A_212 = %scan3A_144 to %scan3A_146 step %scan3A_147  : i32 {
      %mul3A_213 = arith.constant 3 : i32
      %mul3A_214 = arith.muli %mul3A_213, %scan3A_212 : i32
      %add3A_215 = arith.constant 0 : i32
      %add3A_216 = arith.addi %mul3A_214, %add3A_215 : i32
      %dma_wait3A_217 = arith.constant 0 : i32
      %dma_wait3A_218 = arith.constant 0 : i32
      %dma_wait3A_219 = arith.constant 0 : i32
      %dma_wait3A_220 = arith.constant 0 : i32
      %dma_wait3A_221 = arith.constant 0 : i32
      %dma_wait3A_222 = tpu.memref_slice %arg8[%dma_wait3A_219, %dma_wait3A_220, %dma_wait3A_221] : memref<3x80x128xf32, #tpu.memory_space<vmem>> -> memref<1x80x128xf32, #tpu.memory_space<vmem>>
      %dma_wait3A_223 = tpu.memref_squeeze %dma_wait3A_222 : memref<1x80x128xf32, #tpu.memory_space<vmem>> -> memref<80x128xf32, #tpu.memory_space<vmem>>
      %dma_wait3A_224 = arith.constant 0 : i32
      %dma_wait3A_225 = tpu.memref_slice %arg6[%dma_wait3A_217, %dma_wait3A_218, %dma_wait3A_224] : memref<3x2x80xi32, #tpu.memory_space<vmem>> -> memref<1x1x80xi32, #tpu.memory_space<vmem>>
      %dma_wait3A_226 = tpu.memref_squeeze %dma_wait3A_225 : memref<1x1x80xi32, #tpu.memory_space<vmem>> -> memref<80xi32, #tpu.memory_space<vmem>>
      %dma_wait3A_227 = arith.constant 0 : i32
      %dma_wait3A_228 = arith.constant 0 : i32
      %dma_wait3A_229 = tpu.memref_slice %arg2[%dma_wait3A_227, %dma_wait3A_228] : memref<10000x128xf32, #tpu.memory_space<hbm>> -> memref<10000x128xf32, #tpu.memory_space<hbm>>
      tpu.wait_indirect_dma semaphore(%arg10 : memref<!tpu.dma_semaphore, #tpu.memory_space<semaphore_mem>>) src(%dma_wait3A_229 : memref<10000x128xf32, #tpu.memory_space<hbm>>) dst(%dma_wait3A_223 : memref<80x128xf32, #tpu.memory_space<vmem>>)
      %add3A_230 = arith.constant 2 : i32
      %add3A_231 = arith.addi %add3A_216, %add3A_230 : i32
      %dma_start3A_232 = arith.constant 2 : i32
      %dma_start3A_233 = arith.constant 0 : i32
      %dma_start3A_234 = arith.constant 2 : i32
      %dma_start3A_235 = arith.constant 0 : i32
      %dma_start3A_236 = arith.constant 0 : i32
      %dma_start3A_237 = tpu.memref_slice %arg8[%dma_start3A_234, %dma_start3A_235, %dma_start3A_236] : memref<3x80x128xf32, #tpu.memory_space<vmem>> -> memref<1x80x128xf32, #tpu.memory_space<vmem>>
      %dma_start3A_238 = tpu.memref_squeeze %dma_start3A_237 : memref<1x80x128xf32, #tpu.memory_space<vmem>> -> memref<80x128xf32, #tpu.memory_space<vmem>>
      %dma_start3A_239 = arith.constant 0 : i32
      %dma_start3A_240 = tpu.memref_slice %arg6[%dma_start3A_232, %dma_start3A_233, %dma_start3A_239] : memref<3x2x80xi32, #tpu.memory_space<vmem>> -> memref<1x1x80xi32, #tpu.memory_space<vmem>>
      %dma_start3A_241 = tpu.memref_squeeze %dma_start3A_240 : memref<1x1x80xi32, #tpu.memory_space<vmem>> -> memref<80xi32, #tpu.memory_space<vmem>>
      %dma_start3A_242 = arith.constant 0 : i32
      %dma_start3A_243 = arith.constant 0 : i32
      %dma_start3A_244 = tpu.memref_slice %arg2[%dma_start3A_242, %dma_start3A_243] : memref<10000x128xf32, #tpu.memory_space<hbm>> -> memref<10000x128xf32, #tpu.memory_space<hbm>>
      tpu.enqueue_indirect_dma source(%dma_start3A_244 : memref<10000x128xf32, #tpu.memory_space<hbm>>) target(%dma_start3A_238 : memref<80x128xf32, #tpu.memory_space<vmem>>) offsets(%dma_start3A_241 : memref<80xi32, #tpu.memory_space<vmem>>) semaphore(%arg12 : memref<!tpu.dma_semaphore, #tpu.memory_space<semaphore_mem>>)
      %add3A_245 = arith.constant 1 : i32
      %add3A_246 = arith.addi %mul3A_214, %add3A_245 : i32
      %dma_wait3A_247 = arith.constant 1 : i32
      %dma_wait3A_248 = arith.constant 0 : i32
      %dma_wait3A_249 = arith.constant 1 : i32
      %dma_wait3A_250 = arith.constant 0 : i32
      %dma_wait3A_251 = arith.constant 0 : i32
      %dma_wait3A_252 = tpu.memref_slice %arg8[%dma_wait3A_249, %dma_wait3A_250, %dma_wait3A_251] : memref<3x80x128xf32, #tpu.memory_space<vmem>> -> memref<1x80x128xf32, #tpu.memory_space<vmem>>
      %dma_wait3A_253 = tpu.memref_squeeze %dma_wait3A_252 : memref<1x80x128xf32, #tpu.memory_space<vmem>> -> memref<80x128xf32, #tpu.memory_space<vmem>>
      %dma_wait3A_254 = arith.constant 0 : i32
      %dma_wait3A_255 = tpu.memref_slice %arg6[%dma_wait3A_247, %dma_wait3A_248, %dma_wait3A_254] : memref<3x2x80xi32, #tpu.memory_space<vmem>> -> memref<1x1x80xi32, #tpu.memory_space<vmem>>
      %dma_wait3A_256 = tpu.memref_squeeze %dma_wait3A_255 : memref<1x1x80xi32, #tpu.memory_space<vmem>> -> memref<80xi32, #tpu.memory_space<vmem>>
      %dma_wait3A_257 = arith.constant 0 : i32
      %dma_wait3A_258 = arith.constant 0 : i32
      %dma_wait3A_259 = tpu.memref_slice %arg2[%dma_wait3A_257, %dma_wait3A_258] : memref<10000x128xf32, #tpu.memory_space<hbm>> -> memref<10000x128xf32, #tpu.memory_space<hbm>>
      tpu.wait_indirect_dma semaphore(%arg11 : memref<!tpu.dma_semaphore, #tpu.memory_space<semaphore_mem>>) src(%dma_wait3A_259 : memref<10000x128xf32, #tpu.memory_space<hbm>>) dst(%dma_wait3A_253 : memref<80x128xf32, #tpu.memory_space<vmem>>)
      %add3A_260 = arith.constant 2 : i32
      %add3A_261 = arith.addi %add3A_246, %add3A_260 : i32
      %dma_start3A_262 = arith.constant 0 : i32
      %dma_start3A_263 = arith.constant 0 : i32
      %dma_start3A_264 = arith.constant 0 : i32
      %dma_start3A_265 = arith.constant 0 : i32
      %dma_start3A_266 = arith.constant 0 : i32
      %dma_start3A_267 = tpu.memref_slice %arg8[%dma_start3A_264, %dma_start3A_265, %dma_start3A_266] : memref<3x80x128xf32, #tpu.memory_space<vmem>> -> memref<1x80x128xf32, #tpu.memory_space<vmem>>
      %dma_start3A_268 = tpu.memref_squeeze %dma_start3A_267 : memref<1x80x128xf32, #tpu.memory_space<vmem>> -> memref<80x128xf32, #tpu.memory_space<vmem>>
      %dma_start3A_269 = arith.constant 0 : i32
      %dma_start3A_270 = tpu.memref_slice %arg6[%dma_start3A_262, %dma_start3A_263, %dma_start3A_269] : memref<3x2x80xi32, #tpu.memory_space<vmem>> -> memref<1x1x80xi32, #tpu.memory_space<vmem>>
      %dma_start3A_271 = tpu.memref_squeeze %dma_start3A_270 : memref<1x1x80xi32, #tpu.memory_space<vmem>> -> memref<80xi32, #tpu.memory_space<vmem>>
      %dma_start3A_272 = arith.constant 0 : i32
      %dma_start3A_273 = arith.constant 0 : i32
      %dma_start3A_274 = tpu.memref_slice %arg2[%dma_start3A_272, %dma_start3A_273] : memref<10000x128xf32, #tpu.memory_space<hbm>> -> memref<10000x128xf32, #tpu.memory_space<hbm>>
      tpu.enqueue_indirect_dma source(%dma_start3A_274 : memref<10000x128xf32, #tpu.memory_space<hbm>>) target(%dma_start3A_268 : memref<80x128xf32, #tpu.memory_space<vmem>>) offsets(%dma_start3A_271 : memref<80xi32, #tpu.memory_space<vmem>>) semaphore(%arg10 : memref<!tpu.dma_semaphore, #tpu.memory_space<semaphore_mem>>)
      %add3A_275 = arith.constant 2 : i32
      %add3A_276 = arith.addi %mul3A_214, %add3A_275 : i32
      %dma_wait3A_277 = arith.constant 2 : i32
      %dma_wait3A_278 = arith.constant 0 : i32
      %dma_wait3A_279 = arith.constant 2 : i32
      %dma_wait3A_280 = arith.constant 0 : i32
      %dma_wait3A_281 = arith.constant 0 : i32
      %dma_wait3A_282 = tpu.memref_slice %arg8[%dma_wait3A_279, %dma_wait3A_280, %dma_wait3A_281] : memref<3x80x128xf32, #tpu.memory_space<vmem>> -> memref<1x80x128xf32, #tpu.memory_space<vmem>>
      %dma_wait3A_283 = tpu.memref_squeeze %dma_wait3A_282 : memref<1x80x128xf32, #tpu.memory_space<vmem>> -> memref<80x128xf32, #tpu.memory_space<vmem>>
      %dma_wait3A_284 = arith.constant 0 : i32
      %dma_wait3A_285 = tpu.memref_slice %arg6[%dma_wait3A_277, %dma_wait3A_278, %dma_wait3A_284] : memref<3x2x80xi32, #tpu.memory_space<vmem>> -> memref<1x1x80xi32, #tpu.memory_space<vmem>>
      %dma_wait3A_286 = tpu.memref_squeeze %dma_wait3A_285 : memref<1x1x80xi32, #tpu.memory_space<vmem>> -> memref<80xi32, #tpu.memory_space<vmem>>
      %dma_wait3A_287 = arith.constant 0 : i32
      %dma_wait3A_288 = arith.constant 0 : i32
      %dma_wait3A_289 = tpu.memref_slice %arg2[%dma_wait3A_287, %dma_wait3A_288] : memref<10000x128xf32, #tpu.memory_space<hbm>> -> memref<10000x128xf32, #tpu.memory_space<hbm>>
      tpu.wait_indirect_dma semaphore(%arg12 : memref<!tpu.dma_semaphore, #tpu.memory_space<semaphore_mem>>) src(%dma_wait3A_289 : memref<10000x128xf32, #tpu.memory_space<hbm>>) dst(%dma_wait3A_283 : memref<80x128xf32, #tpu.memory_space<vmem>>)
      %add3A_290 = arith.constant 2 : i32
      %add3A_291 = arith.addi %add3A_276, %add3A_290 : i32
      %dma_start3A_292 = arith.constant 1 : i32
      %dma_start3A_293 = arith.constant 0 : i32
      %dma_start3A_294 = arith.constant 1 : i32
      %dma_start3A_295 = arith.constant 0 : i32
      %dma_start3A_296 = arith.constant 0 : i32
      %dma_start3A_297 = tpu.memref_slice %arg8[%dma_start3A_294, %dma_start3A_295, %dma_start3A_296] : memref<3x80x128xf32, #tpu.memory_space<vmem>> -> memref<1x80x128xf32, #tpu.memory_space<vmem>>
      %dma_start3A_298 = tpu.memref_squeeze %dma_start3A_297 : memref<1x80x128xf32, #tpu.memory_space<vmem>> -> memref<80x128xf32, #tpu.memory_space<vmem>>
      %dma_start3A_299 = arith.constant 0 : i32
      %dma_start3A_300 = tpu.memref_slice %arg6[%dma_start3A_292, %dma_start3A_293, %dma_start3A_299] : memref<3x2x80xi32, #tpu.memory_space<vmem>> -> memref<1x1x80xi32, #tpu.memory_space<vmem>>
      %dma_start3A_301 = tpu.memref_squeeze %dma_start3A_300 : memref<1x1x80xi32, #tpu.memory_space<vmem>> -> memref<80xi32, #tpu.memory_space<vmem>>
      %dma_start3A_302 = arith.constant 0 : i32
      %dma_start3A_303 = arith.constant 0 : i32
      %dma_start3A_304 = tpu.memref_slice %arg2[%dma_start3A_302, %dma_start3A_303] : memref<10000x128xf32, #tpu.memory_space<hbm>> -> memref<10000x128xf32, #tpu.memory_space<hbm>>
      tpu.enqueue_indirect_dma source(%dma_start3A_304 : memref<10000x128xf32, #tpu.memory_space<hbm>>) target(%dma_start3A_298 : memref<80x128xf32, #tpu.memory_space<vmem>>) offsets(%dma_start3A_301 : memref<80xi32, #tpu.memory_space<vmem>>) semaphore(%arg11 : memref<!tpu.dma_semaphore, #tpu.memory_space<semaphore_mem>>)
    }
    %scan3A_148 = arith.constant 40 : i32
    %dma_wait3A_149 = arith.constant 0 : i32
    %dma_wait3A_150 = arith.constant 0 : i32
    %dma_wait3A_151 = arith.constant 0 : i32
    %dma_wait3A_152 = arith.constant 0 : i32
    %dma_wait3A_153 = arith.constant 0 : i32
    %dma_wait3A_154 = tpu.memref_slice %arg8[%dma_wait3A_151, %dma_wait3A_152, %dma_wait3A_153] : memref<3x80x128xf32, #tpu.memory_space<vmem>> -> memref<1x80x128xf32, #tpu.memory_space<vmem>>
    %dma_wait3A_155 = tpu.memref_squeeze %dma_wait3A_154 : memref<1x80x128xf32, #tpu.memory_space<vmem>> -> memref<80x128xf32, #tpu.memory_space<vmem>>
    %dma_wait3A_156 = arith.constant 0 : i32
    %dma_wait3A_157 = tpu.memref_slice %arg6[%dma_wait3A_149, %dma_wait3A_150, %dma_wait3A_156] : memref<3x2x80xi32, #tpu.memory_space<vmem>> -> memref<1x1x80xi32, #tpu.memory_space<vmem>>
    %dma_wait3A_158 = tpu.memref_squeeze %dma_wait3A_157 : memref<1x1x80xi32, #tpu.memory_space<vmem>> -> memref<80xi32, #tpu.memory_space<vmem>>
    %dma_wait3A_159 = arith.constant 0 : i32
    %dma_wait3A_160 = arith.constant 0 : i32
    %dma_wait3A_161 = tpu.memref_slice %arg2[%dma_wait3A_159, %dma_wait3A_160] : memref<10000x128xf32, #tpu.memory_space<hbm>> -> memref<10000x128xf32, #tpu.memory_space<hbm>>
    tpu.wait_indirect_dma semaphore(%arg10 : memref<!tpu.dma_semaphore, #tpu.memory_space<semaphore_mem>>) src(%dma_wait3A_161 : memref<10000x128xf32, #tpu.memory_space<hbm>>) dst(%dma_wait3A_155 : memref<80x128xf32, #tpu.memory_space<vmem>>)
    %dma_start3A_162 = arith.constant 2 : i32
    %dma_start3A_163 = arith.constant 0 : i32
    %dma_start3A_164 = arith.constant 2 : i32
    %dma_start3A_165 = arith.constant 0 : i32
    %dma_start3A_166 = arith.constant 0 : i32
    %dma_start3A_167 = tpu.memref_slice %arg8[%dma_start3A_164, %dma_start3A_165, %dma_start3A_166] : memref<3x80x128xf32, #tpu.memory_space<vmem>> -> memref<1x80x128xf32, #tpu.memory_space<vmem>>
    %dma_start3A_168 = tpu.memref_squeeze %dma_start3A_167 : memref<1x80x128xf32, #tpu.memory_space<vmem>> -> memref<80x128xf32, #tpu.memory_space<vmem>>
    %dma_start3A_169 = arith.constant 0 : i32
    %dma_start3A_170 = tpu.memref_slice %arg6[%dma_start3A_162, %dma_start3A_163, %dma_start3A_169] : memref<3x2x80xi32, #tpu.memory_space<vmem>> -> memref<1x1x80xi32, #tpu.memory_space<vmem>>
    %dma_start3A_171 = tpu.memref_squeeze %dma_start3A_170 : memref<1x1x80xi32, #tpu.memory_space<vmem>> -> memref<80xi32, #tpu.memory_space<vmem>>
    %dma_start3A_172 = arith.constant 0 : i32
    %dma_start3A_173 = arith.constant 0 : i32
    %dma_start3A_174 = tpu.memref_slice %arg2[%dma_start3A_172, %dma_start3A_173] : memref<10000x128xf32, #tpu.memory_space<hbm>> -> memref<10000x128xf32, #tpu.memory_space<hbm>>
    tpu.enqueue_indirect_dma source(%dma_start3A_174 : memref<10000x128xf32, #tpu.memory_space<hbm>>) target(%dma_start3A_168 : memref<80x128xf32, #tpu.memory_space<vmem>>) offsets(%dma_start3A_171 : memref<80xi32, #tpu.memory_space<vmem>>) semaphore(%arg12 : memref<!tpu.dma_semaphore, #tpu.memory_space<semaphore_mem>>)
    %dma_wait3A_175 = arith.constant 1 : i32
    %dma_wait3A_176 = arith.constant 0 : i32
    %dma_wait3A_177 = arith.constant 1 : i32
    %dma_wait3A_178 = arith.constant 0 : i32
    %dma_wait3A_179 = arith.constant 0 : i32
    %dma_wait3A_180 = tpu.memref_slice %arg8[%dma_wait3A_177, %dma_wait3A_178, %dma_wait3A_179] : memref<3x80x128xf32, #tpu.memory_space<vmem>> -> memref<1x80x128xf32, #tpu.memory_space<vmem>>
    %dma_wait3A_181 = tpu.memref_squeeze %dma_wait3A_180 : memref<1x80x128xf32, #tpu.memory_space<vmem>> -> memref<80x128xf32, #tpu.memory_space<vmem>>
    %dma_wait3A_182 = arith.constant 0 : i32
    %dma_wait3A_183 = tpu.memref_slice %arg6[%dma_wait3A_175, %dma_wait3A_176, %dma_wait3A_182] : memref<3x2x80xi32, #tpu.memory_space<vmem>> -> memref<1x1x80xi32, #tpu.memory_space<vmem>>
    %dma_wait3A_184 = tpu.memref_squeeze %dma_wait3A_183 : memref<1x1x80xi32, #tpu.memory_space<vmem>> -> memref<80xi32, #tpu.memory_space<vmem>>
    %dma_wait3A_185 = arith.constant 0 : i32
    %dma_wait3A_186 = arith.constant 0 : i32
    %dma_wait3A_187 = tpu.memref_slice %arg2[%dma_wait3A_185, %dma_wait3A_186] : memref<10000x128xf32, #tpu.memory_space<hbm>> -> memref<10000x128xf32, #tpu.memory_space<hbm>>
    tpu.wait_indirect_dma semaphore(%arg11 : memref<!tpu.dma_semaphore, #tpu.memory_space<semaphore_mem>>) src(%dma_wait3A_187 : memref<10000x128xf32, #tpu.memory_space<hbm>>) dst(%dma_wait3A_181 : memref<80x128xf32, #tpu.memory_space<vmem>>)
    %dma_wait3A_188 = arith.constant 2 : i32
    %dma_wait3A_189 = arith.constant 0 : i32
    %dma_wait3A_190 = arith.constant 2 : i32
    %dma_wait3A_191 = arith.constant 0 : i32
    %dma_wait3A_192 = arith.constant 0 : i32
    %dma_wait3A_193 = tpu.memref_slice %arg8[%dma_wait3A_190, %dma_wait3A_191, %dma_wait3A_192] : memref<3x80x128xf32, #tpu.memory_space<vmem>> -> memref<1x80x128xf32, #tpu.memory_space<vmem>>
    %dma_wait3A_194 = tpu.memref_squeeze %dma_wait3A_193 : memref<1x80x128xf32, #tpu.memory_space<vmem>> -> memref<80x128xf32, #tpu.memory_space<vmem>>
    %dma_wait3A_195 = arith.constant 0 : i32
    %dma_wait3A_196 = tpu.memref_slice %arg6[%dma_wait3A_188, %dma_wait3A_189, %dma_wait3A_195] : memref<3x2x80xi32, #tpu.memory_space<vmem>> -> memref<1x1x80xi32, #tpu.memory_space<vmem>>
    %dma_wait3A_197 = tpu.memref_squeeze %dma_wait3A_196 : memref<1x1x80xi32, #tpu.memory_space<vmem>> -> memref<80xi32, #tpu.memory_space<vmem>>
    %dma_wait3A_198 = arith.constant 0 : i32
    %dma_wait3A_199 = arith.constant 0 : i32
    %dma_wait3A_200 = tpu.memref_slice %arg2[%dma_wait3A_198, %dma_wait3A_199] : memref<10000x128xf32, #tpu.memory_space<hbm>> -> memref<10000x128xf32, #tpu.memory_space<hbm>>
    tpu.wait_indirect_dma semaphore(%arg12 : memref<!tpu.dma_semaphore, #tpu.memory_space<semaphore_mem>>) src(%dma_wait3A_200 : memref<10000x128xf32, #tpu.memory_space<hbm>>) dst(%dma_wait3A_194 : memref<80x128xf32, #tpu.memory_space<vmem>>)
    %barrier3A_201 = arith.constant 0 : index
    tpu.barrier barrier_id(%barrier3A_201)
    %eq3A_202 = arith.constant 15 : i32
    %eq3A_203 = arith.cmpi eq, %arg1, %eq3A_202 : i32
    %convert_element_type3A_204 = arith.extui %eq3A_203 : i1 to i32
    %cond3A_205 = arith.constant 0 : i32
    %cond3A_206 = arith.cmpi ne, %convert_element_type3A_204, %cond3A_205 : i32
    scf.if %cond3A_206 {
      "tpu.region"() ({
        %run_scoped3A_212 = tpu.sem_alloc : memref<!tpu.dma_semaphore, #tpu.memory_space<semaphore_mem>>
        %dma_start3A_213 = arith.constant 0 : i32
        %dma_start3A_214 = tpu.memref_slice %arg5[%arg0, %mul3A_8, %dma_start3A_213] : memref<2x10000x128xf32, #tpu.memory_space<hbm>> -> memref<1x640x128xf32, #tpu.memory_space<hbm>>
        %dma_start3A_215 = tpu.memref_squeeze %dma_start3A_214 : memref<1x640x128xf32, #tpu.memory_space<hbm>> -> memref<640x128xf32, #tpu.memory_space<hbm>>
        %dma_start3A_216 = arith.constant 0 : i32
        %dma_start3A_217 = tpu.memref_slice %arg9[%mul3A_8, %dma_start3A_216] : memref<10000x128xf32, #tpu.memory_space<vmem_shared>> -> memref<640x128xf32, #tpu.memory_space<vmem_shared>>
        tpu.enqueue_dma source(%dma_start3A_217 : memref<640x128xf32, #tpu.memory_space<vmem_shared>>) target(%dma_start3A_215 : memref<640x128xf32, #tpu.memory_space<hbm>>) target_semaphore(%run_scoped3A_212 : memref<!tpu.dma_semaphore, #tpu.memory_space<semaphore_mem>>)
        %dma_wait3A_218 = arith.constant 0 : i32
        %dma_wait3A_219 = tpu.memref_slice %arg5[%arg0, %mul3A_8, %dma_wait3A_218] : memref<2x10000x128xf32, #tpu.memory_space<hbm>> -> memref<1x640x128xf32, #tpu.memory_space<hbm>>
        %dma_wait3A_220 = tpu.memref_squeeze %dma_wait3A_219 : memref<1x640x128xf32, #tpu.memory_space<hbm>> -> memref<640x128xf32, #tpu.memory_space<hbm>>
        %dma_wait3A_221 = arith.constant 0 : i32
        %dma_wait3A_222 = tpu.memref_slice %arg9[%mul3A_8, %dma_wait3A_221] : memref<10000x128xf32, #tpu.memory_space<vmem_shared>> -> memref<640x128xf32, #tpu.memory_space<vmem_shared>>
        tpu.wait_dma2 semaphore(%run_scoped3A_212 : memref<!tpu.dma_semaphore, #tpu.memory_space<semaphore_mem>>) src(%dma_wait3A_222 : memref<640x128xf32, #tpu.memory_space<vmem_shared>>) dst(%dma_wait3A_220 : memref<640x128xf32, #tpu.memory_space<hbm>>)
        tpu.yield
      }) : () -> ()
    } else {
    }
    %lt3A_207 = arith.constant 15 : i32
    %lt3A_208 = arith.cmpi slt, %arg1, %lt3A_207 : i32
    %convert_element_type3A_209 = arith.extui %lt3A_208 : i1 to i32
    %cond3A_210 = arith.constant 0 : i32
    %cond3A_211 = arith.cmpi ne, %convert_element_type3A_209, %cond3A_210 : i32
    scf.if %cond3A_211 {
      "tpu.region"() ({
        %run_scoped3A_212 = tpu.sem_alloc : memref<!tpu.dma_semaphore, #tpu.memory_space<semaphore_mem>>
        %dma_start3A_213 = arith.constant 0 : i32
        %dma_start3A_214 = tpu.memref_slice %arg5[%arg0, %mul3A_8, %dma_start3A_213] : memref<2x10000x128xf32, #tpu.memory_space<hbm>> -> memref<1x624x128xf32, #tpu.memory_space<hbm>>
        %dma_start3A_215 = tpu.memref_squeeze %dma_start3A_214 : memref<1x624x128xf32, #tpu.memory_space<hbm>> -> memref<624x128xf32, #tpu.memory_space<hbm>>
        %dma_start3A_216 = arith.constant 0 : i32
        %dma_start3A_217 = tpu.memref_slice %arg9[%mul3A_8, %dma_start3A_216] : memref<10000x128xf32, #tpu.memory_space<vmem_shared>> -> memref<624x128xf32, #tpu.memory_space<vmem_shared>>
        tpu.enqueue_dma source(%dma_start3A_217 : memref<624x128xf32, #tpu.memory_space<vmem_shared>>) target(%dma_start3A_215 : memref<624x128xf32, #tpu.memory_space<hbm>>) target_semaphore(%run_scoped3A_212 : memref<!tpu.dma_semaphore, #tpu.memory_space<semaphore_mem>>)
        %dma_wait3A_218 = arith.constant 0 : i32
        %dma_wait3A_219 = tpu.memref_slice %arg5[%arg0, %mul3A_8, %dma_wait3A_218] : memref<2x10000x128xf32, #tpu.memory_space<hbm>> -> memref<1x624x128xf32, #tpu.memory_space<hbm>>
        %dma_wait3A_220 = tpu.memref_squeeze %dma_wait3A_219 : memref<1x624x128xf32, #tpu.memory_space<hbm>> -> memref<624x128xf32, #tpu.memory_space<hbm>>
        %dma_wait3A_221 = arith.constant 0 : i32
        %dma_wait3A_222 = tpu.memref_slice %arg9[%mul3A_8, %dma_wait3A_221] : memref<10000x128xf32, #tpu.memory_space<vmem_shared>> -> memref<624x128xf32, #tpu.memory_space<vmem_shared>>
        tpu.wait_dma2 semaphore(%run_scoped3A_212 : memref<!tpu.dma_semaphore, #tpu.memory_space<semaphore_mem>>) src(%dma_wait3A_222 : memref<624x128xf32, #tpu.memory_space<vmem_shared>>) dst(%dma_wait3A_220 : memref<624x128xf32, #tpu.memory_space<hbm>>)
        tpu.yield
      }) : () -> ()
    } else {
    }
    return
  }
}

module attributes {stable_mosaic.version = 14 : i64} {
  func.func @_mm_body(%arg0: i32, %arg1: memref<1000x128xf32, #tpu.memory_space<vmem>>, %arg2: memref<128x128xf32, #tpu.memory_space<vmem>>, %arg3: memref<128x128xf32, #tpu.memory_space<vmem>>, %arg4: memref<1000x128xf32, #tpu.memory_space<vmem>>) attributes {dimension_semantics = [#tpu.dimension_semantics<arbitrary>], iteration_bounds = array<i64: 10>, scalar_prefetch = 0 : i64, scratch_operands = 0 : i64, tpu.core_type = #tpu.core_type<tc>, window_params = [{transform_indices = @transform_0, window_bounds = array<i64: 1000, 128>}, {pipeline_mode = #tpu.pipeline_mode<synchronous>, transform_indices = @transform_1, window_bounds = array<i64: 128, 128>}, {pipeline_mode = #tpu.pipeline_mode<synchronous>, transform_indices = @transform_2, window_bounds = array<i64: 128, 128>}, {transform_indices = @transform_3, window_bounds = array<i64: 1000, 128>}]} {
    %get3A = arith.constant 0 : index
    %get3A_0 = arith.constant 0 : index
    %get3A_1 = vector.load %arg2[%get3A, %get3A_0] : memref<128x128xf32, #tpu.memory_space<vmem>>, vector<128x128xf32>
    %get3A_2 = arith.constant 0 : index
    %get3A_3 = arith.constant 0 : index
    %get3A_4 = vector.load %arg3[%get3A_2, %get3A_3] : memref<128x128xf32, #tpu.memory_space<vmem>>, vector<128x128xf32>
    %dot_general3A = arith.constant dense<0.000000e+00> : vector<128x128xf32>
    %dot_general3A_5 = tpu.matmul %get3A_1, %get3A_4, %dot_general3A {dimension_numbers = #tpu.dot_dimension_numbers<[1], [0], [0], [1], [0, 0, 1, 1], [], []>, precision = #tpu.contract_precision<fp32>, transpose_lhs_hint = false} : vector<128x128xf32>, vector<128x128xf32>, vector<128x128xf32> -> vector<128x128xf32>
    %tanh3A = math.tanh %dot_general3A_5 : vector<128x128xf32>
    %get3A_6 = arith.constant 0 : index
    %get3A_7 = arith.constant 0 : index
    %get3A_8 = vector.load %arg1[%get3A_6, %get3A_7] : memref<1000x128xf32, #tpu.memory_space<vmem>>, vector<1000x128xf32>
    %dot_general3A_9 = arith.constant dense<0.000000e+00> : vector<1000x128xf32>
    %dot_general3A_10 = tpu.matmul %get3A_8, %tanh3A, %dot_general3A_9 {dimension_numbers = #tpu.dot_dimension_numbers<[1], [0], [0], [1], [0, 0, 1, 1], [], []>, precision = #tpu.contract_precision<fp32>, transpose_lhs_hint = false} : vector<1000x128xf32>, vector<128x128xf32>, vector<1000x128xf32> -> vector<1000x128xf32>
    %swap3A = arith.constant 0 : index
    %swap3A_11 = arith.constant 0 : index
    %swap3A_12 = vector.load %arg4[%swap3A, %swap3A_11] : memref<1000x128xf32, #tpu.memory_space<vmem>>, vector<1000x128xf32>
    tpu.vector_store %arg4[%swap3A, %swap3A_11], %dot_general3A_10 {strides = array<i32>} : memref<1000x128xf32, #tpu.memory_space<vmem>>, vector<1000x128xf32>,
    return
  }
  func.func @transform_0(%arg0: i32) -> (i32, i32) {
    %c0_i32 = arith.constant 0 : i32
    %c0_i32_0 = arith.constant 0 : i32
    return %arg0, %c0_i32 : i32, i32
  }
  func.func @transform_1(%arg0: i32) -> (i32, i32) {
    %c0_i32 = arith.constant 0 : i32
    %c0_i32_0 = arith.constant 0 : i32
    %c0_i32_1 = arith.constant 0 : i32
    return %c0_i32, %c0_i32_0 : i32, i32
  }
  func.func @transform_2(%arg0: i32) -> (i32, i32) {
    %c0_i32 = arith.constant 0 : i32
    %c0_i32_0 = arith.constant 0 : i32
    %c0_i32_1 = arith.constant 0 : i32
    return %c0_i32, %c0_i32_0 : i32, i32
  }
  func.func @transform_3(%arg0: i32) -> (i32, i32) {
    %c0_i32 = arith.constant 0 : i32
    %c0_i32_0 = arith.constant 0 : i32
    return %arg0, %c0_i32 : i32, i32
  }
}

module attributes {stable_mosaic.version = 14 : i64} {
  func.func @_add_body(%arg0: i32, %arg1: memref<2x1000x128xf32, #tpu.memory_space<vmem>>, %arg2: memref<1000x128xf32, #tpu.memory_space<vmem>>) attributes {dimension_semantics = [#tpu.dimension_semantics<arbitrary>], iteration_bounds = array<i64: 10>, scalar_prefetch = 0 : i64, scratch_operands = 0 : i64, tpu.core_type = #tpu.core_type<tc>, window_params = [{transform_indices = @transform_0, window_bounds = array<i64: 2, 1000, 128>}, {transform_indices = @transform_1, window_bounds = array<i64: 1000, 128>}]} {
    %get3A = arith.constant 0 : index
    %get3A_0 = arith.constant 0 : index
    %get3A_1 = arith.constant 0 : index
    %get3A_2 = vector.load %arg1[%get3A, %get3A_0, %get3A_1] : memref<2x1000x128xf32, #tpu.memory_space<vmem>>, vector<1x1000x128xf32>
    %get3A_3 = vector.shape_cast %get3A_2 : vector<1x1000x128xf32> to vector<1000x128xf32>
    %get3A_4 = arith.constant 1 : index
    %get3A_5 = arith.constant 0 : index
    %get3A_6 = arith.constant 0 : index
    %get3A_7 = vector.load %arg1[%get3A_4, %get3A_5, %get3A_6] : memref<2x1000x128xf32, #tpu.memory_space<vmem>>, vector<1x1000x128xf32>
    %get3A_8 = vector.shape_cast %get3A_7 : vector<1x1000x128xf32> to vector<1000x128xf32>
    %add3A = arith.addf %get3A_3, %get3A_8 : vector<1000x128xf32>
    %swap3A = arith.constant 0 : index
    %swap3A_9 = arith.constant 0 : index
    %swap3A_10 = vector.load %arg2[%swap3A, %swap3A_9] : memref<1000x128xf32, #tpu.memory_space<vmem>>, vector<1000x128xf32>
    tpu.vector_store %arg2[%swap3A, %swap3A_9], %add3A {strides = array<i32>} : memref<1000x128xf32, #tpu.memory_space<vmem>>, vector<1000x128xf32>,
    return
  }
  func.func @transform_0(%arg0: i32) -> (i32, i32, i32) {
    %c0_i32 = arith.constant 0 : i32
    %c0_i32_0 = arith.constant 0 : i32
    %c0_i32_1 = arith.constant 0 : i32
    return %c0_i32, %arg0, %c0_i32_0 : i32, i32, i32
  }
  func.func @transform_1(%arg0: i32) -> (i32, i32) {
    %c0_i32 = arith.constant 0 : i32
    %c0_i32_0 = arith.constant 0 : i32
    return %arg0, %c0_i32 : i32, i32
  }
}

module attributes {stable_mosaic.version = 14 : i64} {
  func.func @_final_mm_body(%arg0: i32, %arg1: memref<1000x128xf32, #tpu.memory_space<vmem>>, %arg2: memref<1000x128xf32, #tpu.memory_space<vmem>>, %arg3: memref<2x1000x128xf32, #tpu.memory_space<vmem>>, %arg4: memref<128x128xf32, #tpu.memory_space<vmem>>, %arg5: memref<128x128xf32, #tpu.memory_space<vmem>>, %arg6: memref<1000x128xf32, #tpu.memory_space<vmem>>, %arg7: memref<1000x128xf32, #tpu.memory_space<vmem>>) attributes {dimension_semantics = [#tpu.dimension_semantics<arbitrary>], iteration_bounds = array<i64: 10>, scalar_prefetch = 0 : i64, scratch_operands = 0 : i64, tpu.core_type = #tpu.core_type<tc>, window_params = [{transform_indices = @transform_0, window_bounds = array<i64: 1000, 128>}, {transform_indices = @transform_1, window_bounds = array<i64: 1000, 128>}, {transform_indices = @transform_2, window_bounds = array<i64: 2, 1000, 128>}, {pipeline_mode = #tpu.pipeline_mode<synchronous>, transform_indices = @transform_3, window_bounds = array<i64: 128, 128>}, {pipeline_mode = #tpu.pipeline_mode<synchronous>, transform_indices = @transform_4, window_bounds = array<i64: 128, 128>}, {transform_indices = @transform_5, window_bounds = array<i64: 1000, 128>}, {transform_indices = @transform_6, window_bounds = array<i64: 1000, 128>}]} {
    %get3A = arith.constant 0 : index
    %get3A_0 = arith.constant 0 : index
    %get3A_1 = vector.load %arg1[%get3A, %get3A_0] : memref<1000x128xf32, #tpu.memory_space<vmem>>, vector<1000x128xf32>
    %get3A_2 = arith.constant 0 : index
    %get3A_3 = arith.constant 0 : index
    %get3A_4 = vector.load %arg2[%get3A_2, %get3A_3] : memref<1000x128xf32, #tpu.memory_space<vmem>>, vector<1000x128xf32>
    %add3A = arith.addf %get3A_1, %get3A_4 : vector<1000x128xf32>
    %get3A_5 = arith.constant 0 : index
    %get3A_6 = arith.constant 0 : index
    %get3A_7 = arith.constant 0 : index
    %get3A_8 = vector.load %arg3[%get3A_5, %get3A_6, %get3A_7] : memref<2x1000x128xf32, #tpu.memory_space<vmem>>, vector<1x1000x128xf32>
    %get3A_9 = vector.shape_cast %get3A_8 : vector<1x1000x128xf32> to vector<1000x128xf32>
    %add3A_10 = arith.addf %add3A, %get3A_9 : vector<1000x128xf32>
    %get3A_11 = arith.constant 1 : index
    %get3A_12 = arith.constant 0 : index
    %get3A_13 = arith.constant 0 : index
    %get3A_14 = vector.load %arg3[%get3A_11, %get3A_12, %get3A_13] : memref<2x1000x128xf32, #tpu.memory_space<vmem>>, vector<1x1000x128xf32>
    %get3A_15 = vector.shape_cast %get3A_14 : vector<1x1000x128xf32> to vector<1000x128xf32>
    %add3A_16 = arith.addf %add3A_10, %get3A_15 : vector<1000x128xf32>
    %mul3A = arith.constant 0.333333343 : f32
    %mul3A_17 = vector.broadcast %mul3A : f32 to vector<1000x128xf32>
    %mul3A_18 = arith.mulf %add3A_16, %mul3A_17 : vector<1000x128xf32>
    %max3A = arith.constant 0.000000e+00 : f32
    %max3A_19 = vector.broadcast %max3A : f32 to vector<1000x128xf32>
    %max3A_20 = arith.maximumf %mul3A_18, %max3A_19 : vector<1000x128xf32>
    %swap3A = arith.constant 0 : index
    %swap3A_21 = arith.constant 0 : index
    %swap3A_22 = vector.load %arg6[%swap3A, %swap3A_21] : memref<1000x128xf32, #tpu.memory_space<vmem>>, vector<1000x128xf32>
    tpu.vector_store %arg6[%swap3A, %swap3A_21], %max3A_20 {strides = array<i32>} : memref<1000x128xf32, #tpu.memory_space<vmem>>, vector<1000x128xf32>,
    %get3A_23 = arith.constant 0 : index
    %get3A_24 = arith.constant 0 : index
    %get3A_25 = vector.load %arg4[%get3A_23, %get3A_24] : memref<128x128xf32, #tpu.memory_space<vmem>>, vector<128x128xf32>
    %get3A_26 = arith.constant 0 : index
    %get3A_27 = arith.constant 0 : index
    %get3A_28 = vector.load %arg5[%get3A_26, %get3A_27] : memref<128x128xf32, #tpu.memory_space<vmem>>, vector<128x128xf32>
    %dot_general3A = arith.constant dense<0.000000e+00> : vector<128x128xf32>
    %dot_general3A_29 = tpu.matmul %get3A_25, %get3A_28, %dot_general3A {dimension_numbers = #tpu.dot_dimension_numbers<[1], [0], [0], [1], [0, 0, 1, 1], [], []>, precision = #tpu.contract_precision<fp32>, transpose_lhs_hint = false} : vector<128x128xf32>, vector<128x128xf32>, vector<128x128xf32> -> vector<128x128xf32>
    %tanh3A = math.tanh %dot_general3A_29 : vector<128x128xf32>
    %dot_general3A_30 = arith.constant dense<0.000000e+00> : vector<1000x128xf32>
    %dot_general3A_31 = tpu.matmul %max3A_20, %tanh3A, %dot_general3A_30 {dimension_numbers = #tpu.dot_dimension_numbers<[1], [0], [0], [1], [0, 0, 1, 1], [], []>, precision = #tpu.contract_precision<fp32>, transpose_lhs_hint = false} : vector<1000x128xf32>, vector<128x128xf32>, vector<1000x128xf32> -> vector<1000x128xf32>
    %swap3A_32 = arith.constant 0 : index
    %swap3A_33 = arith.constant 0 : index
    %swap3A_34 = vector.load %arg7[%swap3A_32, %swap3A_33] : memref<1000x128xf32, #tpu.memory_space<vmem>>, vector<1000x128xf32>
    tpu.vector_store %arg7[%swap3A_32, %swap3A_33], %dot_general3A_31 {strides = array<i32>} : memref<1000x128xf32, #tpu.memory_space<vmem>>, vector<1000x128xf32>,
    return
  }
  func.func @transform_0(%arg0: i32) -> (i32, i32) {
    %c0_i32 = arith.constant 0 : i32
    %c0_i32_0 = arith.constant 0 : i32
    return %arg0, %c0_i32 : i32, i32
  }
  func.func @transform_1(%arg0: i32) -> (i32, i32) {
    %c0_i32 = arith.constant 0 : i32
    %c0_i32_0 = arith.constant 0 : i32
    return %arg0, %c0_i32 : i32, i32
  }
  func.func @transform_2(%arg0: i32) -> (i32, i32, i32) {
    %c0_i32 = arith.constant 0 : i32
    %c0_i32_0 = arith.constant 0 : i32
    %c0_i32_1 = arith.constant 0 : i32
    return %c0_i32, %arg0, %c0_i32_0 : i32, i32, i32
  }
  func.func @transform_3(%arg0: i32) -> (i32, i32) {
    %c0_i32 = arith.constant 0 : i32
    %c0_i32_0 = arith.constant 0 : i32
    %c0_i32_1 = arith.constant 0 : i32
    return %c0_i32, %c0_i32_0 : i32, i32
  }
  func.func @transform_4(%arg0: i32) -> (i32, i32) {
    %c0_i32 = arith.constant 0 : i32
    %c0_i32_0 = arith.constant 0 : i32
    %c0_i32_1 = arith.constant 0 : i32
    return %c0_i32, %c0_i32_0 : i32, i32
  }
  func.func @transform_5(%arg0: i32) -> (i32, i32) {
    %c0_i32 = arith.constant 0 : i32
    %c0_i32_0 = arith.constant 0 : i32
    return %arg0, %c0_i32 : i32, i32
  }
  func.func @transform_6(%arg0: i32) -> (i32, i32) {
    %c0_i32 = arith.constant 0 : i32
    %c0_i32_0 = arith.constant 0 : i32
    return %arg0, %c0_i32 : i32, i32
  }
}

module attributes {stable_mosaic.version = 14 : i64} {
  func.func @_final_body(%arg0: i32, %arg1: memref<1000x128xf32, #tpu.memory_space<vmem>>, %arg2: memref<1000x128xf32, #tpu.memory_space<vmem>>, %arg3: memref<2x1000x128xf32, #tpu.memory_space<vmem>>, %arg4: memref<1000x128xf32, #tpu.memory_space<vmem>>) attributes {dimension_semantics = [#tpu.dimension_semantics<arbitrary>], iteration_bounds = array<i64: 10>, scalar_prefetch = 0 : i64, scratch_operands = 0 : i64, tpu.core_type = #tpu.core_type<tc>, window_params = [{transform_indices = @transform_0, window_bounds = array<i64: 1000, 128>}, {transform_indices = @transform_1, window_bounds = array<i64: 1000, 128>}, {transform_indices = @transform_2, window_bounds = array<i64: 2, 1000, 128>}, {transform_indices = @transform_3, window_bounds = array<i64: 1000, 128>}]} {
    %get3A = arith.constant 0 : index
    %get3A_0 = arith.constant 0 : index
    %get3A_1 = vector.load %arg1[%get3A, %get3A_0] : memref<1000x128xf32, #tpu.memory_space<vmem>>, vector<1000x128xf32>
    %get3A_2 = arith.constant 0 : index
    %get3A_3 = arith.constant 0 : index
    %get3A_4 = vector.load %arg2[%get3A_2, %get3A_3] : memref<1000x128xf32, #tpu.memory_space<vmem>>, vector<1000x128xf32>
    %add3A = arith.addf %get3A_1, %get3A_4 : vector<1000x128xf32>
    %get3A_5 = arith.constant 0 : index
    %get3A_6 = arith.constant 0 : index
    %get3A_7 = arith.constant 0 : index
    %get3A_8 = vector.load %arg3[%get3A_5, %get3A_6, %get3A_7] : memref<2x1000x128xf32, #tpu.memory_space<vmem>>, vector<1x1000x128xf32>
    %get3A_9 = vector.shape_cast %get3A_8 : vector<1x1000x128xf32> to vector<1000x128xf32>
    %add3A_10 = arith.addf %add3A, %get3A_9 : vector<1000x128xf32>
    %get3A_11 = arith.constant 1 : index
    %get3A_12 = arith.constant 0 : index
    %get3A_13 = arith.constant 0 : index
    %get3A_14 = vector.load %arg3[%get3A_11, %get3A_12, %get3A_13] : memref<2x1000x128xf32, #tpu.memory_space<vmem>>, vector<1x1000x128xf32>
    %get3A_15 = vector.shape_cast %get3A_14 : vector<1x1000x128xf32> to vector<1000x128xf32>
    %add3A_16 = arith.addf %add3A_10, %get3A_15 : vector<1000x128xf32>
    %mul3A = arith.constant 0.333333343 : f32
    %mul3A_17 = vector.broadcast %mul3A : f32 to vector<1000x128xf32>
    %mul3A_18 = arith.mulf %add3A_16, %mul3A_17 : vector<1000x128xf32>
    %max3A = arith.constant 0.000000e+00 : f32
    %max3A_19 = vector.broadcast %max3A : f32 to vector<1000x128xf32>
    %max3A_20 = arith.maximumf %mul3A_18, %max3A_19 : vector<1000x128xf32>
    %swap3A = arith.constant 0 : index
    %swap3A_21 = arith.constant 0 : index
    %swap3A_22 = vector.load %arg4[%swap3A, %swap3A_21] : memref<1000x128xf32, #tpu.memory_space<vmem>>, vector<1000x128xf32>
    tpu.vector_store %arg4[%swap3A, %swap3A_21], %max3A_20 {strides = array<i32>} : memref<1000x128xf32, #tpu.memory_space<vmem>>, vector<1000x128xf32>,
    return
  }
  func.func @transform_0(%arg0: i32) -> (i32, i32) {
    %c0_i32 = arith.constant 0 : i32
    %c0_i32_0 = arith.constant 0 : i32
    return %arg0, %c0_i32 : i32, i32
  }
  func.func @transform_1(%arg0: i32) -> (i32, i32) {
    %c0_i32 = arith.constant 0 : i32
    %c0_i32_0 = arith.constant 0 : i32
    return %arg0, %c0_i32 : i32, i32
  }
  func.func @transform_2(%arg0: i32) -> (i32, i32, i32) {
    %c0_i32 = arith.constant 0 : i32
    %c0_i32_0 = arith.constant 0 : i32
    %c0_i32_1 = arith.constant 0 : i32
    return %c0_i32, %arg0, %c0_i32_0 : i32, i32, i32
  }
  func.func @transform_3(%arg0: i32) -> (i32, i32) {
    %c0_i32 = arith.constant 0 : i32
    %c0_i32_0 = arith.constant 0 : i32
    return %arg0, %c0_i32 : i32, i32
  }
}

</mosaic_0001>

<sc_bundles>
// kernel: kernel.11.cloned.1.call-start
scs
__scs_entry_jumppad:
0x0: {  	(pc) =	sbr.rel $0x88, $3  }
0x1: {  	(tag) =	ssettag $0x0;
	lr =	simm.s32 $0x1  }
0x2: {  	[smem:$0x3F9A] =	sst lr;
	_ =	strace $0xD0000000  }
0x3: {  	_ = 	snop  }
0x4: {  	_ = 	snop  }
0x5: {  	_ = 	snop  }
0x6: {  	_ = 	snop  }
0x7: {  	_ = 	snop  }
__scs_overlays_trampoline_lowered:
0x8: {  	[smem:$0x3FA9] =	sst s0  }
0x9: {  	[smem:$0x3FAA] =	sst s1  }
0xa: {  	[smem:$0x3FAB] =	sst s2  }
0xb: {  	[smem:$0x3FAC] =	sst s3  }
0xc: {  	[smem:$0x3FAD] =	sst s4  }
0xd: {  	[smem:$0x3FAE] =	sst s5  }
0xe: {  	[smem:$0x3FAF] =	sst s6  }
0xf: {  	[smem:$0x3FB0] =	sst s7  }
0x10: {  	[smem:$0x3FB1] =	sst s8  }
0x11: {  	[smem:$0x3FB2] =	sst s9;
	s0 =	simm.s32 @!p0 $0x0  }
0x12: {  	s1 =	sld [smem:$0x3F98];
	s0 =	simm.s32 @p0 $0x1  }
0x13: {  	[smem:$0x3FB3] =	sst s0;
	s0 =	simm.s32 @!p1 $0x0  }
0x14: {  	s2 =	sld [smem:$0x3F97];
	s0 =	simm.s32 @p1 $0x1  }
0x15: {  	[smem:$0x3FB4] =	sst s0;
	s0 =	simm.s32 @!p2 $0x0  }
0x16: {  	s3 =	sld [smem:$0x3FDB];
	s0 =	simm.s32 @p2 $0x1  }
0x17: {  	s4 =	simm.s32 $0x1BF5;
	[smem:$0x3FB6] =	sst s0  }
0x18: {  	s0 =	sld [smem:$0x3F99];
	_ =	swait.ge [sflag:s4], $0x0  }
0x19: {  	s7 =	sld [smem:$0x3F9A]  }
0x1a: {  	s8 =	sadd.s32 $0xFFFFE003, lr  }
0x1b: {  	s9 =	sadd.s32 $0xFFFFFEF7, lr;
	s5 =	simm.s32 $0xFFFFFFFF;
	p2 =	slt.u32 s8, $0xFFFFF086  }
0x1c: {  	p1 =	slt.u32 s9, $0xF7A;
	s5 =	simm.s32 @!p2 $0x0  }
0x1d: {  	s5 =	simm.s32 @p1 $0x1;
	p0 =	seq.s32 s7, s2  }
0x1e: {  	s7 =	smul.u32 @!p0 $0xF7A, s2;
	p2 =	seq.s32 @!p0 s5, $0x0  }
0x1f: {  	s9 =	smul.u32 $0xF7A, s1;
	s8 =	simm.s32 @!p0 $0x1BF5;
	p2 =	por !p2, p0  }
0x20: {  	[sflag:s8] =	ssyncset.s32 @!p0 $0xFFFFF086;
	s6 =	sadd.s32 @!p0 s3, s7;
	s7 =	simm.s32 @!p0 $0x108  }
0x21: {  	s3 =	sadd.s32 s3, s9;
	s6 =	sadd.s32 @!p0 $0x88, s6;
	s7 =	simm.s32 @p2 $0x1082  }
0x22: {  	[simem:s7], [sflag:s8] =	dma.local @!p0 [hbm:s6], $0xF7A  }
0x23: {  	s9 =	sor.u32 $0xD0000000, s2;
	s6 =	simm.s32 $0x108;
	_ =	swait.ge @!p0 [sflag:s8], $0x0  }
0x24: {  	s3 =	sadd.s32 $0x88, s3;
	s6 =	simm.s32 @!p1 $0x1082;
	[sflag:s4] =	ssyncset.s32 $0xFFFFF086  }
0x25: {  	[simem:s6], [sflag:s4] =	dma.local [hbm:s3], $0xF7A  }
0x26: {  	[smem:$0x3F9A] =	sst s1;
	(tag) =	ssettag s2;
	_ =	strace s9  }
0x27: {  	s1 =	sld [smem:$0x3FAA]  }
0x28: {  	s2 =	sld [smem:$0x3FAB]  }
0x29: {  	s4 =	sld [smem:$0x3FAD]  }
0x2a: {  	p0 =	seq.s32 s5, $0x0;
	s5 =	sld [smem:$0x3FAE]  }
0x2b: {  	s6 =	sld [smem:$0x3FAF]  }
0x2c: {  	s7 =	sld [smem:$0x3FB0]  }
0x2d: {  	s3 =	simm.s32 $0x108;
	s8 =	sld [smem:$0x3FB1]  }
0x2e: {  	s3 =	simm.s32 @!p0 $0x1082;
	s9 =	sld [smem:$0x3FB2]  }
0x2f: {  	lr =	sadd.s32 s0, s3;
	s0 =	sld [smem:$0x3FA9]  }
0x30: {  	s3 =	sld [smem:$0x3FAC]  }
0x31: {  	[smem:$0x3FB5] =	sst s10  }
0x32: {  	s10 =	sld [smem:$0x3FB3];
	_ =	sdelay $0x3  }
0x33: {  	p0 =	seq.s32 s10, $0x1;
	s10 =	sld [smem:$0x3FB5];
	_ =	sdelay $0x3  }
0x34: {  	[smem:$0x3FB5] =	sst s10  }
0x35: {  	s10 =	sld [smem:$0x3FB4];
	_ =	sdelay $0x3  }
0x36: {  	p1 =	seq.s32 s10, $0x1;
	s10 =	sld [smem:$0x3FB5];
	_ =	sdelay $0x3  }
0x37: {  	[smem:$0x3FB5] =	sst s10  }
0x38: {  	s10 =	sld [smem:$0x3FB6]  }
0x39: {  	_ = 	snop;
	(pc) =	sbr.ind lr, $3  }
0x3a: {  	_ = 	snop  }
0x3b: {  	_ = 	snop  }
0x3c: {  	p2 =	seq.s32 s10, $0x1;
	s10 =	sld [smem:$0x3FB5]  }
0x3d: {  	_ =	shalt  }
0x3e: {  	_ =	shalt  }
0x3f: {  	_ =	shalt  }
0x40: {  	_ =	shalt  }
0x41: {  	_ =	shalt  }
0x42: {  	_ =	shalt  }
0x43: {  	_ =	shalt  }
0x44: {  	_ =	shalt  }
0x45: {  	_ =	shalt  }
0x46: {  	_ =	shalt  }
0x47: {  	_ =	shalt  }
0x48: {  	_ =	shalt  }
0x49: {  	_ =	shalt  }
0x4a: {  	_ =	shalt  }
0x4b: {  	_ =	shalt  }
0x4c: {  	_ =	shalt  }
0x4d: {  	_ =	shalt  }
0x4e: {  	_ =	shalt  }
0x4f: {  	_ =	shalt  }
0x50: {  	_ =	shalt  }
0x51: {  	_ =	shalt  }
0x52: {  	_ =	shalt  }
0x53: {  	_ =	shalt  }
0x54: {  	_ =	shalt  }
0x55: {  	_ =	shalt  }
0x56: {  	_ =	shalt  }
0x57: {  	_ =	shalt  }
0x58: {  	_ =	shalt  }
0x59: {  	_ =	shalt  }
0x5a: {  	_ =	shalt  }
0x5b: {  	_ =	shalt  }
0x5c: {  	_ =	shalt  }
0x5d: {  	_ =	shalt  }
0x5e: {  	_ =	shalt  }
0x5f: {  	_ =	shalt  }
0x60: {  	_ =	shalt  }
0x61: {  	_ =	shalt  }
0x62: {  	_ =	shalt  }
0x63: {  	_ =	shalt  }
0x64: {  	_ =	shalt  }
0x65: {  	_ =	shalt  }
0x66: {  	_ =	shalt  }
0x67: {  	_ =	shalt  }
0x68: {  	_ =	shalt  }
0x69: {  	_ =	shalt  }
0x6a: {  	_ =	shalt  }
0x6b: {  	_ =	shalt  }
0x6c: {  	_ =	shalt  }
0x6d: {  	_ =	shalt  }
0x6e: {  	_ =	shalt  }
0x6f: {  	_ =	shalt  }
0x70: {  	_ =	shalt  }
0x71: {  	_ =	shalt  }
0x72: {  	_ =	shalt  }
0x73: {  	_ =	shalt  }
0x74: {  	_ =	shalt  }
0x75: {  	_ =	shalt  }
0x76: {  	_ =	shalt  }
0x77: {  	_ =	shalt  }
0x78: {  	_ =	shalt  }
0x79: {  	_ =	shalt  }
0x7a: {  	_ =	shalt  }
0x7b: {  	_ =	shalt  }
0x7c: {  	_ =	shalt  }
0x7d: {  	_ =	shalt  }
0x7e: {  	_ =	shalt  }
0x7f: {  	_ =	shalt  }
0x80: {  	_ =	shalt  }
0x81: {  	_ =	shalt  }
0x82: {  	_ =	shalt  }
0x83: {  	_ =	shalt  }
0x84: {  	_ =	shalt  }
0x85: {  	_ =	shalt  }
0x86: {  	_ =	shalt  }
0x87: {  	_ =	shalt  }
.Lfunc_end0:
.L_simem_size_0:
called_computation_lowered:
.L_overlay_start_0:
0x88: {  	s2 =	sld [smem:$0x3FD9]  }
0x89: {  	s3 =	sld [smem:$0x3FFE];
	_ =	sdelay $0x1  }
0x8a: {  	s1 =	srdreg.scid  }
0x8b: {  	s0 =	sand.u32 $0x1, s1  }
0x8c: {  	s17 =	sshll.u32 s0, $0xA;
	s2 =	sadd.s32 s3, s2  }
0x8d: {  	s2 =	sadd.s32 s2, s17  }
0x8e: {  	[smem:$0x3FC1] =	sst s2  }
0x8f: {  	_ = 	snop  }
0x90: {  	s2 =	sld [smem:$0x3FD0];
	(tm) =	ssettm $0x1  }
0x91: {  	s18 =	sld [smem:$0x3FFB];
	_ =	sdelay $0x3  }
0x92: {  	_ =	strace s18  }
0x93: {  	s3 =	sld [smem:$0x3FFC];
	_ =	sdelay $0x3  }
0x94: {  	_ =	strace s3  }
0x95: {  	s3 =	sld [smem:$0x3FFD];
	_ =	sdelay $0x3  }
0x96: {  	_ =	strace s3  }
0x97: {  	_ =	strace $0x8FFFFFFF  }
0x98: {  	s19 =	sld [smem:$0x3FDB];
	_ =	sdelay $0x1  }
0x99: {  	s4 =	simm.s32 $_scs_section_size  }
0x9a: {  	s5 =	simm.s32 $_size__tile_overlayer_lowered;
	s6 =	simm.s32 $_tile_overlayer_lowered  }
0x9b: {  	s22 =	simm.s32 $0x1BFF;
	s21 =	sshll.u32 s6, $0x1;
	s3 =	sadd.s32 s4, s19  }
0x9c: {  	s7 =	simm.s32 $0x0;
	s20 =	sshll.u32 s5, $0x1;
	s5 =	sadd.s32 s21, s3  }
0x9d: {  	[timem:s7], [sflag:s22] =	dma.local [hbm:s5], s20  }
0x9e: {  	_ =	swait.ge [sflag:s22], s20  }
0x9f: {  	s4 =	ssub.s32 $0x0, s20;
	[sflag:s22] =	ssyncset.done $0x0  }
0xa0: {  	[sflag:s22] =	ssyncadd.s32 s4;
	_ =	sdelay $0x1  }
0xa1: {  	s23 =	simm.s32 $0x1B8B  }
0xa2: {  	_ =	swait.ge [sflag:s23], $0x1  }
0xa3: {  	[sflag:s23] =	ssyncset.done $0x0  }
0xa4: {  	s25 =	simm.s32 $0x1B8E;
	s24 =	sld [smem:$0x3FFE];
	[sflag:s23] =	ssyncadd.s32 $0xFFFFFFFF  }
0xa5: {  	s26 =	simm.s32 $execute0_lowered;
	[smem:$0x3FD2] =	sst s25  }
0xa6: {  	s5 =	sshll.u32 s26, $0x1;
	_ =	strace $0x80000046;
	[dreg:$0x1] =	wrdreg $0xFFFFFFFF  }
0xa7: {  	s28 =	simm.s32 $_size_execute0_lowered;
	s3 =	sadd.s32 s3, s5;
	[dreg:$0x0] =	wrdreg $0x0  }
0xa8: {  	s5 =	sshll.u32 s28, $0x1;
	[dreg:$0x2] =	wrdreg s3  }
0xa9: {  	[dreg:$0x3] =	wrdreg s5  }
0xaa: {  	[dreg:$0x4] =	wrdreg $0xC0  }
0xab: {  	_ =	task [dreg:s7], $0x5FFFF  }
0xac: {  	[dreg:$0x1] =	wrdreg $0xFFFFFFFF  }
0xad: {  	[dreg:$0x0] =	wrdreg $0x60  }
0xae: {  	[dreg:$0x2] =	wrdreg s2  }
0xaf: {  	[dreg:$0x3] =	wrdreg s24  }
0xb0: {  	[dreg:$0x4] =	wrdreg $0xBB000  }
0xb1: {  	[dreg:$0x5] =	wrdreg $0x9  }
0xb2: {  	_ =	task.clear_ibuf [dreg:s7], $0x6FFFF;
	_ =	strace $0x90000046  }
0xb3: {  	s29 =	simm.s32 $0x9;
	_ =	strace $0x80000048  }
0xb4: {  	_ =	swait.ge [sflag:s29], $0x1  }
0xb5: {  	[sflag:s29] =	ssyncadd.s32 $0xFFFFFFFF  }
0xb6: {  	_ =	strace $0x90000048  }
0xb7: {  	_ =	sfence  }
0xb8: {  	s30 =	sld [smem:$0x0];
	_ =	sdelay $0x2  }
0xb9: {  	s31 =	sshll.u32 s1, $0xD;
	s1 =	sshrl.u32 s1, $0x2  }
0xba: {  	s3 =	sand.u32 $0x4000, s31;
	s1 =	sadd.s32 s1, s30  }
0xbb: {  	s0 =	sor.u32 s3, s0;
	s1 =	sshll.u32 s1, $0x11  }
0xbc: {  	s0 =	sor.u32 s1, s0  }
0xbd: {  	s0 =	sadd.s32 $0x8F2B, s0  }
0xbe: {  	[sflag:s0] =	ssyncadd.remote.s32 $0x1  }
0xbf: {  	_ =	sfence.sel $0xFFFF  }
0xc0: {  	[dreg:$0x0] =	wrdreg $0xFFFFFFFF;
	(pc) =	sbr.abs _section_cstart, $3  }
0xc1: {  	[dreg:$0x1] =	wrdreg $0xFFFFFFFF  }
0xc2: {  	_ =	task.clear_ibuf [dreg:s7], $0x2FFFF;
	_ =	strace $0x9FFFFFFF  }
0xc3: {  	(tm) =	ssettm $0x7FFFFFFF  }
tec
execute0_lowered:
.L_overlay_start_1:
0x0: {  	(tag) =	ssettag $0x1  }
0x1: {  	s1 =	rddreg [dreg:$0x0]  }
0x2: {  	s0 =	srdreg.scid;
	s5 =	rddreg [dreg:$0x1]  }
0x3: {  	s20 =	stileid.u32;
	s12 =	rddreg [dreg:$0x2]  }
0x4: {  	s3 =	simm.s32 $0x0;
	s21 =	simm.s32 $0x4;
	s23 =	simm.s32 $0x100  }
0x5: {  	s28 =	simm.s32 $0x1;
	s29 =	simm.s32 $0x9300;
	s30 =	simm.s32 $0x2  }
0x6: {  	s31 =	simm.s32 $0x3;
	s0 =	sand.u32 $0x1, s0;
	s6 =	smul.u32 $0x4E000, s20  }
0x7: {  	[smem:$0x7FF] =	sst s3;
	s18 =	sadd.s32 $0x33200, s5;
	s15 =	smul.u32 $0x13800, s20  }
0x8: {  	p0 =	sne.s32 s20, $0xF;
	s2 =	sshll.u32 s0, $0x4;
	_ =	strace $0x80000047  }
0x9: {  	s7 =	ssub.s32 $0x2, s0;
	s0 =	smul.u32 $0x138800, s0;
	s2 =	sor.u32 s20, s2  }
0xa: {  	s24 =	sshrl.u32 s6, $0x2;
	s25 =	sshrl.u32 s7, $0x1;
	s20 =	simm.s32 $0x4300  }
0xb: {  	s4 =	smul.u32 $0x7E00, s2;
	s2 =	sshll.u32 s2, $0xB;
	s19 =	ssub.s32 s7, s25  }
0xc: {  	s26 =	sadd.s32 s15, s0;
	s0 =	sshrl.u32 s0, $0x3;
	s25 =	simm.s32 $0x50  }
0xd: {  	s2 =	sadd.s32 s2, s5;
	s0 =	sadd.s32 s18, s0;
	s19 =	smax.u32 s19, $0x1  }
0xe: {  	s4 =	sshrl.u32 s4, $0x3;
	s13 =	sadd.s32 $0x3A00, s2;
	s2 =	sshrl.u32 s26, $0x3  }
0xf: {  	s26 =	simm.s32 $0x6B00;
	s16 =	sadd.s32 s4, s5;
	s4 =	sadd.s32 s24, s12  }
0x10: {  	s12 =	sadd.s32 $0x136000, s12;
	s17 =	sadd.s32 s18, s2;
	s18 =	sadd.s32 $0x24900, s0  }
0x11: {  	s24 =	simm.s32 $0x200;
	s2 =	simm.s32 $0x0;
	s5 =	sadd.s32 $0x2800, s4  }
0x12: {  	s6 =	sadd.s32 $0x5000, s4;
	s7 =	sadd.s32 $0x7800, s4;
	s8 =	sadd.s32 $0xA000, s4  }
0x13: {  	s9 =	sadd.s32 $0xC800, s4;
	s10 =	sadd.s32 $0xF000, s4;
	s11 =	sadd.s32 $0x11800, s4  }
0x14: {  	v0 =	vimm.f32 $0.0e+00;
	s14 =	sadd.s32 $0x13A00, s16;
	s15 =	sadd.s32 $0x13A20, s16;
	s16 =	sadd.s32 $0x13A40, s16  }
.LBB2_1:
0x15: {  	s0 =	simm.s32 $0x0;
	s22 =	simm.s32 $0x200  }
.LBB2_2:
0x16: {  	p1 =	sne.s32 s22, $0x9E00;
	[tilespmem:s0+$0x4370] =	vst v0  }
0x17: {  	[tilespmem:s0+$0x4300] =	vst v0  }
0x18: {  	[tilespmem:s0+$0x4310] =	vst v0  }
.Ltmp0:
0x19: {  	[tilespmem:s0+$0x4320] =	vst v0;
	(pc) =	sbr.rel @p1 .LBB2_2-.Ltmp0, $4  }
0x1a: {  	[tilespmem:s0+$0x4330] =	vst v0  }
0x1b: {  	[tilespmem:s0+$0x4340] =	vst v0  }
0x1c: {  	[tilespmem:s0+$0x4350] =	vst v0  }
0x1d: {  	[tilespmem:s0+$0x4360] =	vst v0;
	s0 =	sshra.s32 s22, $0x2;
	s22 =	sadd.s32 $0x200, s22  }
0x1e: {  	[tilespmem:s0+$0x4370] =	vst v0  }
0x1f: {  	[tilespmem:s0+$0x4300] =	vst v0  }
0x20: {  	[tilespmem:s0+$0x4310] =	vst v0  }
0x21: {  	[tilespmem:s0+$0x4320] =	vst v0  }
0x22: {  	[tilespmem:s0+$0x4330] =	vst v0  }
0x23: {  	[tilespmem:s0+$0x4340] =	vst v0  }
0x24: {  	[tilespmem:s0+$0x4350] =	vst v0  }
0x25: {  	[tilespmem:s0+$0x4360] =	vst v0  }
0x26: {  	[spmem:s4] =	stream.linear.scatter [tilespmem:s20], [sflag:$0x4], $0x2800, $0x38;
	[tilespmem:$0x1F380] =	vst v63  }
0x27: {  	_ =	swait.ge [sflag:s21], $0x2800  }
0x28: {  	[sflag:s21] =	ssyncset.done $0x0  }
0x29: {  	[sflag:s21] =	ssyncadd.s32 $0xFFFFD800  }
0x2a: {  	[spmem:s5] =	stream.linear.scatter [tilespmem:s20], [sflag:$0x4], $0x2800, $0x38;
	[tilespmem:$0x1F380] =	vst v63  }
0x2b: {  	_ =	swait.ge [sflag:s21], $0x2800  }
0x2c: {  	[sflag:s21] =	ssyncset.done $0x0  }
0x2d: {  	[sflag:s21] =	ssyncadd.s32 $0xFFFFD800  }
0x2e: {  	[spmem:s6] =	stream.linear.scatter [tilespmem:s20], [sflag:$0x4], $0x2800, $0x38;
	[tilespmem:$0x1F380] =	vst v63  }
0x2f: {  	_ =	swait.ge [sflag:s21], $0x2800  }
0x30: {  	[sflag:s21] =	ssyncset.done $0x0  }
0x31: {  	[sflag:s21] =	ssyncadd.s32 $0xFFFFD800  }
0x32: {  	[spmem:s7] =	stream.linear.scatter [tilespmem:s20], [sflag:$0x4], $0x2800, $0x38;
	[tilespmem:$0x1F380] =	vst v63  }
0x33: {  	_ =	swait.ge [sflag:s21], $0x2800  }
0x34: {  	[sflag:s21] =	ssyncset.done $0x0  }
0x35: {  	[sflag:s21] =	ssyncadd.s32 $0xFFFFD800  }
0x36: {  	[spmem:s8] =	stream.linear.scatter [tilespmem:s20], [sflag:$0x4], $0x2800, $0x38;
	[tilespmem:$0x1F380] =	vst v63  }
0x37: {  	_ =	swait.ge [sflag:s21], $0x2800  }
0x38: {  	[sflag:s21] =	ssyncset.done $0x0  }
0x39: {  	[sflag:s21] =	ssyncadd.s32 $0xFFFFD800  }
0x3a: {  	[spmem:s9] =	stream.linear.scatter [tilespmem:s20], [sflag:$0x4], $0x2800, $0x38;
	[tilespmem:$0x1F380] =	vst v63  }
0x3b: {  	_ =	swait.ge [sflag:s21], $0x2800  }
0x3c: {  	[sflag:s21] =	ssyncset.done $0x0  }
0x3d: {  	[sflag:s21] =	ssyncadd.s32 $0xFFFFD800  }
0x3e: {  	[spmem:s10] =	stream.linear.scatter [tilespmem:s20], [sflag:$0x4], $0x2800, $0x38;
	[tilespmem:$0x1F380] =	vst v63  }
0x3f: {  	_ =	swait.ge [sflag:s21], $0x2800  }
0x40: {  	[sflag:s21] =	ssyncset.done $0x0  }
0x41: {  	s0 =	simm.s32 @p0 $0x4300;
	[sflag:s21] =	ssyncadd.s32 $0xFFFFD800  }
0x42: {  	[spmem:s11] =	stream.linear.scatter @p0 [tilespmem:s0], [sflag:$0x4], $0x2000, $0x38;
	[tilespmem:$0x1F380] =	vst v63  }
0x43: {  	s0 =	simm.s32 @p0 $0x4  }
0x44: {  	_ =	swait.ge @p0 [sflag:s0], $0x2000  }
0x45: {  	[sflag:s0] =	ssyncset.done @p0 $0x0  }
0x46: {  	[sflag:s0] =	ssyncadd.s32 @p0 $0xFFFFE000;
	s0 =	simm.s32 @!p0 $0x4300  }
0x47: {  	[spmem:s12] =	stream.linear.scatter @!p0 [tilespmem:s0], [sflag:$0x4], $0x2800, $0x38;
	[tilespmem:$0x1F380] =	vst v63  }
0x48: {  	s0 =	simm.s32 @!p0 $0x4  }
0x49: {  	_ =	swait.ge @!p0 [sflag:s0], $0x2800  }
0x4a: {  	[sflag:s0] =	ssyncset.done @!p0 $0x0  }
0x4b: {  	s22 =	simm.s32 $0x300;
	[sflag:s0] =	ssyncadd.s32 @!p0 $0xFFFFD800  }
0x4c: {  	[tilespmem:s22], [sflag:$0x4] =	stream.linear.gather [hbm4b:s13+s3], $0x3F00, $0x38;
	[tilespmem:$0x1F380] =	vst v63  }
0x4d: {  	_ =	swait.ge [sflag:s21], $0x3F00  }
0x4e: {  	[sflag:s21] =	ssyncset.done $0x0  }
0x4f: {  	[sflag:s21] =	ssyncadd.s32 $0xFFFFC100  }
0x50: {  	[bflag:$0x0] =	sbarrier.arrive $0xFFFF  }
0x51: {  	[tilespmem:s3], [sflag:$0x4] =	stream.linear.gather [hbm4b:s14+s3], $0x100, $0x38;
	[tilespmem:$0x1F380] =	vst v63  }
0x52: {  	_ =	swait.ge [sflag:s21], $0x100  }
0x53: {  	[sflag:s21] =	ssyncset.done $0x0  }
0x54: {  	[sflag:s21] =	ssyncadd.s32 $0xFFFFFF00  }
0x55: {  	[tilespmem:s23], [sflag:$0x4] =	stream.linear.gather [hbm4b:s15+s3], $0x100, $0x38;
	[tilespmem:$0x1F380] =	vst v63  }
0x56: {  	_ =	swait.ge [sflag:s21], $0x100  }
0x57: {  	[sflag:s21] =	ssyncset.done $0x0  }
0x58: {  	[sflag:s21] =	ssyncadd.s32 $0xFFFFFF00  }
0x59: {  	[tilespmem:s24], [sflag:$0x4] =	stream.linear.gather [hbm4b:s16+s3], $0x100, $0x38;
	[tilespmem:$0x1F380] =	vst v63  }
0x5a: {  	_ =	swait.ge [sflag:s21], $0x100  }
0x5b: {  	[sflag:s21] =	ssyncset.done $0x0  }
0x5c: {  	[sflag:s21] =	ssyncadd.s32 $0xFFFFFF00  }
0x5d: {  	[tilespmem:s20], [sflag:$0x1] =	stream.indirect.gather [hbm4b:s1+s25], $0x80, s3, s25, $0xb8;
	[tilespmem:$0x1F380] =	vst v63  }
0x5e: {  	_ = 	snop  }
0x5f: {  	[tilespmem:s26], [sflag:$0x2] =	stream.indirect.gather [hbm4b:s1+s25], $0x80, s23, s25, $0xb8;
	[tilespmem:$0x1F380] =	vst v63  }
0x60: {  	_ =	swait.ge [sflag:s28], $0x2800  }
0x61: {  	[sflag:s28] =	ssyncset.done $0x0  }
0x62: {  	[sflag:s28] =	ssyncadd.s32 $0xFFFFD800  }
0x63: {  	[tilespmem:s29], [sflag:$0x3] =	stream.indirect.gather [hbm4b:s1+s25], $0x80, s24, s25, $0xb8;
	[tilespmem:$0x1F380] =	vst v63  }
0x64: {  	_ =	swait.ge [sflag:s30], $0x2800  }
0x65: {  	[sflag:s30] =	ssyncset.done $0x0  }
0x66: {  	[sflag:s30] =	ssyncadd.s32 $0xFFFFD800  }
0x67: {  	[tilespmem:s20], [sflag:$0x1] =	stream.indirect.gather [hbm4b:s1+s25], $0x80, s3, s25, $0xb8;
	[tilespmem:$0x1F380] =	vst v63  }
0x68: {  	_ =	swait.ge [sflag:s31], $0x2800  }
0x69: {  	[sflag:s31] =	ssyncset.done $0x0  }
0x6a: {  	[sflag:s31] =	ssyncadd.s32 $0xFFFFD800  }
0x6b: {  	[tilespmem:s26], [sflag:$0x2] =	stream.indirect.gather [hbm4b:s1+s25], $0x80, s23, s25, $0xb8;
	[tilespmem:$0x1F380] =	vst v63  }
0x6c: {  	_ =	swait.ge [sflag:s28], $0x2800  }
0x6d: {  	[sflag:s28] =	ssyncset.done $0x0  }
0x6e: {  	[sflag:s28] =	ssyncadd.s32 $0xFFFFD800  }
0x6f: {  	[tilespmem:s29], [sflag:$0x3] =	stream.indirect.gather [hbm4b:s1+s25], $0x80, s24, s25, $0xb8;
	[tilespmem:$0x1F380] =	vst v63  }
0x70: {  	_ =	swait.ge [sflag:s30], $0x2800  }
0x71: {  	[sflag:s30] =	ssyncset.done $0x0  }
0x72: {  	[sflag:s30] =	ssyncadd.s32 $0xFFFFD800  }
0x73: {  	[tilespmem:s20], [sflag:$0x1] =	stream.indirect.gather [hbm4b:s1+s25], $0x80, s3, s25, $0xb8;
	[tilespmem:$0x1F380] =	vst v63  }
0x74: {  	_ =	swait.ge [sflag:s31], $0x2800  }
0x75: {  	[sflag:s31] =	ssyncset.done $0x0  }
0x76: {  	s0 =	simm.s32 $0x27;
	[sflag:s31] =	ssyncadd.s32 $0xFFFFD800  }
.LBB2_4:
0x77: {  	[tilespmem:s26], [sflag:$0x2] =	stream.indirect.gather [hbm4b:s1+s25], $0x80, s23, s25, $0xb8;
	[tilespmem:$0x1F380] =	vst v63  }
0x78: {  	p1 =	sne.s32 s0, $0x1;
	s0 =	sadd.s32 $0xFFFFFFFF, s0;
	_ =	swait.ge [sflag:s28], $0x2800  }
0x79: {  	[sflag:s28] =	ssyncset.done $0x0  }
0x7a: {  	[sflag:s28] =	ssyncadd.s32 $0xFFFFD800  }
0x7b: {  	[tilespmem:s29], [sflag:$0x3] =	stream.indirect.gather [hbm4b:s1+s25], $0x80, s24, s25, $0xb8;
	[tilespmem:$0x1F380] =	vst v63  }
0x7c: {  	_ =	swait.ge [sflag:s30], $0x2800  }
0x7d: {  	[sflag:s30] =	ssyncset.done $0x0  }
.Ltmp1:
0x7e: {  	[sflag:s30] =	ssyncadd.s32 $0xFFFFD800;
	(pc) =	sbr.rel @p1 .LBB2_4-.Ltmp1, $4  }
0x7f: {  	[tilespmem:s20], [sflag:$0x1] =	stream.indirect.gather [hbm4b:s1+s25], $0x80, s3, s25, $0xb8;
	[tilespmem:$0x1F380] =	vst v63  }
0x80: {  	_ =	swait.ge [sflag:s31], $0x2800  }
0x81: {  	[sflag:s31] =	ssyncset.done $0x0  }
0x82: {  	[sflag:s31] =	ssyncadd.s32 $0xFFFFD800  }
0x83: {  	[tilespmem:s26], [sflag:$0x2] =	stream.indirect.gather [hbm4b:s1+s25], $0x80, s23, s25, $0xb8;
	[tilespmem:$0x1F380] =	vst v63  }
0x84: {  	_ =	swait.ge [sflag:s28], $0x2800  }
0x85: {  	[sflag:s28] =	ssyncset.done $0x0  }
0x86: {  	[sflag:s28] =	ssyncadd.s32 $0xFFFFD800  }
0x87: {  	[tilespmem:s29], [sflag:$0x3] =	stream.indirect.gather [hbm4b:s1+s25], $0x80, s24, s25, $0xb8;
	[tilespmem:$0x1F380] =	vst v63  }
0x88: {  	_ =	swait.ge [sflag:s30], $0x2800  }
0x89: {  	[sflag:s30] =	ssyncset.done $0x0  }
0x8a: {  	[sflag:s30] =	ssyncadd.s32 $0xFFFFD800  }
0x8b: {  	_ =	swait.ge [sflag:s31], $0x2800  }
0x8c: {  	s0 =	stileid.u32;
	[sflag:s31] =	ssyncset.done $0x0  }
0x8d: {  	s0 =	sshll.u32 @p0 s0, $0x6;
	[sflag:s31] =	ssyncadd.s32 $0xFFFFD800  }
0x8e: {  	s22 =	sshrl.u32 @p0 s4, $0x3;
	s0 =	sor.u32 @p0 $0x1C04, s0;
	[bflag:$0x0] =	sbarrier.arrive $0xFFFF  }
0x8f: {  	[hbm:s17], [sflag:s0] =	dma.local @p0 [spmem:s22], $0x2700  }
0x90: {  	s0 =	simm.s32 @p0 $0x4  }
0x91: {  	s2 =	sadd.s32 $0x1, s2;
	_ =	swait.ge @p0 [sflag:s0], $0x2700  }
0x92: {  	p1 =	sne.s32 s2, s19;
	[sflag:s0] =	ssyncset.done @p0 $0x0  }
0x93: {  	s22 =	simm.s32 @!p0 $0x1FC4;
	[sflag:s0] =	ssyncadd.s32 @p0 $0xFFFFD900;
	s0 =	sshrl.u32 @!p0 s4, $0x3  }
0x94: {  	[hbm:s18], [sflag:s22] =	dma.local @!p0 [spmem:s0], $0x2800  }
.Ltmp2:
0x95: {  	_ = 	snop;
	(pc) =	sbr.rel @p1 .LBB2_1-.Ltmp2, $4  }
0x96: {  	s0 =	simm.s32 @!p0 $0x4  }
0x97: {  	_ =	swait.ge @!p0 [sflag:s0], $0x2800  }
0x98: {  	[sflag:s0] =	ssyncset.done @!p0 $0x0  }
0x99: {  	[sflag:s0] =	ssyncadd.s32 @!p0 $0xFFFFD800  }
0x9a: {  	_ =	sfence.sel $0x180000  }
0x9b: {  	[bflag:$0x0] =	sbarrier.arrive $0xFFFF  }
0x9c: {  	_ =	strace $0x90000047  }
0x9d: {  	s0 =	stileid.u32;
	[bflag:$0x2] =	sbarrier.arrive $0xFFFF  }
0x9e: {  	p0 =	sne.s32 s0, $0x0;
	s0 =	rddreg [dreg:$0x3]  }
0x9f: {  	s0 =	sadd.s32 @!p0 $0x100000, s0  }
0xa0: {  	[sflag:s0] =	ssyncadd.tile.s32 @!p0 $0x1;
	_ =	shalt  }
.Lfunc_end2:
_tile_overlayer_lowered:
.L_overlay_start_2:
0xa1: {  	(tag) =	ssettag $0x2  }
0xa2: {  	s0 =	rddreg [dreg:$0x0];
	s2 =	stileid.u32  }
0xa3: {  	s1 =	rddreg [dreg:$0x1];
	p0 =	sne.s32 s2, $0x0  }
0xa4: {  	s3 =	rddreg [dreg:$0x2];
	[bflag:$0x3] =	sbarrier.arrive $0xFFFF;
	s2 =	simm.s32 @!p0 $0x1C04  }
0xa5: {  	[timem:s3], [sflag:s2] =	dma.local @!p0 [hbm:s0], s1  }
0xa6: {  	s0 =	simm.s32 @!p0 $0x4  }
0xa7: {  	_ =	swait.ge @!p0 [sflag:s0], s1  }
0xa8: {  	s1 =	ssub.s32 @!p0 $0x0, s1;
	[sflag:s0] =	ssyncset.done @!p0 $0x0  }
0xa9: {  	[sflag:s0] =	ssyncadd.s32 @!p0 s1  }
0xaa: {  	[bflag:$0x3] =	sbarrier.arrive $0xFFFF  }
0xab: {  	_ =	shalt  }

// kernel: kernel.14.cloned.1.call-start
scs
__scs_entry_jumppad:
0x0: {  	(pc) =	sbr.rel $0x88, $3  }
0x1: {  	(tag) =	ssettag $0x0;
	lr =	simm.s32 $0x1  }
0x2: {  	[smem:$0x3F9A] =	sst lr;
	_ =	strace $0xD0000000  }
0x3: {  	_ = 	snop  }
0x4: {  	_ = 	snop  }
0x5: {  	_ = 	snop  }
0x6: {  	_ = 	snop  }
0x7: {  	_ = 	snop  }
__scs_overlays_trampoline_lowered:
0x8: {  	[smem:$0x3FA9] =	sst s0  }
0x9: {  	[smem:$0x3FAA] =	sst s1  }
0xa: {  	[smem:$0x3FAB] =	sst s2  }
0xb: {  	[smem:$0x3FAC] =	sst s3  }
0xc: {  	[smem:$0x3FAD] =	sst s4  }
0xd: {  	[smem:$0x3FAE] =	sst s5  }
0xe: {  	[smem:$0x3FAF] =	sst s6  }
0xf: {  	[smem:$0x3FB0] =	sst s7  }
0x10: {  	[smem:$0x3FB1] =	sst s8  }
0x11: {  	[smem:$0x3FB2] =	sst s9;
	s0 =	simm.s32 @!p0 $0x0  }
0x12: {  	s1 =	sld [smem:$0x3F98];
	s0 =	simm.s32 @p0 $0x1  }
0x13: {  	[smem:$0x3FB3] =	sst s0;
	s0 =	simm.s32 @!p1 $0x0  }
0x14: {  	s2 =	sld [smem:$0x3F97];
	s0 =	simm.s32 @p1 $0x1  }
0x15: {  	[smem:$0x3FB4] =	sst s0;
	s0 =	simm.s32 @!p2 $0x0  }
0x16: {  	s3 =	sld [smem:$0x3FDB];
	s0 =	simm.s32 @p2 $0x1  }
0x17: {  	s4 =	simm.s32 $0x1BF5;
	[smem:$0x3FB6] =	sst s0  }
0x18: {  	s0 =	sld [smem:$0x3F99];
	_ =	swait.ge [sflag:s4], $0x0  }
0x19: {  	s7 =	sld [smem:$0x3F9A]  }
0x1a: {  	s8 =	sadd.s32 $0xFFFFE003, lr  }
0x1b: {  	s9 =	sadd.s32 $0xFFFFFEF7, lr;
	s5 =	simm.s32 $0xFFFFFFFF;
	p2 =	slt.u32 s8, $0xFFFFF086  }
0x1c: {  	p1 =	slt.u32 s9, $0xF7A;
	s5 =	simm.s32 @!p2 $0x0  }
0x1d: {  	s5 =	simm.s32 @p1 $0x1;
	p0 =	seq.s32 s7, s2  }
0x1e: {  	s7 =	smul.u32 @!p0 $0xF7A, s2;
	p2 =	seq.s32 @!p0 s5, $0x0  }
0x1f: {  	s9 =	smul.u32 $0xF7A, s1;
	s8 =	simm.s32 @!p0 $0x1BF5;
	p2 =	por !p2, p0  }
0x20: {  	[sflag:s8] =	ssyncset.s32 @!p0 $0xFFFFF086;
	s6 =	sadd.s32 @!p0 s3, s7;
	s7 =	simm.s32 @!p0 $0x108  }
0x21: {  	s3 =	sadd.s32 s3, s9;
	s6 =	sadd.s32 @!p0 $0x88, s6;
	s7 =	simm.s32 @p2 $0x1082  }
0x22: {  	[simem:s7], [sflag:s8] =	dma.local @!p0 [hbm:s6], $0xF7A  }
0x23: {  	s9 =	sor.u32 $0xD0000000, s2;
	s6 =	simm.s32 $0x108;
	_ =	swait.ge @!p0 [sflag:s8], $0x0  }
0x24: {  	s3 =	sadd.s32 $0x88, s3;
	s6 =	simm.s32 @!p1 $0x1082;
	[sflag:s4] =	ssyncset.s32 $0xFFFFF086  }
0x25: {  	[simem:s6], [sflag:s4] =	dma.local [hbm:s3], $0xF7A  }
0x26: {  	[smem:$0x3F9A] =	sst s1;
	(tag) =	ssettag s2;
	_ =	strace s9  }
0x27: {  	s1 =	sld [smem:$0x3FAA]  }
0x28: {  	s2 =	sld [smem:$0x3FAB]  }
0x29: {  	s4 =	sld [smem:$0x3FAD]  }
0x2a: {  	p0 =	seq.s32 s5, $0x0;
	s5 =	sld [smem:$0x3FAE]  }
0x2b: {  	s6 =	sld [smem:$0x3FAF]  }
0x2c: {  	s7 =	sld [smem:$0x3FB0]  }
0x2d: {  	s3 =	simm.s32 $0x108;
	s8 =	sld [smem:$0x3FB1]  }
0x2e: {  	s3 =	simm.s32 @!p0 $0x1082;
	s9 =	sld [smem:$0x3FB2]  }
0x2f: {  	lr =	sadd.s32 s0, s3;
	s0 =	sld [smem:$0x3FA9]  }
0x30: {  	s3 =	sld [smem:$0x3FAC]  }
0x31: {  	[smem:$0x3FB5] =	sst s10  }
0x32: {  	s10 =	sld [smem:$0x3FB3];
	_ =	sdelay $0x3  }
0x33: {  	p0 =	seq.s32 s10, $0x1;
	s10 =	sld [smem:$0x3FB5];
	_ =	sdelay $0x3  }
0x34: {  	[smem:$0x3FB5] =	sst s10  }
0x35: {  	s10 =	sld [smem:$0x3FB4];
	_ =	sdelay $0x3  }
0x36: {  	p1 =	seq.s32 s10, $0x1;
	s10 =	sld [smem:$0x3FB5];
	_ =	sdelay $0x3  }
0x37: {  	[smem:$0x3FB5] =	sst s10  }
0x38: {  	s10 =	sld [smem:$0x3FB6]  }
0x39: {  	_ = 	snop;
	(pc) =	sbr.ind lr, $3  }
0x3a: {  	_ = 	snop  }
0x3b: {  	_ = 	snop  }
0x3c: {  	p2 =	seq.s32 s10, $0x1;
	s10 =	sld [smem:$0x3FB5]  }
0x3d: {  	_ =	shalt  }
0x3e: {  	_ =	shalt  }
0x3f: {  	_ =	shalt  }
0x40: {  	_ =	shalt  }
0x41: {  	_ =	shalt  }
0x42: {  	_ =	shalt  }
0x43: {  	_ =	shalt  }
0x44: {  	_ =	shalt  }
0x45: {  	_ =	shalt  }
0x46: {  	_ =	shalt  }
0x47: {  	_ =	shalt  }
0x48: {  	_ =	shalt  }
0x49: {  	_ =	shalt  }
0x4a: {  	_ =	shalt  }
0x4b: {  	_ =	shalt  }
0x4c: {  	_ =	shalt  }
0x4d: {  	_ =	shalt  }
0x4e: {  	_ =	shalt  }
0x4f: {  	_ =	shalt  }
0x50: {  	_ =	shalt  }
0x51: {  	_ =	shalt  }
0x52: {  	_ =	shalt  }
0x53: {  	_ =	shalt  }
0x54: {  	_ =	shalt  }
0x55: {  	_ =	shalt  }
0x56: {  	_ =	shalt  }
0x57: {  	_ =	shalt  }
0x58: {  	_ =	shalt  }
0x59: {  	_ =	shalt  }
0x5a: {  	_ =	shalt  }
0x5b: {  	_ =	shalt  }
0x5c: {  	_ =	shalt  }
0x5d: {  	_ =	shalt  }
0x5e: {  	_ =	shalt  }
0x5f: {  	_ =	shalt  }
0x60: {  	_ =	shalt  }
0x61: {  	_ =	shalt  }
0x62: {  	_ =	shalt  }
0x63: {  	_ =	shalt  }
0x64: {  	_ =	shalt  }
0x65: {  	_ =	shalt  }
0x66: {  	_ =	shalt  }
0x67: {  	_ =	shalt  }
0x68: {  	_ =	shalt  }
0x69: {  	_ =	shalt  }
0x6a: {  	_ =	shalt  }
0x6b: {  	_ =	shalt  }
0x6c: {  	_ =	shalt  }
0x6d: {  	_ =	shalt  }
0x6e: {  	_ =	shalt  }
0x6f: {  	_ =	shalt  }
0x70: {  	_ =	shalt  }
0x71: {  	_ =	shalt  }
0x72: {  	_ =	shalt  }
0x73: {  	_ =	shalt  }
0x74: {  	_ =	shalt  }
0x75: {  	_ =	shalt  }
0x76: {  	_ =	shalt  }
0x77: {  	_ =	shalt  }
0x78: {  	_ =	shalt  }
0x79: {  	_ =	shalt  }
0x7a: {  	_ =	shalt  }
0x7b: {  	_ =	shalt  }
0x7c: {  	_ =	shalt  }
0x7d: {  	_ =	shalt  }
0x7e: {  	_ =	shalt  }
0x7f: {  	_ =	shalt  }
0x80: {  	_ =	shalt  }
0x81: {  	_ =	shalt  }
0x82: {  	_ =	shalt  }
0x83: {  	_ =	shalt  }
0x84: {  	_ =	shalt  }
0x85: {  	_ =	shalt  }
0x86: {  	_ =	shalt  }
0x87: {  	_ =	shalt  }
.Lfunc_end0:
.L_simem_size_0:
called_computation.1_lowered:
.L_overlay_start_0:
0x88: {  	s2 =	sld [smem:$0x3FD9]  }
0x89: {  	s3 =	sld [smem:$0x3FFE];
	_ =	sdelay $0x1  }
0x8a: {  	s1 =	srdreg.scid  }
0x8b: {  	s0 =	sand.u32 $0x1, s1  }
0x8c: {  	s16 =	sshll.u32 s0, $0xA;
	s2 =	sadd.s32 s3, s2  }
0x8d: {  	s2 =	sadd.s32 s2, s16  }
0x8e: {  	[smem:$0x3FC1] =	sst s2  }
0x8f: {  	_ = 	snop  }
0x90: {  	(tm) =	ssettm $0x1  }
0x91: {  	s17 =	sld [smem:$0x3FFB];
	_ =	sdelay $0x3  }
0x92: {  	_ =	strace s17  }
0x93: {  	s2 =	sld [smem:$0x3FFC];
	_ =	sdelay $0x3  }
0x94: {  	_ =	strace s2  }
0x95: {  	s2 =	sld [smem:$0x3FFD];
	_ =	sdelay $0x3  }
0x96: {  	_ =	strace s2  }
0x97: {  	_ =	strace $0x8FFFFFFF  }
0x98: {  	s18 =	sld [smem:$0x3FDB];
	_ =	sdelay $0x1  }
0x99: {  	s19 =	simm.s32 $_scs_section_size  }
0x9a: {  	s4 =	simm.s32 $_size__tile_overlayer_lowered;
	s5 =	simm.s32 $_tile_overlayer_lowered  }
0x9b: {  	s22 =	simm.s32 $0x1BFF;
	s21 =	sshll.u32 s5, $0x1;
	s2 =	sadd.s32 s19, s18  }
0x9c: {  	s6 =	simm.s32 $0x0;
	s20 =	sshll.u32 s4, $0x1;
	s4 =	sadd.s32 s21, s2  }
0x9d: {  	[timem:s6], [sflag:s22] =	dma.local [hbm:s4], s20  }
0x9e: {  	_ =	swait.ge [sflag:s22], s20  }
0x9f: {  	s3 =	ssub.s32 $0x0, s20;
	[sflag:s22] =	ssyncset.done $0x0  }
0xa0: {  	[sflag:s22] =	ssyncadd.s32 s3;
	_ =	sdelay $0x1  }
0xa1: {  	s23 =	simm.s32 $0x1B8B  }
0xa2: {  	_ =	swait.ge [sflag:s23], $0x1  }
0xa3: {  	[sflag:s23] =	ssyncset.done $0x0  }
0xa4: {  	s25 =	simm.s32 $0x1B8E;
	s24 =	sld [smem:$0x3FFE];
	[sflag:s23] =	ssyncadd.s32 $0xFFFFFFFF  }
0xa5: {  	s26 =	simm.s32 $execute0_lowered;
	[smem:$0x3FD2] =	sst s25  }
0xa6: {  	s4 =	sshll.u32 s26, $0x1;
	_ =	strace $0x80000049;
	[dreg:$0x1] =	wrdreg $0xFFFFFFFF  }
0xa7: {  	s28 =	simm.s32 $_size_execute0_lowered;
	s2 =	sadd.s32 s2, s4;
	[dreg:$0x0] =	wrdreg $0x0  }
0xa8: {  	s4 =	sshll.u32 s28, $0x1;
	[dreg:$0x2] =	wrdreg s2  }
0xa9: {  	[dreg:$0x3] =	wrdreg s4  }
0xaa: {  	[dreg:$0x4] =	wrdreg $0xC0  }
0xab: {  	_ =	task [dreg:s6], $0x5FFFF  }
0xac: {  	[dreg:$0x1] =	wrdreg $0xFFFFFFFF  }
0xad: {  	[dreg:$0x0] =	wrdreg $0x60  }
0xae: {  	[dreg:$0x2] =	wrdreg s24  }
0xaf: {  	[dreg:$0x3] =	wrdreg $0xBB000  }
0xb0: {  	[dreg:$0x4] =	wrdreg $0x9  }
0xb1: {  	_ =	task.clear_ibuf [dreg:s6], $0x5FFFF;
	_ =	strace $0x90000049  }
0xb2: {  	s29 =	simm.s32 $0x9;
	_ =	strace $0x8000004B  }
0xb3: {  	_ =	swait.ge [sflag:s29], $0x1  }
0xb4: {  	[sflag:s29] =	ssyncadd.s32 $0xFFFFFFFF  }
0xb5: {  	_ =	strace $0x9000004B  }
0xb6: {  	_ =	sfence  }
0xb7: {  	s30 =	sld [smem:$0x0];
	_ =	sdelay $0x2  }
0xb8: {  	s31 =	sshll.u32 s1, $0xD;
	s1 =	sshrl.u32 s1, $0x2  }
0xb9: {  	s3 =	sand.u32 $0x4000, s31;
	s1 =	sadd.s32 s1, s30  }
0xba: {  	s0 =	sor.u32 s3, s0;
	s1 =	sshll.u32 s1, $0x11  }
0xbb: {  	s0 =	sor.u32 s1, s0  }
0xbc: {  	s0 =	sadd.s32 $0x8F2B, s0  }
0xbd: {  	[sflag:s0] =	ssyncadd.remote.s32 $0x1  }
0xbe: {  	_ =	sfence.sel $0xFFFF  }
0xbf: {  	[dreg:$0x0] =	wrdreg $0xFFFFFFFF;
	(pc) =	sbr.abs _section_cstart, $3  }
0xc0: {  	[dreg:$0x1] =	wrdreg $0xFFFFFFFF  }
0xc1: {  	_ =	task.clear_ibuf [dreg:s6], $0x2FFFF;
	_ =	strace $0x9FFFFFFF  }
0xc2: {  	(tm) =	ssettm $0x7FFFFFFF  }
0xc3: {  	_ =	shalt  }
tec
execute0_lowered:
.L_overlay_start_1:
0x0: {  	(tag) =	ssettag $0x1  }
0x1: {  	s0 =	srdreg.scid;
	s5 =	rddreg [dreg:$0x0]  }
0x2: {  	s20 =	stileid.u32;
	s12 =	rddreg [dreg:$0x1];
	s2 =	simm.s32 $0x0  }
0x3: {  	s21 =	simm.s32 $0x4;
	s23 =	simm.s32 $0x100;
	s28 =	simm.s32 $0x1  }
0x4: {  	s29 =	simm.s32 $0x9300;
	s30 =	simm.s32 $0x2;
	s31 =	simm.s32 $0x3  }
0x5: {  	s0 =	sand.u32 $0x1, s0;
	[smem:$0x7FF] =	sst s2;
	s6 =	smul.u32 $0x4E000, s20  }
0x6: {  	s18 =	sadd.s32 $0x5A400, s5;
	s15 =	smul.u32 $0x13800, s20;
	p0 =	sne.s32 s20, $0xF  }
0x7: {  	s1 =	sshll.u32 s0, $0x4;
	_ =	strace $0x8000004A;
	s7 =	ssub.s32 $0x2, s0  }
0x8: {  	s0 =	smul.u32 $0x138800, s0;
	s1 =	sor.u32 s20, s1;
	s24 =	sshrl.u32 s6, $0x2  }
0x9: {  	s25 =	sshrl.u32 s7, $0x1;
	s20 =	simm.s32 $0x4300;
	s3 =	smul.u32 $0x7E00, s1  }
0xa: {  	s1 =	sshll.u32 s1, $0xB;
	s19 =	ssub.s32 s7, s25;
	s26 =	sadd.s32 s15, s0  }
0xb: {  	s0 =	sshrl.u32 s0, $0x3;
	s25 =	simm.s32 $0x50;
	s1 =	sadd.s32 s1, s5  }
0xc: {  	s0 =	sadd.s32 s18, s0;
	s19 =	smax.u32 s19, $0x1;
	s4 =	sshrl.u32 s3, $0x3  }
0xd: {  	s3 =	sadd.s32 $0x33200, s5;
	s13 =	sadd.s32 $0x3A00, s1;
	s1 =	sshrl.u32 s26, $0x3  }
0xe: {  	s26 =	simm.s32 $0x6B00;
	s16 =	sadd.s32 s4, s5;
	s4 =	sadd.s32 s24, s12  }
0xf: {  	s12 =	sadd.s32 $0x136000, s12;
	s17 =	sadd.s32 s18, s1;
	s18 =	sadd.s32 $0x24900, s0  }
0x10: {  	s24 =	simm.s32 $0x200;
	s1 =	simm.s32 $0x0;
	s5 =	sadd.s32 $0x2800, s4  }
0x11: {  	s6 =	sadd.s32 $0x5000, s4;
	s7 =	sadd.s32 $0x7800, s4;
	s8 =	sadd.s32 $0xA000, s4  }
0x12: {  	s9 =	sadd.s32 $0xC800, s4;
	s10 =	sadd.s32 $0xF000, s4;
	s11 =	sadd.s32 $0x11800, s4  }
0x13: {  	v0 =	vimm.f32 $0.0e+00;
	s14 =	sadd.s32 $0x13A00, s16;
	s15 =	sadd.s32 $0x13A20, s16;
	s16 =	sadd.s32 $0x13A40, s16  }
.LBB2_1:
0x14: {  	s0 =	simm.s32 $0x0;
	s22 =	simm.s32 $0x200  }
.LBB2_2:
0x15: {  	p1 =	sne.s32 s22, $0x9E00;
	[tilespmem:s0+$0x4370] =	vst v0  }
0x16: {  	[tilespmem:s0+$0x4300] =	vst v0  }
0x17: {  	[tilespmem:s0+$0x4310] =	vst v0  }
.Ltmp0:
0x18: {  	[tilespmem:s0+$0x4320] =	vst v0;
	(pc) =	sbr.rel @p1 .LBB2_2-.Ltmp0, $4  }
0x19: {  	[tilespmem:s0+$0x4330] =	vst v0  }
0x1a: {  	[tilespmem:s0+$0x4340] =	vst v0  }
0x1b: {  	[tilespmem:s0+$0x4350] =	vst v0  }
0x1c: {  	[tilespmem:s0+$0x4360] =	vst v0;
	s0 =	sshra.s32 s22, $0x2;
	s22 =	sadd.s32 $0x200, s22  }
0x1d: {  	[tilespmem:s0+$0x4370] =	vst v0  }
0x1e: {  	[tilespmem:s0+$0x4300] =	vst v0  }
0x1f: {  	[tilespmem:s0+$0x4310] =	vst v0  }
0x20: {  	[tilespmem:s0+$0x4320] =	vst v0  }
0x21: {  	[tilespmem:s0+$0x4330] =	vst v0  }
0x22: {  	[tilespmem:s0+$0x4340] =	vst v0  }
0x23: {  	[tilespmem:s0+$0x4350] =	vst v0  }
0x24: {  	[tilespmem:s0+$0x4360] =	vst v0  }
0x25: {  	[spmem:s4] =	stream.linear.scatter [tilespmem:s20], [sflag:$0x4], $0x2800, $0x38;
	[tilespmem:$0x1F380] =	vst v63  }
0x26: {  	_ =	swait.ge [sflag:s21], $0x2800  }
0x27: {  	[sflag:s21] =	ssyncset.done $0x0  }
0x28: {  	[sflag:s21] =	ssyncadd.s32 $0xFFFFD800  }
0x29: {  	[spmem:s5] =	stream.linear.scatter [tilespmem:s20], [sflag:$0x4], $0x2800, $0x38;
	[tilespmem:$0x1F380] =	vst v63  }
0x2a: {  	_ =	swait.ge [sflag:s21], $0x2800  }
0x2b: {  	[sflag:s21] =	ssyncset.done $0x0  }
0x2c: {  	[sflag:s21] =	ssyncadd.s32 $0xFFFFD800  }
0x2d: {  	[spmem:s6] =	stream.linear.scatter [tilespmem:s20], [sflag:$0x4], $0x2800, $0x38;
	[tilespmem:$0x1F380] =	vst v63  }
0x2e: {  	_ =	swait.ge [sflag:s21], $0x2800  }
0x2f: {  	[sflag:s21] =	ssyncset.done $0x0  }
0x30: {  	[sflag:s21] =	ssyncadd.s32 $0xFFFFD800  }
0x31: {  	[spmem:s7] =	stream.linear.scatter [tilespmem:s20], [sflag:$0x4], $0x2800, $0x38;
	[tilespmem:$0x1F380] =	vst v63  }
0x32: {  	_ =	swait.ge [sflag:s21], $0x2800  }
0x33: {  	[sflag:s21] =	ssyncset.done $0x0  }
0x34: {  	[sflag:s21] =	ssyncadd.s32 $0xFFFFD800  }
0x35: {  	[spmem:s8] =	stream.linear.scatter [tilespmem:s20], [sflag:$0x4], $0x2800, $0x38;
	[tilespmem:$0x1F380] =	vst v63  }
0x36: {  	_ =	swait.ge [sflag:s21], $0x2800  }
0x37: {  	[sflag:s21] =	ssyncset.done $0x0  }
0x38: {  	[sflag:s21] =	ssyncadd.s32 $0xFFFFD800  }
0x39: {  	[spmem:s9] =	stream.linear.scatter [tilespmem:s20], [sflag:$0x4], $0x2800, $0x38;
	[tilespmem:$0x1F380] =	vst v63  }
0x3a: {  	_ =	swait.ge [sflag:s21], $0x2800  }
0x3b: {  	[sflag:s21] =	ssyncset.done $0x0  }
0x3c: {  	[sflag:s21] =	ssyncadd.s32 $0xFFFFD800  }
0x3d: {  	[spmem:s10] =	stream.linear.scatter [tilespmem:s20], [sflag:$0x4], $0x2800, $0x38;
	[tilespmem:$0x1F380] =	vst v63  }
0x3e: {  	_ =	swait.ge [sflag:s21], $0x2800  }
0x3f: {  	[sflag:s21] =	ssyncset.done $0x0  }
0x40: {  	s0 =	simm.s32 @p0 $0x4300;
	[sflag:s21] =	ssyncadd.s32 $0xFFFFD800  }
0x41: {  	[spmem:s11] =	stream.linear.scatter @p0 [tilespmem:s0], [sflag:$0x4], $0x2000, $0x38;
	[tilespmem:$0x1F380] =	vst v63  }
0x42: {  	s0 =	simm.s32 @p0 $0x4  }
0x43: {  	_ =	swait.ge @p0 [sflag:s0], $0x2000  }
0x44: {  	[sflag:s0] =	ssyncset.done @p0 $0x0  }
0x45: {  	[sflag:s0] =	ssyncadd.s32 @p0 $0xFFFFE000;
	s0 =	simm.s32 @!p0 $0x4300  }
0x46: {  	[spmem:s12] =	stream.linear.scatter @!p0 [tilespmem:s0], [sflag:$0x4], $0x2800, $0x38;
	[tilespmem:$0x1F380] =	vst v63  }
0x47: {  	s0 =	simm.s32 @!p0 $0x4  }
0x48: {  	_ =	swait.ge @!p0 [sflag:s0], $0x2800  }
0x49: {  	[sflag:s0] =	ssyncset.done @!p0 $0x0  }
0x4a: {  	s22 =	simm.s32 $0x300;
	[sflag:s0] =	ssyncadd.s32 @!p0 $0xFFFFD800  }
0x4b: {  	[tilespmem:s22], [sflag:$0x4] =	stream.linear.gather [hbm4b:s13+s2], $0x3F00, $0x38;
	[tilespmem:$0x1F380] =	vst v63  }
0x4c: {  	_ =	swait.ge [sflag:s21], $0x3F00  }
0x4d: {  	[sflag:s21] =	ssyncset.done $0x0  }
0x4e: {  	[sflag:s21] =	ssyncadd.s32 $0xFFFFC100  }
0x4f: {  	[bflag:$0x0] =	sbarrier.arrive $0xFFFF  }
0x50: {  	[tilespmem:s2], [sflag:$0x4] =	stream.linear.gather [hbm4b:s14+s2], $0x100, $0x38;
	[tilespmem:$0x1F380] =	vst v63  }
0x51: {  	_ =	swait.ge [sflag:s21], $0x100  }
0x52: {  	[sflag:s21] =	ssyncset.done $0x0  }
0x53: {  	[sflag:s21] =	ssyncadd.s32 $0xFFFFFF00  }
0x54: {  	[tilespmem:s23], [sflag:$0x4] =	stream.linear.gather [hbm4b:s15+s2], $0x100, $0x38;
	[tilespmem:$0x1F380] =	vst v63  }
0x55: {  	_ =	swait.ge [sflag:s21], $0x100  }
0x56: {  	[sflag:s21] =	ssyncset.done $0x0  }
0x57: {  	[sflag:s21] =	ssyncadd.s32 $0xFFFFFF00  }
0x58: {  	[tilespmem:s24], [sflag:$0x4] =	stream.linear.gather [hbm4b:s16+s2], $0x100, $0x38;
	[tilespmem:$0x1F380] =	vst v63  }
0x59: {  	_ =	swait.ge [sflag:s21], $0x100  }
0x5a: {  	[sflag:s21] =	ssyncset.done $0x0  }
0x5b: {  	[sflag:s21] =	ssyncadd.s32 $0xFFFFFF00  }
0x5c: {  	[tilespmem:s20], [sflag:$0x1] =	stream.indirect.gather [hbm4b:s3+s25], $0x80, s2, s25, $0xb8;
	[tilespmem:$0x1F380] =	vst v63  }
0x5d: {  	_ = 	snop  }
0x5e: {  	[tilespmem:s26], [sflag:$0x2] =	stream.indirect.gather [hbm4b:s3+s25], $0x80, s23, s25, $0xb8;
	[tilespmem:$0x1F380] =	vst v63  }
0x5f: {  	_ =	swait.ge [sflag:s28], $0x2800  }
0x60: {  	[sflag:s28] =	ssyncset.done $0x0  }
0x61: {  	[sflag:s28] =	ssyncadd.s32 $0xFFFFD800  }
0x62: {  	[tilespmem:s29], [sflag:$0x3] =	stream.indirect.gather [hbm4b:s3+s25], $0x80, s24, s25, $0xb8;
	[tilespmem:$0x1F380] =	vst v63  }
0x63: {  	_ =	swait.ge [sflag:s30], $0x2800  }
0x64: {  	[sflag:s30] =	ssyncset.done $0x0  }
0x65: {  	[sflag:s30] =	ssyncadd.s32 $0xFFFFD800  }
0x66: {  	[tilespmem:s20], [sflag:$0x1] =	stream.indirect.gather [hbm4b:s3+s25], $0x80, s2, s25, $0xb8;
	[tilespmem:$0x1F380] =	vst v63  }
0x67: {  	_ =	swait.ge [sflag:s31], $0x2800  }
0x68: {  	[sflag:s31] =	ssyncset.done $0x0  }
0x69: {  	[sflag:s31] =	ssyncadd.s32 $0xFFFFD800  }
0x6a: {  	[tilespmem:s26], [sflag:$0x2] =	stream.indirect.gather [hbm4b:s3+s25], $0x80, s23, s25, $0xb8;
	[tilespmem:$0x1F380] =	vst v63  }
0x6b: {  	_ =	swait.ge [sflag:s28], $0x2800  }
0x6c: {  	[sflag:s28] =	ssyncset.done $0x0  }
0x6d: {  	[sflag:s28] =	ssyncadd.s32 $0xFFFFD800  }
0x6e: {  	[tilespmem:s29], [sflag:$0x3] =	stream.indirect.gather [hbm4b:s3+s25], $0x80, s24, s25, $0xb8;
	[tilespmem:$0x1F380] =	vst v63  }
0x6f: {  	_ =	swait.ge [sflag:s30], $0x2800  }
0x70: {  	[sflag:s30] =	ssyncset.done $0x0  }
0x71: {  	[sflag:s30] =	ssyncadd.s32 $0xFFFFD800  }
0x72: {  	[tilespmem:s20], [sflag:$0x1] =	stream.indirect.gather [hbm4b:s3+s25], $0x80, s2, s25, $0xb8;
	[tilespmem:$0x1F380] =	vst v63  }
0x73: {  	_ =	swait.ge [sflag:s31], $0x2800  }
0x74: {  	[sflag:s31] =	ssyncset.done $0x0  }
0x75: {  	s0 =	simm.s32 $0x27;
	[sflag:s31] =	ssyncadd.s32 $0xFFFFD800  }
.LBB2_4:
0x76: {  	[tilespmem:s26], [sflag:$0x2] =	stream.indirect.gather [hbm4b:s3+s25], $0x80, s23, s25, $0xb8;
	[tilespmem:$0x1F380] =	vst v63  }
0x77: {  	p1 =	sne.s32 s0, $0x1;
	s0 =	sadd.s32 $0xFFFFFFFF, s0;
	_ =	swait.ge [sflag:s28], $0x2800  }
0x78: {  	[sflag:s28] =	ssyncset.done $0x0  }
0x79: {  	[sflag:s28] =	ssyncadd.s32 $0xFFFFD800  }
0x7a: {  	[tilespmem:s29], [sflag:$0x3] =	stream.indirect.gather [hbm4b:s3+s25], $0x80, s24, s25, $0xb8;
	[tilespmem:$0x1F380] =	vst v63  }
0x7b: {  	_ =	swait.ge [sflag:s30], $0x2800  }
0x7c: {  	[sflag:s30] =	ssyncset.done $0x0  }
.Ltmp1:
0x7d: {  	[sflag:s30] =	ssyncadd.s32 $0xFFFFD800;
	(pc) =	sbr.rel @p1 .LBB2_4-.Ltmp1, $4  }
0x7e: {  	[tilespmem:s20], [sflag:$0x1] =	stream.indirect.gather [hbm4b:s3+s25], $0x80, s2, s25, $0xb8;
	[tilespmem:$0x1F380] =	vst v63  }
0x7f: {  	_ =	swait.ge [sflag:s31], $0x2800  }
0x80: {  	[sflag:s31] =	ssyncset.done $0x0  }
0x81: {  	[sflag:s31] =	ssyncadd.s32 $0xFFFFD800  }
0x82: {  	[tilespmem:s26], [sflag:$0x2] =	stream.indirect.gather [hbm4b:s3+s25], $0x80, s23, s25, $0xb8;
	[tilespmem:$0x1F380] =	vst v63  }
0x83: {  	_ =	swait.ge [sflag:s28], $0x2800  }
0x84: {  	[sflag:s28] =	ssyncset.done $0x0  }
0x85: {  	[sflag:s28] =	ssyncadd.s32 $0xFFFFD800  }
0x86: {  	[tilespmem:s29], [sflag:$0x3] =	stream.indirect.gather [hbm4b:s3+s25], $0x80, s24, s25, $0xb8;
	[tilespmem:$0x1F380] =	vst v63  }
0x87: {  	_ =	swait.ge [sflag:s30], $0x2800  }
0x88: {  	[sflag:s30] =	ssyncset.done $0x0  }
0x89: {  	[sflag:s30] =	ssyncadd.s32 $0xFFFFD800  }
0x8a: {  	_ =	swait.ge [sflag:s31], $0x2800  }
0x8b: {  	s0 =	stileid.u32;
	[sflag:s31] =	ssyncset.done $0x0  }
0x8c: {  	s0 =	sshll.u32 @p0 s0, $0x6;
	[sflag:s31] =	ssyncadd.s32 $0xFFFFD800  }
0x8d: {  	s22 =	sshrl.u32 @p0 s4, $0x3;
	s0 =	sor.u32 @p0 $0x1C04, s0;
	[bflag:$0x0] =	sbarrier.arrive $0xFFFF  }
0x8e: {  	[hbm:s17], [sflag:s0] =	dma.local @p0 [spmem:s22], $0x2700  }
0x8f: {  	s0 =	simm.s32 @p0 $0x4  }
0x90: {  	s1 =	sadd.s32 $0x1, s1;
	_ =	swait.ge @p0 [sflag:s0], $0x2700  }
0x91: {  	p1 =	sne.s32 s1, s19;
	[sflag:s0] =	ssyncset.done @p0 $0x0  }
0x92: {  	s22 =	simm.s32 @!p0 $0x1FC4;
	[sflag:s0] =	ssyncadd.s32 @p0 $0xFFFFD900;
	s0 =	sshrl.u32 @!p0 s4, $0x3  }
0x93: {  	[hbm:s18], [sflag:s22] =	dma.local @!p0 [spmem:s0], $0x2800  }
.Ltmp2:
0x94: {  	_ = 	snop;
	(pc) =	sbr.rel @p1 .LBB2_1-.Ltmp2, $4  }
0x95: {  	s0 =	simm.s32 @!p0 $0x4  }
0x96: {  	_ =	swait.ge @!p0 [sflag:s0], $0x2800  }
0x97: {  	[sflag:s0] =	ssyncset.done @!p0 $0x0  }
0x98: {  	[sflag:s0] =	ssyncadd.s32 @!p0 $0xFFFFD800  }
0x99: {  	_ =	sfence.sel $0x180000  }
0x9a: {  	[bflag:$0x0] =	sbarrier.arrive $0xFFFF  }
0x9b: {  	_ =	strace $0x9000004A  }
0x9c: {  	s0 =	stileid.u32;
	[bflag:$0x2] =	sbarrier.arrive $0xFFFF  }
0x9d: {  	p0 =	sne.s32 s0, $0x0;
	s0 =	rddreg [dreg:$0x2]  }
0x9e: {  	s0 =	sadd.s32 @!p0 $0x100000, s0  }
0x9f: {  	[sflag:s0] =	ssyncadd.tile.s32 @!p0 $0x1;
	_ =	shalt  }
.Lfunc_end2:
_tile_overlayer_lowered:
.L_overlay_start_2:
0xa0: {  	(tag) =	ssettag $0x2  }
0xa1: {  	s0 =	rddreg [dreg:$0x0];
	s2 =	stileid.u32  }
0xa2: {  	s1 =	rddreg [dreg:$0x1];
	p0 =	sne.s32 s2, $0x0  }
0xa3: {  	s3 =	rddreg [dreg:$0x2];
	[bflag:$0x3] =	sbarrier.arrive $0xFFFF;
	s2 =	simm.s32 @!p0 $0x1C04  }
0xa4: {  	[timem:s3], [sflag:s2] =	dma.local @!p0 [hbm:s0], s1  }
0xa5: {  	s0 =	simm.s32 @!p0 $0x4  }
0xa6: {  	_ =	swait.ge @!p0 [sflag:s0], s1  }
0xa7: {  	s1 =	ssub.s32 @!p0 $0x0, s1;
	[sflag:s0] =	ssyncset.done @!p0 $0x0  }
0xa8: {  	[sflag:s0] =	ssyncadd.s32 @!p0 s1  }
0xa9: {  	[bflag:$0x3] =	sbarrier.arrive $0xFFFF  }
0xaa: {  	_ =	shalt  }

// kernel: kernel.17.cloned.1.call-start
scs
__scs_entry_jumppad:
0x0: {  	(pc) =	sbr.rel $0x88, $3  }
0x1: {  	(tag) =	ssettag $0x0;
	lr =	simm.s32 $0x1  }
0x2: {  	[smem:$0x3F9A] =	sst lr;
	_ =	strace $0xD0000000  }
0x3: {  	_ = 	snop  }
0x4: {  	_ = 	snop  }
0x5: {  	_ = 	snop  }
0x6: {  	_ = 	snop  }
0x7: {  	_ = 	snop  }
__scs_overlays_trampoline_lowered:
0x8: {  	[smem:$0x3FA9] =	sst s0  }
0x9: {  	[smem:$0x3FAA] =	sst s1  }
0xa: {  	[smem:$0x3FAB] =	sst s2  }
0xb: {  	[smem:$0x3FAC] =	sst s3  }
0xc: {  	[smem:$0x3FAD] =	sst s4  }
0xd: {  	[smem:$0x3FAE] =	sst s5  }
0xe: {  	[smem:$0x3FAF] =	sst s6  }
0xf: {  	[smem:$0x3FB0] =	sst s7  }
0x10: {  	[smem:$0x3FB1] =	sst s8  }
0x11: {  	[smem:$0x3FB2] =	sst s9;
	s0 =	simm.s32 @!p0 $0x0  }
0x12: {  	s1 =	sld [smem:$0x3F98];
	s0 =	simm.s32 @p0 $0x1  }
0x13: {  	[smem:$0x3FB3] =	sst s0;
	s0 =	simm.s32 @!p1 $0x0  }
0x14: {  	s2 =	sld [smem:$0x3F97];
	s0 =	simm.s32 @p1 $0x1  }
0x15: {  	[smem:$0x3FB4] =	sst s0;
	s0 =	simm.s32 @!p2 $0x0  }
0x16: {  	s3 =	sld [smem:$0x3FDB];
	s0 =	simm.s32 @p2 $0x1  }
0x17: {  	s4 =	simm.s32 $0x1BF5;
	[smem:$0x3FB6] =	sst s0  }
0x18: {  	s0 =	sld [smem:$0x3F99];
	_ =	swait.ge [sflag:s4], $0x0  }
0x19: {  	s7 =	sld [smem:$0x3F9A]  }
0x1a: {  	s8 =	sadd.s32 $0xFFFFE003, lr  }
0x1b: {  	s9 =	sadd.s32 $0xFFFFFEF7, lr;
	s5 =	simm.s32 $0xFFFFFFFF;
	p2 =	slt.u32 s8, $0xFFFFF086  }
0x1c: {  	p1 =	slt.u32 s9, $0xF7A;
	s5 =	simm.s32 @!p2 $0x0  }
0x1d: {  	s5 =	simm.s32 @p1 $0x1;
	p0 =	seq.s32 s7, s2  }
0x1e: {  	s7 =	smul.u32 @!p0 $0xF7A, s2;
	p2 =	seq.s32 @!p0 s5, $0x0  }
0x1f: {  	s9 =	smul.u32 $0xF7A, s1;
	s8 =	simm.s32 @!p0 $0x1BF5;
	p2 =	por !p2, p0  }
0x20: {  	[sflag:s8] =	ssyncset.s32 @!p0 $0xFFFFF086;
	s6 =	sadd.s32 @!p0 s3, s7;
	s7 =	simm.s32 @!p0 $0x108  }
0x21: {  	s3 =	sadd.s32 s3, s9;
	s6 =	sadd.s32 @!p0 $0x88, s6;
	s7 =	simm.s32 @p2 $0x1082  }
0x22: {  	[simem:s7], [sflag:s8] =	dma.local @!p0 [hbm:s6], $0xF7A  }
0x23: {  	s9 =	sor.u32 $0xD0000000, s2;
	s6 =	simm.s32 $0x108;
	_ =	swait.ge @!p0 [sflag:s8], $0x0  }
0x24: {  	s3 =	sadd.s32 $0x88, s3;
	s6 =	simm.s32 @!p1 $0x1082;
	[sflag:s4] =	ssyncset.s32 $0xFFFFF086  }
0x25: {  	[simem:s6], [sflag:s4] =	dma.local [hbm:s3], $0xF7A  }
0x26: {  	[smem:$0x3F9A] =	sst s1;
	(tag) =	ssettag s2;
	_ =	strace s9  }
0x27: {  	s1 =	sld [smem:$0x3FAA]  }
0x28: {  	s2 =	sld [smem:$0x3FAB]  }
0x29: {  	s4 =	sld [smem:$0x3FAD]  }
0x2a: {  	p0 =	seq.s32 s5, $0x0;
	s5 =	sld [smem:$0x3FAE]  }
0x2b: {  	s6 =	sld [smem:$0x3FAF]  }
0x2c: {  	s7 =	sld [smem:$0x3FB0]  }
0x2d: {  	s3 =	simm.s32 $0x108;
	s8 =	sld [smem:$0x3FB1]  }
0x2e: {  	s3 =	simm.s32 @!p0 $0x1082;
	s9 =	sld [smem:$0x3FB2]  }
0x2f: {  	lr =	sadd.s32 s0, s3;
	s0 =	sld [smem:$0x3FA9]  }
0x30: {  	s3 =	sld [smem:$0x3FAC]  }
0x31: {  	[smem:$0x3FB5] =	sst s10  }
0x32: {  	s10 =	sld [smem:$0x3FB3];
	_ =	sdelay $0x3  }
0x33: {  	p0 =	seq.s32 s10, $0x1;
	s10 =	sld [smem:$0x3FB5];
	_ =	sdelay $0x3  }
0x34: {  	[smem:$0x3FB5] =	sst s10  }
0x35: {  	s10 =	sld [smem:$0x3FB4];
	_ =	sdelay $0x3  }
0x36: {  	p1 =	seq.s32 s10, $0x1;
	s10 =	sld [smem:$0x3FB5];
	_ =	sdelay $0x3  }
0x37: {  	[smem:$0x3FB5] =	sst s10  }
0x38: {  	s10 =	sld [smem:$0x3FB6]  }
0x39: {  	_ = 	snop;
	(pc) =	sbr.ind lr, $3  }
0x3a: {  	_ = 	snop  }
0x3b: {  	_ = 	snop  }
0x3c: {  	p2 =	seq.s32 s10, $0x1;
	s10 =	sld [smem:$0x3FB5]  }
0x3d: {  	_ =	shalt  }
0x3e: {  	_ =	shalt  }
0x3f: {  	_ =	shalt  }
0x40: {  	_ =	shalt  }
0x41: {  	_ =	shalt  }
0x42: {  	_ =	shalt  }
0x43: {  	_ =	shalt  }
0x44: {  	_ =	shalt  }
0x45: {  	_ =	shalt  }
0x46: {  	_ =	shalt  }
0x47: {  	_ =	shalt  }
0x48: {  	_ =	shalt  }
0x49: {  	_ =	shalt  }
0x4a: {  	_ =	shalt  }
0x4b: {  	_ =	shalt  }
0x4c: {  	_ =	shalt  }
0x4d: {  	_ =	shalt  }
0x4e: {  	_ =	shalt  }
0x4f: {  	_ =	shalt  }
0x50: {  	_ =	shalt  }
0x51: {  	_ =	shalt  }
0x52: {  	_ =	shalt  }
0x53: {  	_ =	shalt  }
0x54: {  	_ =	shalt  }
0x55: {  	_ =	shalt  }
0x56: {  	_ =	shalt  }
0x57: {  	_ =	shalt  }
0x58: {  	_ =	shalt  }
0x59: {  	_ =	shalt  }
0x5a: {  	_ =	shalt  }
0x5b: {  	_ =	shalt  }
0x5c: {  	_ =	shalt  }
0x5d: {  	_ =	shalt  }
0x5e: {  	_ =	shalt  }
0x5f: {  	_ =	shalt  }
0x60: {  	_ =	shalt  }
0x61: {  	_ =	shalt  }
0x62: {  	_ =	shalt  }
0x63: {  	_ =	shalt  }
0x64: {  	_ =	shalt  }
0x65: {  	_ =	shalt  }
0x66: {  	_ =	shalt  }
0x67: {  	_ =	shalt  }
0x68: {  	_ =	shalt  }
0x69: {  	_ =	shalt  }
0x6a: {  	_ =	shalt  }
0x6b: {  	_ =	shalt  }
0x6c: {  	_ =	shalt  }
0x6d: {  	_ =	shalt  }
0x6e: {  	_ =	shalt  }
0x6f: {  	_ =	shalt  }
0x70: {  	_ =	shalt  }
0x71: {  	_ =	shalt  }
0x72: {  	_ =	shalt  }
0x73: {  	_ =	shalt  }
0x74: {  	_ =	shalt  }
0x75: {  	_ =	shalt  }
0x76: {  	_ =	shalt  }
0x77: {  	_ =	shalt  }
0x78: {  	_ =	shalt  }
0x79: {  	_ =	shalt  }
0x7a: {  	_ =	shalt  }
0x7b: {  	_ =	shalt  }
0x7c: {  	_ =	shalt  }
0x7d: {  	_ =	shalt  }
0x7e: {  	_ =	shalt  }
0x7f: {  	_ =	shalt  }
0x80: {  	_ =	shalt  }
0x81: {  	_ =	shalt  }
0x82: {  	_ =	shalt  }
0x83: {  	_ =	shalt  }
0x84: {  	_ =	shalt  }
0x85: {  	_ =	shalt  }
0x86: {  	_ =	shalt  }
0x87: {  	_ =	shalt  }
.Lfunc_end0:
.L_simem_size_0:
called_computation.2_lowered:
.L_overlay_start_0:
0x88: {  	s2 =	sld [smem:$0x3FD9]  }
0x89: {  	s3 =	sld [smem:$0x3FFE];
	_ =	sdelay $0x1  }
0x8a: {  	s1 =	srdreg.scid  }
0x8b: {  	s0 =	sand.u32 $0x1, s1  }
0x8c: {  	s17 =	sshll.u32 s0, $0xA;
	s2 =	sadd.s32 s3, s2  }
0x8d: {  	s2 =	sadd.s32 s2, s17  }
0x8e: {  	[smem:$0x3FC1] =	sst s2  }
0x8f: {  	_ = 	snop  }
0x90: {  	s2 =	sld [smem:$0x3FD0];
	(tm) =	ssettm $0x1  }
0x91: {  	s18 =	sld [smem:$0x3FFB];
	_ =	sdelay $0x3  }
0x92: {  	_ =	strace s18  }
0x93: {  	s3 =	sld [smem:$0x3FFC];
	_ =	sdelay $0x3  }
0x94: {  	_ =	strace s3  }
0x95: {  	s3 =	sld [smem:$0x3FFD];
	_ =	sdelay $0x3  }
0x96: {  	_ =	strace s3  }
0x97: {  	_ =	strace $0x8FFFFFFF  }
0x98: {  	s19 =	sld [smem:$0x3FDB];
	_ =	sdelay $0x1  }
0x99: {  	s4 =	simm.s32 $_scs_section_size  }
0x9a: {  	s5 =	simm.s32 $_size__tile_overlayer_lowered;
	s6 =	simm.s32 $_tile_overlayer_lowered  }
0x9b: {  	s22 =	simm.s32 $0x1BFF;
	s21 =	sshll.u32 s6, $0x1;
	s3 =	sadd.s32 s4, s19  }
0x9c: {  	s7 =	simm.s32 $0x0;
	s20 =	sshll.u32 s5, $0x1;
	s5 =	sadd.s32 s21, s3  }
0x9d: {  	[timem:s7], [sflag:s22] =	dma.local [hbm:s5], s20  }
0x9e: {  	_ =	swait.ge [sflag:s22], s20  }
0x9f: {  	s4 =	ssub.s32 $0x0, s20;
	[sflag:s22] =	ssyncset.done $0x0  }
0xa0: {  	[sflag:s22] =	ssyncadd.s32 s4;
	_ =	sdelay $0x1  }
0xa1: {  	s23 =	simm.s32 $0x1B8B  }
0xa2: {  	_ =	swait.ge [sflag:s23], $0x1  }
0xa3: {  	[sflag:s23] =	ssyncset.done $0x0  }
0xa4: {  	s25 =	simm.s32 $0x1B8E;
	s24 =	sld [smem:$0x3FFE];
	[sflag:s23] =	ssyncadd.s32 $0xFFFFFFFF  }
0xa5: {  	s26 =	simm.s32 $execute0_lowered;
	[smem:$0x3FD2] =	sst s25  }
0xa6: {  	s5 =	sshll.u32 s26, $0x1;
	_ =	strace $0x8000004C;
	[dreg:$0x1] =	wrdreg $0xFFFFFFFF  }
0xa7: {  	s28 =	simm.s32 $_size_execute0_lowered;
	s3 =	sadd.s32 s3, s5;
	[dreg:$0x0] =	wrdreg $0x0  }
0xa8: {  	s5 =	sshll.u32 s28, $0x1;
	[dreg:$0x2] =	wrdreg s3  }
0xa9: {  	[dreg:$0x3] =	wrdreg s5  }
0xaa: {  	[dreg:$0x4] =	wrdreg $0xC0  }
0xab: {  	_ =	task [dreg:s7], $0x5FFFF  }
0xac: {  	[dreg:$0x1] =	wrdreg $0xFFFFFFFF  }
0xad: {  	[dreg:$0x0] =	wrdreg $0x60  }
0xae: {  	[dreg:$0x2] =	wrdreg s2  }
0xaf: {  	[dreg:$0x3] =	wrdreg s24  }
0xb0: {  	[dreg:$0x4] =	wrdreg $0xBB000  }
0xb1: {  	[dreg:$0x5] =	wrdreg $0x9  }
0xb2: {  	_ =	task.clear_ibuf [dreg:s7], $0x6FFFF;
	_ =	strace $0x9000004C  }
0xb3: {  	s29 =	simm.s32 $0x9;
	_ =	strace $0x8000004E  }
0xb4: {  	_ =	swait.ge [sflag:s29], $0x1  }
0xb5: {  	[sflag:s29] =	ssyncadd.s32 $0xFFFFFFFF  }
0xb6: {  	_ =	strace $0x9000004E  }
0xb7: {  	_ =	sfence  }
0xb8: {  	s30 =	sld [smem:$0x0];
	_ =	sdelay $0x2  }
0xb9: {  	s31 =	sshll.u32 s1, $0xD;
	s1 =	sshrl.u32 s1, $0x2  }
0xba: {  	s3 =	sand.u32 $0x4000, s31;
	s1 =	sadd.s32 s1, s30  }
0xbb: {  	s0 =	sor.u32 s3, s0;
	s1 =	sshll.u32 s1, $0x11  }
0xbc: {  	s0 =	sor.u32 s1, s0  }
0xbd: {  	s0 =	sadd.s32 $0x8F2B, s0  }
0xbe: {  	[sflag:s0] =	ssyncadd.remote.s32 $0x1  }
0xbf: {  	_ =	sfence.sel $0xFFFF  }
0xc0: {  	[dreg:$0x0] =	wrdreg $0xFFFFFFFF;
	(pc) =	sbr.abs _section_cstart, $3  }
0xc1: {  	[dreg:$0x1] =	wrdreg $0xFFFFFFFF  }
0xc2: {  	_ =	task.clear_ibuf [dreg:s7], $0x2FFFF;
	_ =	strace $0x9FFFFFFF  }
0xc3: {  	(tm) =	ssettm $0x7FFFFFFF  }
tec
execute0_lowered:
.L_overlay_start_1:
0x0: {  	(tag) =	ssettag $0x1  }
0x1: {  	s1 =	rddreg [dreg:$0x0]  }
0x2: {  	s0 =	srdreg.scid;
	s5 =	rddreg [dreg:$0x1]  }
0x3: {  	s20 =	stileid.u32;
	s12 =	rddreg [dreg:$0x2]  }
0x4: {  	s3 =	simm.s32 $0x0;
	s21 =	simm.s32 $0x4;
	s23 =	simm.s32 $0x100  }
0x5: {  	s28 =	simm.s32 $0x1;
	s29 =	simm.s32 $0x9300;
	s30 =	simm.s32 $0x2  }
0x6: {  	s31 =	simm.s32 $0x3;
	s0 =	sand.u32 $0x1, s0;
	s6 =	smul.u32 $0x4E000, s20  }
0x7: {  	[smem:$0x7FF] =	sst s3;
	s18 =	sadd.s32 $0x33200, s5;
	s15 =	smul.u32 $0x13800, s20  }
0x8: {  	p0 =	sne.s32 s20, $0xF;
	s2 =	sshll.u32 s0, $0x4;
	_ =	strace $0x8000004D  }
0x9: {  	s7 =	ssub.s32 $0x2, s0;
	s0 =	smul.u32 $0x138800, s0;
	s2 =	sor.u32 s20, s2  }
0xa: {  	s24 =	sshrl.u32 s6, $0x2;
	s25 =	sshrl.u32 s7, $0x1;
	s20 =	simm.s32 $0x4300  }
0xb: {  	s4 =	smul.u32 $0x7E00, s2;
	s2 =	sshll.u32 s2, $0xB;
	s19 =	ssub.s32 s7, s25  }
0xc: {  	s26 =	sadd.s32 s15, s0;
	s0 =	sshrl.u32 s0, $0x3;
	s25 =	simm.s32 $0x50  }
0xd: {  	s2 =	sadd.s32 s2, s5;
	s0 =	sadd.s32 s18, s0;
	s19 =	smax.u32 s19, $0x1  }
0xe: {  	s4 =	sshrl.u32 s4, $0x3;
	s13 =	sadd.s32 $0x3A00, s2;
	s2 =	sshrl.u32 s26, $0x3  }
0xf: {  	s26 =	simm.s32 $0x6B00;
	s16 =	sadd.s32 s4, s5;
	s4 =	sadd.s32 s24, s12  }
0x10: {  	s12 =	sadd.s32 $0x136000, s12;
	s17 =	sadd.s32 s18, s2;
	s18 =	sadd.s32 $0x24900, s0  }
0x11: {  	s24 =	simm.s32 $0x200;
	s2 =	simm.s32 $0x0;
	s5 =	sadd.s32 $0x2800, s4  }
0x12: {  	s6 =	sadd.s32 $0x5000, s4;
	s7 =	sadd.s32 $0x7800, s4;
	s8 =	sadd.s32 $0xA000, s4  }
0x13: {  	s9 =	sadd.s32 $0xC800, s4;
	s10 =	sadd.s32 $0xF000, s4;
	s11 =	sadd.s32 $0x11800, s4  }
0x14: {  	v0 =	vimm.f32 $0.0e+00;
	s14 =	sadd.s32 $0x13A00, s16;
	s15 =	sadd.s32 $0x13A20, s16;
	s16 =	sadd.s32 $0x13A40, s16  }
.LBB2_1:
0x15: {  	s0 =	simm.s32 $0x0;
	s22 =	simm.s32 $0x200  }
.LBB2_2:
0x16: {  	p1 =	sne.s32 s22, $0x9E00;
	[tilespmem:s0+$0x4370] =	vst v0  }
0x17: {  	[tilespmem:s0+$0x4300] =	vst v0  }
0x18: {  	[tilespmem:s0+$0x4310] =	vst v0  }
.Ltmp0:
0x19: {  	[tilespmem:s0+$0x4320] =	vst v0;
	(pc) =	sbr.rel @p1 .LBB2_2-.Ltmp0, $4  }
0x1a: {  	[tilespmem:s0+$0x4330] =	vst v0  }
0x1b: {  	[tilespmem:s0+$0x4340] =	vst v0  }
0x1c: {  	[tilespmem:s0+$0x4350] =	vst v0  }
0x1d: {  	[tilespmem:s0+$0x4360] =	vst v0;
	s0 =	sshra.s32 s22, $0x2;
	s22 =	sadd.s32 $0x200, s22  }
0x1e: {  	[tilespmem:s0+$0x4370] =	vst v0  }
0x1f: {  	[tilespmem:s0+$0x4300] =	vst v0  }
0x20: {  	[tilespmem:s0+$0x4310] =	vst v0  }
0x21: {  	[tilespmem:s0+$0x4320] =	vst v0  }
0x22: {  	[tilespmem:s0+$0x4330] =	vst v0  }
0x23: {  	[tilespmem:s0+$0x4340] =	vst v0  }
0x24: {  	[tilespmem:s0+$0x4350] =	vst v0  }
0x25: {  	[tilespmem:s0+$0x4360] =	vst v0  }
0x26: {  	[spmem:s4] =	stream.linear.scatter [tilespmem:s20], [sflag:$0x4], $0x2800, $0x38;
	[tilespmem:$0x1F380] =	vst v63  }
0x27: {  	_ =	swait.ge [sflag:s21], $0x2800  }
0x28: {  	[sflag:s21] =	ssyncset.done $0x0  }
0x29: {  	[sflag:s21] =	ssyncadd.s32 $0xFFFFD800  }
0x2a: {  	[spmem:s5] =	stream.linear.scatter [tilespmem:s20], [sflag:$0x4], $0x2800, $0x38;
	[tilespmem:$0x1F380] =	vst v63  }
0x2b: {  	_ =	swait.ge [sflag:s21], $0x2800  }
0x2c: {  	[sflag:s21] =	ssyncset.done $0x0  }
0x2d: {  	[sflag:s21] =	ssyncadd.s32 $0xFFFFD800  }
0x2e: {  	[spmem:s6] =	stream.linear.scatter [tilespmem:s20], [sflag:$0x4], $0x2800, $0x38;
	[tilespmem:$0x1F380] =	vst v63  }
0x2f: {  	_ =	swait.ge [sflag:s21], $0x2800  }
0x30: {  	[sflag:s21] =	ssyncset.done $0x0  }
0x31: {  	[sflag:s21] =	ssyncadd.s32 $0xFFFFD800  }
0x32: {  	[spmem:s7] =	stream.linear.scatter [tilespmem:s20], [sflag:$0x4], $0x2800, $0x38;
	[tilespmem:$0x1F380] =	vst v63  }
0x33: {  	_ =	swait.ge [sflag:s21], $0x2800  }
0x34: {  	[sflag:s21] =	ssyncset.done $0x0  }
0x35: {  	[sflag:s21] =	ssyncadd.s32 $0xFFFFD800  }
0x36: {  	[spmem:s8] =	stream.linear.scatter [tilespmem:s20], [sflag:$0x4], $0x2800, $0x38;
	[tilespmem:$0x1F380] =	vst v63  }
0x37: {  	_ =	swait.ge [sflag:s21], $0x2800  }
0x38: {  	[sflag:s21] =	ssyncset.done $0x0  }
0x39: {  	[sflag:s21] =	ssyncadd.s32 $0xFFFFD800  }
0x3a: {  	[spmem:s9] =	stream.linear.scatter [tilespmem:s20], [sflag:$0x4], $0x2800, $0x38;
	[tilespmem:$0x1F380] =	vst v63  }
0x3b: {  	_ =	swait.ge [sflag:s21], $0x2800  }
0x3c: {  	[sflag:s21] =	ssyncset.done $0x0  }
0x3d: {  	[sflag:s21] =	ssyncadd.s32 $0xFFFFD800  }
0x3e: {  	[spmem:s10] =	stream.linear.scatter [tilespmem:s20], [sflag:$0x4], $0x2800, $0x38;
	[tilespmem:$0x1F380] =	vst v63  }
0x3f: {  	_ =	swait.ge [sflag:s21], $0x2800  }
0x40: {  	[sflag:s21] =	ssyncset.done $0x0  }
0x41: {  	s0 =	simm.s32 @p0 $0x4300;
	[sflag:s21] =	ssyncadd.s32 $0xFFFFD800  }
0x42: {  	[spmem:s11] =	stream.linear.scatter @p0 [tilespmem:s0], [sflag:$0x4], $0x2000, $0x38;
	[tilespmem:$0x1F380] =	vst v63  }
0x43: {  	s0 =	simm.s32 @p0 $0x4  }
0x44: {  	_ =	swait.ge @p0 [sflag:s0], $0x2000  }
0x45: {  	[sflag:s0] =	ssyncset.done @p0 $0x0  }
0x46: {  	[sflag:s0] =	ssyncadd.s32 @p0 $0xFFFFE000;
	s0 =	simm.s32 @!p0 $0x4300  }
0x47: {  	[spmem:s12] =	stream.linear.scatter @!p0 [tilespmem:s0], [sflag:$0x4], $0x2800, $0x38;
	[tilespmem:$0x1F380] =	vst v63  }
0x48: {  	s0 =	simm.s32 @!p0 $0x4  }
0x49: {  	_ =	swait.ge @!p0 [sflag:s0], $0x2800  }
0x4a: {  	[sflag:s0] =	ssyncset.done @!p0 $0x0  }
0x4b: {  	s22 =	simm.s32 $0x300;
	[sflag:s0] =	ssyncadd.s32 @!p0 $0xFFFFD800  }
0x4c: {  	[tilespmem:s22], [sflag:$0x4] =	stream.linear.gather [hbm4b:s13+s3], $0x3F00, $0x38;
	[tilespmem:$0x1F380] =	vst v63  }
0x4d: {  	_ =	swait.ge [sflag:s21], $0x3F00  }
0x4e: {  	[sflag:s21] =	ssyncset.done $0x0  }
0x4f: {  	[sflag:s21] =	ssyncadd.s32 $0xFFFFC100  }
0x50: {  	[bflag:$0x0] =	sbarrier.arrive $0xFFFF  }
0x51: {  	[tilespmem:s3], [sflag:$0x4] =	stream.linear.gather [hbm4b:s14+s3], $0x100, $0x38;
	[tilespmem:$0x1F380] =	vst v63  }
0x52: {  	_ =	swait.ge [sflag:s21], $0x100  }
0x53: {  	[sflag:s21] =	ssyncset.done $0x0  }
0x54: {  	[sflag:s21] =	ssyncadd.s32 $0xFFFFFF00  }
0x55: {  	[tilespmem:s23], [sflag:$0x4] =	stream.linear.gather [hbm4b:s15+s3], $0x100, $0x38;
	[tilespmem:$0x1F380] =	vst v63  }
0x56: {  	_ =	swait.ge [sflag:s21], $0x100  }
0x57: {  	[sflag:s21] =	ssyncset.done $0x0  }
0x58: {  	[sflag:s21] =	ssyncadd.s32 $0xFFFFFF00  }
0x59: {  	[tilespmem:s24], [sflag:$0x4] =	stream.linear.gather [hbm4b:s16+s3], $0x100, $0x38;
	[tilespmem:$0x1F380] =	vst v63  }
0x5a: {  	_ =	swait.ge [sflag:s21], $0x100  }
0x5b: {  	[sflag:s21] =	ssyncset.done $0x0  }
0x5c: {  	[sflag:s21] =	ssyncadd.s32 $0xFFFFFF00  }
0x5d: {  	[tilespmem:s20], [sflag:$0x1] =	stream.indirect.gather [hbm4b:s1+s25], $0x80, s3, s25, $0xb8;
	[tilespmem:$0x1F380] =	vst v63  }
0x5e: {  	_ = 	snop  }
0x5f: {  	[tilespmem:s26], [sflag:$0x2] =	stream.indirect.gather [hbm4b:s1+s25], $0x80, s23, s25, $0xb8;
	[tilespmem:$0x1F380] =	vst v63  }
0x60: {  	_ =	swait.ge [sflag:s28], $0x2800  }
0x61: {  	[sflag:s28] =	ssyncset.done $0x0  }
0x62: {  	[sflag:s28] =	ssyncadd.s32 $0xFFFFD800  }
0x63: {  	[tilespmem:s29], [sflag:$0x3] =	stream.indirect.gather [hbm4b:s1+s25], $0x80, s24, s25, $0xb8;
	[tilespmem:$0x1F380] =	vst v63  }
0x64: {  	_ =	swait.ge [sflag:s30], $0x2800  }
0x65: {  	[sflag:s30] =	ssyncset.done $0x0  }
0x66: {  	[sflag:s30] =	ssyncadd.s32 $0xFFFFD800  }
0x67: {  	[tilespmem:s20], [sflag:$0x1] =	stream.indirect.gather [hbm4b:s1+s25], $0x80, s3, s25, $0xb8;
	[tilespmem:$0x1F380] =	vst v63  }
0x68: {  	_ =	swait.ge [sflag:s31], $0x2800  }
0x69: {  	[sflag:s31] =	ssyncset.done $0x0  }
0x6a: {  	[sflag:s31] =	ssyncadd.s32 $0xFFFFD800  }
0x6b: {  	[tilespmem:s26], [sflag:$0x2] =	stream.indirect.gather [hbm4b:s1+s25], $0x80, s23, s25, $0xb8;
	[tilespmem:$0x1F380] =	vst v63  }
0x6c: {  	_ =	swait.ge [sflag:s28], $0x2800  }
0x6d: {  	[sflag:s28] =	ssyncset.done $0x0  }
0x6e: {  	[sflag:s28] =	ssyncadd.s32 $0xFFFFD800  }
0x6f: {  	[tilespmem:s29], [sflag:$0x3] =	stream.indirect.gather [hbm4b:s1+s25], $0x80, s24, s25, $0xb8;
	[tilespmem:$0x1F380] =	vst v63  }
0x70: {  	_ =	swait.ge [sflag:s30], $0x2800  }
0x71: {  	[sflag:s30] =	ssyncset.done $0x0  }
0x72: {  	[sflag:s30] =	ssyncadd.s32 $0xFFFFD800  }
0x73: {  	[tilespmem:s20], [sflag:$0x1] =	stream.indirect.gather [hbm4b:s1+s25], $0x80, s3, s25, $0xb8;
	[tilespmem:$0x1F380] =	vst v63  }
0x74: {  	_ =	swait.ge [sflag:s31], $0x2800  }
0x75: {  	[sflag:s31] =	ssyncset.done $0x0  }
0x76: {  	s0 =	simm.s32 $0x27;
	[sflag:s31] =	ssyncadd.s32 $0xFFFFD800  }
.LBB2_4:
0x77: {  	[tilespmem:s26], [sflag:$0x2] =	stream.indirect.gather [hbm4b:s1+s25], $0x80, s23, s25, $0xb8;
	[tilespmem:$0x1F380] =	vst v63  }
0x78: {  	p1 =	sne.s32 s0, $0x1;
	s0 =	sadd.s32 $0xFFFFFFFF, s0;
	_ =	swait.ge [sflag:s28], $0x2800  }
0x79: {  	[sflag:s28] =	ssyncset.done $0x0  }
0x7a: {  	[sflag:s28] =	ssyncadd.s32 $0xFFFFD800  }
0x7b: {  	[tilespmem:s29], [sflag:$0x3] =	stream.indirect.gather [hbm4b:s1+s25], $0x80, s24, s25, $0xb8;
	[tilespmem:$0x1F380] =	vst v63  }
0x7c: {  	_ =	swait.ge [sflag:s30], $0x2800  }
0x7d: {  	[sflag:s30] =	ssyncset.done $0x0  }
.Ltmp1:
0x7e: {  	[sflag:s30] =	ssyncadd.s32 $0xFFFFD800;
	(pc) =	sbr.rel @p1 .LBB2_4-.Ltmp1, $4  }
0x7f: {  	[tilespmem:s20], [sflag:$0x1] =	stream.indirect.gather [hbm4b:s1+s25], $0x80, s3, s25, $0xb8;
	[tilespmem:$0x1F380] =	vst v63  }
0x80: {  	_ =	swait.ge [sflag:s31], $0x2800  }
0x81: {  	[sflag:s31] =	ssyncset.done $0x0  }
0x82: {  	[sflag:s31] =	ssyncadd.s32 $0xFFFFD800  }
0x83: {  	[tilespmem:s26], [sflag:$0x2] =	stream.indirect.gather [hbm4b:s1+s25], $0x80, s23, s25, $0xb8;
	[tilespmem:$0x1F380] =	vst v63  }
0x84: {  	_ =	swait.ge [sflag:s28], $0x2800  }
0x85: {  	[sflag:s28] =	ssyncset.done $0x0  }
0x86: {  	[sflag:s28] =	ssyncadd.s32 $0xFFFFD800  }
0x87: {  	[tilespmem:s29], [sflag:$0x3] =	stream.indirect.gather [hbm4b:s1+s25], $0x80, s24, s25, $0xb8;
	[tilespmem:$0x1F380] =	vst v63  }
0x88: {  	_ =	swait.ge [sflag:s30], $0x2800  }
0x89: {  	[sflag:s30] =	ssyncset.done $0x0  }
0x8a: {  	[sflag:s30] =	ssyncadd.s32 $0xFFFFD800  }
0x8b: {  	_ =	swait.ge [sflag:s31], $0x2800  }
0x8c: {  	s0 =	stileid.u32;
	[sflag:s31] =	ssyncset.done $0x0  }
0x8d: {  	s0 =	sshll.u32 @p0 s0, $0x6;
	[sflag:s31] =	ssyncadd.s32 $0xFFFFD800  }
0x8e: {  	s22 =	sshrl.u32 @p0 s4, $0x3;
	s0 =	sor.u32 @p0 $0x1C04, s0;
	[bflag:$0x0] =	sbarrier.arrive $0xFFFF  }
0x8f: {  	[hbm:s17], [sflag:s0] =	dma.local @p0 [spmem:s22], $0x2700  }
0x90: {  	s0 =	simm.s32 @p0 $0x4  }
0x91: {  	s2 =	sadd.s32 $0x1, s2;
	_ =	swait.ge @p0 [sflag:s0], $0x2700  }
0x92: {  	p1 =	sne.s32 s2, s19;
	[sflag:s0] =	ssyncset.done @p0 $0x0  }
0x93: {  	s22 =	simm.s32 @!p0 $0x1FC4;
	[sflag:s0] =	ssyncadd.s32 @p0 $0xFFFFD900;
	s0 =	sshrl.u32 @!p0 s4, $0x3  }
0x94: {  	[hbm:s18], [sflag:s22] =	dma.local @!p0 [spmem:s0], $0x2800  }
.Ltmp2:
0x95: {  	_ = 	snop;
	(pc) =	sbr.rel @p1 .LBB2_1-.Ltmp2, $4  }
0x96: {  	s0 =	simm.s32 @!p0 $0x4  }
0x97: {  	_ =	swait.ge @!p0 [sflag:s0], $0x2800  }
0x98: {  	[sflag:s0] =	ssyncset.done @!p0 $0x0  }
0x99: {  	[sflag:s0] =	ssyncadd.s32 @!p0 $0xFFFFD800  }
0x9a: {  	_ =	sfence.sel $0x180000  }
0x9b: {  	[bflag:$0x0] =	sbarrier.arrive $0xFFFF  }
0x9c: {  	_ =	strace $0x9000004D  }
0x9d: {  	s0 =	stileid.u32;
	[bflag:$0x2] =	sbarrier.arrive $0xFFFF  }
0x9e: {  	p0 =	sne.s32 s0, $0x0;
	s0 =	rddreg [dreg:$0x3]  }
0x9f: {  	s0 =	sadd.s32 @!p0 $0x100000, s0  }
0xa0: {  	[sflag:s0] =	ssyncadd.tile.s32 @!p0 $0x1;
	_ =	shalt  }
.Lfunc_end2:
_tile_overlayer_lowered:
.L_overlay_start_2:
0xa1: {  	(tag) =	ssettag $0x2  }
0xa2: {  	s0 =	rddreg [dreg:$0x0];
	s2 =	stileid.u32  }
0xa3: {  	s1 =	rddreg [dreg:$0x1];
	p0 =	sne.s32 s2, $0x0  }
0xa4: {  	s3 =	rddreg [dreg:$0x2];
	[bflag:$0x3] =	sbarrier.arrive $0xFFFF;
	s2 =	simm.s32 @!p0 $0x1C04  }
0xa5: {  	[timem:s3], [sflag:s2] =	dma.local @!p0 [hbm:s0], s1  }
0xa6: {  	s0 =	simm.s32 @!p0 $0x4  }
0xa7: {  	_ =	swait.ge @!p0 [sflag:s0], s1  }
0xa8: {  	s1 =	ssub.s32 @!p0 $0x0, s1;
	[sflag:s0] =	ssyncset.done @!p0 $0x0  }
0xa9: {  	[sflag:s0] =	ssyncadd.s32 @!p0 s1  }
0xaa: {  	[bflag:$0x3] =	sbarrier.arrive $0xFFFF  }
0xab: {  	_ =	shalt  }

// kernel: kernel.20.cloned.1.call-start
scs
__scs_entry_jumppad:
0x0: {  	(pc) =	sbr.rel $0x88, $3  }
0x1: {  	(tag) =	ssettag $0x0;
	lr =	simm.s32 $0x1  }
0x2: {  	[smem:$0x3F9A] =	sst lr;
	_ =	strace $0xD0000000  }
0x3: {  	_ = 	snop  }
0x4: {  	_ = 	snop  }
0x5: {  	_ = 	snop  }
0x6: {  	_ = 	snop  }
0x7: {  	_ = 	snop  }
__scs_overlays_trampoline_lowered:
0x8: {  	[smem:$0x3FA9] =	sst s0  }
0x9: {  	[smem:$0x3FAA] =	sst s1  }
0xa: {  	[smem:$0x3FAB] =	sst s2  }
0xb: {  	[smem:$0x3FAC] =	sst s3  }
0xc: {  	[smem:$0x3FAD] =	sst s4  }
0xd: {  	[smem:$0x3FAE] =	sst s5  }
0xe: {  	[smem:$0x3FAF] =	sst s6  }
0xf: {  	[smem:$0x3FB0] =	sst s7  }
0x10: {  	[smem:$0x3FB1] =	sst s8  }
0x11: {  	[smem:$0x3FB2] =	sst s9;
	s0 =	simm.s32 @!p0 $0x0  }
0x12: {  	s1 =	sld [smem:$0x3F98];
	s0 =	simm.s32 @p0 $0x1  }
0x13: {  	[smem:$0x3FB3] =	sst s0;
	s0 =	simm.s32 @!p1 $0x0  }
0x14: {  	s2 =	sld [smem:$0x3F97];
	s0 =	simm.s32 @p1 $0x1  }
0x15: {  	[smem:$0x3FB4] =	sst s0;
	s0 =	simm.s32 @!p2 $0x0  }
0x16: {  	s3 =	sld [smem:$0x3FDB];
	s0 =	simm.s32 @p2 $0x1  }
0x17: {  	s4 =	simm.s32 $0x1BF5;
	[smem:$0x3FB6] =	sst s0  }
0x18: {  	s0 =	sld [smem:$0x3F99];
	_ =	swait.ge [sflag:s4], $0x0  }
0x19: {  	s7 =	sld [smem:$0x3F9A]  }
0x1a: {  	s8 =	sadd.s32 $0xFFFFE003, lr  }
0x1b: {  	s9 =	sadd.s32 $0xFFFFFEF7, lr;
	s5 =	simm.s32 $0xFFFFFFFF;
	p2 =	slt.u32 s8, $0xFFFFF086  }
0x1c: {  	p1 =	slt.u32 s9, $0xF7A;
	s5 =	simm.s32 @!p2 $0x0  }
0x1d: {  	s5 =	simm.s32 @p1 $0x1;
	p0 =	seq.s32 s7, s2  }
0x1e: {  	s7 =	smul.u32 @!p0 $0xF7A, s2;
	p2 =	seq.s32 @!p0 s5, $0x0  }
0x1f: {  	s9 =	smul.u32 $0xF7A, s1;
	s8 =	simm.s32 @!p0 $0x1BF5;
	p2 =	por !p2, p0  }
0x20: {  	[sflag:s8] =	ssyncset.s32 @!p0 $0xFFFFF086;
	s6 =	sadd.s32 @!p0 s3, s7;
	s7 =	simm.s32 @!p0 $0x108  }
0x21: {  	s3 =	sadd.s32 s3, s9;
	s6 =	sadd.s32 @!p0 $0x88, s6;
	s7 =	simm.s32 @p2 $0x1082  }
0x22: {  	[simem:s7], [sflag:s8] =	dma.local @!p0 [hbm:s6], $0xF7A  }
0x23: {  	s9 =	sor.u32 $0xD0000000, s2;
	s6 =	simm.s32 $0x108;
	_ =	swait.ge @!p0 [sflag:s8], $0x0  }
0x24: {  	s3 =	sadd.s32 $0x88, s3;
	s6 =	simm.s32 @!p1 $0x1082;
	[sflag:s4] =	ssyncset.s32 $0xFFFFF086  }
0x25: {  	[simem:s6], [sflag:s4] =	dma.local [hbm:s3], $0xF7A  }
0x26: {  	[smem:$0x3F9A] =	sst s1;
	(tag) =	ssettag s2;
	_ =	strace s9  }
0x27: {  	s1 =	sld [smem:$0x3FAA]  }
0x28: {  	s2 =	sld [smem:$0x3FAB]  }
0x29: {  	s4 =	sld [smem:$0x3FAD]  }
0x2a: {  	p0 =	seq.s32 s5, $0x0;
	s5 =	sld [smem:$0x3FAE]  }
0x2b: {  	s6 =	sld [smem:$0x3FAF]  }
0x2c: {  	s7 =	sld [smem:$0x3FB0]  }
0x2d: {  	s3 =	simm.s32 $0x108;
	s8 =	sld [smem:$0x3FB1]  }
0x2e: {  	s3 =	simm.s32 @!p0 $0x1082;
	s9 =	sld [smem:$0x3FB2]  }
0x2f: {  	lr =	sadd.s32 s0, s3;
	s0 =	sld [smem:$0x3FA9]  }
0x30: {  	s3 =	sld [smem:$0x3FAC]  }
0x31: {  	[smem:$0x3FB5] =	sst s10  }
0x32: {  	s10 =	sld [smem:$0x3FB3];
	_ =	sdelay $0x3  }
0x33: {  	p0 =	seq.s32 s10, $0x1;
	s10 =	sld [smem:$0x3FB5];
	_ =	sdelay $0x3  }
0x34: {  	[smem:$0x3FB5] =	sst s10  }
0x35: {  	s10 =	sld [smem:$0x3FB4];
	_ =	sdelay $0x3  }
0x36: {  	p1 =	seq.s32 s10, $0x1;
	s10 =	sld [smem:$0x3FB5];
	_ =	sdelay $0x3  }
0x37: {  	[smem:$0x3FB5] =	sst s10  }
0x38: {  	s10 =	sld [smem:$0x3FB6]  }
0x39: {  	_ = 	snop;
	(pc) =	sbr.ind lr, $3  }
0x3a: {  	_ = 	snop  }
0x3b: {  	_ = 	snop  }
0x3c: {  	p2 =	seq.s32 s10, $0x1;
	s10 =	sld [smem:$0x3FB5]  }
0x3d: {  	_ =	shalt  }
0x3e: {  	_ =	shalt  }
0x3f: {  	_ =	shalt  }
0x40: {  	_ =	shalt  }
0x41: {  	_ =	shalt  }
0x42: {  	_ =	shalt  }
0x43: {  	_ =	shalt  }
0x44: {  	_ =	shalt  }
0x45: {  	_ =	shalt  }
0x46: {  	_ =	shalt  }
0x47: {  	_ =	shalt  }
0x48: {  	_ =	shalt  }
0x49: {  	_ =	shalt  }
0x4a: {  	_ =	shalt  }
0x4b: {  	_ =	shalt  }
0x4c: {  	_ =	shalt  }
0x4d: {  	_ =	shalt  }
0x4e: {  	_ =	shalt  }
0x4f: {  	_ =	shalt  }
0x50: {  	_ =	shalt  }
0x51: {  	_ =	shalt  }
0x52: {  	_ =	shalt  }
0x53: {  	_ =	shalt  }
0x54: {  	_ =	shalt  }
0x55: {  	_ =	shalt  }
0x56: {  	_ =	shalt  }
0x57: {  	_ =	shalt  }
0x58: {  	_ =	shalt  }
0x59: {  	_ =	shalt  }
0x5a: {  	_ =	shalt  }
0x5b: {  	_ =	shalt  }
0x5c: {  	_ =	shalt  }
0x5d: {  	_ =	shalt  }
0x5e: {  	_ =	shalt  }
0x5f: {  	_ =	shalt  }
0x60: {  	_ =	shalt  }
0x61: {  	_ =	shalt  }
0x62: {  	_ =	shalt  }
0x63: {  	_ =	shalt  }
0x64: {  	_ =	shalt  }
0x65: {  	_ =	shalt  }
0x66: {  	_ =	shalt  }
0x67: {  	_ =	shalt  }
0x68: {  	_ =	shalt  }
0x69: {  	_ =	shalt  }
0x6a: {  	_ =	shalt  }
0x6b: {  	_ =	shalt  }
0x6c: {  	_ =	shalt  }
0x6d: {  	_ =	shalt  }
0x6e: {  	_ =	shalt  }
0x6f: {  	_ =	shalt  }
0x70: {  	_ =	shalt  }
0x71: {  	_ =	shalt  }
0x72: {  	_ =	shalt  }
0x73: {  	_ =	shalt  }
0x74: {  	_ =	shalt  }
0x75: {  	_ =	shalt  }
0x76: {  	_ =	shalt  }
0x77: {  	_ =	shalt  }
0x78: {  	_ =	shalt  }
0x79: {  	_ =	shalt  }
0x7a: {  	_ =	shalt  }
0x7b: {  	_ =	shalt  }
0x7c: {  	_ =	shalt  }
0x7d: {  	_ =	shalt  }
0x7e: {  	_ =	shalt  }
0x7f: {  	_ =	shalt  }
0x80: {  	_ =	shalt  }
0x81: {  	_ =	shalt  }
0x82: {  	_ =	shalt  }
0x83: {  	_ =	shalt  }
0x84: {  	_ =	shalt  }
0x85: {  	_ =	shalt  }
0x86: {  	_ =	shalt  }
0x87: {  	_ =	shalt  }
.Lfunc_end0:
.L_simem_size_0:
called_computation.3_lowered:
.L_overlay_start_0:
0x88: {  	s2 =	sld [smem:$0x3FD9]  }
0x89: {  	s3 =	sld [smem:$0x3FFE];
	_ =	sdelay $0x1  }
0x8a: {  	s1 =	srdreg.scid  }
0x8b: {  	s0 =	sand.u32 $0x1, s1  }
0x8c: {  	s16 =	sshll.u32 s0, $0xA;
	s2 =	sadd.s32 s3, s2  }
0x8d: {  	s2 =	sadd.s32 s2, s16  }
0x8e: {  	[smem:$0x3FC1] =	sst s2  }
0x8f: {  	_ = 	snop  }
0x90: {  	(tm) =	ssettm $0x1  }
0x91: {  	s17 =	sld [smem:$0x3FFB];
	_ =	sdelay $0x3  }
0x92: {  	_ =	strace s17  }
0x93: {  	s2 =	sld [smem:$0x3FFC];
	_ =	sdelay $0x3  }
0x94: {  	_ =	strace s2  }
0x95: {  	s2 =	sld [smem:$0x3FFD];
	_ =	sdelay $0x3  }
0x96: {  	_ =	strace s2  }
0x97: {  	_ =	strace $0x8FFFFFFF  }
0x98: {  	s18 =	sld [smem:$0x3FDB];
	_ =	sdelay $0x1  }
0x99: {  	s19 =	simm.s32 $_scs_section_size  }
0x9a: {  	s4 =	simm.s32 $_size__tile_overlayer_lowered;
	s5 =	simm.s32 $_tile_overlayer_lowered  }
0x9b: {  	s22 =	simm.s32 $0x1BFF;
	s21 =	sshll.u32 s5, $0x1;
	s2 =	sadd.s32 s19, s18  }
0x9c: {  	s6 =	simm.s32 $0x0;
	s20 =	sshll.u32 s4, $0x1;
	s4 =	sadd.s32 s21, s2  }
0x9d: {  	[timem:s6], [sflag:s22] =	dma.local [hbm:s4], s20  }
0x9e: {  	_ =	swait.ge [sflag:s22], s20  }
0x9f: {  	s3 =	ssub.s32 $0x0, s20;
	[sflag:s22] =	ssyncset.done $0x0  }
0xa0: {  	[sflag:s22] =	ssyncadd.s32 s3;
	_ =	sdelay $0x1  }
0xa1: {  	s23 =	simm.s32 $0x1B8B  }
0xa2: {  	_ =	swait.ge [sflag:s23], $0x1  }
0xa3: {  	[sflag:s23] =	ssyncset.done $0x0  }
0xa4: {  	s25 =	simm.s32 $0x1B8E;
	s24 =	sld [smem:$0x3FFE];
	[sflag:s23] =	ssyncadd.s32 $0xFFFFFFFF  }
0xa5: {  	s26 =	simm.s32 $execute0_lowered;
	[smem:$0x3FD2] =	sst s25  }
0xa6: {  	s4 =	sshll.u32 s26, $0x1;
	_ =	strace $0x8000004F;
	[dreg:$0x1] =	wrdreg $0xFFFFFFFF  }
0xa7: {  	s28 =	simm.s32 $_size_execute0_lowered;
	s2 =	sadd.s32 s2, s4;
	[dreg:$0x0] =	wrdreg $0x0  }
0xa8: {  	s4 =	sshll.u32 s28, $0x1;
	[dreg:$0x2] =	wrdreg s2  }
0xa9: {  	[dreg:$0x3] =	wrdreg s4  }
0xaa: {  	[dreg:$0x4] =	wrdreg $0xC0  }
0xab: {  	_ =	task [dreg:s6], $0x5FFFF  }
0xac: {  	[dreg:$0x1] =	wrdreg $0xFFFFFFFF  }
0xad: {  	[dreg:$0x0] =	wrdreg $0x60  }
0xae: {  	[dreg:$0x2] =	wrdreg s24  }
0xaf: {  	[dreg:$0x3] =	wrdreg $0xBB000  }
0xb0: {  	[dreg:$0x4] =	wrdreg $0x9  }
0xb1: {  	_ =	task.clear_ibuf [dreg:s6], $0x5FFFF;
	_ =	strace $0x9000004F  }
0xb2: {  	s29 =	simm.s32 $0x9;
	_ =	strace $0x80000051  }
0xb3: {  	_ =	swait.ge [sflag:s29], $0x1  }
0xb4: {  	[sflag:s29] =	ssyncadd.s32 $0xFFFFFFFF  }
0xb5: {  	_ =	strace $0x90000051  }
0xb6: {  	_ =	sfence  }
0xb7: {  	s30 =	sld [smem:$0x0];
	_ =	sdelay $0x2  }
0xb8: {  	s31 =	sshll.u32 s1, $0xD;
	s1 =	sshrl.u32 s1, $0x2  }
0xb9: {  	s3 =	sand.u32 $0x4000, s31;
	s1 =	sadd.s32 s1, s30  }
0xba: {  	s0 =	sor.u32 s3, s0;
	s1 =	sshll.u32 s1, $0x11  }
0xbb: {  	s0 =	sor.u32 s1, s0  }
0xbc: {  	s0 =	sadd.s32 $0x8F2B, s0  }
0xbd: {  	[sflag:s0] =	ssyncadd.remote.s32 $0x1  }
0xbe: {  	_ =	sfence.sel $0xFFFF  }
0xbf: {  	[dreg:$0x0] =	wrdreg $0xFFFFFFFF;
	(pc) =	sbr.abs _section_cstart, $3  }
0xc0: {  	[dreg:$0x1] =	wrdreg $0xFFFFFFFF  }
0xc1: {  	_ =	task.clear_ibuf [dreg:s6], $0x2FFFF;
	_ =	strace $0x9FFFFFFF  }
0xc2: {  	(tm) =	ssettm $0x7FFFFFFF  }
0xc3: {  	_ =	shalt  }
tec
execute0_lowered:
.L_overlay_start_1:
0x0: {  	(tag) =	ssettag $0x1  }
0x1: {  	s0 =	srdreg.scid;
	s5 =	rddreg [dreg:$0x0]  }
0x2: {  	s20 =	stileid.u32;
	s12 =	rddreg [dreg:$0x1];
	s2 =	simm.s32 $0x0  }
0x3: {  	s21 =	simm.s32 $0x4;
	s23 =	simm.s32 $0x100;
	s28 =	simm.s32 $0x1  }
0x4: {  	s29 =	simm.s32 $0x9300;
	s30 =	simm.s32 $0x2;
	s31 =	simm.s32 $0x3  }
0x5: {  	s0 =	sand.u32 $0x1, s0;
	[smem:$0x7FF] =	sst s2;
	s6 =	smul.u32 $0x4E000, s20  }
0x6: {  	s18 =	sadd.s32 $0x5A400, s5;
	s15 =	smul.u32 $0x13800, s20;
	p0 =	sne.s32 s20, $0xF  }
0x7: {  	s1 =	sshll.u32 s0, $0x4;
	_ =	strace $0x80000050;
	s7 =	ssub.s32 $0x2, s0  }
0x8: {  	s0 =	smul.u32 $0x138800, s0;
	s1 =	sor.u32 s20, s1;
	s24 =	sshrl.u32 s6, $0x2  }
0x9: {  	s25 =	sshrl.u32 s7, $0x1;
	s20 =	simm.s32 $0x4300;
	s3 =	smul.u32 $0x7E00, s1  }
0xa: {  	s1 =	sshll.u32 s1, $0xB;
	s19 =	ssub.s32 s7, s25;
	s26 =	sadd.s32 s15, s0  }
0xb: {  	s0 =	sshrl.u32 s0, $0x3;
	s25 =	simm.s32 $0x50;
	s1 =	sadd.s32 s1, s5  }
0xc: {  	s0 =	sadd.s32 s18, s0;
	s19 =	smax.u32 s19, $0x1;
	s4 =	sshrl.u32 s3, $0x3  }
0xd: {  	s3 =	sadd.s32 $0x33200, s5;
	s13 =	sadd.s32 $0x3A00, s1;
	s1 =	sshrl.u32 s26, $0x3  }
0xe: {  	s26 =	simm.s32 $0x6B00;
	s16 =	sadd.s32 s4, s5;
	s4 =	sadd.s32 s24, s12  }
0xf: {  	s12 =	sadd.s32 $0x136000, s12;
	s17 =	sadd.s32 s18, s1;
	s18 =	sadd.s32 $0x24900, s0  }
0x10: {  	s24 =	simm.s32 $0x200;
	s1 =	simm.s32 $0x0;
	s5 =	sadd.s32 $0x2800, s4  }
0x11: {  	s6 =	sadd.s32 $0x5000, s4;
	s7 =	sadd.s32 $0x7800, s4;
	s8 =	sadd.s32 $0xA000, s4  }
0x12: {  	s9 =	sadd.s32 $0xC800, s4;
	s10 =	sadd.s32 $0xF000, s4;
	s11 =	sadd.s32 $0x11800, s4  }
0x13: {  	v0 =	vimm.f32 $0.0e+00;
	s14 =	sadd.s32 $0x13A00, s16;
	s15 =	sadd.s32 $0x13A20, s16;
	s16 =	sadd.s32 $0x13A40, s16  }
.LBB2_1:
0x14: {  	s0 =	simm.s32 $0x0;
	s22 =	simm.s32 $0x200  }
.LBB2_2:
0x15: {  	p1 =	sne.s32 s22, $0x9E00;
	[tilespmem:s0+$0x4370] =	vst v0  }
0x16: {  	[tilespmem:s0+$0x4300] =	vst v0  }
0x17: {  	[tilespmem:s0+$0x4310] =	vst v0  }
.Ltmp0:
0x18: {  	[tilespmem:s0+$0x4320] =	vst v0;
	(pc) =	sbr.rel @p1 .LBB2_2-.Ltmp0, $4  }
0x19: {  	[tilespmem:s0+$0x4330] =	vst v0  }
0x1a: {  	[tilespmem:s0+$0x4340] =	vst v0  }
0x1b: {  	[tilespmem:s0+$0x4350] =	vst v0  }
0x1c: {  	[tilespmem:s0+$0x4360] =	vst v0;
	s0 =	sshra.s32 s22, $0x2;
	s22 =	sadd.s32 $0x200, s22  }
0x1d: {  	[tilespmem:s0+$0x4370] =	vst v0  }
0x1e: {  	[tilespmem:s0+$0x4300] =	vst v0  }
0x1f: {  	[tilespmem:s0+$0x4310] =	vst v0  }
0x20: {  	[tilespmem:s0+$0x4320] =	vst v0  }
0x21: {  	[tilespmem:s0+$0x4330] =	vst v0  }
0x22: {  	[tilespmem:s0+$0x4340] =	vst v0  }
0x23: {  	[tilespmem:s0+$0x4350] =	vst v0  }
0x24: {  	[tilespmem:s0+$0x4360] =	vst v0  }
0x25: {  	[spmem:s4] =	stream.linear.scatter [tilespmem:s20], [sflag:$0x4], $0x2800, $0x38;
	[tilespmem:$0x1F380] =	vst v63  }
0x26: {  	_ =	swait.ge [sflag:s21], $0x2800  }
0x27: {  	[sflag:s21] =	ssyncset.done $0x0  }
0x28: {  	[sflag:s21] =	ssyncadd.s32 $0xFFFFD800  }
0x29: {  	[spmem:s5] =	stream.linear.scatter [tilespmem:s20], [sflag:$0x4], $0x2800, $0x38;
	[tilespmem:$0x1F380] =	vst v63  }
0x2a: {  	_ =	swait.ge [sflag:s21], $0x2800  }
0x2b: {  	[sflag:s21] =	ssyncset.done $0x0  }
0x2c: {  	[sflag:s21] =	ssyncadd.s32 $0xFFFFD800  }
0x2d: {  	[spmem:s6] =	stream.linear.scatter [tilespmem:s20], [sflag:$0x4], $0x2800, $0x38;
	[tilespmem:$0x1F380] =	vst v63  }
0x2e: {  	_ =	swait.ge [sflag:s21], $0x2800  }
0x2f: {  	[sflag:s21] =	ssyncset.done $0x0  }
0x30: {  	[sflag:s21] =	ssyncadd.s32 $0xFFFFD800  }
0x31: {  	[spmem:s7] =	stream.linear.scatter [tilespmem:s20], [sflag:$0x4], $0x2800, $0x38;
	[tilespmem:$0x1F380] =	vst v63  }
0x32: {  	_ =	swait.ge [sflag:s21], $0x2800  }
0x33: {  	[sflag:s21] =	ssyncset.done $0x0  }
0x34: {  	[sflag:s21] =	ssyncadd.s32 $0xFFFFD800  }
0x35: {  	[spmem:s8] =	stream.linear.scatter [tilespmem:s20], [sflag:$0x4], $0x2800, $0x38;
	[tilespmem:$0x1F380] =	vst v63  }
0x36: {  	_ =	swait.ge [sflag:s21], $0x2800  }
0x37: {  	[sflag:s21] =	ssyncset.done $0x0  }
0x38: {  	[sflag:s21] =	ssyncadd.s32 $0xFFFFD800  }
0x39: {  	[spmem:s9] =	stream.linear.scatter [tilespmem:s20], [sflag:$0x4], $0x2800, $0x38;
	[tilespmem:$0x1F380] =	vst v63  }
0x3a: {  	_ =	swait.ge [sflag:s21], $0x2800  }
0x3b: {  	[sflag:s21] =	ssyncset.done $0x0  }
0x3c: {  	[sflag:s21] =	ssyncadd.s32 $0xFFFFD800  }
0x3d: {  	[spmem:s10] =	stream.linear.scatter [tilespmem:s20], [sflag:$0x4], $0x2800, $0x38;
	[tilespmem:$0x1F380] =	vst v63  }
0x3e: {  	_ =	swait.ge [sflag:s21], $0x2800  }
0x3f: {  	[sflag:s21] =	ssyncset.done $0x0  }
0x40: {  	s0 =	simm.s32 @p0 $0x4300;
	[sflag:s21] =	ssyncadd.s32 $0xFFFFD800  }
0x41: {  	[spmem:s11] =	stream.linear.scatter @p0 [tilespmem:s0], [sflag:$0x4], $0x2000, $0x38;
	[tilespmem:$0x1F380] =	vst v63  }
0x42: {  	s0 =	simm.s32 @p0 $0x4  }
0x43: {  	_ =	swait.ge @p0 [sflag:s0], $0x2000  }
0x44: {  	[sflag:s0] =	ssyncset.done @p0 $0x0  }
0x45: {  	[sflag:s0] =	ssyncadd.s32 @p0 $0xFFFFE000;
	s0 =	simm.s32 @!p0 $0x4300  }
0x46: {  	[spmem:s12] =	stream.linear.scatter @!p0 [tilespmem:s0], [sflag:$0x4], $0x2800, $0x38;
	[tilespmem:$0x1F380] =	vst v63  }
0x47: {  	s0 =	simm.s32 @!p0 $0x4  }
0x48: {  	_ =	swait.ge @!p0 [sflag:s0], $0x2800  }
0x49: {  	[sflag:s0] =	ssyncset.done @!p0 $0x0  }
0x4a: {  	s22 =	simm.s32 $0x300;
	[sflag:s0] =	ssyncadd.s32 @!p0 $0xFFFFD800  }
0x4b: {  	[tilespmem:s22], [sflag:$0x4] =	stream.linear.gather [hbm4b:s13+s2], $0x3F00, $0x38;
	[tilespmem:$0x1F380] =	vst v63  }
0x4c: {  	_ =	swait.ge [sflag:s21], $0x3F00  }
0x4d: {  	[sflag:s21] =	ssyncset.done $0x0  }
0x4e: {  	[sflag:s21] =	ssyncadd.s32 $0xFFFFC100  }
0x4f: {  	[bflag:$0x0] =	sbarrier.arrive $0xFFFF  }
0x50: {  	[tilespmem:s2], [sflag:$0x4] =	stream.linear.gather [hbm4b:s14+s2], $0x100, $0x38;
	[tilespmem:$0x1F380] =	vst v63  }
0x51: {  	_ =	swait.ge [sflag:s21], $0x100  }
0x52: {  	[sflag:s21] =	ssyncset.done $0x0  }
0x53: {  	[sflag:s21] =	ssyncadd.s32 $0xFFFFFF00  }
0x54: {  	[tilespmem:s23], [sflag:$0x4] =	stream.linear.gather [hbm4b:s15+s2], $0x100, $0x38;
	[tilespmem:$0x1F380] =	vst v63  }
0x55: {  	_ =	swait.ge [sflag:s21], $0x100  }
0x56: {  	[sflag:s21] =	ssyncset.done $0x0  }
0x57: {  	[sflag:s21] =	ssyncadd.s32 $0xFFFFFF00  }
0x58: {  	[tilespmem:s24], [sflag:$0x4] =	stream.linear.gather [hbm4b:s16+s2], $0x100, $0x38;
	[tilespmem:$0x1F380] =	vst v63  }
0x59: {  	_ =	swait.ge [sflag:s21], $0x100  }
0x5a: {  	[sflag:s21] =	ssyncset.done $0x0  }
0x5b: {  	[sflag:s21] =	ssyncadd.s32 $0xFFFFFF00  }
0x5c: {  	[tilespmem:s20], [sflag:$0x1] =	stream.indirect.gather [hbm4b:s3+s25], $0x80, s2, s25, $0xb8;
	[tilespmem:$0x1F380] =	vst v63  }
0x5d: {  	_ = 	snop  }
0x5e: {  	[tilespmem:s26], [sflag:$0x2] =	stream.indirect.gather [hbm4b:s3+s25], $0x80, s23, s25, $0xb8;
	[tilespmem:$0x1F380] =	vst v63  }
0x5f: {  	_ =	swait.ge [sflag:s28], $0x2800  }
0x60: {  	[sflag:s28] =	ssyncset.done $0x0  }
0x61: {  	[sflag:s28] =	ssyncadd.s32 $0xFFFFD800  }
0x62: {  	[tilespmem:s29], [sflag:$0x3] =	stream.indirect.gather [hbm4b:s3+s25], $0x80, s24, s25, $0xb8;
	[tilespmem:$0x1F380] =	vst v63  }
0x63: {  	_ =	swait.ge [sflag:s30], $0x2800  }
0x64: {  	[sflag:s30] =	ssyncset.done $0x0  }
0x65: {  	[sflag:s30] =	ssyncadd.s32 $0xFFFFD800  }
0x66: {  	[tilespmem:s20], [sflag:$0x1] =	stream.indirect.gather [hbm4b:s3+s25], $0x80, s2, s25, $0xb8;
	[tilespmem:$0x1F380] =	vst v63  }
0x67: {  	_ =	swait.ge [sflag:s31], $0x2800  }
0x68: {  	[sflag:s31] =	ssyncset.done $0x0  }
0x69: {  	[sflag:s31] =	ssyncadd.s32 $0xFFFFD800  }
0x6a: {  	[tilespmem:s26], [sflag:$0x2] =	stream.indirect.gather [hbm4b:s3+s25], $0x80, s23, s25, $0xb8;
	[tilespmem:$0x1F380] =	vst v63  }
0x6b: {  	_ =	swait.ge [sflag:s28], $0x2800  }
0x6c: {  	[sflag:s28] =	ssyncset.done $0x0  }
0x6d: {  	[sflag:s28] =	ssyncadd.s32 $0xFFFFD800  }
0x6e: {  	[tilespmem:s29], [sflag:$0x3] =	stream.indirect.gather [hbm4b:s3+s25], $0x80, s24, s25, $0xb8;
	[tilespmem:$0x1F380] =	vst v63  }
0x6f: {  	_ =	swait.ge [sflag:s30], $0x2800  }
0x70: {  	[sflag:s30] =	ssyncset.done $0x0  }
0x71: {  	[sflag:s30] =	ssyncadd.s32 $0xFFFFD800  }
0x72: {  	[tilespmem:s20], [sflag:$0x1] =	stream.indirect.gather [hbm4b:s3+s25], $0x80, s2, s25, $0xb8;
	[tilespmem:$0x1F380] =	vst v63  }
0x73: {  	_ =	swait.ge [sflag:s31], $0x2800  }
0x74: {  	[sflag:s31] =	ssyncset.done $0x0  }
0x75: {  	s0 =	simm.s32 $0x27;
	[sflag:s31] =	ssyncadd.s32 $0xFFFFD800  }
.LBB2_4:
0x76: {  	[tilespmem:s26], [sflag:$0x2] =	stream.indirect.gather [hbm4b:s3+s25], $0x80, s23, s25, $0xb8;
	[tilespmem:$0x1F380] =	vst v63  }
0x77: {  	p1 =	sne.s32 s0, $0x1;
	s0 =	sadd.s32 $0xFFFFFFFF, s0;
	_ =	swait.ge [sflag:s28], $0x2800  }
0x78: {  	[sflag:s28] =	ssyncset.done $0x0  }
0x79: {  	[sflag:s28] =	ssyncadd.s32 $0xFFFFD800  }
0x7a: {  	[tilespmem:s29], [sflag:$0x3] =	stream.indirect.gather [hbm4b:s3+s25], $0x80, s24, s25, $0xb8;
	[tilespmem:$0x1F380] =	vst v63  }
0x7b: {  	_ =	swait.ge [sflag:s30], $0x2800  }
0x7c: {  	[sflag:s30] =	ssyncset.done $0x0  }
.Ltmp1:
0x7d: {  	[sflag:s30] =	ssyncadd.s32 $0xFFFFD800;
	(pc) =	sbr.rel @p1 .LBB2_4-.Ltmp1, $4  }
0x7e: {  	[tilespmem:s20], [sflag:$0x1] =	stream.indirect.gather [hbm4b:s3+s25], $0x80, s2, s25, $0xb8;
	[tilespmem:$0x1F380] =	vst v63  }
0x7f: {  	_ =	swait.ge [sflag:s31], $0x2800  }
0x80: {  	[sflag:s31] =	ssyncset.done $0x0  }
0x81: {  	[sflag:s31] =	ssyncadd.s32 $0xFFFFD800  }
0x82: {  	[tilespmem:s26], [sflag:$0x2] =	stream.indirect.gather [hbm4b:s3+s25], $0x80, s23, s25, $0xb8;
	[tilespmem:$0x1F380] =	vst v63  }
0x83: {  	_ =	swait.ge [sflag:s28], $0x2800  }
0x84: {  	[sflag:s28] =	ssyncset.done $0x0  }
0x85: {  	[sflag:s28] =	ssyncadd.s32 $0xFFFFD800  }
0x86: {  	[tilespmem:s29], [sflag:$0x3] =	stream.indirect.gather [hbm4b:s3+s25], $0x80, s24, s25, $0xb8;
	[tilespmem:$0x1F380] =	vst v63  }
0x87: {  	_ =	swait.ge [sflag:s30], $0x2800  }
0x88: {  	[sflag:s30] =	ssyncset.done $0x0  }
0x89: {  	[sflag:s30] =	ssyncadd.s32 $0xFFFFD800  }
0x8a: {  	_ =	swait.ge [sflag:s31], $0x2800  }
0x8b: {  	s0 =	stileid.u32;
	[sflag:s31] =	ssyncset.done $0x0  }
0x8c: {  	s0 =	sshll.u32 @p0 s0, $0x6;
	[sflag:s31] =	ssyncadd.s32 $0xFFFFD800  }
0x8d: {  	s22 =	sshrl.u32 @p0 s4, $0x3;
	s0 =	sor.u32 @p0 $0x1C04, s0;
	[bflag:$0x0] =	sbarrier.arrive $0xFFFF  }
0x8e: {  	[hbm:s17], [sflag:s0] =	dma.local @p0 [spmem:s22], $0x2700  }
0x8f: {  	s0 =	simm.s32 @p0 $0x4  }
0x90: {  	s1 =	sadd.s32 $0x1, s1;
	_ =	swait.ge @p0 [sflag:s0], $0x2700  }
0x91: {  	p1 =	sne.s32 s1, s19;
	[sflag:s0] =	ssyncset.done @p0 $0x0  }
0x92: {  	s22 =	simm.s32 @!p0 $0x1FC4;
	[sflag:s0] =	ssyncadd.s32 @p0 $0xFFFFD900;
	s0 =	sshrl.u32 @!p0 s4, $0x3  }
0x93: {  	[hbm:s18], [sflag:s22] =	dma.local @!p0 [spmem:s0], $0x2800  }
.Ltmp2:
0x94: {  	_ = 	snop;
	(pc) =	sbr.rel @p1 .LBB2_1-.Ltmp2, $4  }
0x95: {  	s0 =	simm.s32 @!p0 $0x4  }
0x96: {  	_ =	swait.ge @!p0 [sflag:s0], $0x2800  }
0x97: {  	[sflag:s0] =	ssyncset.done @!p0 $0x0  }
0x98: {  	[sflag:s0] =	ssyncadd.s32 @!p0 $0xFFFFD800  }
0x99: {  	_ =	sfence.sel $0x180000  }
0x9a: {  	[bflag:$0x0] =	sbarrier.arrive $0xFFFF  }
0x9b: {  	_ =	strace $0x90000050  }
0x9c: {  	s0 =	stileid.u32;
	[bflag:$0x2] =	sbarrier.arrive $0xFFFF  }
0x9d: {  	p0 =	sne.s32 s0, $0x0;
	s0 =	rddreg [dreg:$0x2]  }
0x9e: {  	s0 =	sadd.s32 @!p0 $0x100000, s0  }
0x9f: {  	[sflag:s0] =	ssyncadd.tile.s32 @!p0 $0x1;
	_ =	shalt  }
.Lfunc_end2:
_tile_overlayer_lowered:
.L_overlay_start_2:
0xa0: {  	(tag) =	ssettag $0x2  }
0xa1: {  	s0 =	rddreg [dreg:$0x0];
	s2 =	stileid.u32  }
0xa2: {  	s1 =	rddreg [dreg:$0x1];
	p0 =	sne.s32 s2, $0x0  }
0xa3: {  	s3 =	rddreg [dreg:$0x2];
	[bflag:$0x3] =	sbarrier.arrive $0xFFFF;
	s2 =	simm.s32 @!p0 $0x1C04  }
0xa4: {  	[timem:s3], [sflag:s2] =	dma.local @!p0 [hbm:s0], s1  }
0xa5: {  	s0 =	simm.s32 @!p0 $0x4  }
0xa6: {  	_ =	swait.ge @!p0 [sflag:s0], s1  }
0xa7: {  	s1 =	ssub.s32 @!p0 $0x0, s1;
	[sflag:s0] =	ssyncset.done @!p0 $0x0  }
0xa8: {  	[sflag:s0] =	ssyncadd.s32 @!p0 s1  }
0xa9: {  	[bflag:$0x3] =	sbarrier.arrive $0xFFFF  }
0xaa: {  	_ =	shalt  }

</sc_bundles>
